<compile_context>
chip_gen: v7x
topology: tpu7x:2x2x1
jax: 0.10.2.dev20260603
libtpu: 0.0.44.dev20260713+nightly
codegen_flags: <defaults>
</compile_context>

<pallas_src>
import functools

import jax
import jax.numpy as jnp
from jax import lax
from jax.experimental import pallas as pl
from jax.experimental.pallas import tpu as pltpu
from jax.experimental.pallas import tpu_sc as plsc

_NC = 2
_NS = 16
_NW = _NC * _NS

_L = 16
_IBW = 128
_KB = 8


@functools.partial(jax.jit, static_argnums=(2, 3, 4))
def _gather_phys(x_flat, tableT_flat, n_i, n_j, d_model):
    v_cap = tableT_flat.shape[0] // d_model
    n_kb = d_model // _KB
    n_ib = n_i // _IBW
    n_q = _NW // n_kb
    ib_per_q = n_ib // n_q
    blk = _IBW * n_j
    groups = _IBW // _L

    mesh = plsc.VectorSubcoreMesh(core_axis_name="c", subcore_axis_name="s")

    @functools.partial(
        pl.kernel,
        mesh=mesh,
        compiler_params=pltpu.CompilerParams(use_tc_tiling_on_sc=False,
                                             needs_layout_passes=False),
        out_type=jax.ShapeDtypeStruct((n_j, n_kb, n_ib, _KB, _IBW),
                                      jnp.float32),
        scratch_types=[
            pltpu.VMEM((_KB * v_cap,), jnp.float32),
            pltpu.VMEM((2, blk), jnp.int32),
            pltpu.VMEM((2, _KB, _IBW), jnp.float32),
            pltpu.SemaphoreType.DMA,
            pltpu.SemaphoreType.DMA,
            pltpu.SemaphoreType.DMA,
            pltpu.SemaphoreType.DMA,
        ],
    )
    def k(tableT_hbm, x_hbm, out_hbm, tbl_v, xblk_v, stg_v,
          sem_x0, sem_x1, sem_s0, sem_s1):
        sem_x = (sem_x0, sem_x1)
        sem_s = (sem_s0, sem_s1)
        wid = lax.axis_index("s") * _NC + lax.axis_index("c")
        kb = wid % n_kb
        q = wid // n_kb
        ib0 = q * ib_per_q

        pltpu.sync_copy(
            tableT_hbm.at[pl.ds(kb * (_KB * v_cap), _KB * v_cap)], tbl_v)

        il_off = [(lax.iota(jnp.int32, _L) + g * _L) * n_j
                  for g in range(groups)]
        kstep = jnp.full((_L,), v_cap, jnp.int32)

        for b in range(2):
            pltpu.async_copy(
                x_hbm.at[pl.ds((ib0 + b) * blk, blk)], xblk_v.at[b],
                sem_x[b])

        def ib_body(tp, carry):
            for bx in range(2):
                t = tp * 2 + bx
                ib = ib0 + t
                pltpu.make_async_copy(
                    x_hbm.at[pl.ds(ib * blk, blk)], xblk_v.at[bx],
                    sem_x[bx]).wait()

                def j_body(j2, carry2):
                    for bs in range(2):
                        j = j2 * 2 + bs
                        @pl.when(jnp.logical_or(t > 0, j2 > 0))
                        def _():
                            pltpu.make_async_copy(
                                stg_v.at[bs], out_hbm.at[j, kb, ib],
                                sem_s[bs]).wait()
                        jv = jnp.full((_L,), j, jnp.int32)
                        for g in range(groups):
                            v16 = plsc.load_gather(
                                xblk_v.at[bx], [il_off[g] + jv])
                            idx = v16
                            for kl in range(_KB):
                                row = plsc.load_gather(tbl_v, [idx])
                                stg_v[bs, kl, pl.ds(g * _L, _L)] = row
                                if kl + 1 < _KB:
                                    idx = idx + kstep
                        pltpu.async_copy(
                            stg_v.at[bs], out_hbm.at[j, kb, ib], sem_s[bs])
                    return carry2

                lax.fori_loop(0, n_j // 2, j_body, 0)

                t_pre = jnp.minimum(t + 2, ib_per_q - 1)
                pltpu.async_copy(
                    x_hbm.at[pl.ds((ib0 + t_pre) * blk, blk)],
                    xblk_v.at[bx], sem_x[bx])
            return carry

        lax.fori_loop(0, ib_per_q // 2, ib_body, 0)

        for b in range(2):
            pltpu.make_async_copy(
                x_hbm.at[pl.ds(ib0 * blk, blk)], xblk_v.at[b],
                sem_x[b]).wait()
            pltpu.make_async_copy(
                stg_v.at[b], out_hbm.at[n_j - 2 + b, kb, ib0 + ib_per_q - 1],
                sem_s[b]).wait()

    return k(tableT_flat, x_flat)


def kernel(x, pe):
    n_i, n_j = x.shape
    d_model = pe.shape[1]
    phys = _gather_phys(x.reshape(-1), pe.T.reshape(-1), n_i, n_j, d_model)
    return phys.transpose(2, 4, 0, 1, 3).reshape(n_i, n_j, d_model)

# --- scband reference (transcript-rebuilt; emitter-appended) ---
"""Pipeline reference for scband-positional-encoding-69020124447216 (READ-ONLY COPY).

The authoritative reference and input builder live on the scoring server;
editing this copy changes nothing except your own understanding.
"""

import math
import jax, jax.numpy as jnp
import numpy as np


def make_pe(maxlen, d_model):
    pe = np.zeros((maxlen, d_model), dtype=np.float32)
    position = np.arange(0, maxlen, dtype=np.float64)[:, None]
    div_term = np.exp(np.arange(0, d_model, 2, dtype=np.float64) * -(math.log(10000.0) / d_model))
    pe[:, 0::2] = np.sin(position * div_term)
    pe[:, 1::2] = np.cos(position * div_term)
    return jnp.asarray(pe, dtype=jnp.float32)


def setup_inputs(seed: int = 0) -> dict:
    key = jax.random.key(seed)
    x = jax.random.randint(key, (16384, 200), 0, 5000, dtype=jnp.int32)
    pe = make_pe(5000, 64)
    return {"x": x, "pe": pe}


def reference(x, pe):
    # posenc = self.pe[x]  -> gather rows of the positional-encoding table
    posenc = jnp.take(pe, x, axis=0)
    return posenc

if __name__ == "__main__":
    import jax
    _d = setup_inputs()
    print(jax.jit(kernel)(*tuple(_d.values())))

</pallas_src>

<mosaic_0001>
#map = affine_map<(d0, d1) -> (0)>
#map1 = affine_map<(d0, d1) -> (0, 0, 0, 0, 0)>
module attributes {stable_mosaic.version = 14 : i64} {
  func.func @k(%arg0: i32, %arg1: i32, %arg2: memref<320000xf32, #tpu.memory_space<hbm>>, %arg3: memref<3276800xi32, #tpu.memory_space<hbm>>, %arg4: memref<200x8x128x8x128xf32, #tpu.memory_space<hbm>>, %arg5: memref<40000xf32, #tpu.memory_space<vmem>>, %arg6: memref<2x25600xi32, #tpu.memory_space<vmem>>, %arg7: memref<2x8x128xf32, #tpu.memory_space<vmem>>, %arg8: memref<!tpu.dma_semaphore, #tpu.memory_space<semaphore_mem>>, %arg9: memref<!tpu.dma_semaphore, #tpu.memory_space<semaphore_mem>>, %arg10: memref<!tpu.dma_semaphore, #tpu.memory_space<semaphore_mem>>, %arg11: memref<!tpu.dma_semaphore, #tpu.memory_space<semaphore_mem>>) attributes {dimension_semantics = [#tpu.dimension_semantics<core_parallel>, #tpu.dimension_semantics<subcore_parallel>], iteration_bounds = array<i64: 2, 16>, scalar_prefetch = 0 : i64, scratch_operands = 7 : i64, tpu.core_type = #tpu.core_type<sc_vector_subcore>, window_params = [{transform_indices = #map}, {transform_indices = #map}, {transform_indices = #map1}]} {
    %mul3A = arith.constant 2 : i32
    %mul3A_0 = arith.muli %arg1, %mul3A : i32
    %add3A = arith.addi %mul3A_0, %arg0 : i32
    %jit3A = arith.constant 8 : i32
    %eq3A = arith.constant 0 : i32
    %eq3A_1 = arith.cmpi eq, %jit3A, %eq3A : i32
    %jit3A_2 = arith.constant 1 : i32
    %select_n3A = arith.select %eq3A_1, %jit3A_2, %jit3A : i32
    %rem3A = arith.remsi %add3A, %select_n3A : i32
    %ne3A = arith.constant 0 : i32
    %ne3A_3 = arith.cmpi ne, %rem3A, %ne3A : i32
    %lt3A = arith.constant 0 : i32
    %lt3A_4 = arith.cmpi slt, %rem3A, %lt3A : i32
    %lt3A_5 = arith.constant 0 : i32
    %lt3A_6 = arith.cmpi slt, %select_n3A, %lt3A_5 : i32
    %ne3A_7 = arith.xori %lt3A_4, %lt3A_6 : i1
    %and3A = arith.andi %ne3A_7, %ne3A_3 : i1
    %add3A_8 = arith.addi %rem3A, %select_n3A : i32
    %select_n3A_9 = arith.select %and3A, %add3A_8, %rem3A : i32
    %jit3A_10 = arith.constant 8 : i32
    %div3A = arith.divsi %add3A, %jit3A_10 : i32
    %sign3A = arith.constant 0 : i32
    %sign3A_11 = arith.cmpi sgt, %add3A, %sign3A : i32
    %sign3A_12 = arith.extui %sign3A_11 : i1 to i32
    %sign3A_13 = arith.constant 0 : i32
    %sign3A_14 = arith.cmpi slt, %add3A, %sign3A_13 : i32
    %sign3A_15 = arith.extui %sign3A_14 : i1 to i32
    %sign3A_16 = arith.subi %sign3A_12, %sign3A_15 : i32
    %sign3A_17 = arith.constant 0 : i32
    %sign3A_18 = arith.cmpi sgt, %jit3A_10, %sign3A_17 : i32
    %sign3A_19 = arith.extui %sign3A_18 : i1 to i32
    %sign3A_20 = arith.constant 0 : i32
    %sign3A_21 = arith.cmpi slt, %jit3A_10, %sign3A_20 : i32
    %sign3A_22 = arith.extui %sign3A_21 : i1 to i32
    %sign3A_23 = arith.subi %sign3A_19, %sign3A_22 : i32
    %ne3A_24 = arith.cmpi ne, %sign3A_16, %sign3A_23 : i32
    %rem3A_25 = arith.remsi %add3A, %jit3A_10 : i32
    %ne3A_26 = arith.constant 0 : i32
    %ne3A_27 = arith.cmpi ne, %rem3A_25, %ne3A_26 : i32
    %and3A_28 = arith.andi %ne3A_24, %ne3A_27 : i1
    %sub3A = arith.constant 1 : i32
    %sub3A_29 = arith.subi %div3A, %sub3A : i32
    %select_n3A_30 = arith.select %and3A_28, %sub3A_29, %div3A : i32
    %mul3A_31 = arith.constant 32 : i32
    %mul3A_32 = arith.muli %select_n3A_30, %mul3A_31 : i32
    %mul3A_33 = arith.constant 40000 : i32
    %mul3A_34 = arith.muli %select_n3A_9, %mul3A_33 : i32
    "tpu.region"() ({
      %run_scoped3A = tpu.sem_alloc : memref<!tpu.dma_semaphore, #tpu.memory_space<semaphore_mem>>
      %dma_start3A_186 = tpu.memref_slice %arg2[%mul3A_34] : memref<320000xf32, #tpu.memory_space<hbm>> -> memref<40000xf32, #tpu.memory_space<hbm>>
      %dma_start3A_187 = tpu.memref_slice %arg2[%mul3A_34] : memref<320000xf32, #tpu.memory_space<hbm>> -> memref<40000xf32, #tpu.memory_space<hbm>>
      tpu.enqueue_dma source(%dma_start3A_187 : memref<40000xf32, #tpu.memory_space<hbm>>) target(%arg5 : memref<40000xf32, #tpu.memory_space<vmem>>) target_semaphore(%run_scoped3A : memref<!tpu.dma_semaphore, #tpu.memory_space<semaphore_mem>>)
      %dma_wait3A_188 = tpu.memref_slice %arg2[%mul3A_34] : memref<320000xf32, #tpu.memory_space<hbm>> -> memref<40000xf32, #tpu.memory_space<hbm>>
      %dma_wait3A_189 = tpu.memref_slice %arg2[%mul3A_34] : memref<320000xf32, #tpu.memory_space<hbm>> -> memref<40000xf32, #tpu.memory_space<hbm>>
      tpu.wait_dma2 semaphore(%run_scoped3A : memref<!tpu.dma_semaphore, #tpu.memory_space<semaphore_mem>>) src(%dma_wait3A_189 : memref<40000xf32, #tpu.memory_space<hbm>>) dst(%arg5 : memref<40000xf32, #tpu.memory_space<vmem>>)
      tpu.yield
    }) : () -> ()
    %iota3A = tpu.iota {dimensions = array<i32: 0>} : vector<16xi32>
    %add3A_35 = arith.constant 0 : i32
    %add3A_36 = vector.broadcast %add3A_35 : i32 to vector<16xi32>
    %add3A_37 = arith.addi %iota3A, %add3A_36 : vector<16xi32>
    %mul3A_38 = arith.constant 200 : i32
    %mul3A_39 = vector.broadcast %mul3A_38 : i32 to vector<16xi32>
    %mul3A_40 = arith.muli %add3A_37, %mul3A_39 : vector<16xi32>
    %iota3A_41 = tpu.iota {dimensions = array<i32: 0>} : vector<16xi32>
    %add3A_42 = arith.constant 16 : i32
    %add3A_43 = vector.broadcast %add3A_42 : i32 to vector<16xi32>
    %add3A_44 = arith.addi %iota3A_41, %add3A_43 : vector<16xi32>
    %mul3A_45 = arith.constant 200 : i32
    %mul3A_46 = vector.broadcast %mul3A_45 : i32 to vector<16xi32>
    %mul3A_47 = arith.muli %add3A_44, %mul3A_46 : vector<16xi32>
    %iota3A_48 = tpu.iota {dimensions = array<i32: 0>} : vector<16xi32>
    %add3A_49 = arith.constant 32 : i32
    %add3A_50 = vector.broadcast %add3A_49 : i32 to vector<16xi32>
    %add3A_51 = arith.addi %iota3A_48, %add3A_50 : vector<16xi32>
    %mul3A_52 = arith.constant 200 : i32
    %mul3A_53 = vector.broadcast %mul3A_52 : i32 to vector<16xi32>
    %mul3A_54 = arith.muli %add3A_51, %mul3A_53 : vector<16xi32>
    %iota3A_55 = tpu.iota {dimensions = array<i32: 0>} : vector<16xi32>
    %add3A_56 = arith.constant 48 : i32
    %add3A_57 = vector.broadcast %add3A_56 : i32 to vector<16xi32>
    %add3A_58 = arith.addi %iota3A_55, %add3A_57 : vector<16xi32>
    %mul3A_59 = arith.constant 200 : i32
    %mul3A_60 = vector.broadcast %mul3A_59 : i32 to vector<16xi32>
    %mul3A_61 = arith.muli %add3A_58, %mul3A_60 : vector<16xi32>
    %iota3A_62 = tpu.iota {dimensions = array<i32: 0>} : vector<16xi32>
    %add3A_63 = arith.constant 64 : i32
    %add3A_64 = vector.broadcast %add3A_63 : i32 to vector<16xi32>
    %add3A_65 = arith.addi %iota3A_62, %add3A_64 : vector<16xi32>
    %mul3A_66 = arith.constant 200 : i32
    %mul3A_67 = vector.broadcast %mul3A_66 : i32 to vector<16xi32>
    %mul3A_68 = arith.muli %add3A_65, %mul3A_67 : vector<16xi32>
    %iota3A_69 = tpu.iota {dimensions = array<i32: 0>} : vector<16xi32>
    %add3A_70 = arith.constant 80 : i32
    %add3A_71 = vector.broadcast %add3A_70 : i32 to vector<16xi32>
    %add3A_72 = arith.addi %iota3A_69, %add3A_71 : vector<16xi32>
    %mul3A_73 = arith.constant 200 : i32
    %mul3A_74 = vector.broadcast %mul3A_73 : i32 to vector<16xi32>
    %mul3A_75 = arith.muli %add3A_72, %mul3A_74 : vector<16xi32>
    %iota3A_76 = tpu.iota {dimensions = array<i32: 0>} : vector<16xi32>
    %add3A_77 = arith.constant 96 : i32
    %add3A_78 = vector.broadcast %add3A_77 : i32 to vector<16xi32>
    %add3A_79 = arith.addi %iota3A_76, %add3A_78 : vector<16xi32>
    %mul3A_80 = arith.constant 200 : i32
    %mul3A_81 = vector.broadcast %mul3A_80 : i32 to vector<16xi32>
    %mul3A_82 = arith.muli %add3A_79, %mul3A_81 : vector<16xi32>
    %iota3A_83 = tpu.iota {dimensions = array<i32: 0>} : vector<16xi32>
    %add3A_84 = arith.constant 112 : i32
    %add3A_85 = vector.broadcast %add3A_84 : i32 to vector<16xi32>
    %add3A_86 = arith.addi %iota3A_83, %add3A_85 : vector<16xi32>
    %mul3A_87 = arith.constant 200 : i32
    %mul3A_88 = vector.broadcast %mul3A_87 : i32 to vector<16xi32>
    %mul3A_89 = arith.muli %add3A_86, %mul3A_88 : vector<16xi32>
    %broadcast_in_dim3A = arith.constant 5000 : i32
    %broadcast_in_dim3A_90 = vector.broadcast %broadcast_in_dim3A : i32 to vector<16xi32>
    %add3A_91 = arith.constant 0 : i32
    %add3A_92 = arith.addi %mul3A_32, %add3A_91 : i32
    %mul3A_93 = arith.constant 25600 : i32
    %mul3A_94 = arith.muli %add3A_92, %mul3A_93 : i32
    %dma_start3A = arith.constant 0 : i32
    %dma_start3A_95 = arith.constant 0 : i32
    %dma_start3A_96 = tpu.memref_slice %arg6[%dma_start3A, %dma_start3A_95] : memref<2x25600xi32, #tpu.memory_space<vmem>> -> memref<1x25600xi32, #tpu.memory_space<vmem>>
    %dma_start3A_97 = tpu.memref_squeeze %dma_start3A_96 : memref<1x25600xi32, #tpu.memory_space<vmem>> -> memref<25600xi32, #tpu.memory_space<vmem>>
    %dma_start3A_98 = tpu.memref_slice %arg3[%mul3A_94] : memref<3276800xi32, #tpu.memory_space<hbm>> -> memref<25600xi32, #tpu.memory_space<hbm>>
    %dma_start3A_99 = arith.constant 0 : i32
    %dma_start3A_100 = tpu.memref_slice %arg6[%dma_start3A, %dma_start3A_99] : memref<2x25600xi32, #tpu.memory_space<vmem>> -> memref<1x25600xi32, #tpu.memory_space<vmem>>
    %dma_start3A_101 = tpu.memref_squeeze %dma_start3A_100 : memref<1x25600xi32, #tpu.memory_space<vmem>> -> memref<25600xi32, #tpu.memory_space<vmem>>
    %dma_start3A_102 = tpu.memref_slice %arg3[%mul3A_94] : memref<3276800xi32, #tpu.memory_space<hbm>> -> memref<25600xi32, #tpu.memory_space<hbm>>
    tpu.enqueue_dma source(%dma_start3A_102 : memref<25600xi32, #tpu.memory_space<hbm>>) target(%dma_start3A_101 : memref<25600xi32, #tpu.memory_space<vmem>>) target_semaphore(%arg8 : memref<!tpu.dma_semaphore, #tpu.memory_space<semaphore_mem>>)
    %add3A_103 = arith.constant 1 : i32
    %add3A_104 = arith.addi %mul3A_32, %add3A_103 : i32
    %mul3A_105 = arith.constant 25600 : i32
    %mul3A_106 = arith.muli %add3A_104, %mul3A_105 : i32
    %dma_start3A_107 = arith.constant 1 : i32
    %dma_start3A_108 = arith.constant 0 : i32
    %dma_start3A_109 = tpu.memref_slice %arg6[%dma_start3A_107, %dma_start3A_108] : memref<2x25600xi32, #tpu.memory_space<vmem>> -> memref<1x25600xi32, #tpu.memory_space<vmem>>
    %dma_start3A_110 = tpu.memref_squeeze %dma_start3A_109 : memref<1x25600xi32, #tpu.memory_space<vmem>> -> memref<25600xi32, #tpu.memory_space<vmem>>
    %dma_start3A_111 = tpu.memref_slice %arg3[%mul3A_106] : memref<3276800xi32, #tpu.memory_space<hbm>> -> memref<25600xi32, #tpu.memory_space<hbm>>
    %dma_start3A_112 = arith.constant 0 : i32
    %dma_start3A_113 = tpu.memref_slice %arg6[%dma_start3A_107, %dma_start3A_112] : memref<2x25600xi32, #tpu.memory_space<vmem>> -> memref<1x25600xi32, #tpu.memory_space<vmem>>
    %dma_start3A_114 = tpu.memref_squeeze %dma_start3A_113 : memref<1x25600xi32, #tpu.memory_space<vmem>> -> memref<25600xi32, #tpu.memory_space<vmem>>
    %dma_start3A_115 = tpu.memref_slice %arg3[%mul3A_106] : memref<3276800xi32, #tpu.memory_space<hbm>> -> memref<25600xi32, #tpu.memory_space<hbm>>
    tpu.enqueue_dma source(%dma_start3A_115 : memref<25600xi32, #tpu.memory_space<hbm>>) target(%dma_start3A_114 : memref<25600xi32, #tpu.memory_space<vmem>>) target_semaphore(%arg9 : memref<!tpu.dma_semaphore, #tpu.memory_space<semaphore_mem>>)
    %scan3A = arith.constant 0 : i32
    %scan3A_116 = arith.constant 0 : i32
    %scan3A_117 = arith.constant 16 : i32
    %scan3A_118 = arith.addi %scan3A_116, %scan3A_117 : i32
    %scan3A_119 = arith.constant 1 : i32
    scf.for %scan3A_186 = %scan3A_116 to %scan3A_118 step %scan3A_119  : i32 {
      %mul3A_187 = arith.constant 2 : i32
      %mul3A_188 = arith.muli %scan3A_186, %mul3A_187 : i32
      %add3A_189 = arith.constant 0 : i32
      %add3A_190 = arith.addi %mul3A_188, %add3A_189 : i32
      %add3A_191 = arith.addi %mul3A_32, %add3A_190 : i32
      %mul3A_192 = arith.constant 25600 : i32
      %mul3A_193 = arith.muli %add3A_191, %mul3A_192 : i32
      %dma_wait3A_194 = arith.constant 0 : i32
      %dma_wait3A_195 = arith.constant 0 : i32
      %dma_wait3A_196 = tpu.memref_slice %arg6[%dma_wait3A_194, %dma_wait3A_195] : memref<2x25600xi32, #tpu.memory_space<vmem>> -> memref<1x25600xi32, #tpu.memory_space<vmem>>
      %dma_wait3A_197 = tpu.memref_squeeze %dma_wait3A_196 : memref<1x25600xi32, #tpu.memory_space<vmem>> -> memref<25600xi32, #tpu.memory_space<vmem>>
      %dma_wait3A_198 = tpu.memref_slice %arg3[%mul3A_193] : memref<3276800xi32, #tpu.memory_space<hbm>> -> memref<25600xi32, #tpu.memory_space<hbm>>
      %dma_wait3A_199 = arith.constant 0 : i32
      %dma_wait3A_200 = tpu.memref_slice %arg6[%dma_wait3A_194, %dma_wait3A_199] : memref<2x25600xi32, #tpu.memory_space<vmem>> -> memref<1x25600xi32, #tpu.memory_space<vmem>>
      %dma_wait3A_201 = tpu.memref_squeeze %dma_wait3A_200 : memref<1x25600xi32, #tpu.memory_space<vmem>> -> memref<25600xi32, #tpu.memory_space<vmem>>
      %dma_wait3A_202 = tpu.memref_slice %arg3[%mul3A_193] : memref<3276800xi32, #tpu.memory_space<hbm>> -> memref<25600xi32, #tpu.memory_space<hbm>>
      tpu.wait_dma2 semaphore(%arg8 : memref<!tpu.dma_semaphore, #tpu.memory_space<semaphore_mem>>) src(%dma_wait3A_202 : memref<25600xi32, #tpu.memory_space<hbm>>) dst(%dma_wait3A_201 : memref<25600xi32, #tpu.memory_space<vmem>>)
      %scan3A_203 = arith.constant 0 : i32
      %scan3A_204 = arith.constant 0 : i32
      %scan3A_205 = arith.constant 100 : i32
      %scan3A_206 = arith.addi %scan3A_204, %scan3A_205 : i32
      %scan3A_207 = arith.constant 1 : i32
      scf.for %scan3A_262 = %scan3A_204 to %scan3A_206 step %scan3A_207  : i32 {
        %mul3A_263 = arith.constant 2 : i32
        %mul3A_264 = arith.muli %scan3A_262, %mul3A_263 : i32
        %add3A_265 = arith.constant 0 : i32
        %add3A_266 = arith.addi %mul3A_264, %add3A_265 : i32
        %gt3A = arith.constant 0 : i32
        %gt3A_267 = arith.cmpi sgt, %add3A_190, %gt3A : i32
        %gt3A_268 = arith.constant 0 : i32
        %gt3A_269 = arith.cmpi sgt, %scan3A_262, %gt3A_268 : i32
        %or3A = arith.ori %gt3A_267, %gt3A_269 : i1
        %convert_element_type3A = arith.extui %or3A : i1 to i32
        %cond3A = arith.constant 0 : i32
        %cond3A_270 = arith.cmpi ne, %convert_element_type3A, %cond3A : i32
        scf.if %cond3A_270 {
          %dma_wait3A_1421 = arith.constant 0 : i32
          %dma_wait3A_1422 = arith.constant 0 : i32
          %dma_wait3A_1423 = arith.constant 0 : i32
          %dma_wait3A_1424 = tpu.memref_slice %arg7[%dma_wait3A_1421, %dma_wait3A_1422, %dma_wait3A_1423] : memref<2x8x128xf32, #tpu.memory_space<vmem>> -> memref<1x8x128xf32, #tpu.memory_space<vmem>>
          %dma_wait3A_1425 = tpu.memref_squeeze %dma_wait3A_1424 : memref<1x8x128xf32, #tpu.memory_space<vmem>> -> memref<8x128xf32, #tpu.memory_space<vmem>>
          %dma_wait3A_1426 = arith.constant 0 : i32
          %dma_wait3A_1427 = arith.constant 0 : i32
          %dma_wait3A_1428 = tpu.memref_slice %arg4[%add3A_266, %select_n3A_9, %add3A_191, %dma_wait3A_1426, %dma_wait3A_1427] : memref<200x8x128x8x128xf32, #tpu.memory_space<hbm>> -> memref<1x1x1x8x128xf32, #tpu.memory_space<hbm>>
          %dma_wait3A_1429 = tpu.memref_squeeze %dma_wait3A_1428 : memref<1x1x1x8x128xf32, #tpu.memory_space<hbm>> -> memref<8x128xf32, #tpu.memory_space<hbm>>
          %dma_wait3A_1430 = arith.constant 0 : i32
          %dma_wait3A_1431 = arith.constant 0 : i32
          %dma_wait3A_1432 = tpu.memref_slice %arg4[%add3A_266, %select_n3A_9, %add3A_191, %dma_wait3A_1430, %dma_wait3A_1431] : memref<200x8x128x8x128xf32, #tpu.memory_space<hbm>> -> memref<1x1x1x8x128xf32, #tpu.memory_space<hbm>>
          %dma_wait3A_1433 = tpu.memref_squeeze %dma_wait3A_1432 : memref<1x1x1x8x128xf32, #tpu.memory_space<hbm>> -> memref<8x128xf32, #tpu.memory_space<hbm>>
          %dma_wait3A_1434 = arith.constant 0 : i32
          %dma_wait3A_1435 = arith.constant 0 : i32
          %dma_wait3A_1436 = tpu.memref_slice %arg7[%dma_wait3A_1421, %dma_wait3A_1434, %dma_wait3A_1435] : memref<2x8x128xf32, #tpu.memory_space<vmem>> -> memref<1x8x128xf32, #tpu.memory_space<vmem>>
          %dma_wait3A_1437 = tpu.memref_squeeze %dma_wait3A_1436 : memref<1x8x128xf32, #tpu.memory_space<vmem>> -> memref<8x128xf32, #tpu.memory_space<vmem>>
          tpu.wait_dma2 semaphore(%arg10 : memref<!tpu.dma_semaphore, #tpu.memory_space<semaphore_mem>>) src(%dma_wait3A_1437 : memref<8x128xf32, #tpu.memory_space<vmem>>) dst(%dma_wait3A_1433 : memref<8x128xf32, #tpu.memory_space<hbm>>)
        } else {
        }
        %broadcast_in_dim3A_271 = vector.broadcast %add3A_266 : i32 to vector<16xi32>
        %add3A_272 = arith.addi %mul3A_40, %broadcast_in_dim3A_271 : vector<16xi32>
        %gather3A = arith.constant 0 : i32
        %gather3A_273 = arith.constant 0 : i32
        %gather3A_274 = tpu.memref_slice %arg6[%gather3A, %gather3A_273] : memref<2x25600xi32, #tpu.memory_space<vmem>> -> memref<1x25600xi32, #tpu.memory_space<vmem>>
        %gather3A_275 = tpu.memref_squeeze %gather3A_274 : memref<1x25600xi32, #tpu.memory_space<vmem>> -> memref<25600xi32, #tpu.memory_space<vmem>>
        %gather3A_276 = tpu.vector_load_idx %gather3A_275[%add3A_272] : memref<25600xi32, #tpu.memory_space<vmem>>[vector<16xi32>], vector<16xi32>,
        %gather3A_277 = tpu.vector_load_idx %arg5[%gather3A_276] : memref<40000xf32, #tpu.memory_space<vmem>>[vector<16xi32>], vector<16xf32>,
        %swap3A = arith.constant 0 : i32
        %swap3A_278 = arith.constant 0 : i32
        %swap3A_279 = arith.index_cast %swap3A : i32 to index
        %swap3A_280 = arith.index_cast %swap3A_278 : i32 to index
        %swap3A_281 = arith.constant 0 : index
        %swap3A_282 = tpu.vector_load %arg7[%swap3A_279, %swap3A_280, %swap3A_281] {strides = array<i32>} : memref<2x8x128xf32, #tpu.memory_space<vmem>>, vector<16xf32>,
        tpu.vector_store %arg7[%swap3A_279, %swap3A_280, %swap3A_281], %gather3A_277 {strides = array<i32>} : memref<2x8x128xf32, #tpu.memory_space<vmem>>, vector<16xf32>,
        %add3A_283 = arith.addi %gather3A_276, %broadcast_in_dim3A_90 : vector<16xi32>
        %gather3A_284 = tpu.vector_load_idx %arg5[%add3A_283] : memref<40000xf32, #tpu.memory_space<vmem>>[vector<16xi32>], vector<16xf32>,
        %swap3A_285 = arith.constant 0 : i32
        %swap3A_286 = arith.constant 1 : i32
        %swap3A_287 = arith.index_cast %swap3A_285 : i32 to index
        %swap3A_288 = arith.index_cast %swap3A_286 : i32 to index
        %swap3A_289 = arith.constant 0 : index
        %swap3A_290 = tpu.vector_load %arg7[%swap3A_287, %swap3A_288, %swap3A_289] {strides = array<i32>} : memref<2x8x128xf32, #tpu.memory_space<vmem>>, vector<16xf32>,
        tpu.vector_store %arg7[%swap3A_287, %swap3A_288, %swap3A_289], %gather3A_284 {strides = array<i32>} : memref<2x8x128xf32, #tpu.memory_space<vmem>>, vector<16xf32>,
        %add3A_291 = arith.addi %add3A_283, %broadcast_in_dim3A_90 : vector<16xi32>
        %gather3A_292 = tpu.vector_load_idx %arg5[%add3A_291] : memref<40000xf32, #tpu.memory_space<vmem>>[vector<16xi32>], vector<16xf32>,
        %swap3A_293 = arith.constant 0 : i32
        %swap3A_294 = arith.constant 2 : i32
        %swap3A_295 = arith.index_cast %swap3A_293 : i32 to index
        %swap3A_296 = arith.index_cast %swap3A_294 : i32 to index
        %swap3A_297 = arith.constant 0 : index
        %swap3A_298 = tpu.vector_load %arg7[%swap3A_295, %swap3A_296, %swap3A_297] {strides = array<i32>} : memref<2x8x128xf32, #tpu.memory_space<vmem>>, vector<16xf32>,
        tpu.vector_store %arg7[%swap3A_295, %swap3A_296, %swap3A_297], %gather3A_292 {strides = array<i32>} : memref<2x8x128xf32, #tpu.memory_space<vmem>>, vector<16xf32>,
        %add3A_299 = arith.addi %add3A_291, %broadcast_in_dim3A_90 : vector<16xi32>
        %gather3A_300 = tpu.vector_load_idx %arg5[%add3A_299] : memref<40000xf32, #tpu.memory_space<vmem>>[vector<16xi32>], vector<16xf32>,
        %swap3A_301 = arith.constant 0 : i32
        %swap3A_302 = arith.constant 3 : i32
        %swap3A_303 = arith.index_cast %swap3A_301 : i32 to index
        %swap3A_304 = arith.index_cast %swap3A_302 : i32 to index
        %swap3A_305 = arith.constant 0 : index
        %swap3A_306 = tpu.vector_load %arg7[%swap3A_303, %swap3A_304, %swap3A_305] {strides = array<i32>} : memref<2x8x128xf32, #tpu.memory_space<vmem>>, vector<16xf32>,
        tpu.vector_store %arg7[%swap3A_303, %swap3A_304, %swap3A_305], %gather3A_300 {strides = array<i32>} : memref<2x8x128xf32, #tpu.memory_space<vmem>>, vector<16xf32>,
        %add3A_307 = arith.addi %add3A_299, %broadcast_in_dim3A_90 : vector<16xi32>
        %gather3A_308 = tpu.vector_load_idx %arg5[%add3A_307] : memref<40000xf32, #tpu.memory_space<vmem>>[vector<16xi32>], vector<16xf32>,
        %swap3A_309 = arith.constant 0 : i32
        %swap3A_310 = arith.constant 4 : i32
        %swap3A_311 = arith.index_cast %swap3A_309 : i32 to index
        %swap3A_312 = arith.index_cast %swap3A_310 : i32 to index
        %swap3A_313 = arith.constant 0 : index
        %swap3A_314 = tpu.vector_load %arg7[%swap3A_311, %swap3A_312, %swap3A_313] {strides = array<i32>} : memref<2x8x128xf32, #tpu.memory_space<vmem>>, vector<16xf32>,
        tpu.vector_store %arg7[%swap3A_311, %swap3A_312, %swap3A_313], %gather3A_308 {strides = array<i32>} : memref<2x8x128xf32, #tpu.memory_space<vmem>>, vector<16xf32>,
        %add3A_315 = arith.addi %add3A_307, %broadcast_in_dim3A_90 : vector<16xi32>
        %gather3A_316 = tpu.vector_load_idx %arg5[%add3A_315] : memref<40000xf32, #tpu.memory_space<vmem>>[vector<16xi32>], vector<16xf32>,
        %swap3A_317 = arith.constant 0 : i32
        %swap3A_318 = arith.constant 5 : i32
        %swap3A_319 = arith.index_cast %swap3A_317 : i32 to index
        %swap3A_320 = arith.index_cast %swap3A_318 : i32 to index
        %swap3A_321 = arith.constant 0 : index
        %swap3A_322 = tpu.vector_load %arg7[%swap3A_319, %swap3A_320, %swap3A_321] {strides = array<i32>} : memref<2x8x128xf32, #tpu.memory_space<vmem>>, vector<16xf32>,
        tpu.vector_store %arg7[%swap3A_319, %swap3A_320, %swap3A_321], %gather3A_316 {strides = array<i32>} : memref<2x8x128xf32, #tpu.memory_space<vmem>>, vector<16xf32>,
        %add3A_323 = arith.addi %add3A_315, %broadcast_in_dim3A_90 : vector<16xi32>
        %gather3A_324 = tpu.vector_load_idx %arg5[%add3A_323] : memref<40000xf32, #tpu.memory_space<vmem>>[vector<16xi32>], vector<16xf32>,
        %swap3A_325 = arith.constant 0 : i32
        %swap3A_326 = arith.constant 6 : i32
        %swap3A_327 = arith.index_cast %swap3A_325 : i32 to index
        %swap3A_328 = arith.index_cast %swap3A_326 : i32 to index
        %swap3A_329 = arith.constant 0 : index
        %swap3A_330 = tpu.vector_load %arg7[%swap3A_327, %swap3A_328, %swap3A_329] {strides = array<i32>} : memref<2x8x128xf32, #tpu.memory_space<vmem>>, vector<16xf32>,
        tpu.vector_store %arg7[%swap3A_327, %swap3A_328, %swap3A_329], %gather3A_324 {strides = array<i32>} : memref<2x8x128xf32, #tpu.memory_space<vmem>>, vector<16xf32>,
        %add3A_331 = arith.addi %add3A_323, %broadcast_in_dim3A_90 : vector<16xi32>
        %gather3A_332 = tpu.vector_load_idx %arg5[%add3A_331] : memref<40000xf32, #tpu.memory_space<vmem>>[vector<16xi32>], vector<16xf32>,
        %swap3A_333 = arith.constant 0 : i32
        %swap3A_334 = arith.constant 7 : i32
        %swap3A_335 = arith.index_cast %swap3A_333 : i32 to index
        %swap3A_336 = arith.index_cast %swap3A_334 : i32 to index
        %swap3A_337 = arith.constant 0 : index
        %swap3A_338 = tpu.vector_load %arg7[%swap3A_335, %swap3A_336, %swap3A_337] {strides = array<i32>} : memref<2x8x128xf32, #tpu.memory_space<vmem>>, vector<16xf32>,
        tpu.vector_store %arg7[%swap3A_335, %swap3A_336, %swap3A_337], %gather3A_332 {strides = array<i32>} : memref<2x8x128xf32, #tpu.memory_space<vmem>>, vector<16xf32>,
        %add3A_339 = arith.addi %mul3A_47, %broadcast_in_dim3A_271 : vector<16xi32>
        %gather3A_340 = arith.constant 0 : i32
        %gather3A_341 = arith.constant 0 : i32
        %gather3A_342 = tpu.memref_slice %arg6[%gather3A_340, %gather3A_341] : memref<2x25600xi32, #tpu.memory_space<vmem>> -> memref<1x25600xi32, #tpu.memory_space<vmem>>
        %gather3A_343 = tpu.memref_squeeze %gather3A_342 : memref<1x25600xi32, #tpu.memory_space<vmem>> -> memref<25600xi32, #tpu.memory_space<vmem>>
        %gather3A_344 = tpu.vector_load_idx %gather3A_343[%add3A_339] : memref<25600xi32, #tpu.memory_space<vmem>>[vector<16xi32>], vector<16xi32>,
        %gather3A_345 = tpu.vector_load_idx %arg5[%gather3A_344] : memref<40000xf32, #tpu.memory_space<vmem>>[vector<16xi32>], vector<16xf32>,
        %swap3A_346 = arith.constant 0 : i32
        %swap3A_347 = arith.constant 0 : i32
        %swap3A_348 = arith.index_cast %swap3A_346 : i32 to index
        %swap3A_349 = arith.index_cast %swap3A_347 : i32 to index
        %swap3A_350 = arith.constant 16 : index
        %swap3A_351 = tpu.vector_load %arg7[%swap3A_348, %swap3A_349, %swap3A_350] {strides = array<i32>} : memref<2x8x128xf32, #tpu.memory_space<vmem>>, vector<16xf32>,
        tpu.vector_store %arg7[%swap3A_348, %swap3A_349, %swap3A_350], %gather3A_345 {strides = array<i32>} : memref<2x8x128xf32, #tpu.memory_space<vmem>>, vector<16xf32>,
        %add3A_352 = arith.addi %gather3A_344, %broadcast_in_dim3A_90 : vector<16xi32>
        %gather3A_353 = tpu.vector_load_idx %arg5[%add3A_352] : memref<40000xf32, #tpu.memory_space<vmem>>[vector<16xi32>], vector<16xf32>,
        %swap3A_354 = arith.constant 0 : i32
        %swap3A_355 = arith.constant 1 : i32
        %swap3A_356 = arith.index_cast %swap3A_354 : i32 to index
        %swap3A_357 = arith.index_cast %swap3A_355 : i32 to index
        %swap3A_358 = arith.constant 16 : index
        %swap3A_359 = tpu.vector_load %arg7[%swap3A_356, %swap3A_357, %swap3A_358] {strides = array<i32>} : memref<2x8x128xf32, #tpu.memory_space<vmem>>, vector<16xf32>,
        tpu.vector_store %arg7[%swap3A_356, %swap3A_357, %swap3A_358], %gather3A_353 {strides = array<i32>} : memref<2x8x128xf32, #tpu.memory_space<vmem>>, vector<16xf32>,
        %add3A_360 = arith.addi %add3A_352, %broadcast_in_dim3A_90 : vector<16xi32>
        %gather3A_361 = tpu.vector_load_idx %arg5[%add3A_360] : memref<40000xf32, #tpu.memory_space<vmem>>[vector<16xi32>], vector<16xf32>,
        %swap3A_362 = arith.constant 0 : i32
        %swap3A_363 = arith.constant 2 : i32
        %swap3A_364 = arith.index_cast %swap3A_362 : i32 to index
        %swap3A_365 = arith.index_cast %swap3A_363 : i32 to index
        %swap3A_366 = arith.constant 16 : index
        %swap3A_367 = tpu.vector_load %arg7[%swap3A_364, %swap3A_365, %swap3A_366] {strides = array<i32>} : memref<2x8x128xf32, #tpu.memory_space<vmem>>, vector<16xf32>,
        tpu.vector_store %arg7[%swap3A_364, %swap3A_365, %swap3A_366], %gather3A_361 {strides = array<i32>} : memref<2x8x128xf32, #tpu.memory_space<vmem>>, vector<16xf32>,
        %add3A_368 = arith.addi %add3A_360, %broadcast_in_dim3A_90 : vector<16xi32>
        %gather3A_369 = tpu.vector_load_idx %arg5[%add3A_368] : memref<40000xf32, #tpu.memory_space<vmem>>[vector<16xi32>], vector<16xf32>,
        %swap3A_370 = arith.constant 0 : i32
        %swap3A_371 = arith.constant 3 : i32
        %swap3A_372 = arith.index_cast %swap3A_370 : i32 to index
        %swap3A_373 = arith.index_cast %swap3A_371 : i32 to index
        %swap3A_374 = arith.constant 16 : index
        %swap3A_375 = tpu.vector_load %arg7[%swap3A_372, %swap3A_373, %swap3A_374] {strides = array<i32>} : memref<2x8x128xf32, #tpu.memory_space<vmem>>, vector<16xf32>,
        tpu.vector_store %arg7[%swap3A_372, %swap3A_373, %swap3A_374], %gather3A_369 {strides = array<i32>} : memref<2x8x128xf32, #tpu.memory_space<vmem>>, vector<16xf32>,
        %add3A_376 = arith.addi %add3A_368, %broadcast_in_dim3A_90 : vector<16xi32>
        %gather3A_377 = tpu.vector_load_idx %arg5[%add3A_376] : memref<40000xf32, #tpu.memory_space<vmem>>[vector<16xi32>], vector<16xf32>,
        %swap3A_378 = arith.constant 0 : i32
        %swap3A_379 = arith.constant 4 : i32
        %swap3A_380 = arith.index_cast %swap3A_378 : i32 to index
        %swap3A_381 = arith.index_cast %swap3A_379 : i32 to index
        %swap3A_382 = arith.constant 16 : index
        %swap3A_383 = tpu.vector_load %arg7[%swap3A_380, %swap3A_381, %swap3A_382] {strides = array<i32>} : memref<2x8x128xf32, #tpu.memory_space<vmem>>, vector<16xf32>,
        tpu.vector_store %arg7[%swap3A_380, %swap3A_381, %swap3A_382], %gather3A_377 {strides = array<i32>} : memref<2x8x128xf32, #tpu.memory_space<vmem>>, vector<16xf32>,
        %add3A_384 = arith.addi %add3A_376, %broadcast_in_dim3A_90 : vector<16xi32>
        %gather3A_385 = tpu.vector_load_idx %arg5[%add3A_384] : memref<40000xf32, #tpu.memory_space<vmem>>[vector<16xi32>], vector<16xf32>,
        %swap3A_386 = arith.constant 0 : i32
        %swap3A_387 = arith.constant 5 : i32
        %swap3A_388 = arith.index_cast %swap3A_386 : i32 to index
        %swap3A_389 = arith.index_cast %swap3A_387 : i32 to index
        %swap3A_390 = arith.constant 16 : index
        %swap3A_391 = tpu.vector_load %arg7[%swap3A_388, %swap3A_389, %swap3A_390] {strides = array<i32>} : memref<2x8x128xf32, #tpu.memory_space<vmem>>, vector<16xf32>,
        tpu.vector_store %arg7[%swap3A_388, %swap3A_389, %swap3A_390], %gather3A_385 {strides = array<i32>} : memref<2x8x128xf32, #tpu.memory_space<vmem>>, vector<16xf32>,
        %add3A_392 = arith.addi %add3A_384, %broadcast_in_dim3A_90 : vector<16xi32>
        %gather3A_393 = tpu.vector_load_idx %arg5[%add3A_392] : memref<40000xf32, #tpu.memory_space<vmem>>[vector<16xi32>], vector<16xf32>,
        %swap3A_394 = arith.constant 0 : i32
        %swap3A_395 = arith.constant 6 : i32
        %swap3A_396 = arith.index_cast %swap3A_394 : i32 to index
        %swap3A_397 = arith.index_cast %swap3A_395 : i32 to index
        %swap3A_398 = arith.constant 16 : index
        %swap3A_399 = tpu.vector_load %arg7[%swap3A_396, %swap3A_397, %swap3A_398] {strides = array<i32>} : memref<2x8x128xf32, #tpu.memory_space<vmem>>, vector<16xf32>,
        tpu.vector_store %arg7[%swap3A_396, %swap3A_397, %swap3A_398], %gather3A_393 {strides = array<i32>} : memref<2x8x128xf32, #tpu.memory_space<vmem>>, vector<16xf32>,
        %add3A_400 = arith.addi %add3A_392, %broadcast_in_dim3A_90 : vector<16xi32>
        %gather3A_401 = tpu.vector_load_idx %arg5[%add3A_400] : memref<40000xf32, #tpu.memory_space<vmem>>[vector<16xi32>], vector<16xf32>,
        %swap3A_402 = arith.constant 0 : i32
        %swap3A_403 = arith.constant 7 : i32
        %swap3A_404 = arith.index_cast %swap3A_402 : i32 to index
        %swap3A_405 = arith.index_cast %swap3A_403 : i32 to index
        %swap3A_406 = arith.constant 16 : index
        %swap3A_407 = tpu.vector_load %arg7[%swap3A_404, %swap3A_405, %swap3A_406] {strides = array<i32>} : memref<2x8x128xf32, #tpu.memory_space<vmem>>, vector<16xf32>,
        tpu.vector_store %arg7[%swap3A_404, %swap3A_405, %swap3A_406], %gather3A_401 {strides = array<i32>} : memref<2x8x128xf32, #tpu.memory_space<vmem>>, vector<16xf32>,
        %add3A_408 = arith.addi %mul3A_54, %broadcast_in_dim3A_271 : vector<16xi32>
        %gather3A_409 = arith.constant 0 : i32
        %gather3A_410 = arith.constant 0 : i32
        %gather3A_411 = tpu.memref_slice %arg6[%gather3A_409, %gather3A_410] : memref<2x25600xi32, #tpu.memory_space<vmem>> -> memref<1x25600xi32, #tpu.memory_space<vmem>>
        %gather3A_412 = tpu.memref_squeeze %gather3A_411 : memref<1x25600xi32, #tpu.memory_space<vmem>> -> memref<25600xi32, #tpu.memory_space<vmem>>
        %gather3A_413 = tpu.vector_load_idx %gather3A_412[%add3A_408] : memref<25600xi32, #tpu.memory_space<vmem>>[vector<16xi32>], vector<16xi32>,
        %gather3A_414 = tpu.vector_load_idx %arg5[%gather3A_413] : memref<40000xf32, #tpu.memory_space<vmem>>[vector<16xi32>], vector<16xf32>,
        %swap3A_415 = arith.constant 0 : i32
        %swap3A_416 = arith.constant 0 : i32
        %swap3A_417 = arith.index_cast %swap3A_415 : i32 to index
        %swap3A_418 = arith.index_cast %swap3A_416 : i32 to index
        %swap3A_419 = arith.constant 32 : index
        %swap3A_420 = tpu.vector_load %arg7[%swap3A_417, %swap3A_418, %swap3A_419] {strides = array<i32>} : memref<2x8x128xf32, #tpu.memory_space<vmem>>, vector<16xf32>,
        tpu.vector_store %arg7[%swap3A_417, %swap3A_418, %swap3A_419], %gather3A_414 {strides = array<i32>} : memref<2x8x128xf32, #tpu.memory_space<vmem>>, vector<16xf32>,
        %add3A_421 = arith.addi %gather3A_413, %broadcast_in_dim3A_90 : vector<16xi32>
        %gather3A_422 = tpu.vector_load_idx %arg5[%add3A_421] : memref<40000xf32, #tpu.memory_space<vmem>>[vector<16xi32>], vector<16xf32>,
        %swap3A_423 = arith.constant 0 : i32
        %swap3A_424 = arith.constant 1 : i32
        %swap3A_425 = arith.index_cast %swap3A_423 : i32 to index
        %swap3A_426 = arith.index_cast %swap3A_424 : i32 to index
        %swap3A_427 = arith.constant 32 : index
        %swap3A_428 = tpu.vector_load %arg7[%swap3A_425, %swap3A_426, %swap3A_427] {strides = array<i32>} : memref<2x8x128xf32, #tpu.memory_space<vmem>>, vector<16xf32>,
        tpu.vector_store %arg7[%swap3A_425, %swap3A_426, %swap3A_427], %gather3A_422 {strides = array<i32>} : memref<2x8x128xf32, #tpu.memory_space<vmem>>, vector<16xf32>,
        %add3A_429 = arith.addi %add3A_421, %broadcast_in_dim3A_90 : vector<16xi32>
        %gather3A_430 = tpu.vector_load_idx %arg5[%add3A_429] : memref<40000xf32, #tpu.memory_space<vmem>>[vector<16xi32>], vector<16xf32>,
        %swap3A_431 = arith.constant 0 : i32
        %swap3A_432 = arith.constant 2 : i32
        %swap3A_433 = arith.index_cast %swap3A_431 : i32 to index
        %swap3A_434 = arith.index_cast %swap3A_432 : i32 to index
        %swap3A_435 = arith.constant 32 : index
        %swap3A_436 = tpu.vector_load %arg7[%swap3A_433, %swap3A_434, %swap3A_435] {strides = array<i32>} : memref<2x8x128xf32, #tpu.memory_space<vmem>>, vector<16xf32>,
        tpu.vector_store %arg7[%swap3A_433, %swap3A_434, %swap3A_435], %gather3A_430 {strides = array<i32>} : memref<2x8x128xf32, #tpu.memory_space<vmem>>, vector<16xf32>,
        %add3A_437 = arith.addi %add3A_429, %broadcast_in_dim3A_90 : vector<16xi32>
        %gather3A_438 = tpu.vector_load_idx %arg5[%add3A_437] : memref<40000xf32, #tpu.memory_space<vmem>>[vector<16xi32>], vector<16xf32>,
        %swap3A_439 = arith.constant 0 : i32
        %swap3A_440 = arith.constant 3 : i32
        %swap3A_441 = arith.index_cast %swap3A_439 : i32 to index
        %swap3A_442 = arith.index_cast %swap3A_440 : i32 to index
        %swap3A_443 = arith.constant 32 : index
        %swap3A_444 = tpu.vector_load %arg7[%swap3A_441, %swap3A_442, %swap3A_443] {strides = array<i32>} : memref<2x8x128xf32, #tpu.memory_space<vmem>>, vector<16xf32>,
        tpu.vector_store %arg7[%swap3A_441, %swap3A_442, %swap3A_443], %gather3A_438 {strides = array<i32>} : memref<2x8x128xf32, #tpu.memory_space<vmem>>, vector<16xf32>,
        %add3A_445 = arith.addi %add3A_437, %broadcast_in_dim3A_90 : vector<16xi32>
        %gather3A_446 = tpu.vector_load_idx %arg5[%add3A_445] : memref<40000xf32, #tpu.memory_space<vmem>>[vector<16xi32>], vector<16xf32>,
        %swap3A_447 = arith.constant 0 : i32
        %swap3A_448 = arith.constant 4 : i32
        %swap3A_449 = arith.index_cast %swap3A_447 : i32 to index
        %swap3A_450 = arith.index_cast %swap3A_448 : i32 to index
        %swap3A_451 = arith.constant 32 : index
        %swap3A_452 = tpu.vector_load %arg7[%swap3A_449, %swap3A_450, %swap3A_451] {strides = array<i32>} : memref<2x8x128xf32, #tpu.memory_space<vmem>>, vector<16xf32>,
        tpu.vector_store %arg7[%swap3A_449, %swap3A_450, %swap3A_451], %gather3A_446 {strides = array<i32>} : memref<2x8x128xf32, #tpu.memory_space<vmem>>, vector<16xf32>,
        %add3A_453 = arith.addi %add3A_445, %broadcast_in_dim3A_90 : vector<16xi32>
        %gather3A_454 = tpu.vector_load_idx %arg5[%add3A_453] : memref<40000xf32, #tpu.memory_space<vmem>>[vector<16xi32>], vector<16xf32>,
        %swap3A_455 = arith.constant 0 : i32
        %swap3A_456 = arith.constant 5 : i32
        %swap3A_457 = arith.index_cast %swap3A_455 : i32 to index
        %swap3A_458 = arith.index_cast %swap3A_456 : i32 to index
        %swap3A_459 = arith.constant 32 : index
        %swap3A_460 = tpu.vector_load %arg7[%swap3A_457, %swap3A_458, %swap3A_459] {strides = array<i32>} : memref<2x8x128xf32, #tpu.memory_space<vmem>>, vector<16xf32>,
        tpu.vector_store %arg7[%swap3A_457, %swap3A_458, %swap3A_459], %gather3A_454 {strides = array<i32>} : memref<2x8x128xf32, #tpu.memory_space<vmem>>, vector<16xf32>,
        %add3A_461 = arith.addi %add3A_453, %broadcast_in_dim3A_90 : vector<16xi32>
        %gather3A_462 = tpu.vector_load_idx %arg5[%add3A_461] : memref<40000xf32, #tpu.memory_space<vmem>>[vector<16xi32>], vector<16xf32>,
        %swap3A_463 = arith.constant 0 : i32
        %swap3A_464 = arith.constant 6 : i32
        %swap3A_465 = arith.index_cast %swap3A_463 : i32 to index
        %swap3A_466 = arith.index_cast %swap3A_464 : i32 to index
        %swap3A_467 = arith.constant 32 : index
        %swap3A_468 = tpu.vector_load %arg7[%swap3A_465, %swap3A_466, %swap3A_467] {strides = array<i32>} : memref<2x8x128xf32, #tpu.memory_space<vmem>>, vector<16xf32>,
        tpu.vector_store %arg7[%swap3A_465, %swap3A_466, %swap3A_467], %gather3A_462 {strides = array<i32>} : memref<2x8x128xf32, #tpu.memory_space<vmem>>, vector<16xf32>,
        %add3A_469 = arith.addi %add3A_461, %broadcast_in_dim3A_90 : vector<16xi32>
        %gather3A_470 = tpu.vector_load_idx %arg5[%add3A_469] : memref<40000xf32, #tpu.memory_space<vmem>>[vector<16xi32>], vector<16xf32>,
        %swap3A_471 = arith.constant 0 : i32
        %swap3A_472 = arith.constant 7 : i32
        %swap3A_473 = arith.index_cast %swap3A_471 : i32 to index
        %swap3A_474 = arith.index_cast %swap3A_472 : i32 to index
        %swap3A_475 = arith.constant 32 : index
        %swap3A_476 = tpu.vector_load %arg7[%swap3A_473, %swap3A_474, %swap3A_475] {strides = array<i32>} : memref<2x8x128xf32, #tpu.memory_space<vmem>>, vector<16xf32>,
        tpu.vector_store %arg7[%swap3A_473, %swap3A_474, %swap3A_475], %gather3A_470 {strides = array<i32>} : memref<2x8x128xf32, #tpu.memory_space<vmem>>, vector<16xf32>,
        %add3A_477 = arith.addi %mul3A_61, %broadcast_in_dim3A_271 : vector<16xi32>
        %gather3A_478 = arith.constant 0 : i32
        %gather3A_479 = arith.constant 0 : i32
        %gather3A_480 = tpu.memref_slice %arg6[%gather3A_478, %gather3A_479] : memref<2x25600xi32, #tpu.memory_space<vmem>> -> memref<1x25600xi32, #tpu.memory_space<vmem>>
        %gather3A_481 = tpu.memref_squeeze %gather3A_480 : memref<1x25600xi32, #tpu.memory_space<vmem>> -> memref<25600xi32, #tpu.memory_space<vmem>>
        %gather3A_482 = tpu.vector_load_idx %gather3A_481[%add3A_477] : memref<25600xi32, #tpu.memory_space<vmem>>[vector<16xi32>], vector<16xi32>,
        %gather3A_483 = tpu.vector_load_idx %arg5[%gather3A_482] : memref<40000xf32, #tpu.memory_space<vmem>>[vector<16xi32>], vector<16xf32>,
        %swap3A_484 = arith.constant 0 : i32
        %swap3A_485 = arith.constant 0 : i32
        %swap3A_486 = arith.index_cast %swap3A_484 : i32 to index
        %swap3A_487 = arith.index_cast %swap3A_485 : i32 to index
        %swap3A_488 = arith.constant 48 : index
        %swap3A_489 = tpu.vector_load %arg7[%swap3A_486, %swap3A_487, %swap3A_488] {strides = array<i32>} : memref<2x8x128xf32, #tpu.memory_space<vmem>>, vector<16xf32>,
        tpu.vector_store %arg7[%swap3A_486, %swap3A_487, %swap3A_488], %gather3A_483 {strides = array<i32>} : memref<2x8x128xf32, #tpu.memory_space<vmem>>, vector<16xf32>,
        %add3A_490 = arith.addi %gather3A_482, %broadcast_in_dim3A_90 : vector<16xi32>
        %gather3A_491 = tpu.vector_load_idx %arg5[%add3A_490] : memref<40000xf32, #tpu.memory_space<vmem>>[vector<16xi32>], vector<16xf32>,
        %swap3A_492 = arith.constant 0 : i32
        %swap3A_493 = arith.constant 1 : i32
        %swap3A_494 = arith.index_cast %swap3A_492 : i32 to index
        %swap3A_495 = arith.index_cast %swap3A_493 : i32 to index
        %swap3A_496 = arith.constant 48 : index
        %swap3A_497 = tpu.vector_load %arg7[%swap3A_494, %swap3A_495, %swap3A_496] {strides = array<i32>} : memref<2x8x128xf32, #tpu.memory_space<vmem>>, vector<16xf32>,
        tpu.vector_store %arg7[%swap3A_494, %swap3A_495, %swap3A_496], %gather3A_491 {strides = array<i32>} : memref<2x8x128xf32, #tpu.memory_space<vmem>>, vector<16xf32>,
        %add3A_498 = arith.addi %add3A_490, %broadcast_in_dim3A_90 : vector<16xi32>
        %gather3A_499 = tpu.vector_load_idx %arg5[%add3A_498] : memref<40000xf32, #tpu.memory_space<vmem>>[vector<16xi32>], vector<16xf32>,
        %swap3A_500 = arith.constant 0 : i32
        %swap3A_501 = arith.constant 2 : i32
        %swap3A_502 = arith.index_cast %swap3A_500 : i32 to index
        %swap3A_503 = arith.index_cast %swap3A_501 : i32 to index
        %swap3A_504 = arith.constant 48 : index
        %swap3A_505 = tpu.vector_load %arg7[%swap3A_502, %swap3A_503, %swap3A_504] {strides = array<i32>} : memref<2x8x128xf32, #tpu.memory_space<vmem>>, vector<16xf32>,
        tpu.vector_store %arg7[%swap3A_502, %swap3A_503, %swap3A_504], %gather3A_499 {strides = array<i32>} : memref<2x8x128xf32, #tpu.memory_space<vmem>>, vector<16xf32>,
        %add3A_506 = arith.addi %add3A_498, %broadcast_in_dim3A_90 : vector<16xi32>
        %gather3A_507 = tpu.vector_load_idx %arg5[%add3A_506] : memref<40000xf32, #tpu.memory_space<vmem>>[vector<16xi32>], vector<16xf32>,
        %swap3A_508 = arith.constant 0 : i32
        %swap3A_509 = arith.constant 3 : i32
        %swap3A_510 = arith.index_cast %swap3A_508 : i32 to index
        %swap3A_511 = arith.index_cast %swap3A_509 : i32 to index
        %swap3A_512 = arith.constant 48 : index
        %swap3A_513 = tpu.vector_load %arg7[%swap3A_510, %swap3A_511, %swap3A_512] {strides = array<i32>} : memref<2x8x128xf32, #tpu.memory_space<vmem>>, vector<16xf32>,
        tpu.vector_store %arg7[%swap3A_510, %swap3A_511, %swap3A_512], %gather3A_507 {strides = array<i32>} : memref<2x8x128xf32, #tpu.memory_space<vmem>>, vector<16xf32>,
        %add3A_514 = arith.addi %add3A_506, %broadcast_in_dim3A_90 : vector<16xi32>
        %gather3A_515 = tpu.vector_load_idx %arg5[%add3A_514] : memref<40000xf32, #tpu.memory_space<vmem>>[vector<16xi32>], vector<16xf32>,
        %swap3A_516 = arith.constant 0 : i32
        %swap3A_517 = arith.constant 4 : i32
        %swap3A_518 = arith.index_cast %swap3A_516 : i32 to index
        %swap3A_519 = arith.index_cast %swap3A_517 : i32 to index
        %swap3A_520 = arith.constant 48 : index
        %swap3A_521 = tpu.vector_load %arg7[%swap3A_518, %swap3A_519, %swap3A_520] {strides = array<i32>} : memref<2x8x128xf32, #tpu.memory_space<vmem>>, vector<16xf32>,
        tpu.vector_store %arg7[%swap3A_518, %swap3A_519, %swap3A_520], %gather3A_515 {strides = array<i32>} : memref<2x8x128xf32, #tpu.memory_space<vmem>>, vector<16xf32>,
        %add3A_522 = arith.addi %add3A_514, %broadcast_in_dim3A_90 : vector<16xi32>
        %gather3A_523 = tpu.vector_load_idx %arg5[%add3A_522] : memref<40000xf32, #tpu.memory_space<vmem>>[vector<16xi32>], vector<16xf32>,
        %swap3A_524 = arith.constant 0 : i32
        %swap3A_525 = arith.constant 5 : i32
        %swap3A_526 = arith.index_cast %swap3A_524 : i32 to index
        %swap3A_527 = arith.index_cast %swap3A_525 : i32 to index
        %swap3A_528 = arith.constant 48 : index
        %swap3A_529 = tpu.vector_load %arg7[%swap3A_526, %swap3A_527, %swap3A_528] {strides = array<i32>} : memref<2x8x128xf32, #tpu.memory_space<vmem>>, vector<16xf32>,
        tpu.vector_store %arg7[%swap3A_526, %swap3A_527, %swap3A_528], %gather3A_523 {strides = array<i32>} : memref<2x8x128xf32, #tpu.memory_space<vmem>>, vector<16xf32>,
        %add3A_530 = arith.addi %add3A_522, %broadcast_in_dim3A_90 : vector<16xi32>
        %gather3A_531 = tpu.vector_load_idx %arg5[%add3A_530] : memref<40000xf32, #tpu.memory_space<vmem>>[vector<16xi32>], vector<16xf32>,
        %swap3A_532 = arith.constant 0 : i32
        %swap3A_533 = arith.constant 6 : i32
        %swap3A_534 = arith.index_cast %swap3A_532 : i32 to index
        %swap3A_535 = arith.index_cast %swap3A_533 : i32 to index
        %swap3A_536 = arith.constant 48 : index
        %swap3A_537 = tpu.vector_load %arg7[%swap3A_534, %swap3A_535, %swap3A_536] {strides = array<i32>} : memref<2x8x128xf32, #tpu.memory_space<vmem>>, vector<16xf32>,
        tpu.vector_store %arg7[%swap3A_534, %swap3A_535, %swap3A_536], %gather3A_531 {strides = array<i32>} : memref<2x8x128xf32, #tpu.memory_space<vmem>>, vector<16xf32>,
        %add3A_538 = arith.addi %add3A_530, %broadcast_in_dim3A_90 : vector<16xi32>
        %gather3A_539 = tpu.vector_load_idx %arg5[%add3A_538] : memref<40000xf32, #tpu.memory_space<vmem>>[vector<16xi32>], vector<16xf32>,
        %swap3A_540 = arith.constant 0 : i32
        %swap3A_541 = arith.constant 7 : i32
        %swap3A_542 = arith.index_cast %swap3A_540 : i32 to index
        %swap3A_543 = arith.index_cast %swap3A_541 : i32 to index
        %swap3A_544 = arith.constant 48 : index
        %swap3A_545 = tpu.vector_load %arg7[%swap3A_542, %swap3A_543, %swap3A_544] {strides = array<i32>} : memref<2x8x128xf32, #tpu.memory_space<vmem>>, vector<16xf32>,
        tpu.vector_store %arg7[%swap3A_542, %swap3A_543, %swap3A_544], %gather3A_539 {strides = array<i32>} : memref<2x8x128xf32, #tpu.memory_space<vmem>>, vector<16xf32>,
        %add3A_546 = arith.addi %mul3A_68, %broadcast_in_dim3A_271 : vector<16xi32>
        %gather3A_547 = arith.constant 0 : i32
        %gather3A_548 = arith.constant 0 : i32
        %gather3A_549 = tpu.memref_slice %arg6[%gather3A_547, %gather3A_548] : memref<2x25600xi32, #tpu.memory_space<vmem>> -> memref<1x25600xi32, #tpu.memory_space<vmem>>
        %gather3A_550 = tpu.memref_squeeze %gather3A_549 : memref<1x25600xi32, #tpu.memory_space<vmem>> -> memref<25600xi32, #tpu.memory_space<vmem>>
        %gather3A_551 = tpu.vector_load_idx %gather3A_550[%add3A_546] : memref<25600xi32, #tpu.memory_space<vmem>>[vector<16xi32>], vector<16xi32>,
        %gather3A_552 = tpu.vector_load_idx %arg5[%gather3A_551] : memref<40000xf32, #tpu.memory_space<vmem>>[vector<16xi32>], vector<16xf32>,
        %swap3A_553 = arith.constant 0 : i32
        %swap3A_554 = arith.constant 0 : i32
        %swap3A_555 = arith.index_cast %swap3A_553 : i32 to index
        %swap3A_556 = arith.index_cast %swap3A_554 : i32 to index
        %swap3A_557 = arith.constant 64 : index
        %swap3A_558 = tpu.vector_load %arg7[%swap3A_555, %swap3A_556, %swap3A_557] {strides = array<i32>} : memref<2x8x128xf32, #tpu.memory_space<vmem>>, vector<16xf32>,
        tpu.vector_store %arg7[%swap3A_555, %swap3A_556, %swap3A_557], %gather3A_552 {strides = array<i32>} : memref<2x8x128xf32, #tpu.memory_space<vmem>>, vector<16xf32>,
        %add3A_559 = arith.addi %gather3A_551, %broadcast_in_dim3A_90 : vector<16xi32>
        %gather3A_560 = tpu.vector_load_idx %arg5[%add3A_559] : memref<40000xf32, #tpu.memory_space<vmem>>[vector<16xi32>], vector<16xf32>,
        %swap3A_561 = arith.constant 0 : i32
        %swap3A_562 = arith.constant 1 : i32
        %swap3A_563 = arith.index_cast %swap3A_561 : i32 to index
        %swap3A_564 = arith.index_cast %swap3A_562 : i32 to index
        %swap3A_565 = arith.constant 64 : index
        %swap3A_566 = tpu.vector_load %arg7[%swap3A_563, %swap3A_564, %swap3A_565] {strides = array<i32>} : memref<2x8x128xf32, #tpu.memory_space<vmem>>, vector<16xf32>,
        tpu.vector_store %arg7[%swap3A_563, %swap3A_564, %swap3A_565], %gather3A_560 {strides = array<i32>} : memref<2x8x128xf32, #tpu.memory_space<vmem>>, vector<16xf32>,
        %add3A_567 = arith.addi %add3A_559, %broadcast_in_dim3A_90 : vector<16xi32>
        %gather3A_568 = tpu.vector_load_idx %arg5[%add3A_567] : memref<40000xf32, #tpu.memory_space<vmem>>[vector<16xi32>], vector<16xf32>,
        %swap3A_569 = arith.constant 0 : i32
        %swap3A_570 = arith.constant 2 : i32
        %swap3A_571 = arith.index_cast %swap3A_569 : i32 to index
        %swap3A_572 = arith.index_cast %swap3A_570 : i32 to index
        %swap3A_573 = arith.constant 64 : index
        %swap3A_574 = tpu.vector_load %arg7[%swap3A_571, %swap3A_572, %swap3A_573] {strides = array<i32>} : memref<2x8x128xf32, #tpu.memory_space<vmem>>, vector<16xf32>,
        tpu.vector_store %arg7[%swap3A_571, %swap3A_572, %swap3A_573], %gather3A_568 {strides = array<i32>} : memref<2x8x128xf32, #tpu.memory_space<vmem>>, vector<16xf32>,
        %add3A_575 = arith.addi %add3A_567, %broadcast_in_dim3A_90 : vector<16xi32>
        %gather3A_576 = tpu.vector_load_idx %arg5[%add3A_575] : memref<40000xf32, #tpu.memory_space<vmem>>[vector<16xi32>], vector<16xf32>,
        %swap3A_577 = arith.constant 0 : i32
        %swap3A_578 = arith.constant 3 : i32
        %swap3A_579 = arith.index_cast %swap3A_577 : i32 to index
        %swap3A_580 = arith.index_cast %swap3A_578 : i32 to index
        %swap3A_581 = arith.constant 64 : index
        %swap3A_582 = tpu.vector_load %arg7[%swap3A_579, %swap3A_580, %swap3A_581] {strides = array<i32>} : memref<2x8x128xf32, #tpu.memory_space<vmem>>, vector<16xf32>,
        tpu.vector_store %arg7[%swap3A_579, %swap3A_580, %swap3A_581], %gather3A_576 {strides = array<i32>} : memref<2x8x128xf32, #tpu.memory_space<vmem>>, vector<16xf32>,
        %add3A_583 = arith.addi %add3A_575, %broadcast_in_dim3A_90 : vector<16xi32>
        %gather3A_584 = tpu.vector_load_idx %arg5[%add3A_583] : memref<40000xf32, #tpu.memory_space<vmem>>[vector<16xi32>], vector<16xf32>,
        %swap3A_585 = arith.constant 0 : i32
        %swap3A_586 = arith.constant 4 : i32
        %swap3A_587 = arith.index_cast %swap3A_585 : i32 to index
        %swap3A_588 = arith.index_cast %swap3A_586 : i32 to index
        %swap3A_589 = arith.constant 64 : index
        %swap3A_590 = tpu.vector_load %arg7[%swap3A_587, %swap3A_588, %swap3A_589] {strides = array<i32>} : memref<2x8x128xf32, #tpu.memory_space<vmem>>, vector<16xf32>,
        tpu.vector_store %arg7[%swap3A_587, %swap3A_588, %swap3A_589], %gather3A_584 {strides = array<i32>} : memref<2x8x128xf32, #tpu.memory_space<vmem>>, vector<16xf32>,
        %add3A_591 = arith.addi %add3A_583, %broadcast_in_dim3A_90 : vector<16xi32>
        %gather3A_592 = tpu.vector_load_idx %arg5[%add3A_591] : memref<40000xf32, #tpu.memory_space<vmem>>[vector<16xi32>], vector<16xf32>,
        %swap3A_593 = arith.constant 0 : i32
        %swap3A_594 = arith.constant 5 : i32
        %swap3A_595 = arith.index_cast %swap3A_593 : i32 to index
        %swap3A_596 = arith.index_cast %swap3A_594 : i32 to index
        %swap3A_597 = arith.constant 64 : index
        %swap3A_598 = tpu.vector_load %arg7[%swap3A_595, %swap3A_596, %swap3A_597] {strides = array<i32>} : memref<2x8x128xf32, #tpu.memory_space<vmem>>, vector<16xf32>,
        tpu.vector_store %arg7[%swap3A_595, %swap3A_596, %swap3A_597], %gather3A_592 {strides = array<i32>} : memref<2x8x128xf32, #tpu.memory_space<vmem>>, vector<16xf32>,
        %add3A_599 = arith.addi %add3A_591, %broadcast_in_dim3A_90 : vector<16xi32>
        %gather3A_600 = tpu.vector_load_idx %arg5[%add3A_599] : memref<40000xf32, #tpu.memory_space<vmem>>[vector<16xi32>], vector<16xf32>,
        %swap3A_601 = arith.constant 0 : i32
        %swap3A_602 = arith.constant 6 : i32
        %swap3A_603 = arith.index_cast %swap3A_601 : i32 to index
        %swap3A_604 = arith.index_cast %swap3A_602 : i32 to index
        %swap3A_605 = arith.constant 64 : index
        %swap3A_606 = tpu.vector_load %arg7[%swap3A_603, %swap3A_604, %swap3A_605] {strides = array<i32>} : memref<2x8x128xf32, #tpu.memory_space<vmem>>, vector<16xf32>,
        tpu.vector_store %arg7[%swap3A_603, %swap3A_604, %swap3A_605], %gather3A_600 {strides = array<i32>} : memref<2x8x128xf32, #tpu.memory_space<vmem>>, vector<16xf32>,
        %add3A_607 = arith.addi %add3A_599, %broadcast_in_dim3A_90 : vector<16xi32>
        %gather3A_608 = tpu.vector_load_idx %arg5[%add3A_607] : memref<40000xf32, #tpu.memory_space<vmem>>[vector<16xi32>], vector<16xf32>,
        %swap3A_609 = arith.constant 0 : i32
        %swap3A_610 = arith.constant 7 : i32
        %swap3A_611 = arith.index_cast %swap3A_609 : i32 to index
        %swap3A_612 = arith.index_cast %swap3A_610 : i32 to index
        %swap3A_613 = arith.constant 64 : index
        %swap3A_614 = tpu.vector_load %arg7[%swap3A_611, %swap3A_612, %swap3A_613] {strides = array<i32>} : memref<2x8x128xf32, #tpu.memory_space<vmem>>, vector<16xf32>,
        tpu.vector_store %arg7[%swap3A_611, %swap3A_612, %swap3A_613], %gather3A_608 {strides = array<i32>} : memref<2x8x128xf32, #tpu.memory_space<vmem>>, vector<16xf32>,
        %add3A_615 = arith.addi %mul3A_75, %broadcast_in_dim3A_271 : vector<16xi32>
        %gather3A_616 = arith.constant 0 : i32
        %gather3A_617 = arith.constant 0 : i32
        %gather3A_618 = tpu.memref_slice %arg6[%gather3A_616, %gather3A_617] : memref<2x25600xi32, #tpu.memory_space<vmem>> -> memref<1x25600xi32, #tpu.memory_space<vmem>>
        %gather3A_619 = tpu.memref_squeeze %gather3A_618 : memref<1x25600xi32, #tpu.memory_space<vmem>> -> memref<25600xi32, #tpu.memory_space<vmem>>
        %gather3A_620 = tpu.vector_load_idx %gather3A_619[%add3A_615] : memref<25600xi32, #tpu.memory_space<vmem>>[vector<16xi32>], vector<16xi32>,
        %gather3A_621 = tpu.vector_load_idx %arg5[%gather3A_620] : memref<40000xf32, #tpu.memory_space<vmem>>[vector<16xi32>], vector<16xf32>,
        %swap3A_622 = arith.constant 0 : i32
        %swap3A_623 = arith.constant 0 : i32
        %swap3A_624 = arith.index_cast %swap3A_622 : i32 to index
        %swap3A_625 = arith.index_cast %swap3A_623 : i32 to index
        %swap3A_626 = arith.constant 80 : index
        %swap3A_627 = tpu.vector_load %arg7[%swap3A_624, %swap3A_625, %swap3A_626] {strides = array<i32>} : memref<2x8x128xf32, #tpu.memory_space<vmem>>, vector<16xf32>,
        tpu.vector_store %arg7[%swap3A_624, %swap3A_625, %swap3A_626], %gather3A_621 {strides = array<i32>} : memref<2x8x128xf32, #tpu.memory_space<vmem>>, vector<16xf32>,
        %add3A_628 = arith.addi %gather3A_620, %broadcast_in_dim3A_90 : vector<16xi32>
        %gather3A_629 = tpu.vector_load_idx %arg5[%add3A_628] : memref<40000xf32, #tpu.memory_space<vmem>>[vector<16xi32>], vector<16xf32>,
        %swap3A_630 = arith.constant 0 : i32
        %swap3A_631 = arith.constant 1 : i32
        %swap3A_632 = arith.index_cast %swap3A_630 : i32 to index
        %swap3A_633 = arith.index_cast %swap3A_631 : i32 to index
        %swap3A_634 = arith.constant 80 : index
        %swap3A_635 = tpu.vector_load %arg7[%swap3A_632, %swap3A_633, %swap3A_634] {strides = array<i32>} : memref<2x8x128xf32, #tpu.memory_space<vmem>>, vector<16xf32>,
        tpu.vector_store %arg7[%swap3A_632, %swap3A_633, %swap3A_634], %gather3A_629 {strides = array<i32>} : memref<2x8x128xf32, #tpu.memory_space<vmem>>, vector<16xf32>,
        %add3A_636 = arith.addi %add3A_628, %broadcast_in_dim3A_90 : vector<16xi32>
        %gather3A_637 = tpu.vector_load_idx %arg5[%add3A_636] : memref<40000xf32, #tpu.memory_space<vmem>>[vector<16xi32>], vector<16xf32>,
        %swap3A_638 = arith.constant 0 : i32
        %swap3A_639 = arith.constant 2 : i32
        %swap3A_640 = arith.index_cast %swap3A_638 : i32 to index
        %swap3A_641 = arith.index_cast %swap3A_639 : i32 to index
        %swap3A_642 = arith.constant 80 : index
        %swap3A_643 = tpu.vector_load %arg7[%swap3A_640, %swap3A_641, %swap3A_642] {strides = array<i32>} : memref<2x8x128xf32, #tpu.memory_space<vmem>>, vector<16xf32>,
        tpu.vector_store %arg7[%swap3A_640, %swap3A_641, %swap3A_642], %gather3A_637 {strides = array<i32>} : memref<2x8x128xf32, #tpu.memory_space<vmem>>, vector<16xf32>,
        %add3A_644 = arith.addi %add3A_636, %broadcast_in_dim3A_90 : vector<16xi32>
        %gather3A_645 = tpu.vector_load_idx %arg5[%add3A_644] : memref<40000xf32, #tpu.memory_space<vmem>>[vector<16xi32>], vector<16xf32>,
        %swap3A_646 = arith.constant 0 : i32
        %swap3A_647 = arith.constant 3 : i32
        %swap3A_648 = arith.index_cast %swap3A_646 : i32 to index
        %swap3A_649 = arith.index_cast %swap3A_647 : i32 to index
        %swap3A_650 = arith.constant 80 : index
        %swap3A_651 = tpu.vector_load %arg7[%swap3A_648, %swap3A_649, %swap3A_650] {strides = array<i32>} : memref<2x8x128xf32, #tpu.memory_space<vmem>>, vector<16xf32>,
        tpu.vector_store %arg7[%swap3A_648, %swap3A_649, %swap3A_650], %gather3A_645 {strides = array<i32>} : memref<2x8x128xf32, #tpu.memory_space<vmem>>, vector<16xf32>,
        %add3A_652 = arith.addi %add3A_644, %broadcast_in_dim3A_90 : vector<16xi32>
        %gather3A_653 = tpu.vector_load_idx %arg5[%add3A_652] : memref<40000xf32, #tpu.memory_space<vmem>>[vector<16xi32>], vector<16xf32>,
        %swap3A_654 = arith.constant 0 : i32
        %swap3A_655 = arith.constant 4 : i32
        %swap3A_656 = arith.index_cast %swap3A_654 : i32 to index
        %swap3A_657 = arith.index_cast %swap3A_655 : i32 to index
        %swap3A_658 = arith.constant 80 : index
        %swap3A_659 = tpu.vector_load %arg7[%swap3A_656, %swap3A_657, %swap3A_658] {strides = array<i32>} : memref<2x8x128xf32, #tpu.memory_space<vmem>>, vector<16xf32>,
        tpu.vector_store %arg7[%swap3A_656, %swap3A_657, %swap3A_658], %gather3A_653 {strides = array<i32>} : memref<2x8x128xf32, #tpu.memory_space<vmem>>, vector<16xf32>,
        %add3A_660 = arith.addi %add3A_652, %broadcast_in_dim3A_90 : vector<16xi32>
        %gather3A_661 = tpu.vector_load_idx %arg5[%add3A_660] : memref<40000xf32, #tpu.memory_space<vmem>>[vector<16xi32>], vector<16xf32>,
        %swap3A_662 = arith.constant 0 : i32
        %swap3A_663 = arith.constant 5 : i32
        %swap3A_664 = arith.index_cast %swap3A_662 : i32 to index
        %swap3A_665 = arith.index_cast %swap3A_663 : i32 to index
        %swap3A_666 = arith.constant 80 : index
        %swap3A_667 = tpu.vector_load %arg7[%swap3A_664, %swap3A_665, %swap3A_666] {strides = array<i32>} : memref<2x8x128xf32, #tpu.memory_space<vmem>>, vector<16xf32>,
        tpu.vector_store %arg7[%swap3A_664, %swap3A_665, %swap3A_666], %gather3A_661 {strides = array<i32>} : memref<2x8x128xf32, #tpu.memory_space<vmem>>, vector<16xf32>,
        %add3A_668 = arith.addi %add3A_660, %broadcast_in_dim3A_90 : vector<16xi32>
        %gather3A_669 = tpu.vector_load_idx %arg5[%add3A_668] : memref<40000xf32, #tpu.memory_space<vmem>>[vector<16xi32>], vector<16xf32>,
        %swap3A_670 = arith.constant 0 : i32
        %swap3A_671 = arith.constant 6 : i32
        %swap3A_672 = arith.index_cast %swap3A_670 : i32 to index
        %swap3A_673 = arith.index_cast %swap3A_671 : i32 to index
        %swap3A_674 = arith.constant 80 : index
        %swap3A_675 = tpu.vector_load %arg7[%swap3A_672, %swap3A_673, %swap3A_674] {strides = array<i32>} : memref<2x8x128xf32, #tpu.memory_space<vmem>>, vector<16xf32>,
        tpu.vector_store %arg7[%swap3A_672, %swap3A_673, %swap3A_674], %gather3A_669 {strides = array<i32>} : memref<2x8x128xf32, #tpu.memory_space<vmem>>, vector<16xf32>,
        %add3A_676 = arith.addi %add3A_668, %broadcast_in_dim3A_90 : vector<16xi32>
        %gather3A_677 = tpu.vector_load_idx %arg5[%add3A_676] : memref<40000xf32, #tpu.memory_space<vmem>>[vector<16xi32>], vector<16xf32>,
        %swap3A_678 = arith.constant 0 : i32
        %swap3A_679 = arith.constant 7 : i32
        %swap3A_680 = arith.index_cast %swap3A_678 : i32 to index
        %swap3A_681 = arith.index_cast %swap3A_679 : i32 to index
        %swap3A_682 = arith.constant 80 : index
        %swap3A_683 = tpu.vector_load %arg7[%swap3A_680, %swap3A_681, %swap3A_682] {strides = array<i32>} : memref<2x8x128xf32, #tpu.memory_space<vmem>>, vector<16xf32>,
        tpu.vector_store %arg7[%swap3A_680, %swap3A_681, %swap3A_682], %gather3A_677 {strides = array<i32>} : memref<2x8x128xf32, #tpu.memory_space<vmem>>, vector<16xf32>,
        %add3A_684 = arith.addi %mul3A_82, %broadcast_in_dim3A_271 : vector<16xi32>
        %gather3A_685 = arith.constant 0 : i32
        %gather3A_686 = arith.constant 0 : i32
        %gather3A_687 = tpu.memref_slice %arg6[%gather3A_685, %gather3A_686] : memref<2x25600xi32, #tpu.memory_space<vmem>> -> memref<1x25600xi32, #tpu.memory_space<vmem>>
        %gather3A_688 = tpu.memref_squeeze %gather3A_687 : memref<1x25600xi32, #tpu.memory_space<vmem>> -> memref<25600xi32, #tpu.memory_space<vmem>>
        %gather3A_689 = tpu.vector_load_idx %gather3A_688[%add3A_684] : memref<25600xi32, #tpu.memory_space<vmem>>[vector<16xi32>], vector<16xi32>,
        %gather3A_690 = tpu.vector_load_idx %arg5[%gather3A_689] : memref<40000xf32, #tpu.memory_space<vmem>>[vector<16xi32>], vector<16xf32>,
        %swap3A_691 = arith.constant 0 : i32
        %swap3A_692 = arith.constant 0 : i32
        %swap3A_693 = arith.index_cast %swap3A_691 : i32 to index
        %swap3A_694 = arith.index_cast %swap3A_692 : i32 to index
        %swap3A_695 = arith.constant 96 : index
        %swap3A_696 = tpu.vector_load %arg7[%swap3A_693, %swap3A_694, %swap3A_695] {strides = array<i32>} : memref<2x8x128xf32, #tpu.memory_space<vmem>>, vector<16xf32>,
        tpu.vector_store %arg7[%swap3A_693, %swap3A_694, %swap3A_695], %gather3A_690 {strides = array<i32>} : memref<2x8x128xf32, #tpu.memory_space<vmem>>, vector<16xf32>,
        %add3A_697 = arith.addi %gather3A_689, %broadcast_in_dim3A_90 : vector<16xi32>
        %gather3A_698 = tpu.vector_load_idx %arg5[%add3A_697] : memref<40000xf32, #tpu.memory_space<vmem>>[vector<16xi32>], vector<16xf32>,
        %swap3A_699 = arith.constant 0 : i32
        %swap3A_700 = arith.constant 1 : i32
        %swap3A_701 = arith.index_cast %swap3A_699 : i32 to index
        %swap3A_702 = arith.index_cast %swap3A_700 : i32 to index
        %swap3A_703 = arith.constant 96 : index
        %swap3A_704 = tpu.vector_load %arg7[%swap3A_701, %swap3A_702, %swap3A_703] {strides = array<i32>} : memref<2x8x128xf32, #tpu.memory_space<vmem>>, vector<16xf32>,
        tpu.vector_store %arg7[%swap3A_701, %swap3A_702, %swap3A_703], %gather3A_698 {strides = array<i32>} : memref<2x8x128xf32, #tpu.memory_space<vmem>>, vector<16xf32>,
        %add3A_705 = arith.addi %add3A_697, %broadcast_in_dim3A_90 : vector<16xi32>
        %gather3A_706 = tpu.vector_load_idx %arg5[%add3A_705] : memref<40000xf32, #tpu.memory_space<vmem>>[vector<16xi32>], vector<16xf32>,
        %swap3A_707 = arith.constant 0 : i32
        %swap3A_708 = arith.constant 2 : i32
        %swap3A_709 = arith.index_cast %swap3A_707 : i32 to index
        %swap3A_710 = arith.index_cast %swap3A_708 : i32 to index
        %swap3A_711 = arith.constant 96 : index
        %swap3A_712 = tpu.vector_load %arg7[%swap3A_709, %swap3A_710, %swap3A_711] {strides = array<i32>} : memref<2x8x128xf32, #tpu.memory_space<vmem>>, vector<16xf32>,
        tpu.vector_store %arg7[%swap3A_709, %swap3A_710, %swap3A_711], %gather3A_706 {strides = array<i32>} : memref<2x8x128xf32, #tpu.memory_space<vmem>>, vector<16xf32>,
        %add3A_713 = arith.addi %add3A_705, %broadcast_in_dim3A_90 : vector<16xi32>
        %gather3A_714 = tpu.vector_load_idx %arg5[%add3A_713] : memref<40000xf32, #tpu.memory_space<vmem>>[vector<16xi32>], vector<16xf32>,
        %swap3A_715 = arith.constant 0 : i32
        %swap3A_716 = arith.constant 3 : i32
        %swap3A_717 = arith.index_cast %swap3A_715 : i32 to index
        %swap3A_718 = arith.index_cast %swap3A_716 : i32 to index
        %swap3A_719 = arith.constant 96 : index
        %swap3A_720 = tpu.vector_load %arg7[%swap3A_717, %swap3A_718, %swap3A_719] {strides = array<i32>} : memref<2x8x128xf32, #tpu.memory_space<vmem>>, vector<16xf32>,
        tpu.vector_store %arg7[%swap3A_717, %swap3A_718, %swap3A_719], %gather3A_714 {strides = array<i32>} : memref<2x8x128xf32, #tpu.memory_space<vmem>>, vector<16xf32>,
        %add3A_721 = arith.addi %add3A_713, %broadcast_in_dim3A_90 : vector<16xi32>
        %gather3A_722 = tpu.vector_load_idx %arg5[%add3A_721] : memref<40000xf32, #tpu.memory_space<vmem>>[vector<16xi32>], vector<16xf32>,
        %swap3A_723 = arith.constant 0 : i32
        %swap3A_724 = arith.constant 4 : i32
        %swap3A_725 = arith.index_cast %swap3A_723 : i32 to index
        %swap3A_726 = arith.index_cast %swap3A_724 : i32 to index
        %swap3A_727 = arith.constant 96 : index
        %swap3A_728 = tpu.vector_load %arg7[%swap3A_725, %swap3A_726, %swap3A_727] {strides = array<i32>} : memref<2x8x128xf32, #tpu.memory_space<vmem>>, vector<16xf32>,
        tpu.vector_store %arg7[%swap3A_725, %swap3A_726, %swap3A_727], %gather3A_722 {strides = array<i32>} : memref<2x8x128xf32, #tpu.memory_space<vmem>>, vector<16xf32>,
        %add3A_729 = arith.addi %add3A_721, %broadcast_in_dim3A_90 : vector<16xi32>
        %gather3A_730 = tpu.vector_load_idx %arg5[%add3A_729] : memref<40000xf32, #tpu.memory_space<vmem>>[vector<16xi32>], vector<16xf32>,
        %swap3A_731 = arith.constant 0 : i32
        %swap3A_732 = arith.constant 5 : i32
        %swap3A_733 = arith.index_cast %swap3A_731 : i32 to index
        %swap3A_734 = arith.index_cast %swap3A_732 : i32 to index
        %swap3A_735 = arith.constant 96 : index
        %swap3A_736 = tpu.vector_load %arg7[%swap3A_733, %swap3A_734, %swap3A_735] {strides = array<i32>} : memref<2x8x128xf32, #tpu.memory_space<vmem>>, vector<16xf32>,
        tpu.vector_store %arg7[%swap3A_733, %swap3A_734, %swap3A_735], %gather3A_730 {strides = array<i32>} : memref<2x8x128xf32, #tpu.memory_space<vmem>>, vector<16xf32>,
        %add3A_737 = arith.addi %add3A_729, %broadcast_in_dim3A_90 : vector<16xi32>
        %gather3A_738 = tpu.vector_load_idx %arg5[%add3A_737] : memref<40000xf32, #tpu.memory_space<vmem>>[vector<16xi32>], vector<16xf32>,
        %swap3A_739 = arith.constant 0 : i32
        %swap3A_740 = arith.constant 6 : i32
        %swap3A_741 = arith.index_cast %swap3A_739 : i32 to index
        %swap3A_742 = arith.index_cast %swap3A_740 : i32 to index
        %swap3A_743 = arith.constant 96 : index
        %swap3A_744 = tpu.vector_load %arg7[%swap3A_741, %swap3A_742, %swap3A_743] {strides = array<i32>} : memref<2x8x128xf32, #tpu.memory_space<vmem>>, vector<16xf32>,
        tpu.vector_store %arg7[%swap3A_741, %swap3A_742, %swap3A_743], %gather3A_738 {strides = array<i32>} : memref<2x8x128xf32, #tpu.memory_space<vmem>>, vector<16xf32>,
        %add3A_745 = arith.addi %add3A_737, %broadcast_in_dim3A_90 : vector<16xi32>
        %gather3A_746 = tpu.vector_load_idx %arg5[%add3A_745] : memref<40000xf32, #tpu.memory_space<vmem>>[vector<16xi32>], vector<16xf32>,
        %swap3A_747 = arith.constant 0 : i32
        %swap3A_748 = arith.constant 7 : i32
        %swap3A_749 = arith.index_cast %swap3A_747 : i32 to index
        %swap3A_750 = arith.index_cast %swap3A_748 : i32 to index
        %swap3A_751 = arith.constant 96 : index
        %swap3A_752 = tpu.vector_load %arg7[%swap3A_749, %swap3A_750, %swap3A_751] {strides = array<i32>} : memref<2x8x128xf32, #tpu.memory_space<vmem>>, vector<16xf32>,
        tpu.vector_store %arg7[%swap3A_749, %swap3A_750, %swap3A_751], %gather3A_746 {strides = array<i32>} : memref<2x8x128xf32, #tpu.memory_space<vmem>>, vector<16xf32>,
        %add3A_753 = arith.addi %mul3A_89, %broadcast_in_dim3A_271 : vector<16xi32>
        %gather3A_754 = arith.constant 0 : i32
        %gather3A_755 = arith.constant 0 : i32
        %gather3A_756 = tpu.memref_slice %arg6[%gather3A_754, %gather3A_755] : memref<2x25600xi32, #tpu.memory_space<vmem>> -> memref<1x25600xi32, #tpu.memory_space<vmem>>
        %gather3A_757 = tpu.memref_squeeze %gather3A_756 : memref<1x25600xi32, #tpu.memory_space<vmem>> -> memref<25600xi32, #tpu.memory_space<vmem>>
        %gather3A_758 = tpu.vector_load_idx %gather3A_757[%add3A_753] : memref<25600xi32, #tpu.memory_space<vmem>>[vector<16xi32>], vector<16xi32>,
        %gather3A_759 = tpu.vector_load_idx %arg5[%gather3A_758] : memref<40000xf32, #tpu.memory_space<vmem>>[vector<16xi32>], vector<16xf32>,
        %swap3A_760 = arith.constant 0 : i32
        %swap3A_761 = arith.constant 0 : i32
        %swap3A_762 = arith.index_cast %swap3A_760 : i32 to index
        %swap3A_763 = arith.index_cast %swap3A_761 : i32 to index
        %swap3A_764 = arith.constant 112 : index
        %swap3A_765 = tpu.vector_load %arg7[%swap3A_762, %swap3A_763, %swap3A_764] {strides = array<i32>} : memref<2x8x128xf32, #tpu.memory_space<vmem>>, vector<16xf32>,
        tpu.vector_store %arg7[%swap3A_762, %swap3A_763, %swap3A_764], %gather3A_759 {strides = array<i32>} : memref<2x8x128xf32, #tpu.memory_space<vmem>>, vector<16xf32>,
        %add3A_766 = arith.addi %gather3A_758, %broadcast_in_dim3A_90 : vector<16xi32>
        %gather3A_767 = tpu.vector_load_idx %arg5[%add3A_766] : memref<40000xf32, #tpu.memory_space<vmem>>[vector<16xi32>], vector<16xf32>,
        %swap3A_768 = arith.constant 0 : i32
        %swap3A_769 = arith.constant 1 : i32
        %swap3A_770 = arith.index_cast %swap3A_768 : i32 to index
        %swap3A_771 = arith.index_cast %swap3A_769 : i32 to index
        %swap3A_772 = arith.constant 112 : index
        %swap3A_773 = tpu.vector_load %arg7[%swap3A_770, %swap3A_771, %swap3A_772] {strides = array<i32>} : memref<2x8x128xf32, #tpu.memory_space<vmem>>, vector<16xf32>,
        tpu.vector_store %arg7[%swap3A_770, %swap3A_771, %swap3A_772], %gather3A_767 {strides = array<i32>} : memref<2x8x128xf32, #tpu.memory_space<vmem>>, vector<16xf32>,
        %add3A_774 = arith.addi %add3A_766, %broadcast_in_dim3A_90 : vector<16xi32>
        %gather3A_775 = tpu.vector_load_idx %arg5[%add3A_774] : memref<40000xf32, #tpu.memory_space<vmem>>[vector<16xi32>], vector<16xf32>,
        %swap3A_776 = arith.constant 0 : i32
        %swap3A_777 = arith.constant 2 : i32
        %swap3A_778 = arith.index_cast %swap3A_776 : i32 to index
        %swap3A_779 = arith.index_cast %swap3A_777 : i32 to index
        %swap3A_780 = arith.constant 112 : index
        %swap3A_781 = tpu.vector_load %arg7[%swap3A_778, %swap3A_779, %swap3A_780] {strides = array<i32>} : memref<2x8x128xf32, #tpu.memory_space<vmem>>, vector<16xf32>,
        tpu.vector_store %arg7[%swap3A_778, %swap3A_779, %swap3A_780], %gather3A_775 {strides = array<i32>} : memref<2x8x128xf32, #tpu.memory_space<vmem>>, vector<16xf32>,
        %add3A_782 = arith.addi %add3A_774, %broadcast_in_dim3A_90 : vector<16xi32>
        %gather3A_783 = tpu.vector_load_idx %arg5[%add3A_782] : memref<40000xf32, #tpu.memory_space<vmem>>[vector<16xi32>], vector<16xf32>,
        %swap3A_784 = arith.constant 0 : i32
        %swap3A_785 = arith.constant 3 : i32
        %swap3A_786 = arith.index_cast %swap3A_784 : i32 to index
        %swap3A_787 = arith.index_cast %swap3A_785 : i32 to index
        %swap3A_788 = arith.constant 112 : index
        %swap3A_789 = tpu.vector_load %arg7[%swap3A_786, %swap3A_787, %swap3A_788] {strides = array<i32>} : memref<2x8x128xf32, #tpu.memory_space<vmem>>, vector<16xf32>,
        tpu.vector_store %arg7[%swap3A_786, %swap3A_787, %swap3A_788], %gather3A_783 {strides = array<i32>} : memref<2x8x128xf32, #tpu.memory_space<vmem>>, vector<16xf32>,
        %add3A_790 = arith.addi %add3A_782, %broadcast_in_dim3A_90 : vector<16xi32>
        %gather3A_791 = tpu.vector_load_idx %arg5[%add3A_790] : memref<40000xf32, #tpu.memory_space<vmem>>[vector<16xi32>], vector<16xf32>,
        %swap3A_792 = arith.constant 0 : i32
        %swap3A_793 = arith.constant 4 : i32
        %swap3A_794 = arith.index_cast %swap3A_792 : i32 to index
        %swap3A_795 = arith.index_cast %swap3A_793 : i32 to index
        %swap3A_796 = arith.constant 112 : index
        %swap3A_797 = tpu.vector_load %arg7[%swap3A_794, %swap3A_795, %swap3A_796] {strides = array<i32>} : memref<2x8x128xf32, #tpu.memory_space<vmem>>, vector<16xf32>,
        tpu.vector_store %arg7[%swap3A_794, %swap3A_795, %swap3A_796], %gather3A_791 {strides = array<i32>} : memref<2x8x128xf32, #tpu.memory_space<vmem>>, vector<16xf32>,
        %add3A_798 = arith.addi %add3A_790, %broadcast_in_dim3A_90 : vector<16xi32>
        %gather3A_799 = tpu.vector_load_idx %arg5[%add3A_798] : memref<40000xf32, #tpu.memory_space<vmem>>[vector<16xi32>], vector<16xf32>,
        %swap3A_800 = arith.constant 0 : i32
        %swap3A_801 = arith.constant 5 : i32
        %swap3A_802 = arith.index_cast %swap3A_800 : i32 to index
        %swap3A_803 = arith.index_cast %swap3A_801 : i32 to index
        %swap3A_804 = arith.constant 112 : index
        %swap3A_805 = tpu.vector_load %arg7[%swap3A_802, %swap3A_803, %swap3A_804] {strides = array<i32>} : memref<2x8x128xf32, #tpu.memory_space<vmem>>, vector<16xf32>,
        tpu.vector_store %arg7[%swap3A_802, %swap3A_803, %swap3A_804], %gather3A_799 {strides = array<i32>} : memref<2x8x128xf32, #tpu.memory_space<vmem>>, vector<16xf32>,
        %add3A_806 = arith.addi %add3A_798, %broadcast_in_dim3A_90 : vector<16xi32>
        %gather3A_807 = tpu.vector_load_idx %arg5[%add3A_806] : memref<40000xf32, #tpu.memory_space<vmem>>[vector<16xi32>], vector<16xf32>,
        %swap3A_808 = arith.constant 0 : i32
        %swap3A_809 = arith.constant 6 : i32
        %swap3A_810 = arith.index_cast %swap3A_808 : i32 to index
        %swap3A_811 = arith.index_cast %swap3A_809 : i32 to index
        %swap3A_812 = arith.constant 112 : index
        %swap3A_813 = tpu.vector_load %arg7[%swap3A_810, %swap3A_811, %swap3A_812] {strides = array<i32>} : memref<2x8x128xf32, #tpu.memory_space<vmem>>, vector<16xf32>,
        tpu.vector_store %arg7[%swap3A_810, %swap3A_811, %swap3A_812], %gather3A_807 {strides = array<i32>} : memref<2x8x128xf32, #tpu.memory_space<vmem>>, vector<16xf32>,
        %add3A_814 = arith.addi %add3A_806, %broadcast_in_dim3A_90 : vector<16xi32>
        %gather3A_815 = tpu.vector_load_idx %arg5[%add3A_814] : memref<40000xf32, #tpu.memory_space<vmem>>[vector<16xi32>], vector<16xf32>,
        %swap3A_816 = arith.constant 0 : i32
        %swap3A_817 = arith.constant 7 : i32
        %swap3A_818 = arith.index_cast %swap3A_816 : i32 to index
        %swap3A_819 = arith.index_cast %swap3A_817 : i32 to index
        %swap3A_820 = arith.constant 112 : index
        %swap3A_821 = tpu.vector_load %arg7[%swap3A_818, %swap3A_819, %swap3A_820] {strides = array<i32>} : memref<2x8x128xf32, #tpu.memory_space<vmem>>, vector<16xf32>,
        tpu.vector_store %arg7[%swap3A_818, %swap3A_819, %swap3A_820], %gather3A_815 {strides = array<i32>} : memref<2x8x128xf32, #tpu.memory_space<vmem>>, vector<16xf32>,
        %dma_start3A_822 = arith.constant 0 : i32
        %dma_start3A_823 = arith.constant 0 : i32
        %dma_start3A_824 = arith.constant 0 : i32
        %dma_start3A_825 = tpu.memref_slice %arg7[%dma_start3A_822, %dma_start3A_823, %dma_start3A_824] : memref<2x8x128xf32, #tpu.memory_space<vmem>> -> memref<1x8x128xf32, #tpu.memory_space<vmem>>
        %dma_start3A_826 = tpu.memref_squeeze %dma_start3A_825 : memref<1x8x128xf32, #tpu.memory_space<vmem>> -> memref<8x128xf32, #tpu.memory_space<vmem>>
        %dma_start3A_827 = arith.constant 0 : i32
        %dma_start3A_828 = arith.constant 0 : i32
        %dma_start3A_829 = tpu.memref_slice %arg4[%add3A_266, %select_n3A_9, %add3A_191, %dma_start3A_827, %dma_start3A_828] : memref<200x8x128x8x128xf32, #tpu.memory_space<hbm>> -> memref<1x1x1x8x128xf32, #tpu.memory_space<hbm>>
        %dma_start3A_830 = tpu.memref_squeeze %dma_start3A_829 : memref<1x1x1x8x128xf32, #tpu.memory_space<hbm>> -> memref<8x128xf32, #tpu.memory_space<hbm>>
        %dma_start3A_831 = arith.constant 0 : i32
        %dma_start3A_832 = arith.constant 0 : i32
        %dma_start3A_833 = tpu.memref_slice %arg4[%add3A_266, %select_n3A_9, %add3A_191, %dma_start3A_831, %dma_start3A_832] : memref<200x8x128x8x128xf32, #tpu.memory_space<hbm>> -> memref<1x1x1x8x128xf32, #tpu.memory_space<hbm>>
        %dma_start3A_834 = tpu.memref_squeeze %dma_start3A_833 : memref<1x1x1x8x128xf32, #tpu.memory_space<hbm>> -> memref<8x128xf32, #tpu.memory_space<hbm>>
        %dma_start3A_835 = arith.constant 0 : i32
        %dma_start3A_836 = arith.constant 0 : i32
        %dma_start3A_837 = tpu.memref_slice %arg7[%dma_start3A_822, %dma_start3A_835, %dma_start3A_836] : memref<2x8x128xf32, #tpu.memory_space<vmem>> -> memref<1x8x128xf32, #tpu.memory_space<vmem>>
        %dma_start3A_838 = tpu.memref_squeeze %dma_start3A_837 : memref<1x8x128xf32, #tpu.memory_space<vmem>> -> memref<8x128xf32, #tpu.memory_space<vmem>>
        tpu.enqueue_dma source(%dma_start3A_838 : memref<8x128xf32, #tpu.memory_space<vmem>>) target(%dma_start3A_834 : memref<8x128xf32, #tpu.memory_space<hbm>>) target_semaphore(%arg10 : memref<!tpu.dma_semaphore, #tpu.memory_space<semaphore_mem>>)
        %mul3A_839 = arith.constant 2 : i32
        %mul3A_840 = arith.muli %scan3A_262, %mul3A_839 : i32
        %add3A_841 = arith.constant 1 : i32
        %add3A_842 = arith.addi %mul3A_840, %add3A_841 : i32
        %gt3A_843 = arith.constant 0 : i32
        %gt3A_844 = arith.cmpi sgt, %add3A_190, %gt3A_843 : i32
        %gt3A_845 = arith.constant 0 : i32
        %gt3A_846 = arith.cmpi sgt, %scan3A_262, %gt3A_845 : i32
        %or3A_847 = arith.ori %gt3A_844, %gt3A_846 : i1
        %convert_element_type3A_848 = arith.extui %or3A_847 : i1 to i32
        %cond3A_849 = arith.constant 0 : i32
        %cond3A_850 = arith.cmpi ne, %convert_element_type3A_848, %cond3A_849 : i32
        scf.if %cond3A_850 {
          %dma_wait3A_1421 = arith.constant 1 : i32
          %dma_wait3A_1422 = arith.constant 0 : i32
          %dma_wait3A_1423 = arith.constant 0 : i32
          %dma_wait3A_1424 = tpu.memref_slice %arg7[%dma_wait3A_1421, %dma_wait3A_1422, %dma_wait3A_1423] : memref<2x8x128xf32, #tpu.memory_space<vmem>> -> memref<1x8x128xf32, #tpu.memory_space<vmem>>
          %dma_wait3A_1425 = tpu.memref_squeeze %dma_wait3A_1424 : memref<1x8x128xf32, #tpu.memory_space<vmem>> -> memref<8x128xf32, #tpu.memory_space<vmem>>
          %dma_wait3A_1426 = arith.constant 0 : i32
          %dma_wait3A_1427 = arith.constant 0 : i32
          %dma_wait3A_1428 = tpu.memref_slice %arg4[%add3A_842, %select_n3A_9, %add3A_191, %dma_wait3A_1426, %dma_wait3A_1427] : memref<200x8x128x8x128xf32, #tpu.memory_space<hbm>> -> memref<1x1x1x8x128xf32, #tpu.memory_space<hbm>>
          %dma_wait3A_1429 = tpu.memref_squeeze %dma_wait3A_1428 : memref<1x1x1x8x128xf32, #tpu.memory_space<hbm>> -> memref<8x128xf32, #tpu.memory_space<hbm>>
          %dma_wait3A_1430 = arith.constant 0 : i32
          %dma_wait3A_1431 = arith.constant 0 : i32
          %dma_wait3A_1432 = tpu.memref_slice %arg4[%add3A_842, %select_n3A_9, %add3A_191, %dma_wait3A_1430, %dma_wait3A_1431] : memref<200x8x128x8x128xf32, #tpu.memory_space<hbm>> -> memref<1x1x1x8x128xf32, #tpu.memory_space<hbm>>
          %dma_wait3A_1433 = tpu.memref_squeeze %dma_wait3A_1432 : memref<1x1x1x8x128xf32, #tpu.memory_space<hbm>> -> memref<8x128xf32, #tpu.memory_space<hbm>>
          %dma_wait3A_1434 = arith.constant 0 : i32
          %dma_wait3A_1435 = arith.constant 0 : i32
          %dma_wait3A_1436 = tpu.memref_slice %arg7[%dma_wait3A_1421, %dma_wait3A_1434, %dma_wait3A_1435] : memref<2x8x128xf32, #tpu.memory_space<vmem>> -> memref<1x8x128xf32, #tpu.memory_space<vmem>>
          %dma_wait3A_1437 = tpu.memref_squeeze %dma_wait3A_1436 : memref<1x8x128xf32, #tpu.memory_space<vmem>> -> memref<8x128xf32, #tpu.memory_space<vmem>>
          tpu.wait_dma2 semaphore(%arg11 : memref<!tpu.dma_semaphore, #tpu.memory_space<semaphore_mem>>) src(%dma_wait3A_1437 : memref<8x128xf32, #tpu.memory_space<vmem>>) dst(%dma_wait3A_1433 : memref<8x128xf32, #tpu.memory_space<hbm>>)
        } else {
        }
        %broadcast_in_dim3A_851 = vector.broadcast %add3A_842 : i32 to vector<16xi32>
        %add3A_852 = arith.addi %mul3A_40, %broadcast_in_dim3A_851 : vector<16xi32>
        %gather3A_853 = arith.constant 0 : i32
        %gather3A_854 = arith.constant 0 : i32
        %gather3A_855 = tpu.memref_slice %arg6[%gather3A_853, %gather3A_854] : memref<2x25600xi32, #tpu.memory_space<vmem>> -> memref<1x25600xi32, #tpu.memory_space<vmem>>
        %gather3A_856 = tpu.memref_squeeze %gather3A_855 : memref<1x25600xi32, #tpu.memory_space<vmem>> -> memref<25600xi32, #tpu.memory_space<vmem>>
        %gather3A_857 = tpu.vector_load_idx %gather3A_856[%add3A_852] : memref<25600xi32, #tpu.memory_space<vmem>>[vector<16xi32>], vector<16xi32>,
        %gather3A_858 = tpu.vector_load_idx %arg5[%gather3A_857] : memref<40000xf32, #tpu.memory_space<vmem>>[vector<16xi32>], vector<16xf32>,
        %swap3A_859 = arith.constant 1 : i32
        %swap3A_860 = arith.constant 0 : i32
        %swap3A_861 = arith.index_cast %swap3A_859 : i32 to index
        %swap3A_862 = arith.index_cast %swap3A_860 : i32 to index
        %swap3A_863 = arith.constant 0 : index
        %swap3A_864 = tpu.vector_load %arg7[%swap3A_861, %swap3A_862, %swap3A_863] {strides = array<i32>} : memref<2x8x128xf32, #tpu.memory_space<vmem>>, vector<16xf32>,
        tpu.vector_store %arg7[%swap3A_861, %swap3A_862, %swap3A_863], %gather3A_858 {strides = array<i32>} : memref<2x8x128xf32, #tpu.memory_space<vmem>>, vector<16xf32>,
        %add3A_865 = arith.addi %gather3A_857, %broadcast_in_dim3A_90 : vector<16xi32>
        %gather3A_866 = tpu.vector_load_idx %arg5[%add3A_865] : memref<40000xf32, #tpu.memory_space<vmem>>[vector<16xi32>], vector<16xf32>,
        %swap3A_867 = arith.constant 1 : i32
        %swap3A_868 = arith.constant 1 : i32
        %swap3A_869 = arith.index_cast %swap3A_867 : i32 to index
        %swap3A_870 = arith.index_cast %swap3A_868 : i32 to index
        %swap3A_871 = arith.constant 0 : index
        %swap3A_872 = tpu.vector_load %arg7[%swap3A_869, %swap3A_870, %swap3A_871] {strides = array<i32>} : memref<2x8x128xf32, #tpu.memory_space<vmem>>, vector<16xf32>,
        tpu.vector_store %arg7[%swap3A_869, %swap3A_870, %swap3A_871], %gather3A_866 {strides = array<i32>} : memref<2x8x128xf32, #tpu.memory_space<vmem>>, vector<16xf32>,
        %add3A_873 = arith.addi %add3A_865, %broadcast_in_dim3A_90 : vector<16xi32>
        %gather3A_874 = tpu.vector_load_idx %arg5[%add3A_873] : memref<40000xf32, #tpu.memory_space<vmem>>[vector<16xi32>], vector<16xf32>,
        %swap3A_875 = arith.constant 1 : i32
        %swap3A_876 = arith.constant 2 : i32
        %swap3A_877 = arith.index_cast %swap3A_875 : i32 to index
        %swap3A_878 = arith.index_cast %swap3A_876 : i32 to index
        %swap3A_879 = arith.constant 0 : index
        %swap3A_880 = tpu.vector_load %arg7[%swap3A_877, %swap3A_878, %swap3A_879] {strides = array<i32>} : memref<2x8x128xf32, #tpu.memory_space<vmem>>, vector<16xf32>,
        tpu.vector_store %arg7[%swap3A_877, %swap3A_878, %swap3A_879], %gather3A_874 {strides = array<i32>} : memref<2x8x128xf32, #tpu.memory_space<vmem>>, vector<16xf32>,
        %add3A_881 = arith.addi %add3A_873, %broadcast_in_dim3A_90 : vector<16xi32>
        %gather3A_882 = tpu.vector_load_idx %arg5[%add3A_881] : memref<40000xf32, #tpu.memory_space<vmem>>[vector<16xi32>], vector<16xf32>,
        %swap3A_883 = arith.constant 1 : i32
        %swap3A_884 = arith.constant 3 : i32
        %swap3A_885 = arith.index_cast %swap3A_883 : i32 to index
        %swap3A_886 = arith.index_cast %swap3A_884 : i32 to index
        %swap3A_887 = arith.constant 0 : index
        %swap3A_888 = tpu.vector_load %arg7[%swap3A_885, %swap3A_886, %swap3A_887] {strides = array<i32>} : memref<2x8x128xf32, #tpu.memory_space<vmem>>, vector<16xf32>,
        tpu.vector_store %arg7[%swap3A_885, %swap3A_886, %swap3A_887], %gather3A_882 {strides = array<i32>} : memref<2x8x128xf32, #tpu.memory_space<vmem>>, vector<16xf32>,
        %add3A_889 = arith.addi %add3A_881, %broadcast_in_dim3A_90 : vector<16xi32>
        %gather3A_890 = tpu.vector_load_idx %arg5[%add3A_889] : memref<40000xf32, #tpu.memory_space<vmem>>[vector<16xi32>], vector<16xf32>,
        %swap3A_891 = arith.constant 1 : i32
        %swap3A_892 = arith.constant 4 : i32
        %swap3A_893 = arith.index_cast %swap3A_891 : i32 to index
        %swap3A_894 = arith.index_cast %swap3A_892 : i32 to index
        %swap3A_895 = arith.constant 0 : index
        %swap3A_896 = tpu.vector_load %arg7[%swap3A_893, %swap3A_894, %swap3A_895] {strides = array<i32>} : memref<2x8x128xf32, #tpu.memory_space<vmem>>, vector<16xf32>,
        tpu.vector_store %arg7[%swap3A_893, %swap3A_894, %swap3A_895], %gather3A_890 {strides = array<i32>} : memref<2x8x128xf32, #tpu.memory_space<vmem>>, vector<16xf32>,
        %add3A_897 = arith.addi %add3A_889, %broadcast_in_dim3A_90 : vector<16xi32>
        %gather3A_898 = tpu.vector_load_idx %arg5[%add3A_897] : memref<40000xf32, #tpu.memory_space<vmem>>[vector<16xi32>], vector<16xf32>,
        %swap3A_899 = arith.constant 1 : i32
        %swap3A_900 = arith.constant 5 : i32
        %swap3A_901 = arith.index_cast %swap3A_899 : i32 to index
        %swap3A_902 = arith.index_cast %swap3A_900 : i32 to index
        %swap3A_903 = arith.constant 0 : index
        %swap3A_904 = tpu.vector_load %arg7[%swap3A_901, %swap3A_902, %swap3A_903] {strides = array<i32>} : memref<2x8x128xf32, #tpu.memory_space<vmem>>, vector<16xf32>,
        tpu.vector_store %arg7[%swap3A_901, %swap3A_902, %swap3A_903], %gather3A_898 {strides = array<i32>} : memref<2x8x128xf32, #tpu.memory_space<vmem>>, vector<16xf32>,
        %add3A_905 = arith.addi %add3A_897, %broadcast_in_dim3A_90 : vector<16xi32>
        %gather3A_906 = tpu.vector_load_idx %arg5[%add3A_905] : memref<40000xf32, #tpu.memory_space<vmem>>[vector<16xi32>], vector<16xf32>,
        %swap3A_907 = arith.constant 1 : i32
        %swap3A_908 = arith.constant 6 : i32
        %swap3A_909 = arith.index_cast %swap3A_907 : i32 to index
        %swap3A_910 = arith.index_cast %swap3A_908 : i32 to index
        %swap3A_911 = arith.constant 0 : index
        %swap3A_912 = tpu.vector_load %arg7[%swap3A_909, %swap3A_910, %swap3A_911] {strides = array<i32>} : memref<2x8x128xf32, #tpu.memory_space<vmem>>, vector<16xf32>,
        tpu.vector_store %arg7[%swap3A_909, %swap3A_910, %swap3A_911], %gather3A_906 {strides = array<i32>} : memref<2x8x128xf32, #tpu.memory_space<vmem>>, vector<16xf32>,
        %add3A_913 = arith.addi %add3A_905, %broadcast_in_dim3A_90 : vector<16xi32>
        %gather3A_914 = tpu.vector_load_idx %arg5[%add3A_913] : memref<40000xf32, #tpu.memory_space<vmem>>[vector<16xi32>], vector<16xf32>,
        %swap3A_915 = arith.constant 1 : i32
        %swap3A_916 = arith.constant 7 : i32
        %swap3A_917 = arith.index_cast %swap3A_915 : i32 to index
        %swap3A_918 = arith.index_cast %swap3A_916 : i32 to index
        %swap3A_919 = arith.constant 0 : index
        %swap3A_920 = tpu.vector_load %arg7[%swap3A_917, %swap3A_918, %swap3A_919] {strides = array<i32>} : memref<2x8x128xf32, #tpu.memory_space<vmem>>, vector<16xf32>,
        tpu.vector_store %arg7[%swap3A_917, %swap3A_918, %swap3A_919], %gather3A_914 {strides = array<i32>} : memref<2x8x128xf32, #tpu.memory_space<vmem>>, vector<16xf32>,
        %add3A_921 = arith.addi %mul3A_47, %broadcast_in_dim3A_851 : vector<16xi32>
        %gather3A_922 = arith.constant 0 : i32
        %gather3A_923 = arith.constant 0 : i32
        %gather3A_924 = tpu.memref_slice %arg6[%gather3A_922, %gather3A_923] : memref<2x25600xi32, #tpu.memory_space<vmem>> -> memref<1x25600xi32, #tpu.memory_space<vmem>>
        %gather3A_925 = tpu.memref_squeeze %gather3A_924 : memref<1x25600xi32, #tpu.memory_space<vmem>> -> memref<25600xi32, #tpu.memory_space<vmem>>
        %gather3A_926 = tpu.vector_load_idx %gather3A_925[%add3A_921] : memref<25600xi32, #tpu.memory_space<vmem>>[vector<16xi32>], vector<16xi32>,
        %gather3A_927 = tpu.vector_load_idx %arg5[%gather3A_926] : memref<40000xf32, #tpu.memory_space<vmem>>[vector<16xi32>], vector<16xf32>,
        %swap3A_928 = arith.constant 1 : i32
        %swap3A_929 = arith.constant 0 : i32
        %swap3A_930 = arith.index_cast %swap3A_928 : i32 to index
        %swap3A_931 = arith.index_cast %swap3A_929 : i32 to index
        %swap3A_932 = arith.constant 16 : index
        %swap3A_933 = tpu.vector_load %arg7[%swap3A_930, %swap3A_931, %swap3A_932] {strides = array<i32>} : memref<2x8x128xf32, #tpu.memory_space<vmem>>, vector<16xf32>,
        tpu.vector_store %arg7[%swap3A_930, %swap3A_931, %swap3A_932], %gather3A_927 {strides = array<i32>} : memref<2x8x128xf32, #tpu.memory_space<vmem>>, vector<16xf32>,
        %add3A_934 = arith.addi %gather3A_926, %broadcast_in_dim3A_90 : vector<16xi32>
        %gather3A_935 = tpu.vector_load_idx %arg5[%add3A_934] : memref<40000xf32, #tpu.memory_space<vmem>>[vector<16xi32>], vector<16xf32>,
        %swap3A_936 = arith.constant 1 : i32
        %swap3A_937 = arith.constant 1 : i32
        %swap3A_938 = arith.index_cast %swap3A_936 : i32 to index
        %swap3A_939 = arith.index_cast %swap3A_937 : i32 to index
        %swap3A_940 = arith.constant 16 : index
        %swap3A_941 = tpu.vector_load %arg7[%swap3A_938, %swap3A_939, %swap3A_940] {strides = array<i32>} : memref<2x8x128xf32, #tpu.memory_space<vmem>>, vector<16xf32>,
        tpu.vector_store %arg7[%swap3A_938, %swap3A_939, %swap3A_940], %gather3A_935 {strides = array<i32>} : memref<2x8x128xf32, #tpu.memory_space<vmem>>, vector<16xf32>,
        %add3A_942 = arith.addi %add3A_934, %broadcast_in_dim3A_90 : vector<16xi32>
        %gather3A_943 = tpu.vector_load_idx %arg5[%add3A_942] : memref<40000xf32, #tpu.memory_space<vmem>>[vector<16xi32>], vector<16xf32>,
        %swap3A_944 = arith.constant 1 : i32
        %swap3A_945 = arith.constant 2 : i32
        %swap3A_946 = arith.index_cast %swap3A_944 : i32 to index
        %swap3A_947 = arith.index_cast %swap3A_945 : i32 to index
        %swap3A_948 = arith.constant 16 : index
        %swap3A_949 = tpu.vector_load %arg7[%swap3A_946, %swap3A_947, %swap3A_948] {strides = array<i32>} : memref<2x8x128xf32, #tpu.memory_space<vmem>>, vector<16xf32>,
        tpu.vector_store %arg7[%swap3A_946, %swap3A_947, %swap3A_948], %gather3A_943 {strides = array<i32>} : memref<2x8x128xf32, #tpu.memory_space<vmem>>, vector<16xf32>,
        %add3A_950 = arith.addi %add3A_942, %broadcast_in_dim3A_90 : vector<16xi32>
        %gather3A_951 = tpu.vector_load_idx %arg5[%add3A_950] : memref<40000xf32, #tpu.memory_space<vmem>>[vector<16xi32>], vector<16xf32>,
        %swap3A_952 = arith.constant 1 : i32
        %swap3A_953 = arith.constant 3 : i32
        %swap3A_954 = arith.index_cast %swap3A_952 : i32 to index
        %swap3A_955 = arith.index_cast %swap3A_953 : i32 to index
        %swap3A_956 = arith.constant 16 : index
        %swap3A_957 = tpu.vector_load %arg7[%swap3A_954, %swap3A_955, %swap3A_956] {strides = array<i32>} : memref<2x8x128xf32, #tpu.memory_space<vmem>>, vector<16xf32>,
        tpu.vector_store %arg7[%swap3A_954, %swap3A_955, %swap3A_956], %gather3A_951 {strides = array<i32>} : memref<2x8x128xf32, #tpu.memory_space<vmem>>, vector<16xf32>,
        %add3A_958 = arith.addi %add3A_950, %broadcast_in_dim3A_90 : vector<16xi32>
        %gather3A_959 = tpu.vector_load_idx %arg5[%add3A_958] : memref<40000xf32, #tpu.memory_space<vmem>>[vector<16xi32>], vector<16xf32>,
        %swap3A_960 = arith.constant 1 : i32
        %swap3A_961 = arith.constant 4 : i32
        %swap3A_962 = arith.index_cast %swap3A_960 : i32 to index
        %swap3A_963 = arith.index_cast %swap3A_961 : i32 to index
        %swap3A_964 = arith.constant 16 : index
        %swap3A_965 = tpu.vector_load %arg7[%swap3A_962, %swap3A_963, %swap3A_964] {strides = array<i32>} : memref<2x8x128xf32, #tpu.memory_space<vmem>>, vector<16xf32>,
        tpu.vector_store %arg7[%swap3A_962, %swap3A_963, %swap3A_964], %gather3A_959 {strides = array<i32>} : memref<2x8x128xf32, #tpu.memory_space<vmem>>, vector<16xf32>,
        %add3A_966 = arith.addi %add3A_958, %broadcast_in_dim3A_90 : vector<16xi32>
        %gather3A_967 = tpu.vector_load_idx %arg5[%add3A_966] : memref<40000xf32, #tpu.memory_space<vmem>>[vector<16xi32>], vector<16xf32>,
        %swap3A_968 = arith.constant 1 : i32
        %swap3A_969 = arith.constant 5 : i32
        %swap3A_970 = arith.index_cast %swap3A_968 : i32 to index
        %swap3A_971 = arith.index_cast %swap3A_969 : i32 to index
        %swap3A_972 = arith.constant 16 : index
        %swap3A_973 = tpu.vector_load %arg7[%swap3A_970, %swap3A_971, %swap3A_972] {strides = array<i32>} : memref<2x8x128xf32, #tpu.memory_space<vmem>>, vector<16xf32>,
        tpu.vector_store %arg7[%swap3A_970, %swap3A_971, %swap3A_972], %gather3A_967 {strides = array<i32>} : memref<2x8x128xf32, #tpu.memory_space<vmem>>, vector<16xf32>,
        %add3A_974 = arith.addi %add3A_966, %broadcast_in_dim3A_90 : vector<16xi32>
        %gather3A_975 = tpu.vector_load_idx %arg5[%add3A_974] : memref<40000xf32, #tpu.memory_space<vmem>>[vector<16xi32>], vector<16xf32>,
        %swap3A_976 = arith.constant 1 : i32
        %swap3A_977 = arith.constant 6 : i32
        %swap3A_978 = arith.index_cast %swap3A_976 : i32 to index
        %swap3A_979 = arith.index_cast %swap3A_977 : i32 to index
        %swap3A_980 = arith.constant 16 : index
        %swap3A_981 = tpu.vector_load %arg7[%swap3A_978, %swap3A_979, %swap3A_980] {strides = array<i32>} : memref<2x8x128xf32, #tpu.memory_space<vmem>>, vector<16xf32>,
        tpu.vector_store %arg7[%swap3A_978, %swap3A_979, %swap3A_980], %gather3A_975 {strides = array<i32>} : memref<2x8x128xf32, #tpu.memory_space<vmem>>, vector<16xf32>,
        %add3A_982 = arith.addi %add3A_974, %broadcast_in_dim3A_90 : vector<16xi32>
        %gather3A_983 = tpu.vector_load_idx %arg5[%add3A_982] : memref<40000xf32, #tpu.memory_space<vmem>>[vector<16xi32>], vector<16xf32>,
        %swap3A_984 = arith.constant 1 : i32
        %swap3A_985 = arith.constant 7 : i32
        %swap3A_986 = arith.index_cast %swap3A_984 : i32 to index
        %swap3A_987 = arith.index_cast %swap3A_985 : i32 to index
        %swap3A_988 = arith.constant 16 : index
        %swap3A_989 = tpu.vector_load %arg7[%swap3A_986, %swap3A_987, %swap3A_988] {strides = array<i32>} : memref<2x8x128xf32, #tpu.memory_space<vmem>>, vector<16xf32>,
        tpu.vector_store %arg7[%swap3A_986, %swap3A_987, %swap3A_988], %gather3A_983 {strides = array<i32>} : memref<2x8x128xf32, #tpu.memory_space<vmem>>, vector<16xf32>,
        %add3A_990 = arith.addi %mul3A_54, %broadcast_in_dim3A_851 : vector<16xi32>
        %gather3A_991 = arith.constant 0 : i32
        %gather3A_992 = arith.constant 0 : i32
        %gather3A_993 = tpu.memref_slice %arg6[%gather3A_991, %gather3A_992] : memref<2x25600xi32, #tpu.memory_space<vmem>> -> memref<1x25600xi32, #tpu.memory_space<vmem>>
        %gather3A_994 = tpu.memref_squeeze %gather3A_993 : memref<1x25600xi32, #tpu.memory_space<vmem>> -> memref<25600xi32, #tpu.memory_space<vmem>>
        %gather3A_995 = tpu.vector_load_idx %gather3A_994[%add3A_990] : memref<25600xi32, #tpu.memory_space<vmem>>[vector<16xi32>], vector<16xi32>,
        %gather3A_996 = tpu.vector_load_idx %arg5[%gather3A_995] : memref<40000xf32, #tpu.memory_space<vmem>>[vector<16xi32>], vector<16xf32>,
        %swap3A_997 = arith.constant 1 : i32
        %swap3A_998 = arith.constant 0 : i32
        %swap3A_999 = arith.index_cast %swap3A_997 : i32 to index
        %swap3A_1000 = arith.index_cast %swap3A_998 : i32 to index
        %swap3A_1001 = arith.constant 32 : index
        %swap3A_1002 = tpu.vector_load %arg7[%swap3A_999, %swap3A_1000, %swap3A_1001] {strides = array<i32>} : memref<2x8x128xf32, #tpu.memory_space<vmem>>, vector<16xf32>,
        tpu.vector_store %arg7[%swap3A_999, %swap3A_1000, %swap3A_1001], %gather3A_996 {strides = array<i32>} : memref<2x8x128xf32, #tpu.memory_space<vmem>>, vector<16xf32>,
        %add3A_1003 = arith.addi %gather3A_995, %broadcast_in_dim3A_90 : vector<16xi32>
        %gather3A_1004 = tpu.vector_load_idx %arg5[%add3A_1003] : memref<40000xf32, #tpu.memory_space<vmem>>[vector<16xi32>], vector<16xf32>,
        %swap3A_1005 = arith.constant 1 : i32
        %swap3A_1006 = arith.constant 1 : i32
        %swap3A_1007 = arith.index_cast %swap3A_1005 : i32 to index
        %swap3A_1008 = arith.index_cast %swap3A_1006 : i32 to index
        %swap3A_1009 = arith.constant 32 : index
        %swap3A_1010 = tpu.vector_load %arg7[%swap3A_1007, %swap3A_1008, %swap3A_1009] {strides = array<i32>} : memref<2x8x128xf32, #tpu.memory_space<vmem>>, vector<16xf32>,
        tpu.vector_store %arg7[%swap3A_1007, %swap3A_1008, %swap3A_1009], %gather3A_1004 {strides = array<i32>} : memref<2x8x128xf32, #tpu.memory_space<vmem>>, vector<16xf32>,
        %add3A_1011 = arith.addi %add3A_1003, %broadcast_in_dim3A_90 : vector<16xi32>
        %gather3A_1012 = tpu.vector_load_idx %arg5[%add3A_1011] : memref<40000xf32, #tpu.memory_space<vmem>>[vector<16xi32>], vector<16xf32>,
        %swap3A_1013 = arith.constant 1 : i32
        %swap3A_1014 = arith.constant 2 : i32
        %swap3A_1015 = arith.index_cast %swap3A_1013 : i32 to index
        %swap3A_1016 = arith.index_cast %swap3A_1014 : i32 to index
        %swap3A_1017 = arith.constant 32 : index
        %swap3A_1018 = tpu.vector_load %arg7[%swap3A_1015, %swap3A_1016, %swap3A_1017] {strides = array<i32>} : memref<2x8x128xf32, #tpu.memory_space<vmem>>, vector<16xf32>,
        tpu.vector_store %arg7[%swap3A_1015, %swap3A_1016, %swap3A_1017], %gather3A_1012 {strides = array<i32>} : memref<2x8x128xf32, #tpu.memory_space<vmem>>, vector<16xf32>,
        %add3A_1019 = arith.addi %add3A_1011, %broadcast_in_dim3A_90 : vector<16xi32>
        %gather3A_1020 = tpu.vector_load_idx %arg5[%add3A_1019] : memref<40000xf32, #tpu.memory_space<vmem>>[vector<16xi32>], vector<16xf32>,
        %swap3A_1021 = arith.constant 1 : i32
        %swap3A_1022 = arith.constant 3 : i32
        %swap3A_1023 = arith.index_cast %swap3A_1021 : i32 to index
        %swap3A_1024 = arith.index_cast %swap3A_1022 : i32 to index
        %swap3A_1025 = arith.constant 32 : index
        %swap3A_1026 = tpu.vector_load %arg7[%swap3A_1023, %swap3A_1024, %swap3A_1025] {strides = array<i32>} : memref<2x8x128xf32, #tpu.memory_space<vmem>>, vector<16xf32>,
        tpu.vector_store %arg7[%swap3A_1023, %swap3A_1024, %swap3A_1025], %gather3A_1020 {strides = array<i32>} : memref<2x8x128xf32, #tpu.memory_space<vmem>>, vector<16xf32>,
        %add3A_1027 = arith.addi %add3A_1019, %broadcast_in_dim3A_90 : vector<16xi32>
        %gather3A_1028 = tpu.vector_load_idx %arg5[%add3A_1027] : memref<40000xf32, #tpu.memory_space<vmem>>[vector<16xi32>], vector<16xf32>,
        %swap3A_1029 = arith.constant 1 : i32
        %swap3A_1030 = arith.constant 4 : i32
        %swap3A_1031 = arith.index_cast %swap3A_1029 : i32 to index
        %swap3A_1032 = arith.index_cast %swap3A_1030 : i32 to index
        %swap3A_1033 = arith.constant 32 : index
        %swap3A_1034 = tpu.vector_load %arg7[%swap3A_1031, %swap3A_1032, %swap3A_1033] {strides = array<i32>} : memref<2x8x128xf32, #tpu.memory_space<vmem>>, vector<16xf32>,
        tpu.vector_store %arg7[%swap3A_1031, %swap3A_1032, %swap3A_1033], %gather3A_1028 {strides = array<i32>} : memref<2x8x128xf32, #tpu.memory_space<vmem>>, vector<16xf32>,
        %add3A_1035 = arith.addi %add3A_1027, %broadcast_in_dim3A_90 : vector<16xi32>
        %gather3A_1036 = tpu.vector_load_idx %arg5[%add3A_1035] : memref<40000xf32, #tpu.memory_space<vmem>>[vector<16xi32>], vector<16xf32>,
        %swap3A_1037 = arith.constant 1 : i32
        %swap3A_1038 = arith.constant 5 : i32
        %swap3A_1039 = arith.index_cast %swap3A_1037 : i32 to index
        %swap3A_1040 = arith.index_cast %swap3A_1038 : i32 to index
        %swap3A_1041 = arith.constant 32 : index
        %swap3A_1042 = tpu.vector_load %arg7[%swap3A_1039, %swap3A_1040, %swap3A_1041] {strides = array<i32>} : memref<2x8x128xf32, #tpu.memory_space<vmem>>, vector<16xf32>,
        tpu.vector_store %arg7[%swap3A_1039, %swap3A_1040, %swap3A_1041], %gather3A_1036 {strides = array<i32>} : memref<2x8x128xf32, #tpu.memory_space<vmem>>, vector<16xf32>,
        %add3A_1043 = arith.addi %add3A_1035, %broadcast_in_dim3A_90 : vector<16xi32>
        %gather3A_1044 = tpu.vector_load_idx %arg5[%add3A_1043] : memref<40000xf32, #tpu.memory_space<vmem>>[vector<16xi32>], vector<16xf32>,
        %swap3A_1045 = arith.constant 1 : i32
        %swap3A_1046 = arith.constant 6 : i32
        %swap3A_1047 = arith.index_cast %swap3A_1045 : i32 to index
        %swap3A_1048 = arith.index_cast %swap3A_1046 : i32 to index
        %swap3A_1049 = arith.constant 32 : index
        %swap3A_1050 = tpu.vector_load %arg7[%swap3A_1047, %swap3A_1048, %swap3A_1049] {strides = array<i32>} : memref<2x8x128xf32, #tpu.memory_space<vmem>>, vector<16xf32>,
        tpu.vector_store %arg7[%swap3A_1047, %swap3A_1048, %swap3A_1049], %gather3A_1044 {strides = array<i32>} : memref<2x8x128xf32, #tpu.memory_space<vmem>>, vector<16xf32>,
        %add3A_1051 = arith.addi %add3A_1043, %broadcast_in_dim3A_90 : vector<16xi32>
        %gather3A_1052 = tpu.vector_load_idx %arg5[%add3A_1051] : memref<40000xf32, #tpu.memory_space<vmem>>[vector<16xi32>], vector<16xf32>,
        %swap3A_1053 = arith.constant 1 : i32
        %swap3A_1054 = arith.constant 7 : i32
        %swap3A_1055 = arith.index_cast %swap3A_1053 : i32 to index
        %swap3A_1056 = arith.index_cast %swap3A_1054 : i32 to index
        %swap3A_1057 = arith.constant 32 : index
        %swap3A_1058 = tpu.vector_load %arg7[%swap3A_1055, %swap3A_1056, %swap3A_1057] {strides = array<i32>} : memref<2x8x128xf32, #tpu.memory_space<vmem>>, vector<16xf32>,
        tpu.vector_store %arg7[%swap3A_1055, %swap3A_1056, %swap3A_1057], %gather3A_1052 {strides = array<i32>} : memref<2x8x128xf32, #tpu.memory_space<vmem>>, vector<16xf32>,
        %add3A_1059 = arith.addi %mul3A_61, %broadcast_in_dim3A_851 : vector<16xi32>
        %gather3A_1060 = arith.constant 0 : i32
        %gather3A_1061 = arith.constant 0 : i32
        %gather3A_1062 = tpu.memref_slice %arg6[%gather3A_1060, %gather3A_1061] : memref<2x25600xi32, #tpu.memory_space<vmem>> -> memref<1x25600xi32, #tpu.memory_space<vmem>>
        %gather3A_1063 = tpu.memref_squeeze %gather3A_1062 : memref<1x25600xi32, #tpu.memory_space<vmem>> -> memref<25600xi32, #tpu.memory_space<vmem>>
        %gather3A_1064 = tpu.vector_load_idx %gather3A_1063[%add3A_1059] : memref<25600xi32, #tpu.memory_space<vmem>>[vector<16xi32>], vector<16xi32>,
        %gather3A_1065 = tpu.vector_load_idx %arg5[%gather3A_1064] : memref<40000xf32, #tpu.memory_space<vmem>>[vector<16xi32>], vector<16xf32>,
        %swap3A_1066 = arith.constant 1 : i32
        %swap3A_1067 = arith.constant 0 : i32
        %swap3A_1068 = arith.index_cast %swap3A_1066 : i32 to index
        %swap3A_1069 = arith.index_cast %swap3A_1067 : i32 to index
        %swap3A_1070 = arith.constant 48 : index
        %swap3A_1071 = tpu.vector_load %arg7[%swap3A_1068, %swap3A_1069, %swap3A_1070] {strides = array<i32>} : memref<2x8x128xf32, #tpu.memory_space<vmem>>, vector<16xf32>,
        tpu.vector_store %arg7[%swap3A_1068, %swap3A_1069, %swap3A_1070], %gather3A_1065 {strides = array<i32>} : memref<2x8x128xf32, #tpu.memory_space<vmem>>, vector<16xf32>,
        %add3A_1072 = arith.addi %gather3A_1064, %broadcast_in_dim3A_90 : vector<16xi32>
        %gather3A_1073 = tpu.vector_load_idx %arg5[%add3A_1072] : memref<40000xf32, #tpu.memory_space<vmem>>[vector<16xi32>], vector<16xf32>,
        %swap3A_1074 = arith.constant 1 : i32
        %swap3A_1075 = arith.constant 1 : i32
        %swap3A_1076 = arith.index_cast %swap3A_1074 : i32 to index
        %swap3A_1077 = arith.index_cast %swap3A_1075 : i32 to index
        %swap3A_1078 = arith.constant 48 : index
        %swap3A_1079 = tpu.vector_load %arg7[%swap3A_1076, %swap3A_1077, %swap3A_1078] {strides = array<i32>} : memref<2x8x128xf32, #tpu.memory_space<vmem>>, vector<16xf32>,
        tpu.vector_store %arg7[%swap3A_1076, %swap3A_1077, %swap3A_1078], %gather3A_1073 {strides = array<i32>} : memref<2x8x128xf32, #tpu.memory_space<vmem>>, vector<16xf32>,
        %add3A_1080 = arith.addi %add3A_1072, %broadcast_in_dim3A_90 : vector<16xi32>
        %gather3A_1081 = tpu.vector_load_idx %arg5[%add3A_1080] : memref<40000xf32, #tpu.memory_space<vmem>>[vector<16xi32>], vector<16xf32>,
        %swap3A_1082 = arith.constant 1 : i32
        %swap3A_1083 = arith.constant 2 : i32
        %swap3A_1084 = arith.index_cast %swap3A_1082 : i32 to index
        %swap3A_1085 = arith.index_cast %swap3A_1083 : i32 to index
        %swap3A_1086 = arith.constant 48 : index
        %swap3A_1087 = tpu.vector_load %arg7[%swap3A_1084, %swap3A_1085, %swap3A_1086] {strides = array<i32>} : memref<2x8x128xf32, #tpu.memory_space<vmem>>, vector<16xf32>,
        tpu.vector_store %arg7[%swap3A_1084, %swap3A_1085, %swap3A_1086], %gather3A_1081 {strides = array<i32>} : memref<2x8x128xf32, #tpu.memory_space<vmem>>, vector<16xf32>,
        %add3A_1088 = arith.addi %add3A_1080, %broadcast_in_dim3A_90 : vector<16xi32>
        %gather3A_1089 = tpu.vector_load_idx %arg5[%add3A_1088] : memref<40000xf32, #tpu.memory_space<vmem>>[vector<16xi32>], vector<16xf32>,
        %swap3A_1090 = arith.constant 1 : i32
        %swap3A_1091 = arith.constant 3 : i32
        %swap3A_1092 = arith.index_cast %swap3A_1090 : i32 to index
        %swap3A_1093 = arith.index_cast %swap3A_1091 : i32 to index
        %swap3A_1094 = arith.constant 48 : index
        %swap3A_1095 = tpu.vector_load %arg7[%swap3A_1092, %swap3A_1093, %swap3A_1094] {strides = array<i32>} : memref<2x8x128xf32, #tpu.memory_space<vmem>>, vector<16xf32>,
        tpu.vector_store %arg7[%swap3A_1092, %swap3A_1093, %swap3A_1094], %gather3A_1089 {strides = array<i32>} : memref<2x8x128xf32, #tpu.memory_space<vmem>>, vector<16xf32>,
        %add3A_1096 = arith.addi %add3A_1088, %broadcast_in_dim3A_90 : vector<16xi32>
        %gather3A_1097 = tpu.vector_load_idx %arg5[%add3A_1096] : memref<40000xf32, #tpu.memory_space<vmem>>[vector<16xi32>], vector<16xf32>,
        %swap3A_1098 = arith.constant 1 : i32
        %swap3A_1099 = arith.constant 4 : i32
        %swap3A_1100 = arith.index_cast %swap3A_1098 : i32 to index
        %swap3A_1101 = arith.index_cast %swap3A_1099 : i32 to index
        %swap3A_1102 = arith.constant 48 : index
        %swap3A_1103 = tpu.vector_load %arg7[%swap3A_1100, %swap3A_1101, %swap3A_1102] {strides = array<i32>} : memref<2x8x128xf32, #tpu.memory_space<vmem>>, vector<16xf32>,
        tpu.vector_store %arg7[%swap3A_1100, %swap3A_1101, %swap3A_1102], %gather3A_1097 {strides = array<i32>} : memref<2x8x128xf32, #tpu.memory_space<vmem>>, vector<16xf32>,
        %add3A_1104 = arith.addi %add3A_1096, %broadcast_in_dim3A_90 : vector<16xi32>
        %gather3A_1105 = tpu.vector_load_idx %arg5[%add3A_1104] : memref<40000xf32, #tpu.memory_space<vmem>>[vector<16xi32>], vector<16xf32>,
        %swap3A_1106 = arith.constant 1 : i32
        %swap3A_1107 = arith.constant 5 : i32
        %swap3A_1108 = arith.index_cast %swap3A_1106 : i32 to index
        %swap3A_1109 = arith.index_cast %swap3A_1107 : i32 to index
        %swap3A_1110 = arith.constant 48 : index
        %swap3A_1111 = tpu.vector_load %arg7[%swap3A_1108, %swap3A_1109, %swap3A_1110] {strides = array<i32>} : memref<2x8x128xf32, #tpu.memory_space<vmem>>, vector<16xf32>,
        tpu.vector_store %arg7[%swap3A_1108, %swap3A_1109, %swap3A_1110], %gather3A_1105 {strides = array<i32>} : memref<2x8x128xf32, #tpu.memory_space<vmem>>, vector<16xf32>,
        %add3A_1112 = arith.addi %add3A_1104, %broadcast_in_dim3A_90 : vector<16xi32>
        %gather3A_1113 = tpu.vector_load_idx %arg5[%add3A_1112] : memref<40000xf32, #tpu.memory_space<vmem>>[vector<16xi32>], vector<16xf32>,
        %swap3A_1114 = arith.constant 1 : i32
        %swap3A_1115 = arith.constant 6 : i32
        %swap3A_1116 = arith.index_cast %swap3A_1114 : i32 to index
        %swap3A_1117 = arith.index_cast %swap3A_1115 : i32 to index
        %swap3A_1118 = arith.constant 48 : index
        %swap3A_1119 = tpu.vector_load %arg7[%swap3A_1116, %swap3A_1117, %swap3A_1118] {strides = array<i32>} : memref<2x8x128xf32, #tpu.memory_space<vmem>>, vector<16xf32>,
        tpu.vector_store %arg7[%swap3A_1116, %swap3A_1117, %swap3A_1118], %gather3A_1113 {strides = array<i32>} : memref<2x8x128xf32, #tpu.memory_space<vmem>>, vector<16xf32>,
        %add3A_1120 = arith.addi %add3A_1112, %broadcast_in_dim3A_90 : vector<16xi32>
        %gather3A_1121 = tpu.vector_load_idx %arg5[%add3A_1120] : memref<40000xf32, #tpu.memory_space<vmem>>[vector<16xi32>], vector<16xf32>,
        %swap3A_1122 = arith.constant 1 : i32
        %swap3A_1123 = arith.constant 7 : i32
        %swap3A_1124 = arith.index_cast %swap3A_1122 : i32 to index
        %swap3A_1125 = arith.index_cast %swap3A_1123 : i32 to index
        %swap3A_1126 = arith.constant 48 : index
        %swap3A_1127 = tpu.vector_load %arg7[%swap3A_1124, %swap3A_1125, %swap3A_1126] {strides = array<i32>} : memref<2x8x128xf32, #tpu.memory_space<vmem>>, vector<16xf32>,
        tpu.vector_store %arg7[%swap3A_1124, %swap3A_1125, %swap3A_1126], %gather3A_1121 {strides = array<i32>} : memref<2x8x128xf32, #tpu.memory_space<vmem>>, vector<16xf32>,
        %add3A_1128 = arith.addi %mul3A_68, %broadcast_in_dim3A_851 : vector<16xi32>
        %gather3A_1129 = arith.constant 0 : i32
        %gather3A_1130 = arith.constant 0 : i32
        %gather3A_1131 = tpu.memref_slice %arg6[%gather3A_1129, %gather3A_1130] : memref<2x25600xi32, #tpu.memory_space<vmem>> -> memref<1x25600xi32, #tpu.memory_space<vmem>>
        %gather3A_1132 = tpu.memref_squeeze %gather3A_1131 : memref<1x25600xi32, #tpu.memory_space<vmem>> -> memref<25600xi32, #tpu.memory_space<vmem>>
        %gather3A_1133 = tpu.vector_load_idx %gather3A_1132[%add3A_1128] : memref<25600xi32, #tpu.memory_space<vmem>>[vector<16xi32>], vector<16xi32>,
        %gather3A_1134 = tpu.vector_load_idx %arg5[%gather3A_1133] : memref<40000xf32, #tpu.memory_space<vmem>>[vector<16xi32>], vector<16xf32>,
        %swap3A_1135 = arith.constant 1 : i32
        %swap3A_1136 = arith.constant 0 : i32
        %swap3A_1137 = arith.index_cast %swap3A_1135 : i32 to index
        %swap3A_1138 = arith.index_cast %swap3A_1136 : i32 to index
        %swap3A_1139 = arith.constant 64 : index
        %swap3A_1140 = tpu.vector_load %arg7[%swap3A_1137, %swap3A_1138, %swap3A_1139] {strides = array<i32>} : memref<2x8x128xf32, #tpu.memory_space<vmem>>, vector<16xf32>,
        tpu.vector_store %arg7[%swap3A_1137, %swap3A_1138, %swap3A_1139], %gather3A_1134 {strides = array<i32>} : memref<2x8x128xf32, #tpu.memory_space<vmem>>, vector<16xf32>,
        %add3A_1141 = arith.addi %gather3A_1133, %broadcast_in_dim3A_90 : vector<16xi32>
        %gather3A_1142 = tpu.vector_load_idx %arg5[%add3A_1141] : memref<40000xf32, #tpu.memory_space<vmem>>[vector<16xi32>], vector<16xf32>,
        %swap3A_1143 = arith.constant 1 : i32
        %swap3A_1144 = arith.constant 1 : i32
        %swap3A_1145 = arith.index_cast %swap3A_1143 : i32 to index
        %swap3A_1146 = arith.index_cast %swap3A_1144 : i32 to index
        %swap3A_1147 = arith.constant 64 : index
        %swap3A_1148 = tpu.vector_load %arg7[%swap3A_1145, %swap3A_1146, %swap3A_1147] {strides = array<i32>} : memref<2x8x128xf32, #tpu.memory_space<vmem>>, vector<16xf32>,
        tpu.vector_store %arg7[%swap3A_1145, %swap3A_1146, %swap3A_1147], %gather3A_1142 {strides = array<i32>} : memref<2x8x128xf32, #tpu.memory_space<vmem>>, vector<16xf32>,
        %add3A_1149 = arith.addi %add3A_1141, %broadcast_in_dim3A_90 : vector<16xi32>
        %gather3A_1150 = tpu.vector_load_idx %arg5[%add3A_1149] : memref<40000xf32, #tpu.memory_space<vmem>>[vector<16xi32>], vector<16xf32>,
        %swap3A_1151 = arith.constant 1 : i32
        %swap3A_1152 = arith.constant 2 : i32
        %swap3A_1153 = arith.index_cast %swap3A_1151 : i32 to index
        %swap3A_1154 = arith.index_cast %swap3A_1152 : i32 to index
        %swap3A_1155 = arith.constant 64 : index
        %swap3A_1156 = tpu.vector_load %arg7[%swap3A_1153, %swap3A_1154, %swap3A_1155] {strides = array<i32>} : memref<2x8x128xf32, #tpu.memory_space<vmem>>, vector<16xf32>,
        tpu.vector_store %arg7[%swap3A_1153, %swap3A_1154, %swap3A_1155], %gather3A_1150 {strides = array<i32>} : memref<2x8x128xf32, #tpu.memory_space<vmem>>, vector<16xf32>,
        %add3A_1157 = arith.addi %add3A_1149, %broadcast_in_dim3A_90 : vector<16xi32>
        %gather3A_1158 = tpu.vector_load_idx %arg5[%add3A_1157] : memref<40000xf32, #tpu.memory_space<vmem>>[vector<16xi32>], vector<16xf32>,
        %swap3A_1159 = arith.constant 1 : i32
        %swap3A_1160 = arith.constant 3 : i32
        %swap3A_1161 = arith.index_cast %swap3A_1159 : i32 to index
        %swap3A_1162 = arith.index_cast %swap3A_1160 : i32 to index
        %swap3A_1163 = arith.constant 64 : index
        %swap3A_1164 = tpu.vector_load %arg7[%swap3A_1161, %swap3A_1162, %swap3A_1163] {strides = array<i32>} : memref<2x8x128xf32, #tpu.memory_space<vmem>>, vector<16xf32>,
        tpu.vector_store %arg7[%swap3A_1161, %swap3A_1162, %swap3A_1163], %gather3A_1158 {strides = array<i32>} : memref<2x8x128xf32, #tpu.memory_space<vmem>>, vector<16xf32>,
        %add3A_1165 = arith.addi %add3A_1157, %broadcast_in_dim3A_90 : vector<16xi32>
        %gather3A_1166 = tpu.vector_load_idx %arg5[%add3A_1165] : memref<40000xf32, #tpu.memory_space<vmem>>[vector<16xi32>], vector<16xf32>,
        %swap3A_1167 = arith.constant 1 : i32
        %swap3A_1168 = arith.constant 4 : i32
        %swap3A_1169 = arith.index_cast %swap3A_1167 : i32 to index
        %swap3A_1170 = arith.index_cast %swap3A_1168 : i32 to index
        %swap3A_1171 = arith.constant 64 : index
        %swap3A_1172 = tpu.vector_load %arg7[%swap3A_1169, %swap3A_1170, %swap3A_1171] {strides = array<i32>} : memref<2x8x128xf32, #tpu.memory_space<vmem>>, vector<16xf32>,
        tpu.vector_store %arg7[%swap3A_1169, %swap3A_1170, %swap3A_1171], %gather3A_1166 {strides = array<i32>} : memref<2x8x128xf32, #tpu.memory_space<vmem>>, vector<16xf32>,
        %add3A_1173 = arith.addi %add3A_1165, %broadcast_in_dim3A_90 : vector<16xi32>
        %gather3A_1174 = tpu.vector_load_idx %arg5[%add3A_1173] : memref<40000xf32, #tpu.memory_space<vmem>>[vector<16xi32>], vector<16xf32>,
        %swap3A_1175 = arith.constant 1 : i32
        %swap3A_1176 = arith.constant 5 : i32
        %swap3A_1177 = arith.index_cast %swap3A_1175 : i32 to index
        %swap3A_1178 = arith.index_cast %swap3A_1176 : i32 to index
        %swap3A_1179 = arith.constant 64 : index
        %swap3A_1180 = tpu.vector_load %arg7[%swap3A_1177, %swap3A_1178, %swap3A_1179] {strides = array<i32>} : memref<2x8x128xf32, #tpu.memory_space<vmem>>, vector<16xf32>,
        tpu.vector_store %arg7[%swap3A_1177, %swap3A_1178, %swap3A_1179], %gather3A_1174 {strides = array<i32>} : memref<2x8x128xf32, #tpu.memory_space<vmem>>, vector<16xf32>,
        %add3A_1181 = arith.addi %add3A_1173, %broadcast_in_dim3A_90 : vector<16xi32>
        %gather3A_1182 = tpu.vector_load_idx %arg5[%add3A_1181] : memref<40000xf32, #tpu.memory_space<vmem>>[vector<16xi32>], vector<16xf32>,
        %swap3A_1183 = arith.constant 1 : i32
        %swap3A_1184 = arith.constant 6 : i32
        %swap3A_1185 = arith.index_cast %swap3A_1183 : i32 to index
        %swap3A_1186 = arith.index_cast %swap3A_1184 : i32 to index
        %swap3A_1187 = arith.constant 64 : index
        %swap3A_1188 = tpu.vector_load %arg7[%swap3A_1185, %swap3A_1186, %swap3A_1187] {strides = array<i32>} : memref<2x8x128xf32, #tpu.memory_space<vmem>>, vector<16xf32>,
        tpu.vector_store %arg7[%swap3A_1185, %swap3A_1186, %swap3A_1187], %gather3A_1182 {strides = array<i32>} : memref<2x8x128xf32, #tpu.memory_space<vmem>>, vector<16xf32>,
        %add3A_1189 = arith.addi %add3A_1181, %broadcast_in_dim3A_90 : vector<16xi32>
        %gather3A_1190 = tpu.vector_load_idx %arg5[%add3A_1189] : memref<40000xf32, #tpu.memory_space<vmem>>[vector<16xi32>], vector<16xf32>,
        %swap3A_1191 = arith.constant 1 : i32
        %swap3A_1192 = arith.constant 7 : i32
        %swap3A_1193 = arith.index_cast %swap3A_1191 : i32 to index
        %swap3A_1194 = arith.index_cast %swap3A_1192 : i32 to index
        %swap3A_1195 = arith.constant 64 : index
        %swap3A_1196 = tpu.vector_load %arg7[%swap3A_1193, %swap3A_1194, %swap3A_1195] {strides = array<i32>} : memref<2x8x128xf32, #tpu.memory_space<vmem>>, vector<16xf32>,
        tpu.vector_store %arg7[%swap3A_1193, %swap3A_1194, %swap3A_1195], %gather3A_1190 {strides = array<i32>} : memref<2x8x128xf32, #tpu.memory_space<vmem>>, vector<16xf32>,
        %add3A_1197 = arith.addi %mul3A_75, %broadcast_in_dim3A_851 : vector<16xi32>
        %gather3A_1198 = arith.constant 0 : i32
        %gather3A_1199 = arith.constant 0 : i32
        %gather3A_1200 = tpu.memref_slice %arg6[%gather3A_1198, %gather3A_1199] : memref<2x25600xi32, #tpu.memory_space<vmem>> -> memref<1x25600xi32, #tpu.memory_space<vmem>>
        %gather3A_1201 = tpu.memref_squeeze %gather3A_1200 : memref<1x25600xi32, #tpu.memory_space<vmem>> -> memref<25600xi32, #tpu.memory_space<vmem>>
        %gather3A_1202 = tpu.vector_load_idx %gather3A_1201[%add3A_1197] : memref<25600xi32, #tpu.memory_space<vmem>>[vector<16xi32>], vector<16xi32>,
        %gather3A_1203 = tpu.vector_load_idx %arg5[%gather3A_1202] : memref<40000xf32, #tpu.memory_space<vmem>>[vector<16xi32>], vector<16xf32>,
        %swap3A_1204 = arith.constant 1 : i32
        %swap3A_1205 = arith.constant 0 : i32
        %swap3A_1206 = arith.index_cast %swap3A_1204 : i32 to index
        %swap3A_1207 = arith.index_cast %swap3A_1205 : i32 to index
        %swap3A_1208 = arith.constant 80 : index
        %swap3A_1209 = tpu.vector_load %arg7[%swap3A_1206, %swap3A_1207, %swap3A_1208] {strides = array<i32>} : memref<2x8x128xf32, #tpu.memory_space<vmem>>, vector<16xf32>,
        tpu.vector_store %arg7[%swap3A_1206, %swap3A_1207, %swap3A_1208], %gather3A_1203 {strides = array<i32>} : memref<2x8x128xf32, #tpu.memory_space<vmem>>, vector<16xf32>,
        %add3A_1210 = arith.addi %gather3A_1202, %broadcast_in_dim3A_90 : vector<16xi32>
        %gather3A_1211 = tpu.vector_load_idx %arg5[%add3A_1210] : memref<40000xf32, #tpu.memory_space<vmem>>[vector<16xi32>], vector<16xf32>,
        %swap3A_1212 = arith.constant 1 : i32
        %swap3A_1213 = arith.constant 1 : i32
        %swap3A_1214 = arith.index_cast %swap3A_1212 : i32 to index
        %swap3A_1215 = arith.index_cast %swap3A_1213 : i32 to index
        %swap3A_1216 = arith.constant 80 : index
        %swap3A_1217 = tpu.vector_load %arg7[%swap3A_1214, %swap3A_1215, %swap3A_1216] {strides = array<i32>} : memref<2x8x128xf32, #tpu.memory_space<vmem>>, vector<16xf32>,
        tpu.vector_store %arg7[%swap3A_1214, %swap3A_1215, %swap3A_1216], %gather3A_1211 {strides = array<i32>} : memref<2x8x128xf32, #tpu.memory_space<vmem>>, vector<16xf32>,
        %add3A_1218 = arith.addi %add3A_1210, %broadcast_in_dim3A_90 : vector<16xi32>
        %gather3A_1219 = tpu.vector_load_idx %arg5[%add3A_1218] : memref<40000xf32, #tpu.memory_space<vmem>>[vector<16xi32>], vector<16xf32>,
        %swap3A_1220 = arith.constant 1 : i32
        %swap3A_1221 = arith.constant 2 : i32
        %swap3A_1222 = arith.index_cast %swap3A_1220 : i32 to index
        %swap3A_1223 = arith.index_cast %swap3A_1221 : i32 to index
        %swap3A_1224 = arith.constant 80 : index
        %swap3A_1225 = tpu.vector_load %arg7[%swap3A_1222, %swap3A_1223, %swap3A_1224] {strides = array<i32>} : memref<2x8x128xf32, #tpu.memory_space<vmem>>, vector<16xf32>,
        tpu.vector_store %arg7[%swap3A_1222, %swap3A_1223, %swap3A_1224], %gather3A_1219 {strides = array<i32>} : memref<2x8x128xf32, #tpu.memory_space<vmem>>, vector<16xf32>,
        %add3A_1226 = arith.addi %add3A_1218, %broadcast_in_dim3A_90 : vector<16xi32>
        %gather3A_1227 = tpu.vector_load_idx %arg5[%add3A_1226] : memref<40000xf32, #tpu.memory_space<vmem>>[vector<16xi32>], vector<16xf32>,
        %swap3A_1228 = arith.constant 1 : i32
        %swap3A_1229 = arith.constant 3 : i32
        %swap3A_1230 = arith.index_cast %swap3A_1228 : i32 to index
        %swap3A_1231 = arith.index_cast %swap3A_1229 : i32 to index
        %swap3A_1232 = arith.constant 80 : index
        %swap3A_1233 = tpu.vector_load %arg7[%swap3A_1230, %swap3A_1231, %swap3A_1232] {strides = array<i32>} : memref<2x8x128xf32, #tpu.memory_space<vmem>>, vector<16xf32>,
        tpu.vector_store %arg7[%swap3A_1230, %swap3A_1231, %swap3A_1232], %gather3A_1227 {strides = array<i32>} : memref<2x8x128xf32, #tpu.memory_space<vmem>>, vector<16xf32>,
        %add3A_1234 = arith.addi %add3A_1226, %broadcast_in_dim3A_90 : vector<16xi32>
        %gather3A_1235 = tpu.vector_load_idx %arg5[%add3A_1234] : memref<40000xf32, #tpu.memory_space<vmem>>[vector<16xi32>], vector<16xf32>,
        %swap3A_1236 = arith.constant 1 : i32
        %swap3A_1237 = arith.constant 4 : i32
        %swap3A_1238 = arith.index_cast %swap3A_1236 : i32 to index
        %swap3A_1239 = arith.index_cast %swap3A_1237 : i32 to index
        %swap3A_1240 = arith.constant 80 : index
        %swap3A_1241 = tpu.vector_load %arg7[%swap3A_1238, %swap3A_1239, %swap3A_1240] {strides = array<i32>} : memref<2x8x128xf32, #tpu.memory_space<vmem>>, vector<16xf32>,
        tpu.vector_store %arg7[%swap3A_1238, %swap3A_1239, %swap3A_1240], %gather3A_1235 {strides = array<i32>} : memref<2x8x128xf32, #tpu.memory_space<vmem>>, vector<16xf32>,
        %add3A_1242 = arith.addi %add3A_1234, %broadcast_in_dim3A_90 : vector<16xi32>
        %gather3A_1243 = tpu.vector_load_idx %arg5[%add3A_1242] : memref<40000xf32, #tpu.memory_space<vmem>>[vector<16xi32>], vector<16xf32>,
        %swap3A_1244 = arith.constant 1 : i32
        %swap3A_1245 = arith.constant 5 : i32
        %swap3A_1246 = arith.index_cast %swap3A_1244 : i32 to index
        %swap3A_1247 = arith.index_cast %swap3A_1245 : i32 to index
        %swap3A_1248 = arith.constant 80 : index
        %swap3A_1249 = tpu.vector_load %arg7[%swap3A_1246, %swap3A_1247, %swap3A_1248] {strides = array<i32>} : memref<2x8x128xf32, #tpu.memory_space<vmem>>, vector<16xf32>,
        tpu.vector_store %arg7[%swap3A_1246, %swap3A_1247, %swap3A_1248], %gather3A_1243 {strides = array<i32>} : memref<2x8x128xf32, #tpu.memory_space<vmem>>, vector<16xf32>,
        %add3A_1250 = arith.addi %add3A_1242, %broadcast_in_dim3A_90 : vector<16xi32>
        %gather3A_1251 = tpu.vector_load_idx %arg5[%add3A_1250] : memref<40000xf32, #tpu.memory_space<vmem>>[vector<16xi32>], vector<16xf32>,
        %swap3A_1252 = arith.constant 1 : i32
        %swap3A_1253 = arith.constant 6 : i32
        %swap3A_1254 = arith.index_cast %swap3A_1252 : i32 to index
        %swap3A_1255 = arith.index_cast %swap3A_1253 : i32 to index
        %swap3A_1256 = arith.constant 80 : index
        %swap3A_1257 = tpu.vector_load %arg7[%swap3A_1254, %swap3A_1255, %swap3A_1256] {strides = array<i32>} : memref<2x8x128xf32, #tpu.memory_space<vmem>>, vector<16xf32>,
        tpu.vector_store %arg7[%swap3A_1254, %swap3A_1255, %swap3A_1256], %gather3A_1251 {strides = array<i32>} : memref<2x8x128xf32, #tpu.memory_space<vmem>>, vector<16xf32>,
        %add3A_1258 = arith.addi %add3A_1250, %broadcast_in_dim3A_90 : vector<16xi32>
        %gather3A_1259 = tpu.vector_load_idx %arg5[%add3A_1258] : memref<40000xf32, #tpu.memory_space<vmem>>[vector<16xi32>], vector<16xf32>,
        %swap3A_1260 = arith.constant 1 : i32
        %swap3A_1261 = arith.constant 7 : i32
        %swap3A_1262 = arith.index_cast %swap3A_1260 : i32 to index
        %swap3A_1263 = arith.index_cast %swap3A_1261 : i32 to index
        %swap3A_1264 = arith.constant 80 : index
        %swap3A_1265 = tpu.vector_load %arg7[%swap3A_1262, %swap3A_1263, %swap3A_1264] {strides = array<i32>} : memref<2x8x128xf32, #tpu.memory_space<vmem>>, vector<16xf32>,
        tpu.vector_store %arg7[%swap3A_1262, %swap3A_1263, %swap3A_1264], %gather3A_1259 {strides = array<i32>} : memref<2x8x128xf32, #tpu.memory_space<vmem>>, vector<16xf32>,
        %add3A_1266 = arith.addi %mul3A_82, %broadcast_in_dim3A_851 : vector<16xi32>
        %gather3A_1267 = arith.constant 0 : i32
        %gather3A_1268 = arith.constant 0 : i32
        %gather3A_1269 = tpu.memref_slice %arg6[%gather3A_1267, %gather3A_1268] : memref<2x25600xi32, #tpu.memory_space<vmem>> -> memref<1x25600xi32, #tpu.memory_space<vmem>>
        %gather3A_1270 = tpu.memref_squeeze %gather3A_1269 : memref<1x25600xi32, #tpu.memory_space<vmem>> -> memref<25600xi32, #tpu.memory_space<vmem>>
        %gather3A_1271 = tpu.vector_load_idx %gather3A_1270[%add3A_1266] : memref<25600xi32, #tpu.memory_space<vmem>>[vector<16xi32>], vector<16xi32>,
        %gather3A_1272 = tpu.vector_load_idx %arg5[%gather3A_1271] : memref<40000xf32, #tpu.memory_space<vmem>>[vector<16xi32>], vector<16xf32>,
        %swap3A_1273 = arith.constant 1 : i32
        %swap3A_1274 = arith.constant 0 : i32
        %swap3A_1275 = arith.index_cast %swap3A_1273 : i32 to index
        %swap3A_1276 = arith.index_cast %swap3A_1274 : i32 to index
        %swap3A_1277 = arith.constant 96 : index
        %swap3A_1278 = tpu.vector_load %arg7[%swap3A_1275, %swap3A_1276, %swap3A_1277] {strides = array<i32>} : memref<2x8x128xf32, #tpu.memory_space<vmem>>, vector<16xf32>,
        tpu.vector_store %arg7[%swap3A_1275, %swap3A_1276, %swap3A_1277], %gather3A_1272 {strides = array<i32>} : memref<2x8x128xf32, #tpu.memory_space<vmem>>, vector<16xf32>,
        %add3A_1279 = arith.addi %gather3A_1271, %broadcast_in_dim3A_90 : vector<16xi32>
        %gather3A_1280 = tpu.vector_load_idx %arg5[%add3A_1279] : memref<40000xf32, #tpu.memory_space<vmem>>[vector<16xi32>], vector<16xf32>,
        %swap3A_1281 = arith.constant 1 : i32
        %swap3A_1282 = arith.constant 1 : i32
        %swap3A_1283 = arith.index_cast %swap3A_1281 : i32 to index
        %swap3A_1284 = arith.index_cast %swap3A_1282 : i32 to index
        %swap3A_1285 = arith.constant 96 : index
        %swap3A_1286 = tpu.vector_load %arg7[%swap3A_1283, %swap3A_1284, %swap3A_1285] {strides = array<i32>} : memref<2x8x128xf32, #tpu.memory_space<vmem>>, vector<16xf32>,
        tpu.vector_store %arg7[%swap3A_1283, %swap3A_1284, %swap3A_1285], %gather3A_1280 {strides = array<i32>} : memref<2x8x128xf32, #tpu.memory_space<vmem>>, vector<16xf32>,
        %add3A_1287 = arith.addi %add3A_1279, %broadcast_in_dim3A_90 : vector<16xi32>
        %gather3A_1288 = tpu.vector_load_idx %arg5[%add3A_1287] : memref<40000xf32, #tpu.memory_space<vmem>>[vector<16xi32>], vector<16xf32>,
        %swap3A_1289 = arith.constant 1 : i32
        %swap3A_1290 = arith.constant 2 : i32
        %swap3A_1291 = arith.index_cast %swap3A_1289 : i32 to index
        %swap3A_1292 = arith.index_cast %swap3A_1290 : i32 to index
        %swap3A_1293 = arith.constant 96 : index
        %swap3A_1294 = tpu.vector_load %arg7[%swap3A_1291, %swap3A_1292, %swap3A_1293] {strides = array<i32>} : memref<2x8x128xf32, #tpu.memory_space<vmem>>, vector<16xf32>,
        tpu.vector_store %arg7[%swap3A_1291, %swap3A_1292, %swap3A_1293], %gather3A_1288 {strides = array<i32>} : memref<2x8x128xf32, #tpu.memory_space<vmem>>, vector<16xf32>,
        %add3A_1295 = arith.addi %add3A_1287, %broadcast_in_dim3A_90 : vector<16xi32>
        %gather3A_1296 = tpu.vector_load_idx %arg5[%add3A_1295] : memref<40000xf32, #tpu.memory_space<vmem>>[vector<16xi32>], vector<16xf32>,
        %swap3A_1297 = arith.constant 1 : i32
        %swap3A_1298 = arith.constant 3 : i32
        %swap3A_1299 = arith.index_cast %swap3A_1297 : i32 to index
        %swap3A_1300 = arith.index_cast %swap3A_1298 : i32 to index
        %swap3A_1301 = arith.constant 96 : index
        %swap3A_1302 = tpu.vector_load %arg7[%swap3A_1299, %swap3A_1300, %swap3A_1301] {strides = array<i32>} : memref<2x8x128xf32, #tpu.memory_space<vmem>>, vector<16xf32>,
        tpu.vector_store %arg7[%swap3A_1299, %swap3A_1300, %swap3A_1301], %gather3A_1296 {strides = array<i32>} : memref<2x8x128xf32, #tpu.memory_space<vmem>>, vector<16xf32>,
        %add3A_1303 = arith.addi %add3A_1295, %broadcast_in_dim3A_90 : vector<16xi32>
        %gather3A_1304 = tpu.vector_load_idx %arg5[%add3A_1303] : memref<40000xf32, #tpu.memory_space<vmem>>[vector<16xi32>], vector<16xf32>,
        %swap3A_1305 = arith.constant 1 : i32
        %swap3A_1306 = arith.constant 4 : i32
        %swap3A_1307 = arith.index_cast %swap3A_1305 : i32 to index
        %swap3A_1308 = arith.index_cast %swap3A_1306 : i32 to index
        %swap3A_1309 = arith.constant 96 : index
        %swap3A_1310 = tpu.vector_load %arg7[%swap3A_1307, %swap3A_1308, %swap3A_1309] {strides = array<i32>} : memref<2x8x128xf32, #tpu.memory_space<vmem>>, vector<16xf32>,
        tpu.vector_store %arg7[%swap3A_1307, %swap3A_1308, %swap3A_1309], %gather3A_1304 {strides = array<i32>} : memref<2x8x128xf32, #tpu.memory_space<vmem>>, vector<16xf32>,
        %add3A_1311 = arith.addi %add3A_1303, %broadcast_in_dim3A_90 : vector<16xi32>
        %gather3A_1312 = tpu.vector_load_idx %arg5[%add3A_1311] : memref<40000xf32, #tpu.memory_space<vmem>>[vector<16xi32>], vector<16xf32>,
        %swap3A_1313 = arith.constant 1 : i32
        %swap3A_1314 = arith.constant 5 : i32
        %swap3A_1315 = arith.index_cast %swap3A_1313 : i32 to index
        %swap3A_1316 = arith.index_cast %swap3A_1314 : i32 to index
        %swap3A_1317 = arith.constant 96 : index
        %swap3A_1318 = tpu.vector_load %arg7[%swap3A_1315, %swap3A_1316, %swap3A_1317] {strides = array<i32>} : memref<2x8x128xf32, #tpu.memory_space<vmem>>, vector<16xf32>,
        tpu.vector_store %arg7[%swap3A_1315, %swap3A_1316, %swap3A_1317], %gather3A_1312 {strides = array<i32>} : memref<2x8x128xf32, #tpu.memory_space<vmem>>, vector<16xf32>,
        %add3A_1319 = arith.addi %add3A_1311, %broadcast_in_dim3A_90 : vector<16xi32>
        %gather3A_1320 = tpu.vector_load_idx %arg5[%add3A_1319] : memref<40000xf32, #tpu.memory_space<vmem>>[vector<16xi32>], vector<16xf32>,
        %swap3A_1321 = arith.constant 1 : i32
        %swap3A_1322 = arith.constant 6 : i32
        %swap3A_1323 = arith.index_cast %swap3A_1321 : i32 to index
        %swap3A_1324 = arith.index_cast %swap3A_1322 : i32 to index
        %swap3A_1325 = arith.constant 96 : index
        %swap3A_1326 = tpu.vector_load %arg7[%swap3A_1323, %swap3A_1324, %swap3A_1325] {strides = array<i32>} : memref<2x8x128xf32, #tpu.memory_space<vmem>>, vector<16xf32>,
        tpu.vector_store %arg7[%swap3A_1323, %swap3A_1324, %swap3A_1325], %gather3A_1320 {strides = array<i32>} : memref<2x8x128xf32, #tpu.memory_space<vmem>>, vector<16xf32>,
        %add3A_1327 = arith.addi %add3A_1319, %broadcast_in_dim3A_90 : vector<16xi32>
        %gather3A_1328 = tpu.vector_load_idx %arg5[%add3A_1327] : memref<40000xf32, #tpu.memory_space<vmem>>[vector<16xi32>], vector<16xf32>,
        %swap3A_1329 = arith.constant 1 : i32
        %swap3A_1330 = arith.constant 7 : i32
        %swap3A_1331 = arith.index_cast %swap3A_1329 : i32 to index
        %swap3A_1332 = arith.index_cast %swap3A_1330 : i32 to index
        %swap3A_1333 = arith.constant 96 : index
        %swap3A_1334 = tpu.vector_load %arg7[%swap3A_1331, %swap3A_1332, %swap3A_1333] {strides = array<i32>} : memref<2x8x128xf32, #tpu.memory_space<vmem>>, vector<16xf32>,
        tpu.vector_store %arg7[%swap3A_1331, %swap3A_1332, %swap3A_1333], %gather3A_1328 {strides = array<i32>} : memref<2x8x128xf32, #tpu.memory_space<vmem>>, vector<16xf32>,
        %add3A_1335 = arith.addi %mul3A_89, %broadcast_in_dim3A_851 : vector<16xi32>
        %gather3A_1336 = arith.constant 0 : i32
        %gather3A_1337 = arith.constant 0 : i32
        %gather3A_1338 = tpu.memref_slice %arg6[%gather3A_1336, %gather3A_1337] : memref<2x25600xi32, #tpu.memory_space<vmem>> -> memref<1x25600xi32, #tpu.memory_space<vmem>>
        %gather3A_1339 = tpu.memref_squeeze %gather3A_1338 : memref<1x25600xi32, #tpu.memory_space<vmem>> -> memref<25600xi32, #tpu.memory_space<vmem>>
        %gather3A_1340 = tpu.vector_load_idx %gather3A_1339[%add3A_1335] : memref<25600xi32, #tpu.memory_space<vmem>>[vector<16xi32>], vector<16xi32>,
        %gather3A_1341 = tpu.vector_load_idx %arg5[%gather3A_1340] : memref<40000xf32, #tpu.memory_space<vmem>>[vector<16xi32>], vector<16xf32>,
        %swap3A_1342 = arith.constant 1 : i32
        %swap3A_1343 = arith.constant 0 : i32
        %swap3A_1344 = arith.index_cast %swap3A_1342 : i32 to index
        %swap3A_1345 = arith.index_cast %swap3A_1343 : i32 to index
        %swap3A_1346 = arith.constant 112 : index
        %swap3A_1347 = tpu.vector_load %arg7[%swap3A_1344, %swap3A_1345, %swap3A_1346] {strides = array<i32>} : memref<2x8x128xf32, #tpu.memory_space<vmem>>, vector<16xf32>,
        tpu.vector_store %arg7[%swap3A_1344, %swap3A_1345, %swap3A_1346], %gather3A_1341 {strides = array<i32>} : memref<2x8x128xf32, #tpu.memory_space<vmem>>, vector<16xf32>,
        %add3A_1348 = arith.addi %gather3A_1340, %broadcast_in_dim3A_90 : vector<16xi32>
        %gather3A_1349 = tpu.vector_load_idx %arg5[%add3A_1348] : memref<40000xf32, #tpu.memory_space<vmem>>[vector<16xi32>], vector<16xf32>,
        %swap3A_1350 = arith.constant 1 : i32
        %swap3A_1351 = arith.constant 1 : i32
        %swap3A_1352 = arith.index_cast %swap3A_1350 : i32 to index
        %swap3A_1353 = arith.index_cast %swap3A_1351 : i32 to index
        %swap3A_1354 = arith.constant 112 : index
        %swap3A_1355 = tpu.vector_load %arg7[%swap3A_1352, %swap3A_1353, %swap3A_1354] {strides = array<i32>} : memref<2x8x128xf32, #tpu.memory_space<vmem>>, vector<16xf32>,
        tpu.vector_store %arg7[%swap3A_1352, %swap3A_1353, %swap3A_1354], %gather3A_1349 {strides = array<i32>} : memref<2x8x128xf32, #tpu.memory_space<vmem>>, vector<16xf32>,
        %add3A_1356 = arith.addi %add3A_1348, %broadcast_in_dim3A_90 : vector<16xi32>
        %gather3A_1357 = tpu.vector_load_idx %arg5[%add3A_1356] : memref<40000xf32, #tpu.memory_space<vmem>>[vector<16xi32>], vector<16xf32>,
        %swap3A_1358 = arith.constant 1 : i32
        %swap3A_1359 = arith.constant 2 : i32
        %swap3A_1360 = arith.index_cast %swap3A_1358 : i32 to index
        %swap3A_1361 = arith.index_cast %swap3A_1359 : i32 to index
        %swap3A_1362 = arith.constant 112 : index
        %swap3A_1363 = tpu.vector_load %arg7[%swap3A_1360, %swap3A_1361, %swap3A_1362] {strides = array<i32>} : memref<2x8x128xf32, #tpu.memory_space<vmem>>, vector<16xf32>,
        tpu.vector_store %arg7[%swap3A_1360, %swap3A_1361, %swap3A_1362], %gather3A_1357 {strides = array<i32>} : memref<2x8x128xf32, #tpu.memory_space<vmem>>, vector<16xf32>,
        %add3A_1364 = arith.addi %add3A_1356, %broadcast_in_dim3A_90 : vector<16xi32>
        %gather3A_1365 = tpu.vector_load_idx %arg5[%add3A_1364] : memref<40000xf32, #tpu.memory_space<vmem>>[vector<16xi32>], vector<16xf32>,
        %swap3A_1366 = arith.constant 1 : i32
        %swap3A_1367 = arith.constant 3 : i32
        %swap3A_1368 = arith.index_cast %swap3A_1366 : i32 to index
        %swap3A_1369 = arith.index_cast %swap3A_1367 : i32 to index
        %swap3A_1370 = arith.constant 112 : index
        %swap3A_1371 = tpu.vector_load %arg7[%swap3A_1368, %swap3A_1369, %swap3A_1370] {strides = array<i32>} : memref<2x8x128xf32, #tpu.memory_space<vmem>>, vector<16xf32>,
        tpu.vector_store %arg7[%swap3A_1368, %swap3A_1369, %swap3A_1370], %gather3A_1365 {strides = array<i32>} : memref<2x8x128xf32, #tpu.memory_space<vmem>>, vector<16xf32>,
        %add3A_1372 = arith.addi %add3A_1364, %broadcast_in_dim3A_90 : vector<16xi32>
        %gather3A_1373 = tpu.vector_load_idx %arg5[%add3A_1372] : memref<40000xf32, #tpu.memory_space<vmem>>[vector<16xi32>], vector<16xf32>,
        %swap3A_1374 = arith.constant 1 : i32
        %swap3A_1375 = arith.constant 4 : i32
        %swap3A_1376 = arith.index_cast %swap3A_1374 : i32 to index
        %swap3A_1377 = arith.index_cast %swap3A_1375 : i32 to index
        %swap3A_1378 = arith.constant 112 : index
        %swap3A_1379 = tpu.vector_load %arg7[%swap3A_1376, %swap3A_1377, %swap3A_1378] {strides = array<i32>} : memref<2x8x128xf32, #tpu.memory_space<vmem>>, vector<16xf32>,
        tpu.vector_store %arg7[%swap3A_1376, %swap3A_1377, %swap3A_1378], %gather3A_1373 {strides = array<i32>} : memref<2x8x128xf32, #tpu.memory_space<vmem>>, vector<16xf32>,
        %add3A_1380 = arith.addi %add3A_1372, %broadcast_in_dim3A_90 : vector<16xi32>
        %gather3A_1381 = tpu.vector_load_idx %arg5[%add3A_1380] : memref<40000xf32, #tpu.memory_space<vmem>>[vector<16xi32>], vector<16xf32>,
        %swap3A_1382 = arith.constant 1 : i32
        %swap3A_1383 = arith.constant 5 : i32
        %swap3A_1384 = arith.index_cast %swap3A_1382 : i32 to index
        %swap3A_1385 = arith.index_cast %swap3A_1383 : i32 to index
        %swap3A_1386 = arith.constant 112 : index
        %swap3A_1387 = tpu.vector_load %arg7[%swap3A_1384, %swap3A_1385, %swap3A_1386] {strides = array<i32>} : memref<2x8x128xf32, #tpu.memory_space<vmem>>, vector<16xf32>,
        tpu.vector_store %arg7[%swap3A_1384, %swap3A_1385, %swap3A_1386], %gather3A_1381 {strides = array<i32>} : memref<2x8x128xf32, #tpu.memory_space<vmem>>, vector<16xf32>,
        %add3A_1388 = arith.addi %add3A_1380, %broadcast_in_dim3A_90 : vector<16xi32>
        %gather3A_1389 = tpu.vector_load_idx %arg5[%add3A_1388] : memref<40000xf32, #tpu.memory_space<vmem>>[vector<16xi32>], vector<16xf32>,
        %swap3A_1390 = arith.constant 1 : i32
        %swap3A_1391 = arith.constant 6 : i32
        %swap3A_1392 = arith.index_cast %swap3A_1390 : i32 to index
        %swap3A_1393 = arith.index_cast %swap3A_1391 : i32 to index
        %swap3A_1394 = arith.constant 112 : index
        %swap3A_1395 = tpu.vector_load %arg7[%swap3A_1392, %swap3A_1393, %swap3A_1394] {strides = array<i32>} : memref<2x8x128xf32, #tpu.memory_space<vmem>>, vector<16xf32>,
        tpu.vector_store %arg7[%swap3A_1392, %swap3A_1393, %swap3A_1394], %gather3A_1389 {strides = array<i32>} : memref<2x8x128xf32, #tpu.memory_space<vmem>>, vector<16xf32>,
        %add3A_1396 = arith.addi %add3A_1388, %broadcast_in_dim3A_90 : vector<16xi32>
        %gather3A_1397 = tpu.vector_load_idx %arg5[%add3A_1396] : memref<40000xf32, #tpu.memory_space<vmem>>[vector<16xi32>], vector<16xf32>,
        %swap3A_1398 = arith.constant 1 : i32
        %swap3A_1399 = arith.constant 7 : i32
        %swap3A_1400 = arith.index_cast %swap3A_1398 : i32 to index
        %swap3A_1401 = arith.index_cast %swap3A_1399 : i32 to index
        %swap3A_1402 = arith.constant 112 : index
        %swap3A_1403 = tpu.vector_load %arg7[%swap3A_1400, %swap3A_1401, %swap3A_1402] {strides = array<i32>} : memref<2x8x128xf32, #tpu.memory_space<vmem>>, vector<16xf32>,
        tpu.vector_store %arg7[%swap3A_1400, %swap3A_1401, %swap3A_1402], %gather3A_1397 {strides = array<i32>} : memref<2x8x128xf32, #tpu.memory_space<vmem>>, vector<16xf32>,
        %dma_start3A_1404 = arith.constant 1 : i32
        %dma_start3A_1405 = arith.constant 0 : i32
        %dma_start3A_1406 = arith.constant 0 : i32
        %dma_start3A_1407 = tpu.memref_slice %arg7[%dma_start3A_1404, %dma_start3A_1405, %dma_start3A_1406] : memref<2x8x128xf32, #tpu.memory_space<vmem>> -> memref<1x8x128xf32, #tpu.memory_space<vmem>>
        %dma_start3A_1408 = tpu.memref_squeeze %dma_start3A_1407 : memref<1x8x128xf32, #tpu.memory_space<vmem>> -> memref<8x128xf32, #tpu.memory_space<vmem>>
        %dma_start3A_1409 = arith.constant 0 : i32
        %dma_start3A_1410 = arith.constant 0 : i32
        %dma_start3A_1411 = tpu.memref_slice %arg4[%add3A_842, %select_n3A_9, %add3A_191, %dma_start3A_1409, %dma_start3A_1410] : memref<200x8x128x8x128xf32, #tpu.memory_space<hbm>> -> memref<1x1x1x8x128xf32, #tpu.memory_space<hbm>>
        %dma_start3A_1412 = tpu.memref_squeeze %dma_start3A_1411 : memref<1x1x1x8x128xf32, #tpu.memory_space<hbm>> -> memref<8x128xf32, #tpu.memory_space<hbm>>
        %dma_start3A_1413 = arith.constant 0 : i32
        %dma_start3A_1414 = arith.constant 0 : i32
        %dma_start3A_1415 = tpu.memref_slice %arg4[%add3A_842, %select_n3A_9, %add3A_191, %dma_start3A_1413, %dma_start3A_1414] : memref<200x8x128x8x128xf32, #tpu.memory_space<hbm>> -> memref<1x1x1x8x128xf32, #tpu.memory_space<hbm>>
        %dma_start3A_1416 = tpu.memref_squeeze %dma_start3A_1415 : memref<1x1x1x8x128xf32, #tpu.memory_space<hbm>> -> memref<8x128xf32, #tpu.memory_space<hbm>>
        %dma_start3A_1417 = arith.constant 0 : i32
        %dma_start3A_1418 = arith.constant 0 : i32
        %dma_start3A_1419 = tpu.memref_slice %arg7[%dma_start3A_1404, %dma_start3A_1417, %dma_start3A_1418] : memref<2x8x128xf32, #tpu.memory_space<vmem>> -> memref<1x8x128xf32, #tpu.memory_space<vmem>>
        %dma_start3A_1420 = tpu.memref_squeeze %dma_start3A_1419 : memref<1x8x128xf32, #tpu.memory_space<vmem>> -> memref<8x128xf32, #tpu.memory_space<vmem>>
        tpu.enqueue_dma source(%dma_start3A_1420 : memref<8x128xf32, #tpu.memory_space<vmem>>) target(%dma_start3A_1416 : memref<8x128xf32, #tpu.memory_space<hbm>>) target_semaphore(%arg11 : memref<!tpu.dma_semaphore, #tpu.memory_space<semaphore_mem>>)
      }
      %scan3A_208 = arith.constant 100 : i32
      %add3A_209 = arith.constant 2 : i32
      %add3A_210 = arith.addi %add3A_190, %add3A_209 : i32
      %min3A = arith.constant 31 : i32
      %min3A_211 = arith.minsi %add3A_210, %min3A : i32
      %add3A_212 = arith.addi %mul3A_32, %min3A_211 : i32
      %mul3A_213 = arith.constant 25600 : i32
      %mul3A_214 = arith.muli %add3A_212, %mul3A_213 : i32
      %dma_start3A_215 = arith.constant 0 : i32
      %dma_start3A_216 = arith.constant 0 : i32
      %dma_start3A_217 = tpu.memref_slice %arg6[%dma_start3A_215, %dma_start3A_216] : memref<2x25600xi32, #tpu.memory_space<vmem>> -> memref<1x25600xi32, #tpu.memory_space<vmem>>
      %dma_start3A_218 = tpu.memref_squeeze %dma_start3A_217 : memref<1x25600xi32, #tpu.memory_space<vmem>> -> memref<25600xi32, #tpu.memory_space<vmem>>
      %dma_start3A_219 = tpu.memref_slice %arg3[%mul3A_214] : memref<3276800xi32, #tpu.memory_space<hbm>> -> memref<25600xi32, #tpu.memory_space<hbm>>
      %dma_start3A_220 = arith.constant 0 : i32
      %dma_start3A_221 = tpu.memref_slice %arg6[%dma_start3A_215, %dma_start3A_220] : memref<2x25600xi32, #tpu.memory_space<vmem>> -> memref<1x25600xi32, #tpu.memory_space<vmem>>
      %dma_start3A_222 = tpu.memref_squeeze %dma_start3A_221 : memref<1x25600xi32, #tpu.memory_space<vmem>> -> memref<25600xi32, #tpu.memory_space<vmem>>
      %dma_start3A_223 = tpu.memref_slice %arg3[%mul3A_214] : memref<3276800xi32, #tpu.memory_space<hbm>> -> memref<25600xi32, #tpu.memory_space<hbm>>
      tpu.enqueue_dma source(%dma_start3A_223 : memref<25600xi32, #tpu.memory_space<hbm>>) target(%dma_start3A_222 : memref<25600xi32, #tpu.memory_space<vmem>>) target_semaphore(%arg8 : memref<!tpu.dma_semaphore, #tpu.memory_space<semaphore_mem>>)
      %mul3A_224 = arith.constant 2 : i32
      %mul3A_225 = arith.muli %scan3A_186, %mul3A_224 : i32
      %add3A_226 = arith.constant 1 : i32
      %add3A_227 = arith.addi %mul3A_225, %add3A_226 : i32
      %add3A_228 = arith.addi %mul3A_32, %add3A_227 : i32
      %mul3A_229 = arith.constant 25600 : i32
      %mul3A_230 = arith.muli %add3A_228, %mul3A_229 : i32
      %dma_wait3A_231 = arith.constant 1 : i32
      %dma_wait3A_232 = arith.constant 0 : i32
      %dma_wait3A_233 = tpu.memref_slice %arg6[%dma_wait3A_231, %dma_wait3A_232] : memref<2x25600xi32, #tpu.memory_space<vmem>> -> memref<1x25600xi32, #tpu.memory_space<vmem>>
      %dma_wait3A_234 = tpu.memref_squeeze %dma_wait3A_233 : memref<1x25600xi32, #tpu.memory_space<vmem>> -> memref<25600xi32, #tpu.memory_space<vmem>>
      %dma_wait3A_235 = tpu.memref_slice %arg3[%mul3A_230] : memref<3276800xi32, #tpu.memory_space<hbm>> -> memref<25600xi32, #tpu.memory_space<hbm>>
      %dma_wait3A_236 = arith.constant 0 : i32
      %dma_wait3A_237 = tpu.memref_slice %arg6[%dma_wait3A_231, %dma_wait3A_236] : memref<2x25600xi32, #tpu.memory_space<vmem>> -> memref<1x25600xi32, #tpu.memory_space<vmem>>
      %dma_wait3A_238 = tpu.memref_squeeze %dma_wait3A_237 : memref<1x25600xi32, #tpu.memory_space<vmem>> -> memref<25600xi32, #tpu.memory_space<vmem>>
      %dma_wait3A_239 = tpu.memref_slice %arg3[%mul3A_230] : memref<3276800xi32, #tpu.memory_space<hbm>> -> memref<25600xi32, #tpu.memory_space<hbm>>
      tpu.wait_dma2 semaphore(%arg9 : memref<!tpu.dma_semaphore, #tpu.memory_space<semaphore_mem>>) src(%dma_wait3A_239 : memref<25600xi32, #tpu.memory_space<hbm>>) dst(%dma_wait3A_238 : memref<25600xi32, #tpu.memory_space<vmem>>)
      %scan3A_240 = arith.constant 0 : i32
      %scan3A_241 = arith.constant 0 : i32
      %scan3A_242 = arith.constant 100 : i32
      %scan3A_243 = arith.addi %scan3A_241, %scan3A_242 : i32
      %scan3A_244 = arith.constant 1 : i32
      scf.for %scan3A_262 = %scan3A_241 to %scan3A_243 step %scan3A_244  : i32 {
        %mul3A_263 = arith.constant 2 : i32
        %mul3A_264 = arith.muli %scan3A_262, %mul3A_263 : i32
        %add3A_265 = arith.constant 0 : i32
        %add3A_266 = arith.addi %mul3A_264, %add3A_265 : i32
        %gt3A = arith.constant 0 : i32
        %gt3A_267 = arith.cmpi sgt, %add3A_227, %gt3A : i32
        %gt3A_268 = arith.constant 0 : i32
        %gt3A_269 = arith.cmpi sgt, %scan3A_262, %gt3A_268 : i32
        %or3A = arith.ori %gt3A_267, %gt3A_269 : i1
        %convert_element_type3A = arith.extui %or3A : i1 to i32
        %cond3A = arith.constant 0 : i32
        %cond3A_270 = arith.cmpi ne, %convert_element_type3A, %cond3A : i32
        scf.if %cond3A_270 {
          %dma_wait3A_1421 = arith.constant 0 : i32
          %dma_wait3A_1422 = arith.constant 0 : i32
          %dma_wait3A_1423 = arith.constant 0 : i32
          %dma_wait3A_1424 = tpu.memref_slice %arg7[%dma_wait3A_1421, %dma_wait3A_1422, %dma_wait3A_1423] : memref<2x8x128xf32, #tpu.memory_space<vmem>> -> memref<1x8x128xf32, #tpu.memory_space<vmem>>
          %dma_wait3A_1425 = tpu.memref_squeeze %dma_wait3A_1424 : memref<1x8x128xf32, #tpu.memory_space<vmem>> -> memref<8x128xf32, #tpu.memory_space<vmem>>
          %dma_wait3A_1426 = arith.constant 0 : i32
          %dma_wait3A_1427 = arith.constant 0 : i32
          %dma_wait3A_1428 = tpu.memref_slice %arg4[%add3A_266, %select_n3A_9, %add3A_228, %dma_wait3A_1426, %dma_wait3A_1427] : memref<200x8x128x8x128xf32, #tpu.memory_space<hbm>> -> memref<1x1x1x8x128xf32, #tpu.memory_space<hbm>>
          %dma_wait3A_1429 = tpu.memref_squeeze %dma_wait3A_1428 : memref<1x1x1x8x128xf32, #tpu.memory_space<hbm>> -> memref<8x128xf32, #tpu.memory_space<hbm>>
          %dma_wait3A_1430 = arith.constant 0 : i32
          %dma_wait3A_1431 = arith.constant 0 : i32
          %dma_wait3A_1432 = tpu.memref_slice %arg4[%add3A_266, %select_n3A_9, %add3A_228, %dma_wait3A_1430, %dma_wait3A_1431] : memref<200x8x128x8x128xf32, #tpu.memory_space<hbm>> -> memref<1x1x1x8x128xf32, #tpu.memory_space<hbm>>
          %dma_wait3A_1433 = tpu.memref_squeeze %dma_wait3A_1432 : memref<1x1x1x8x128xf32, #tpu.memory_space<hbm>> -> memref<8x128xf32, #tpu.memory_space<hbm>>
          %dma_wait3A_1434 = arith.constant 0 : i32
          %dma_wait3A_1435 = arith.constant 0 : i32
          %dma_wait3A_1436 = tpu.memref_slice %arg7[%dma_wait3A_1421, %dma_wait3A_1434, %dma_wait3A_1435] : memref<2x8x128xf32, #tpu.memory_space<vmem>> -> memref<1x8x128xf32, #tpu.memory_space<vmem>>
          %dma_wait3A_1437 = tpu.memref_squeeze %dma_wait3A_1436 : memref<1x8x128xf32, #tpu.memory_space<vmem>> -> memref<8x128xf32, #tpu.memory_space<vmem>>
          tpu.wait_dma2 semaphore(%arg10 : memref<!tpu.dma_semaphore, #tpu.memory_space<semaphore_mem>>) src(%dma_wait3A_1437 : memref<8x128xf32, #tpu.memory_space<vmem>>) dst(%dma_wait3A_1433 : memref<8x128xf32, #tpu.memory_space<hbm>>)
        } else {
        }
        %broadcast_in_dim3A_271 = vector.broadcast %add3A_266 : i32 to vector<16xi32>
        %add3A_272 = arith.addi %mul3A_40, %broadcast_in_dim3A_271 : vector<16xi32>
        %gather3A = arith.constant 1 : i32
        %gather3A_273 = arith.constant 0 : i32
        %gather3A_274 = tpu.memref_slice %arg6[%gather3A, %gather3A_273] : memref<2x25600xi32, #tpu.memory_space<vmem>> -> memref<1x25600xi32, #tpu.memory_space<vmem>>
        %gather3A_275 = tpu.memref_squeeze %gather3A_274 : memref<1x25600xi32, #tpu.memory_space<vmem>> -> memref<25600xi32, #tpu.memory_space<vmem>>
        %gather3A_276 = tpu.vector_load_idx %gather3A_275[%add3A_272] : memref<25600xi32, #tpu.memory_space<vmem>>[vector<16xi32>], vector<16xi32>,
        %gather3A_277 = tpu.vector_load_idx %arg5[%gather3A_276] : memref<40000xf32, #tpu.memory_space<vmem>>[vector<16xi32>], vector<16xf32>,
        %swap3A = arith.constant 0 : i32
        %swap3A_278 = arith.constant 0 : i32
        %swap3A_279 = arith.index_cast %swap3A : i32 to index
        %swap3A_280 = arith.index_cast %swap3A_278 : i32 to index
        %swap3A_281 = arith.constant 0 : index
        %swap3A_282 = tpu.vector_load %arg7[%swap3A_279, %swap3A_280, %swap3A_281] {strides = array<i32>} : memref<2x8x128xf32, #tpu.memory_space<vmem>>, vector<16xf32>,
        tpu.vector_store %arg7[%swap3A_279, %swap3A_280, %swap3A_281], %gather3A_277 {strides = array<i32>} : memref<2x8x128xf32, #tpu.memory_space<vmem>>, vector<16xf32>,
        %add3A_283 = arith.addi %gather3A_276, %broadcast_in_dim3A_90 : vector<16xi32>
        %gather3A_284 = tpu.vector_load_idx %arg5[%add3A_283] : memref<40000xf32, #tpu.memory_space<vmem>>[vector<16xi32>], vector<16xf32>,
        %swap3A_285 = arith.constant 0 : i32
        %swap3A_286 = arith.constant 1 : i32
        %swap3A_287 = arith.index_cast %swap3A_285 : i32 to index
        %swap3A_288 = arith.index_cast %swap3A_286 : i32 to index
        %swap3A_289 = arith.constant 0 : index
        %swap3A_290 = tpu.vector_load %arg7[%swap3A_287, %swap3A_288, %swap3A_289] {strides = array<i32>} : memref<2x8x128xf32, #tpu.memory_space<vmem>>, vector<16xf32>,
        tpu.vector_store %arg7[%swap3A_287, %swap3A_288, %swap3A_289], %gather3A_284 {strides = array<i32>} : memref<2x8x128xf32, #tpu.memory_space<vmem>>, vector<16xf32>,
        %add3A_291 = arith.addi %add3A_283, %broadcast_in_dim3A_90 : vector<16xi32>
        %gather3A_292 = tpu.vector_load_idx %arg5[%add3A_291] : memref<40000xf32, #tpu.memory_space<vmem>>[vector<16xi32>], vector<16xf32>,
        %swap3A_293 = arith.constant 0 : i32
        %swap3A_294 = arith.constant 2 : i32
        %swap3A_295 = arith.index_cast %swap3A_293 : i32 to index
        %swap3A_296 = arith.index_cast %swap3A_294 : i32 to index
        %swap3A_297 = arith.constant 0 : index
        %swap3A_298 = tpu.vector_load %arg7[%swap3A_295, %swap3A_296, %swap3A_297] {strides = array<i32>} : memref<2x8x128xf32, #tpu.memory_space<vmem>>, vector<16xf32>,
        tpu.vector_store %arg7[%swap3A_295, %swap3A_296, %swap3A_297], %gather3A_292 {strides = array<i32>} : memref<2x8x128xf32, #tpu.memory_space<vmem>>, vector<16xf32>,
        %add3A_299 = arith.addi %add3A_291, %broadcast_in_dim3A_90 : vector<16xi32>
        %gather3A_300 = tpu.vector_load_idx %arg5[%add3A_299] : memref<40000xf32, #tpu.memory_space<vmem>>[vector<16xi32>], vector<16xf32>,
        %swap3A_301 = arith.constant 0 : i32
        %swap3A_302 = arith.constant 3 : i32
        %swap3A_303 = arith.index_cast %swap3A_301 : i32 to index
        %swap3A_304 = arith.index_cast %swap3A_302 : i32 to index
        %swap3A_305 = arith.constant 0 : index
        %swap3A_306 = tpu.vector_load %arg7[%swap3A_303, %swap3A_304, %swap3A_305] {strides = array<i32>} : memref<2x8x128xf32, #tpu.memory_space<vmem>>, vector<16xf32>,
        tpu.vector_store %arg7[%swap3A_303, %swap3A_304, %swap3A_305], %gather3A_300 {strides = array<i32>} : memref<2x8x128xf32, #tpu.memory_space<vmem>>, vector<16xf32>,
        %add3A_307 = arith.addi %add3A_299, %broadcast_in_dim3A_90 : vector<16xi32>
        %gather3A_308 = tpu.vector_load_idx %arg5[%add3A_307] : memref<40000xf32, #tpu.memory_space<vmem>>[vector<16xi32>], vector<16xf32>,
        %swap3A_309 = arith.constant 0 : i32
        %swap3A_310 = arith.constant 4 : i32
        %swap3A_311 = arith.index_cast %swap3A_309 : i32 to index
        %swap3A_312 = arith.index_cast %swap3A_310 : i32 to index
        %swap3A_313 = arith.constant 0 : index
        %swap3A_314 = tpu.vector_load %arg7[%swap3A_311, %swap3A_312, %swap3A_313] {strides = array<i32>} : memref<2x8x128xf32, #tpu.memory_space<vmem>>, vector<16xf32>,
        tpu.vector_store %arg7[%swap3A_311, %swap3A_312, %swap3A_313], %gather3A_308 {strides = array<i32>} : memref<2x8x128xf32, #tpu.memory_space<vmem>>, vector<16xf32>,
        %add3A_315 = arith.addi %add3A_307, %broadcast_in_dim3A_90 : vector<16xi32>
        %gather3A_316 = tpu.vector_load_idx %arg5[%add3A_315] : memref<40000xf32, #tpu.memory_space<vmem>>[vector<16xi32>], vector<16xf32>,
        %swap3A_317 = arith.constant 0 : i32
        %swap3A_318 = arith.constant 5 : i32
        %swap3A_319 = arith.index_cast %swap3A_317 : i32 to index
        %swap3A_320 = arith.index_cast %swap3A_318 : i32 to index
        %swap3A_321 = arith.constant 0 : index
        %swap3A_322 = tpu.vector_load %arg7[%swap3A_319, %swap3A_320, %swap3A_321] {strides = array<i32>} : memref<2x8x128xf32, #tpu.memory_space<vmem>>, vector<16xf32>,
        tpu.vector_store %arg7[%swap3A_319, %swap3A_320, %swap3A_321], %gather3A_316 {strides = array<i32>} : memref<2x8x128xf32, #tpu.memory_space<vmem>>, vector<16xf32>,
        %add3A_323 = arith.addi %add3A_315, %broadcast_in_dim3A_90 : vector<16xi32>
        %gather3A_324 = tpu.vector_load_idx %arg5[%add3A_323] : memref<40000xf32, #tpu.memory_space<vmem>>[vector<16xi32>], vector<16xf32>,
        %swap3A_325 = arith.constant 0 : i32
        %swap3A_326 = arith.constant 6 : i32
        %swap3A_327 = arith.index_cast %swap3A_325 : i32 to index
        %swap3A_328 = arith.index_cast %swap3A_326 : i32 to index
        %swap3A_329 = arith.constant 0 : index
        %swap3A_330 = tpu.vector_load %arg7[%swap3A_327, %swap3A_328, %swap3A_329] {strides = array<i32>} : memref<2x8x128xf32, #tpu.memory_space<vmem>>, vector<16xf32>,
        tpu.vector_store %arg7[%swap3A_327, %swap3A_328, %swap3A_329], %gather3A_324 {strides = array<i32>} : memref<2x8x128xf32, #tpu.memory_space<vmem>>, vector<16xf32>,
        %add3A_331 = arith.addi %add3A_323, %broadcast_in_dim3A_90 : vector<16xi32>
        %gather3A_332 = tpu.vector_load_idx %arg5[%add3A_331] : memref<40000xf32, #tpu.memory_space<vmem>>[vector<16xi32>], vector<16xf32>,
        %swap3A_333 = arith.constant 0 : i32
        %swap3A_334 = arith.constant 7 : i32
        %swap3A_335 = arith.index_cast %swap3A_333 : i32 to index
        %swap3A_336 = arith.index_cast %swap3A_334 : i32 to index
        %swap3A_337 = arith.constant 0 : index
        %swap3A_338 = tpu.vector_load %arg7[%swap3A_335, %swap3A_336, %swap3A_337] {strides = array<i32>} : memref<2x8x128xf32, #tpu.memory_space<vmem>>, vector<16xf32>,
        tpu.vector_store %arg7[%swap3A_335, %swap3A_336, %swap3A_337], %gather3A_332 {strides = array<i32>} : memref<2x8x128xf32, #tpu.memory_space<vmem>>, vector<16xf32>,
        %add3A_339 = arith.addi %mul3A_47, %broadcast_in_dim3A_271 : vector<16xi32>
        %gather3A_340 = arith.constant 1 : i32
        %gather3A_341 = arith.constant 0 : i32
        %gather3A_342 = tpu.memref_slice %arg6[%gather3A_340, %gather3A_341] : memref<2x25600xi32, #tpu.memory_space<vmem>> -> memref<1x25600xi32, #tpu.memory_space<vmem>>
        %gather3A_343 = tpu.memref_squeeze %gather3A_342 : memref<1x25600xi32, #tpu.memory_space<vmem>> -> memref<25600xi32, #tpu.memory_space<vmem>>
        %gather3A_344 = tpu.vector_load_idx %gather3A_343[%add3A_339] : memref<25600xi32, #tpu.memory_space<vmem>>[vector<16xi32>], vector<16xi32>,
        %gather3A_345 = tpu.vector_load_idx %arg5[%gather3A_344] : memref<40000xf32, #tpu.memory_space<vmem>>[vector<16xi32>], vector<16xf32>,
        %swap3A_346 = arith.constant 0 : i32
        %swap3A_347 = arith.constant 0 : i32
        %swap3A_348 = arith.index_cast %swap3A_346 : i32 to index
        %swap3A_349 = arith.index_cast %swap3A_347 : i32 to index
        %swap3A_350 = arith.constant 16 : index
        %swap3A_351 = tpu.vector_load %arg7[%swap3A_348, %swap3A_349, %swap3A_350] {strides = array<i32>} : memref<2x8x128xf32, #tpu.memory_space<vmem>>, vector<16xf32>,
        tpu.vector_store %arg7[%swap3A_348, %swap3A_349, %swap3A_350], %gather3A_345 {strides = array<i32>} : memref<2x8x128xf32, #tpu.memory_space<vmem>>, vector<16xf32>,
        %add3A_352 = arith.addi %gather3A_344, %broadcast_in_dim3A_90 : vector<16xi32>
        %gather3A_353 = tpu.vector_load_idx %arg5[%add3A_352] : memref<40000xf32, #tpu.memory_space<vmem>>[vector<16xi32>], vector<16xf32>,
        %swap3A_354 = arith.constant 0 : i32
        %swap3A_355 = arith.constant 1 : i32
        %swap3A_356 = arith.index_cast %swap3A_354 : i32 to index
        %swap3A_357 = arith.index_cast %swap3A_355 : i32 to index
        %swap3A_358 = arith.constant 16 : index
        %swap3A_359 = tpu.vector_load %arg7[%swap3A_356, %swap3A_357, %swap3A_358] {strides = array<i32>} : memref<2x8x128xf32, #tpu.memory_space<vmem>>, vector<16xf32>,
        tpu.vector_store %arg7[%swap3A_356, %swap3A_357, %swap3A_358], %gather3A_353 {strides = array<i32>} : memref<2x8x128xf32, #tpu.memory_space<vmem>>, vector<16xf32>,
        %add3A_360 = arith.addi %add3A_352, %broadcast_in_dim3A_90 : vector<16xi32>
        %gather3A_361 = tpu.vector_load_idx %arg5[%add3A_360] : memref<40000xf32, #tpu.memory_space<vmem>>[vector<16xi32>], vector<16xf32>,
        %swap3A_362 = arith.constant 0 : i32
        %swap3A_363 = arith.constant 2 : i32
        %swap3A_364 = arith.index_cast %swap3A_362 : i32 to index
        %swap3A_365 = arith.index_cast %swap3A_363 : i32 to index
        %swap3A_366 = arith.constant 16 : index
        %swap3A_367 = tpu.vector_load %arg7[%swap3A_364, %swap3A_365, %swap3A_366] {strides = array<i32>} : memref<2x8x128xf32, #tpu.memory_space<vmem>>, vector<16xf32>,
        tpu.vector_store %arg7[%swap3A_364, %swap3A_365, %swap3A_366], %gather3A_361 {strides = array<i32>} : memref<2x8x128xf32, #tpu.memory_space<vmem>>, vector<16xf32>,
        %add3A_368 = arith.addi %add3A_360, %broadcast_in_dim3A_90 : vector<16xi32>
        %gather3A_369 = tpu.vector_load_idx %arg5[%add3A_368] : memref<40000xf32, #tpu.memory_space<vmem>>[vector<16xi32>], vector<16xf32>,
        %swap3A_370 = arith.constant 0 : i32
        %swap3A_371 = arith.constant 3 : i32
        %swap3A_372 = arith.index_cast %swap3A_370 : i32 to index
        %swap3A_373 = arith.index_cast %swap3A_371 : i32 to index
        %swap3A_374 = arith.constant 16 : index
        %swap3A_375 = tpu.vector_load %arg7[%swap3A_372, %swap3A_373, %swap3A_374] {strides = array<i32>} : memref<2x8x128xf32, #tpu.memory_space<vmem>>, vector<16xf32>,
        tpu.vector_store %arg7[%swap3A_372, %swap3A_373, %swap3A_374], %gather3A_369 {strides = array<i32>} : memref<2x8x128xf32, #tpu.memory_space<vmem>>, vector<16xf32>,
        %add3A_376 = arith.addi %add3A_368, %broadcast_in_dim3A_90 : vector<16xi32>
        %gather3A_377 = tpu.vector_load_idx %arg5[%add3A_376] : memref<40000xf32, #tpu.memory_space<vmem>>[vector<16xi32>], vector<16xf32>,
        %swap3A_378 = arith.constant 0 : i32
        %swap3A_379 = arith.constant 4 : i32
        %swap3A_380 = arith.index_cast %swap3A_378 : i32 to index
        %swap3A_381 = arith.index_cast %swap3A_379 : i32 to index
        %swap3A_382 = arith.constant 16 : index
        %swap3A_383 = tpu.vector_load %arg7[%swap3A_380, %swap3A_381, %swap3A_382] {strides = array<i32>} : memref<2x8x128xf32, #tpu.memory_space<vmem>>, vector<16xf32>,
        tpu.vector_store %arg7[%swap3A_380, %swap3A_381, %swap3A_382], %gather3A_377 {strides = array<i32>} : memref<2x8x128xf32, #tpu.memory_space<vmem>>, vector<16xf32>,
        %add3A_384 = arith.addi %add3A_376, %broadcast_in_dim3A_90 : vector<16xi32>
        %gather3A_385 = tpu.vector_load_idx %arg5[%add3A_384] : memref<40000xf32, #tpu.memory_space<vmem>>[vector<16xi32>], vector<16xf32>,
        %swap3A_386 = arith.constant 0 : i32
        %swap3A_387 = arith.constant 5 : i32
        %swap3A_388 = arith.index_cast %swap3A_386 : i32 to index
        %swap3A_389 = arith.index_cast %swap3A_387 : i32 to index
        %swap3A_390 = arith.constant 16 : index
        %swap3A_391 = tpu.vector_load %arg7[%swap3A_388, %swap3A_389, %swap3A_390] {strides = array<i32>} : memref<2x8x128xf32, #tpu.memory_space<vmem>>, vector<16xf32>,
        tpu.vector_store %arg7[%swap3A_388, %swap3A_389, %swap3A_390], %gather3A_385 {strides = array<i32>} : memref<2x8x128xf32, #tpu.memory_space<vmem>>, vector<16xf32>,
        %add3A_392 = arith.addi %add3A_384, %broadcast_in_dim3A_90 : vector<16xi32>
        %gather3A_393 = tpu.vector_load_idx %arg5[%add3A_392] : memref<40000xf32, #tpu.memory_space<vmem>>[vector<16xi32>], vector<16xf32>,
        %swap3A_394 = arith.constant 0 : i32
        %swap3A_395 = arith.constant 6 : i32
        %swap3A_396 = arith.index_cast %swap3A_394 : i32 to index
        %swap3A_397 = arith.index_cast %swap3A_395 : i32 to index
        %swap3A_398 = arith.constant 16 : index
        %swap3A_399 = tpu.vector_load %arg7[%swap3A_396, %swap3A_397, %swap3A_398] {strides = array<i32>} : memref<2x8x128xf32, #tpu.memory_space<vmem>>, vector<16xf32>,
        tpu.vector_store %arg7[%swap3A_396, %swap3A_397, %swap3A_398], %gather3A_393 {strides = array<i32>} : memref<2x8x128xf32, #tpu.memory_space<vmem>>, vector<16xf32>,
        %add3A_400 = arith.addi %add3A_392, %broadcast_in_dim3A_90 : vector<16xi32>
        %gather3A_401 = tpu.vector_load_idx %arg5[%add3A_400] : memref<40000xf32, #tpu.memory_space<vmem>>[vector<16xi32>], vector<16xf32>,
        %swap3A_402 = arith.constant 0 : i32
        %swap3A_403 = arith.constant 7 : i32
        %swap3A_404 = arith.index_cast %swap3A_402 : i32 to index
        %swap3A_405 = arith.index_cast %swap3A_403 : i32 to index
        %swap3A_406 = arith.constant 16 : index
        %swap3A_407 = tpu.vector_load %arg7[%swap3A_404, %swap3A_405, %swap3A_406] {strides = array<i32>} : memref<2x8x128xf32, #tpu.memory_space<vmem>>, vector<16xf32>,
        tpu.vector_store %arg7[%swap3A_404, %swap3A_405, %swap3A_406], %gather3A_401 {strides = array<i32>} : memref<2x8x128xf32, #tpu.memory_space<vmem>>, vector<16xf32>,
        %add3A_408 = arith.addi %mul3A_54, %broadcast_in_dim3A_271 : vector<16xi32>
        %gather3A_409 = arith.constant 1 : i32
        %gather3A_410 = arith.constant 0 : i32
        %gather3A_411 = tpu.memref_slice %arg6[%gather3A_409, %gather3A_410] : memref<2x25600xi32, #tpu.memory_space<vmem>> -> memref<1x25600xi32, #tpu.memory_space<vmem>>
        %gather3A_412 = tpu.memref_squeeze %gather3A_411 : memref<1x25600xi32, #tpu.memory_space<vmem>> -> memref<25600xi32, #tpu.memory_space<vmem>>
        %gather3A_413 = tpu.vector_load_idx %gather3A_412[%add3A_408] : memref<25600xi32, #tpu.memory_space<vmem>>[vector<16xi32>], vector<16xi32>,
        %gather3A_414 = tpu.vector_load_idx %arg5[%gather3A_413] : memref<40000xf32, #tpu.memory_space<vmem>>[vector<16xi32>], vector<16xf32>,
        %swap3A_415 = arith.constant 0 : i32
        %swap3A_416 = arith.constant 0 : i32
        %swap3A_417 = arith.index_cast %swap3A_415 : i32 to index
        %swap3A_418 = arith.index_cast %swap3A_416 : i32 to index
        %swap3A_419 = arith.constant 32 : index
        %swap3A_420 = tpu.vector_load %arg7[%swap3A_417, %swap3A_418, %swap3A_419] {strides = array<i32>} : memref<2x8x128xf32, #tpu.memory_space<vmem>>, vector<16xf32>,
        tpu.vector_store %arg7[%swap3A_417, %swap3A_418, %swap3A_419], %gather3A_414 {strides = array<i32>} : memref<2x8x128xf32, #tpu.memory_space<vmem>>, vector<16xf32>,
        %add3A_421 = arith.addi %gather3A_413, %broadcast_in_dim3A_90 : vector<16xi32>
        %gather3A_422 = tpu.vector_load_idx %arg5[%add3A_421] : memref<40000xf32, #tpu.memory_space<vmem>>[vector<16xi32>], vector<16xf32>,
        %swap3A_423 = arith.constant 0 : i32
        %swap3A_424 = arith.constant 1 : i32
        %swap3A_425 = arith.index_cast %swap3A_423 : i32 to index
        %swap3A_426 = arith.index_cast %swap3A_424 : i32 to index
        %swap3A_427 = arith.constant 32 : index
        %swap3A_428 = tpu.vector_load %arg7[%swap3A_425, %swap3A_426, %swap3A_427] {strides = array<i32>} : memref<2x8x128xf32, #tpu.memory_space<vmem>>, vector<16xf32>,
        tpu.vector_store %arg7[%swap3A_425, %swap3A_426, %swap3A_427], %gather3A_422 {strides = array<i32>} : memref<2x8x128xf32, #tpu.memory_space<vmem>>, vector<16xf32>,
        %add3A_429 = arith.addi %add3A_421, %broadcast_in_dim3A_90 : vector<16xi32>
        %gather3A_430 = tpu.vector_load_idx %arg5[%add3A_429] : memref<40000xf32, #tpu.memory_space<vmem>>[vector<16xi32>], vector<16xf32>,
        %swap3A_431 = arith.constant 0 : i32
        %swap3A_432 = arith.constant 2 : i32
        %swap3A_433 = arith.index_cast %swap3A_431 : i32 to index
        %swap3A_434 = arith.index_cast %swap3A_432 : i32 to index
        %swap3A_435 = arith.constant 32 : index
        %swap3A_436 = tpu.vector_load %arg7[%swap3A_433, %swap3A_434, %swap3A_435] {strides = array<i32>} : memref<2x8x128xf32, #tpu.memory_space<vmem>>, vector<16xf32>,
        tpu.vector_store %arg7[%swap3A_433, %swap3A_434, %swap3A_435], %gather3A_430 {strides = array<i32>} : memref<2x8x128xf32, #tpu.memory_space<vmem>>, vector<16xf32>,
        %add3A_437 = arith.addi %add3A_429, %broadcast_in_dim3A_90 : vector<16xi32>
        %gather3A_438 = tpu.vector_load_idx %arg5[%add3A_437] : memref<40000xf32, #tpu.memory_space<vmem>>[vector<16xi32>], vector<16xf32>,
        %swap3A_439 = arith.constant 0 : i32
        %swap3A_440 = arith.constant 3 : i32
        %swap3A_441 = arith.index_cast %swap3A_439 : i32 to index
        %swap3A_442 = arith.index_cast %swap3A_440 : i32 to index
        %swap3A_443 = arith.constant 32 : index
        %swap3A_444 = tpu.vector_load %arg7[%swap3A_441, %swap3A_442, %swap3A_443] {strides = array<i32>} : memref<2x8x128xf32, #tpu.memory_space<vmem>>, vector<16xf32>,
        tpu.vector_store %arg7[%swap3A_441, %swap3A_442, %swap3A_443], %gather3A_438 {strides = array<i32>} : memref<2x8x128xf32, #tpu.memory_space<vmem>>, vector<16xf32>,
        %add3A_445 = arith.addi %add3A_437, %broadcast_in_dim3A_90 : vector<16xi32>
        %gather3A_446 = tpu.vector_load_idx %arg5[%add3A_445] : memref<40000xf32, #tpu.memory_space<vmem>>[vector<16xi32>], vector<16xf32>,
        %swap3A_447 = arith.constant 0 : i32
        %swap3A_448 = arith.constant 4 : i32
        %swap3A_449 = arith.index_cast %swap3A_447 : i32 to index
        %swap3A_450 = arith.index_cast %swap3A_448 : i32 to index
        %swap3A_451 = arith.constant 32 : index
        %swap3A_452 = tpu.vector_load %arg7[%swap3A_449, %swap3A_450, %swap3A_451] {strides = array<i32>} : memref<2x8x128xf32, #tpu.memory_space<vmem>>, vector<16xf32>,
        tpu.vector_store %arg7[%swap3A_449, %swap3A_450, %swap3A_451], %gather3A_446 {strides = array<i32>} : memref<2x8x128xf32, #tpu.memory_space<vmem>>, vector<16xf32>,
        %add3A_453 = arith.addi %add3A_445, %broadcast_in_dim3A_90 : vector<16xi32>
        %gather3A_454 = tpu.vector_load_idx %arg5[%add3A_453] : memref<40000xf32, #tpu.memory_space<vmem>>[vector<16xi32>], vector<16xf32>,
        %swap3A_455 = arith.constant 0 : i32
        %swap3A_456 = arith.constant 5 : i32
        %swap3A_457 = arith.index_cast %swap3A_455 : i32 to index
        %swap3A_458 = arith.index_cast %swap3A_456 : i32 to index
        %swap3A_459 = arith.constant 32 : index
        %swap3A_460 = tpu.vector_load %arg7[%swap3A_457, %swap3A_458, %swap3A_459] {strides = array<i32>} : memref<2x8x128xf32, #tpu.memory_space<vmem>>, vector<16xf32>,
        tpu.vector_store %arg7[%swap3A_457, %swap3A_458, %swap3A_459], %gather3A_454 {strides = array<i32>} : memref<2x8x128xf32, #tpu.memory_space<vmem>>, vector<16xf32>,
        %add3A_461 = arith.addi %add3A_453, %broadcast_in_dim3A_90 : vector<16xi32>
        %gather3A_462 = tpu.vector_load_idx %arg5[%add3A_461] : memref<40000xf32, #tpu.memory_space<vmem>>[vector<16xi32>], vector<16xf32>,
        %swap3A_463 = arith.constant 0 : i32
        %swap3A_464 = arith.constant 6 : i32
        %swap3A_465 = arith.index_cast %swap3A_463 : i32 to index
        %swap3A_466 = arith.index_cast %swap3A_464 : i32 to index
        %swap3A_467 = arith.constant 32 : index
        %swap3A_468 = tpu.vector_load %arg7[%swap3A_465, %swap3A_466, %swap3A_467] {strides = array<i32>} : memref<2x8x128xf32, #tpu.memory_space<vmem>>, vector<16xf32>,
        tpu.vector_store %arg7[%swap3A_465, %swap3A_466, %swap3A_467], %gather3A_462 {strides = array<i32>} : memref<2x8x128xf32, #tpu.memory_space<vmem>>, vector<16xf32>,
        %add3A_469 = arith.addi %add3A_461, %broadcast_in_dim3A_90 : vector<16xi32>
        %gather3A_470 = tpu.vector_load_idx %arg5[%add3A_469] : memref<40000xf32, #tpu.memory_space<vmem>>[vector<16xi32>], vector<16xf32>,
        %swap3A_471 = arith.constant 0 : i32
        %swap3A_472 = arith.constant 7 : i32
        %swap3A_473 = arith.index_cast %swap3A_471 : i32 to index
        %swap3A_474 = arith.index_cast %swap3A_472 : i32 to index
        %swap3A_475 = arith.constant 32 : index
        %swap3A_476 = tpu.vector_load %arg7[%swap3A_473, %swap3A_474, %swap3A_475] {strides = array<i32>} : memref<2x8x128xf32, #tpu.memory_space<vmem>>, vector<16xf32>,
        tpu.vector_store %arg7[%swap3A_473, %swap3A_474, %swap3A_475], %gather3A_470 {strides = array<i32>} : memref<2x8x128xf32, #tpu.memory_space<vmem>>, vector<16xf32>,
        %add3A_477 = arith.addi %mul3A_61, %broadcast_in_dim3A_271 : vector<16xi32>
        %gather3A_478 = arith.constant 1 : i32
        %gather3A_479 = arith.constant 0 : i32
        %gather3A_480 = tpu.memref_slice %arg6[%gather3A_478, %gather3A_479] : memref<2x25600xi32, #tpu.memory_space<vmem>> -> memref<1x25600xi32, #tpu.memory_space<vmem>>
        %gather3A_481 = tpu.memref_squeeze %gather3A_480 : memref<1x25600xi32, #tpu.memory_space<vmem>> -> memref<25600xi32, #tpu.memory_space<vmem>>
        %gather3A_482 = tpu.vector_load_idx %gather3A_481[%add3A_477] : memref<25600xi32, #tpu.memory_space<vmem>>[vector<16xi32>], vector<16xi32>,
        %gather3A_483 = tpu.vector_load_idx %arg5[%gather3A_482] : memref<40000xf32, #tpu.memory_space<vmem>>[vector<16xi32>], vector<16xf32>,
        %swap3A_484 = arith.constant 0 : i32
        %swap3A_485 = arith.constant 0 : i32
        %swap3A_486 = arith.index_cast %swap3A_484 : i32 to index
        %swap3A_487 = arith.index_cast %swap3A_485 : i32 to index
        %swap3A_488 = arith.constant 48 : index
        %swap3A_489 = tpu.vector_load %arg7[%swap3A_486, %swap3A_487, %swap3A_488] {strides = array<i32>} : memref<2x8x128xf32, #tpu.memory_space<vmem>>, vector<16xf32>,
        tpu.vector_store %arg7[%swap3A_486, %swap3A_487, %swap3A_488], %gather3A_483 {strides = array<i32>} : memref<2x8x128xf32, #tpu.memory_space<vmem>>, vector<16xf32>,
        %add3A_490 = arith.addi %gather3A_482, %broadcast_in_dim3A_90 : vector<16xi32>
        %gather3A_491 = tpu.vector_load_idx %arg5[%add3A_490] : memref<40000xf32, #tpu.memory_space<vmem>>[vector<16xi32>], vector<16xf32>,
        %swap3A_492 = arith.constant 0 : i32
        %swap3A_493 = arith.constant 1 : i32
        %swap3A_494 = arith.index_cast %swap3A_492 : i32 to index
        %swap3A_495 = arith.index_cast %swap3A_493 : i32 to index
        %swap3A_496 = arith.constant 48 : index
        %swap3A_497 = tpu.vector_load %arg7[%swap3A_494, %swap3A_495, %swap3A_496] {strides = array<i32>} : memref<2x8x128xf32, #tpu.memory_space<vmem>>, vector<16xf32>,
        tpu.vector_store %arg7[%swap3A_494, %swap3A_495, %swap3A_496], %gather3A_491 {strides = array<i32>} : memref<2x8x128xf32, #tpu.memory_space<vmem>>, vector<16xf32>,
        %add3A_498 = arith.addi %add3A_490, %broadcast_in_dim3A_90 : vector<16xi32>
        %gather3A_499 = tpu.vector_load_idx %arg5[%add3A_498] : memref<40000xf32, #tpu.memory_space<vmem>>[vector<16xi32>], vector<16xf32>,
        %swap3A_500 = arith.constant 0 : i32
        %swap3A_501 = arith.constant 2 : i32
        %swap3A_502 = arith.index_cast %swap3A_500 : i32 to index
        %swap3A_503 = arith.index_cast %swap3A_501 : i32 to index
        %swap3A_504 = arith.constant 48 : index
        %swap3A_505 = tpu.vector_load %arg7[%swap3A_502, %swap3A_503, %swap3A_504] {strides = array<i32>} : memref<2x8x128xf32, #tpu.memory_space<vmem>>, vector<16xf32>,
        tpu.vector_store %arg7[%swap3A_502, %swap3A_503, %swap3A_504], %gather3A_499 {strides = array<i32>} : memref<2x8x128xf32, #tpu.memory_space<vmem>>, vector<16xf32>,
        %add3A_506 = arith.addi %add3A_498, %broadcast_in_dim3A_90 : vector<16xi32>
        %gather3A_507 = tpu.vector_load_idx %arg5[%add3A_506] : memref<40000xf32, #tpu.memory_space<vmem>>[vector<16xi32>], vector<16xf32>,
        %swap3A_508 = arith.constant 0 : i32
        %swap3A_509 = arith.constant 3 : i32
        %swap3A_510 = arith.index_cast %swap3A_508 : i32 to index
        %swap3A_511 = arith.index_cast %swap3A_509 : i32 to index
        %swap3A_512 = arith.constant 48 : index
        %swap3A_513 = tpu.vector_load %arg7[%swap3A_510, %swap3A_511, %swap3A_512] {strides = array<i32>} : memref<2x8x128xf32, #tpu.memory_space<vmem>>, vector<16xf32>,
        tpu.vector_store %arg7[%swap3A_510, %swap3A_511, %swap3A_512], %gather3A_507 {strides = array<i32>} : memref<2x8x128xf32, #tpu.memory_space<vmem>>, vector<16xf32>,
        %add3A_514 = arith.addi %add3A_506, %broadcast_in_dim3A_90 : vector<16xi32>
        %gather3A_515 = tpu.vector_load_idx %arg5[%add3A_514] : memref<40000xf32, #tpu.memory_space<vmem>>[vector<16xi32>], vector<16xf32>,
        %swap3A_516 = arith.constant 0 : i32
        %swap3A_517 = arith.constant 4 : i32
        %swap3A_518 = arith.index_cast %swap3A_516 : i32 to index
        %swap3A_519 = arith.index_cast %swap3A_517 : i32 to index
        %swap3A_520 = arith.constant 48 : index
        %swap3A_521 = tpu.vector_load %arg7[%swap3A_518, %swap3A_519, %swap3A_520] {strides = array<i32>} : memref<2x8x128xf32, #tpu.memory_space<vmem>>, vector<16xf32>,
        tpu.vector_store %arg7[%swap3A_518, %swap3A_519, %swap3A_520], %gather3A_515 {strides = array<i32>} : memref<2x8x128xf32, #tpu.memory_space<vmem>>, vector<16xf32>,
        %add3A_522 = arith.addi %add3A_514, %broadcast_in_dim3A_90 : vector<16xi32>
        %gather3A_523 = tpu.vector_load_idx %arg5[%add3A_522] : memref<40000xf32, #tpu.memory_space<vmem>>[vector<16xi32>], vector<16xf32>,
        %swap3A_524 = arith.constant 0 : i32
        %swap3A_525 = arith.constant 5 : i32
        %swap3A_526 = arith.index_cast %swap3A_524 : i32 to index
        %swap3A_527 = arith.index_cast %swap3A_525 : i32 to index
        %swap3A_528 = arith.constant 48 : index
        %swap3A_529 = tpu.vector_load %arg7[%swap3A_526, %swap3A_527, %swap3A_528] {strides = array<i32>} : memref<2x8x128xf32, #tpu.memory_space<vmem>>, vector<16xf32>,
        tpu.vector_store %arg7[%swap3A_526, %swap3A_527, %swap3A_528], %gather3A_523 {strides = array<i32>} : memref<2x8x128xf32, #tpu.memory_space<vmem>>, vector<16xf32>,
        %add3A_530 = arith.addi %add3A_522, %broadcast_in_dim3A_90 : vector<16xi32>
        %gather3A_531 = tpu.vector_load_idx %arg5[%add3A_530] : memref<40000xf32, #tpu.memory_space<vmem>>[vector<16xi32>], vector<16xf32>,
        %swap3A_532 = arith.constant 0 : i32
        %swap3A_533 = arith.constant 6 : i32
        %swap3A_534 = arith.index_cast %swap3A_532 : i32 to index
        %swap3A_535 = arith.index_cast %swap3A_533 : i32 to index
        %swap3A_536 = arith.constant 48 : index
        %swap3A_537 = tpu.vector_load %arg7[%swap3A_534, %swap3A_535, %swap3A_536] {strides = array<i32>} : memref<2x8x128xf32, #tpu.memory_space<vmem>>, vector<16xf32>,
        tpu.vector_store %arg7[%swap3A_534, %swap3A_535, %swap3A_536], %gather3A_531 {strides = array<i32>} : memref<2x8x128xf32, #tpu.memory_space<vmem>>, vector<16xf32>,
        %add3A_538 = arith.addi %add3A_530, %broadcast_in_dim3A_90 : vector<16xi32>
        %gather3A_539 = tpu.vector_load_idx %arg5[%add3A_538] : memref<40000xf32, #tpu.memory_space<vmem>>[vector<16xi32>], vector<16xf32>,
        %swap3A_540 = arith.constant 0 : i32
        %swap3A_541 = arith.constant 7 : i32
        %swap3A_542 = arith.index_cast %swap3A_540 : i32 to index
        %swap3A_543 = arith.index_cast %swap3A_541 : i32 to index
        %swap3A_544 = arith.constant 48 : index
        %swap3A_545 = tpu.vector_load %arg7[%swap3A_542, %swap3A_543, %swap3A_544] {strides = array<i32>} : memref<2x8x128xf32, #tpu.memory_space<vmem>>, vector<16xf32>,
        tpu.vector_store %arg7[%swap3A_542, %swap3A_543, %swap3A_544], %gather3A_539 {strides = array<i32>} : memref<2x8x128xf32, #tpu.memory_space<vmem>>, vector<16xf32>,
        %add3A_546 = arith.addi %mul3A_68, %broadcast_in_dim3A_271 : vector<16xi32>
        %gather3A_547 = arith.constant 1 : i32
        %gather3A_548 = arith.constant 0 : i32
        %gather3A_549 = tpu.memref_slice %arg6[%gather3A_547, %gather3A_548] : memref<2x25600xi32, #tpu.memory_space<vmem>> -> memref<1x25600xi32, #tpu.memory_space<vmem>>
        %gather3A_550 = tpu.memref_squeeze %gather3A_549 : memref<1x25600xi32, #tpu.memory_space<vmem>> -> memref<25600xi32, #tpu.memory_space<vmem>>
        %gather3A_551 = tpu.vector_load_idx %gather3A_550[%add3A_546] : memref<25600xi32, #tpu.memory_space<vmem>>[vector<16xi32>], vector<16xi32>,
        %gather3A_552 = tpu.vector_load_idx %arg5[%gather3A_551] : memref<40000xf32, #tpu.memory_space<vmem>>[vector<16xi32>], vector<16xf32>,
        %swap3A_553 = arith.constant 0 : i32
        %swap3A_554 = arith.constant 0 : i32
        %swap3A_555 = arith.index_cast %swap3A_553 : i32 to index
        %swap3A_556 = arith.index_cast %swap3A_554 : i32 to index
        %swap3A_557 = arith.constant 64 : index
        %swap3A_558 = tpu.vector_load %arg7[%swap3A_555, %swap3A_556, %swap3A_557] {strides = array<i32>} : memref<2x8x128xf32, #tpu.memory_space<vmem>>, vector<16xf32>,
        tpu.vector_store %arg7[%swap3A_555, %swap3A_556, %swap3A_557], %gather3A_552 {strides = array<i32>} : memref<2x8x128xf32, #tpu.memory_space<vmem>>, vector<16xf32>,
        %add3A_559 = arith.addi %gather3A_551, %broadcast_in_dim3A_90 : vector<16xi32>
        %gather3A_560 = tpu.vector_load_idx %arg5[%add3A_559] : memref<40000xf32, #tpu.memory_space<vmem>>[vector<16xi32>], vector<16xf32>,
        %swap3A_561 = arith.constant 0 : i32
        %swap3A_562 = arith.constant 1 : i32
        %swap3A_563 = arith.index_cast %swap3A_561 : i32 to index
        %swap3A_564 = arith.index_cast %swap3A_562 : i32 to index
        %swap3A_565 = arith.constant 64 : index
        %swap3A_566 = tpu.vector_load %arg7[%swap3A_563, %swap3A_564, %swap3A_565] {strides = array<i32>} : memref<2x8x128xf32, #tpu.memory_space<vmem>>, vector<16xf32>,
        tpu.vector_store %arg7[%swap3A_563, %swap3A_564, %swap3A_565], %gather3A_560 {strides = array<i32>} : memref<2x8x128xf32, #tpu.memory_space<vmem>>, vector<16xf32>,
        %add3A_567 = arith.addi %add3A_559, %broadcast_in_dim3A_90 : vector<16xi32>
        %gather3A_568 = tpu.vector_load_idx %arg5[%add3A_567] : memref<40000xf32, #tpu.memory_space<vmem>>[vector<16xi32>], vector<16xf32>,
        %swap3A_569 = arith.constant 0 : i32
        %swap3A_570 = arith.constant 2 : i32
        %swap3A_571 = arith.index_cast %swap3A_569 : i32 to index
        %swap3A_572 = arith.index_cast %swap3A_570 : i32 to index
        %swap3A_573 = arith.constant 64 : index
        %swap3A_574 = tpu.vector_load %arg7[%swap3A_571, %swap3A_572, %swap3A_573] {strides = array<i32>} : memref<2x8x128xf32, #tpu.memory_space<vmem>>, vector<16xf32>,
        tpu.vector_store %arg7[%swap3A_571, %swap3A_572, %swap3A_573], %gather3A_568 {strides = array<i32>} : memref<2x8x128xf32, #tpu.memory_space<vmem>>, vector<16xf32>,
        %add3A_575 = arith.addi %add3A_567, %broadcast_in_dim3A_90 : vector<16xi32>
        %gather3A_576 = tpu.vector_load_idx %arg5[%add3A_575] : memref<40000xf32, #tpu.memory_space<vmem>>[vector<16xi32>], vector<16xf32>,
        %swap3A_577 = arith.constant 0 : i32
        %swap3A_578 = arith.constant 3 : i32
        %swap3A_579 = arith.index_cast %swap3A_577 : i32 to index
        %swap3A_580 = arith.index_cast %swap3A_578 : i32 to index
        %swap3A_581 = arith.constant 64 : index
        %swap3A_582 = tpu.vector_load %arg7[%swap3A_579, %swap3A_580, %swap3A_581] {strides = array<i32>} : memref<2x8x128xf32, #tpu.memory_space<vmem>>, vector<16xf32>,
        tpu.vector_store %arg7[%swap3A_579, %swap3A_580, %swap3A_581], %gather3A_576 {strides = array<i32>} : memref<2x8x128xf32, #tpu.memory_space<vmem>>, vector<16xf32>,
        %add3A_583 = arith.addi %add3A_575, %broadcast_in_dim3A_90 : vector<16xi32>
        %gather3A_584 = tpu.vector_load_idx %arg5[%add3A_583] : memref<40000xf32, #tpu.memory_space<vmem>>[vector<16xi32>], vector<16xf32>,
        %swap3A_585 = arith.constant 0 : i32
        %swap3A_586 = arith.constant 4 : i32
        %swap3A_587 = arith.index_cast %swap3A_585 : i32 to index
        %swap3A_588 = arith.index_cast %swap3A_586 : i32 to index
        %swap3A_589 = arith.constant 64 : index
        %swap3A_590 = tpu.vector_load %arg7[%swap3A_587, %swap3A_588, %swap3A_589] {strides = array<i32>} : memref<2x8x128xf32, #tpu.memory_space<vmem>>, vector<16xf32>,
        tpu.vector_store %arg7[%swap3A_587, %swap3A_588, %swap3A_589], %gather3A_584 {strides = array<i32>} : memref<2x8x128xf32, #tpu.memory_space<vmem>>, vector<16xf32>,
        %add3A_591 = arith.addi %add3A_583, %broadcast_in_dim3A_90 : vector<16xi32>
        %gather3A_592 = tpu.vector_load_idx %arg5[%add3A_591] : memref<40000xf32, #tpu.memory_space<vmem>>[vector<16xi32>], vector<16xf32>,
        %swap3A_593 = arith.constant 0 : i32
        %swap3A_594 = arith.constant 5 : i32
        %swap3A_595 = arith.index_cast %swap3A_593 : i32 to index
        %swap3A_596 = arith.index_cast %swap3A_594 : i32 to index
        %swap3A_597 = arith.constant 64 : index
        %swap3A_598 = tpu.vector_load %arg7[%swap3A_595, %swap3A_596, %swap3A_597] {strides = array<i32>} : memref<2x8x128xf32, #tpu.memory_space<vmem>>, vector<16xf32>,
        tpu.vector_store %arg7[%swap3A_595, %swap3A_596, %swap3A_597], %gather3A_592 {strides = array<i32>} : memref<2x8x128xf32, #tpu.memory_space<vmem>>, vector<16xf32>,
        %add3A_599 = arith.addi %add3A_591, %broadcast_in_dim3A_90 : vector<16xi32>
        %gather3A_600 = tpu.vector_load_idx %arg5[%add3A_599] : memref<40000xf32, #tpu.memory_space<vmem>>[vector<16xi32>], vector<16xf32>,
        %swap3A_601 = arith.constant 0 : i32
        %swap3A_602 = arith.constant 6 : i32
        %swap3A_603 = arith.index_cast %swap3A_601 : i32 to index
        %swap3A_604 = arith.index_cast %swap3A_602 : i32 to index
        %swap3A_605 = arith.constant 64 : index
        %swap3A_606 = tpu.vector_load %arg7[%swap3A_603, %swap3A_604, %swap3A_605] {strides = array<i32>} : memref<2x8x128xf32, #tpu.memory_space<vmem>>, vector<16xf32>,
        tpu.vector_store %arg7[%swap3A_603, %swap3A_604, %swap3A_605], %gather3A_600 {strides = array<i32>} : memref<2x8x128xf32, #tpu.memory_space<vmem>>, vector<16xf32>,
        %add3A_607 = arith.addi %add3A_599, %broadcast_in_dim3A_90 : vector<16xi32>
        %gather3A_608 = tpu.vector_load_idx %arg5[%add3A_607] : memref<40000xf32, #tpu.memory_space<vmem>>[vector<16xi32>], vector<16xf32>,
        %swap3A_609 = arith.constant 0 : i32
        %swap3A_610 = arith.constant 7 : i32
        %swap3A_611 = arith.index_cast %swap3A_609 : i32 to index
        %swap3A_612 = arith.index_cast %swap3A_610 : i32 to index
        %swap3A_613 = arith.constant 64 : index
        %swap3A_614 = tpu.vector_load %arg7[%swap3A_611, %swap3A_612, %swap3A_613] {strides = array<i32>} : memref<2x8x128xf32, #tpu.memory_space<vmem>>, vector<16xf32>,
        tpu.vector_store %arg7[%swap3A_611, %swap3A_612, %swap3A_613], %gather3A_608 {strides = array<i32>} : memref<2x8x128xf32, #tpu.memory_space<vmem>>, vector<16xf32>,
        %add3A_615 = arith.addi %mul3A_75, %broadcast_in_dim3A_271 : vector<16xi32>
        %gather3A_616 = arith.constant 1 : i32
        %gather3A_617 = arith.constant 0 : i32
        %gather3A_618 = tpu.memref_slice %arg6[%gather3A_616, %gather3A_617] : memref<2x25600xi32, #tpu.memory_space<vmem>> -> memref<1x25600xi32, #tpu.memory_space<vmem>>
        %gather3A_619 = tpu.memref_squeeze %gather3A_618 : memref<1x25600xi32, #tpu.memory_space<vmem>> -> memref<25600xi32, #tpu.memory_space<vmem>>
        %gather3A_620 = tpu.vector_load_idx %gather3A_619[%add3A_615] : memref<25600xi32, #tpu.memory_space<vmem>>[vector<16xi32>], vector<16xi32>,
        %gather3A_621 = tpu.vector_load_idx %arg5[%gather3A_620] : memref<40000xf32, #tpu.memory_space<vmem>>[vector<16xi32>], vector<16xf32>,
        %swap3A_622 = arith.constant 0 : i32
        %swap3A_623 = arith.constant 0 : i32
        %swap3A_624 = arith.index_cast %swap3A_622 : i32 to index
        %swap3A_625 = arith.index_cast %swap3A_623 : i32 to index
        %swap3A_626 = arith.constant 80 : index
        %swap3A_627 = tpu.vector_load %arg7[%swap3A_624, %swap3A_625, %swap3A_626] {strides = array<i32>} : memref<2x8x128xf32, #tpu.memory_space<vmem>>, vector<16xf32>,
        tpu.vector_store %arg7[%swap3A_624, %swap3A_625, %swap3A_626], %gather3A_621 {strides = array<i32>} : memref<2x8x128xf32, #tpu.memory_space<vmem>>, vector<16xf32>,
        %add3A_628 = arith.addi %gather3A_620, %broadcast_in_dim3A_90 : vector<16xi32>
        %gather3A_629 = tpu.vector_load_idx %arg5[%add3A_628] : memref<40000xf32, #tpu.memory_space<vmem>>[vector<16xi32>], vector<16xf32>,
        %swap3A_630 = arith.constant 0 : i32
        %swap3A_631 = arith.constant 1 : i32
        %swap3A_632 = arith.index_cast %swap3A_630 : i32 to index
        %swap3A_633 = arith.index_cast %swap3A_631 : i32 to index
        %swap3A_634 = arith.constant 80 : index
        %swap3A_635 = tpu.vector_load %arg7[%swap3A_632, %swap3A_633, %swap3A_634] {strides = array<i32>} : memref<2x8x128xf32, #tpu.memory_space<vmem>>, vector<16xf32>,
        tpu.vector_store %arg7[%swap3A_632, %swap3A_633, %swap3A_634], %gather3A_629 {strides = array<i32>} : memref<2x8x128xf32, #tpu.memory_space<vmem>>, vector<16xf32>,
        %add3A_636 = arith.addi %add3A_628, %broadcast_in_dim3A_90 : vector<16xi32>
        %gather3A_637 = tpu.vector_load_idx %arg5[%add3A_636] : memref<40000xf32, #tpu.memory_space<vmem>>[vector<16xi32>], vector<16xf32>,
        %swap3A_638 = arith.constant 0 : i32
        %swap3A_639 = arith.constant 2 : i32
        %swap3A_640 = arith.index_cast %swap3A_638 : i32 to index
        %swap3A_641 = arith.index_cast %swap3A_639 : i32 to index
        %swap3A_642 = arith.constant 80 : index
        %swap3A_643 = tpu.vector_load %arg7[%swap3A_640, %swap3A_641, %swap3A_642] {strides = array<i32>} : memref<2x8x128xf32, #tpu.memory_space<vmem>>, vector<16xf32>,
        tpu.vector_store %arg7[%swap3A_640, %swap3A_641, %swap3A_642], %gather3A_637 {strides = array<i32>} : memref<2x8x128xf32, #tpu.memory_space<vmem>>, vector<16xf32>,
        %add3A_644 = arith.addi %add3A_636, %broadcast_in_dim3A_90 : vector<16xi32>
        %gather3A_645 = tpu.vector_load_idx %arg5[%add3A_644] : memref<40000xf32, #tpu.memory_space<vmem>>[vector<16xi32>], vector<16xf32>,
        %swap3A_646 = arith.constant 0 : i32
        %swap3A_647 = arith.constant 3 : i32
        %swap3A_648 = arith.index_cast %swap3A_646 : i32 to index
        %swap3A_649 = arith.index_cast %swap3A_647 : i32 to index
        %swap3A_650 = arith.constant 80 : index
        %swap3A_651 = tpu.vector_load %arg7[%swap3A_648, %swap3A_649, %swap3A_650] {strides = array<i32>} : memref<2x8x128xf32, #tpu.memory_space<vmem>>, vector<16xf32>,
        tpu.vector_store %arg7[%swap3A_648, %swap3A_649, %swap3A_650], %gather3A_645 {strides = array<i32>} : memref<2x8x128xf32, #tpu.memory_space<vmem>>, vector<16xf32>,
        %add3A_652 = arith.addi %add3A_644, %broadcast_in_dim3A_90 : vector<16xi32>
        %gather3A_653 = tpu.vector_load_idx %arg5[%add3A_652] : memref<40000xf32, #tpu.memory_space<vmem>>[vector<16xi32>], vector<16xf32>,
        %swap3A_654 = arith.constant 0 : i32
        %swap3A_655 = arith.constant 4 : i32
        %swap3A_656 = arith.index_cast %swap3A_654 : i32 to index
        %swap3A_657 = arith.index_cast %swap3A_655 : i32 to index
        %swap3A_658 = arith.constant 80 : index
        %swap3A_659 = tpu.vector_load %arg7[%swap3A_656, %swap3A_657, %swap3A_658] {strides = array<i32>} : memref<2x8x128xf32, #tpu.memory_space<vmem>>, vector<16xf32>,
        tpu.vector_store %arg7[%swap3A_656, %swap3A_657, %swap3A_658], %gather3A_653 {strides = array<i32>} : memref<2x8x128xf32, #tpu.memory_space<vmem>>, vector<16xf32>,
        %add3A_660 = arith.addi %add3A_652, %broadcast_in_dim3A_90 : vector<16xi32>
        %gather3A_661 = tpu.vector_load_idx %arg5[%add3A_660] : memref<40000xf32, #tpu.memory_space<vmem>>[vector<16xi32>], vector<16xf32>,
        %swap3A_662 = arith.constant 0 : i32
        %swap3A_663 = arith.constant 5 : i32
        %swap3A_664 = arith.index_cast %swap3A_662 : i32 to index
        %swap3A_665 = arith.index_cast %swap3A_663 : i32 to index
        %swap3A_666 = arith.constant 80 : index
        %swap3A_667 = tpu.vector_load %arg7[%swap3A_664, %swap3A_665, %swap3A_666] {strides = array<i32>} : memref<2x8x128xf32, #tpu.memory_space<vmem>>, vector<16xf32>,
        tpu.vector_store %arg7[%swap3A_664, %swap3A_665, %swap3A_666], %gather3A_661 {strides = array<i32>} : memref<2x8x128xf32, #tpu.memory_space<vmem>>, vector<16xf32>,
        %add3A_668 = arith.addi %add3A_660, %broadcast_in_dim3A_90 : vector<16xi32>
        %gather3A_669 = tpu.vector_load_idx %arg5[%add3A_668] : memref<40000xf32, #tpu.memory_space<vmem>>[vector<16xi32>], vector<16xf32>,
        %swap3A_670 = arith.constant 0 : i32
        %swap3A_671 = arith.constant 6 : i32
        %swap3A_672 = arith.index_cast %swap3A_670 : i32 to index
        %swap3A_673 = arith.index_cast %swap3A_671 : i32 to index
        %swap3A_674 = arith.constant 80 : index
        %swap3A_675 = tpu.vector_load %arg7[%swap3A_672, %swap3A_673, %swap3A_674] {strides = array<i32>} : memref<2x8x128xf32, #tpu.memory_space<vmem>>, vector<16xf32>,
        tpu.vector_store %arg7[%swap3A_672, %swap3A_673, %swap3A_674], %gather3A_669 {strides = array<i32>} : memref<2x8x128xf32, #tpu.memory_space<vmem>>, vector<16xf32>,
        %add3A_676 = arith.addi %add3A_668, %broadcast_in_dim3A_90 : vector<16xi32>
        %gather3A_677 = tpu.vector_load_idx %arg5[%add3A_676] : memref<40000xf32, #tpu.memory_space<vmem>>[vector<16xi32>], vector<16xf32>,
        %swap3A_678 = arith.constant 0 : i32
        %swap3A_679 = arith.constant 7 : i32
        %swap3A_680 = arith.index_cast %swap3A_678 : i32 to index
        %swap3A_681 = arith.index_cast %swap3A_679 : i32 to index
        %swap3A_682 = arith.constant 80 : index
        %swap3A_683 = tpu.vector_load %arg7[%swap3A_680, %swap3A_681, %swap3A_682] {strides = array<i32>} : memref<2x8x128xf32, #tpu.memory_space<vmem>>, vector<16xf32>,
        tpu.vector_store %arg7[%swap3A_680, %swap3A_681, %swap3A_682], %gather3A_677 {strides = array<i32>} : memref<2x8x128xf32, #tpu.memory_space<vmem>>, vector<16xf32>,
        %add3A_684 = arith.addi %mul3A_82, %broadcast_in_dim3A_271 : vector<16xi32>
        %gather3A_685 = arith.constant 1 : i32
        %gather3A_686 = arith.constant 0 : i32
        %gather3A_687 = tpu.memref_slice %arg6[%gather3A_685, %gather3A_686] : memref<2x25600xi32, #tpu.memory_space<vmem>> -> memref<1x25600xi32, #tpu.memory_space<vmem>>
        %gather3A_688 = tpu.memref_squeeze %gather3A_687 : memref<1x25600xi32, #tpu.memory_space<vmem>> -> memref<25600xi32, #tpu.memory_space<vmem>>
        %gather3A_689 = tpu.vector_load_idx %gather3A_688[%add3A_684] : memref<25600xi32, #tpu.memory_space<vmem>>[vector<16xi32>], vector<16xi32>,
        %gather3A_690 = tpu.vector_load_idx %arg5[%gather3A_689] : memref<40000xf32, #tpu.memory_space<vmem>>[vector<16xi32>], vector<16xf32>,
        %swap3A_691 = arith.constant 0 : i32
        %swap3A_692 = arith.constant 0 : i32
        %swap3A_693 = arith.index_cast %swap3A_691 : i32 to index
        %swap3A_694 = arith.index_cast %swap3A_692 : i32 to index
        %swap3A_695 = arith.constant 96 : index
        %swap3A_696 = tpu.vector_load %arg7[%swap3A_693, %swap3A_694, %swap3A_695] {strides = array<i32>} : memref<2x8x128xf32, #tpu.memory_space<vmem>>, vector<16xf32>,
        tpu.vector_store %arg7[%swap3A_693, %swap3A_694, %swap3A_695], %gather3A_690 {strides = array<i32>} : memref<2x8x128xf32, #tpu.memory_space<vmem>>, vector<16xf32>,
        %add3A_697 = arith.addi %gather3A_689, %broadcast_in_dim3A_90 : vector<16xi32>
        %gather3A_698 = tpu.vector_load_idx %arg5[%add3A_697] : memref<40000xf32, #tpu.memory_space<vmem>>[vector<16xi32>], vector<16xf32>,
        %swap3A_699 = arith.constant 0 : i32
        %swap3A_700 = arith.constant 1 : i32
        %swap3A_701 = arith.index_cast %swap3A_699 : i32 to index
        %swap3A_702 = arith.index_cast %swap3A_700 : i32 to index
        %swap3A_703 = arith.constant 96 : index
        %swap3A_704 = tpu.vector_load %arg7[%swap3A_701, %swap3A_702, %swap3A_703] {strides = array<i32>} : memref<2x8x128xf32, #tpu.memory_space<vmem>>, vector<16xf32>,
        tpu.vector_store %arg7[%swap3A_701, %swap3A_702, %swap3A_703], %gather3A_698 {strides = array<i32>} : memref<2x8x128xf32, #tpu.memory_space<vmem>>, vector<16xf32>,
        %add3A_705 = arith.addi %add3A_697, %broadcast_in_dim3A_90 : vector<16xi32>
        %gather3A_706 = tpu.vector_load_idx %arg5[%add3A_705] : memref<40000xf32, #tpu.memory_space<vmem>>[vector<16xi32>], vector<16xf32>,
        %swap3A_707 = arith.constant 0 : i32
        %swap3A_708 = arith.constant 2 : i32
        %swap3A_709 = arith.index_cast %swap3A_707 : i32 to index
        %swap3A_710 = arith.index_cast %swap3A_708 : i32 to index
        %swap3A_711 = arith.constant 96 : index
        %swap3A_712 = tpu.vector_load %arg7[%swap3A_709, %swap3A_710, %swap3A_711] {strides = array<i32>} : memref<2x8x128xf32, #tpu.memory_space<vmem>>, vector<16xf32>,
        tpu.vector_store %arg7[%swap3A_709, %swap3A_710, %swap3A_711], %gather3A_706 {strides = array<i32>} : memref<2x8x128xf32, #tpu.memory_space<vmem>>, vector<16xf32>,
        %add3A_713 = arith.addi %add3A_705, %broadcast_in_dim3A_90 : vector<16xi32>
        %gather3A_714 = tpu.vector_load_idx %arg5[%add3A_713] : memref<40000xf32, #tpu.memory_space<vmem>>[vector<16xi32>], vector<16xf32>,
        %swap3A_715 = arith.constant 0 : i32
        %swap3A_716 = arith.constant 3 : i32
        %swap3A_717 = arith.index_cast %swap3A_715 : i32 to index
        %swap3A_718 = arith.index_cast %swap3A_716 : i32 to index
        %swap3A_719 = arith.constant 96 : index
        %swap3A_720 = tpu.vector_load %arg7[%swap3A_717, %swap3A_718, %swap3A_719] {strides = array<i32>} : memref<2x8x128xf32, #tpu.memory_space<vmem>>, vector<16xf32>,
        tpu.vector_store %arg7[%swap3A_717, %swap3A_718, %swap3A_719], %gather3A_714 {strides = array<i32>} : memref<2x8x128xf32, #tpu.memory_space<vmem>>, vector<16xf32>,
        %add3A_721 = arith.addi %add3A_713, %broadcast_in_dim3A_90 : vector<16xi32>
        %gather3A_722 = tpu.vector_load_idx %arg5[%add3A_721] : memref<40000xf32, #tpu.memory_space<vmem>>[vector<16xi32>], vector<16xf32>,
        %swap3A_723 = arith.constant 0 : i32
        %swap3A_724 = arith.constant 4 : i32
        %swap3A_725 = arith.index_cast %swap3A_723 : i32 to index
        %swap3A_726 = arith.index_cast %swap3A_724 : i32 to index
        %swap3A_727 = arith.constant 96 : index
        %swap3A_728 = tpu.vector_load %arg7[%swap3A_725, %swap3A_726, %swap3A_727] {strides = array<i32>} : memref<2x8x128xf32, #tpu.memory_space<vmem>>, vector<16xf32>,
        tpu.vector_store %arg7[%swap3A_725, %swap3A_726, %swap3A_727], %gather3A_722 {strides = array<i32>} : memref<2x8x128xf32, #tpu.memory_space<vmem>>, vector<16xf32>,
        %add3A_729 = arith.addi %add3A_721, %broadcast_in_dim3A_90 : vector<16xi32>
        %gather3A_730 = tpu.vector_load_idx %arg5[%add3A_729] : memref<40000xf32, #tpu.memory_space<vmem>>[vector<16xi32>], vector<16xf32>,
        %swap3A_731 = arith.constant 0 : i32
        %swap3A_732 = arith.constant 5 : i32
        %swap3A_733 = arith.index_cast %swap3A_731 : i32 to index
        %swap3A_734 = arith.index_cast %swap3A_732 : i32 to index
        %swap3A_735 = arith.constant 96 : index
        %swap3A_736 = tpu.vector_load %arg7[%swap3A_733, %swap3A_734, %swap3A_735] {strides = array<i32>} : memref<2x8x128xf32, #tpu.memory_space<vmem>>, vector<16xf32>,
        tpu.vector_store %arg7[%swap3A_733, %swap3A_734, %swap3A_735], %gather3A_730 {strides = array<i32>} : memref<2x8x128xf32, #tpu.memory_space<vmem>>, vector<16xf32>,
        %add3A_737 = arith.addi %add3A_729, %broadcast_in_dim3A_90 : vector<16xi32>
        %gather3A_738 = tpu.vector_load_idx %arg5[%add3A_737] : memref<40000xf32, #tpu.memory_space<vmem>>[vector<16xi32>], vector<16xf32>,
        %swap3A_739 = arith.constant 0 : i32
        %swap3A_740 = arith.constant 6 : i32
        %swap3A_741 = arith.index_cast %swap3A_739 : i32 to index
        %swap3A_742 = arith.index_cast %swap3A_740 : i32 to index
        %swap3A_743 = arith.constant 96 : index
        %swap3A_744 = tpu.vector_load %arg7[%swap3A_741, %swap3A_742, %swap3A_743] {strides = array<i32>} : memref<2x8x128xf32, #tpu.memory_space<vmem>>, vector<16xf32>,
        tpu.vector_store %arg7[%swap3A_741, %swap3A_742, %swap3A_743], %gather3A_738 {strides = array<i32>} : memref<2x8x128xf32, #tpu.memory_space<vmem>>, vector<16xf32>,
        %add3A_745 = arith.addi %add3A_737, %broadcast_in_dim3A_90 : vector<16xi32>
        %gather3A_746 = tpu.vector_load_idx %arg5[%add3A_745] : memref<40000xf32, #tpu.memory_space<vmem>>[vector<16xi32>], vector<16xf32>,
        %swap3A_747 = arith.constant 0 : i32
        %swap3A_748 = arith.constant 7 : i32
        %swap3A_749 = arith.index_cast %swap3A_747 : i32 to index
        %swap3A_750 = arith.index_cast %swap3A_748 : i32 to index
        %swap3A_751 = arith.constant 96 : index
        %swap3A_752 = tpu.vector_load %arg7[%swap3A_749, %swap3A_750, %swap3A_751] {strides = array<i32>} : memref<2x8x128xf32, #tpu.memory_space<vmem>>, vector<16xf32>,
        tpu.vector_store %arg7[%swap3A_749, %swap3A_750, %swap3A_751], %gather3A_746 {strides = array<i32>} : memref<2x8x128xf32, #tpu.memory_space<vmem>>, vector<16xf32>,
        %add3A_753 = arith.addi %mul3A_89, %broadcast_in_dim3A_271 : vector<16xi32>
        %gather3A_754 = arith.constant 1 : i32
        %gather3A_755 = arith.constant 0 : i32
        %gather3A_756 = tpu.memref_slice %arg6[%gather3A_754, %gather3A_755] : memref<2x25600xi32, #tpu.memory_space<vmem>> -> memref<1x25600xi32, #tpu.memory_space<vmem>>
        %gather3A_757 = tpu.memref_squeeze %gather3A_756 : memref<1x25600xi32, #tpu.memory_space<vmem>> -> memref<25600xi32, #tpu.memory_space<vmem>>
        %gather3A_758 = tpu.vector_load_idx %gather3A_757[%add3A_753] : memref<25600xi32, #tpu.memory_space<vmem>>[vector<16xi32>], vector<16xi32>,
        %gather3A_759 = tpu.vector_load_idx %arg5[%gather3A_758] : memref<40000xf32, #tpu.memory_space<vmem>>[vector<16xi32>], vector<16xf32>,
        %swap3A_760 = arith.constant 0 : i32
        %swap3A_761 = arith.constant 0 : i32
        %swap3A_762 = arith.index_cast %swap3A_760 : i32 to index
        %swap3A_763 = arith.index_cast %swap3A_761 : i32 to index
        %swap3A_764 = arith.constant 112 : index
        %swap3A_765 = tpu.vector_load %arg7[%swap3A_762, %swap3A_763, %swap3A_764] {strides = array<i32>} : memref<2x8x128xf32, #tpu.memory_space<vmem>>, vector<16xf32>,
        tpu.vector_store %arg7[%swap3A_762, %swap3A_763, %swap3A_764], %gather3A_759 {strides = array<i32>} : memref<2x8x128xf32, #tpu.memory_space<vmem>>, vector<16xf32>,
        %add3A_766 = arith.addi %gather3A_758, %broadcast_in_dim3A_90 : vector<16xi32>
        %gather3A_767 = tpu.vector_load_idx %arg5[%add3A_766] : memref<40000xf32, #tpu.memory_space<vmem>>[vector<16xi32>], vector<16xf32>,
        %swap3A_768 = arith.constant 0 : i32
        %swap3A_769 = arith.constant 1 : i32
        %swap3A_770 = arith.index_cast %swap3A_768 : i32 to index
        %swap3A_771 = arith.index_cast %swap3A_769 : i32 to index
        %swap3A_772 = arith.constant 112 : index
        %swap3A_773 = tpu.vector_load %arg7[%swap3A_770, %swap3A_771, %swap3A_772] {strides = array<i32>} : memref<2x8x128xf32, #tpu.memory_space<vmem>>, vector<16xf32>,
        tpu.vector_store %arg7[%swap3A_770, %swap3A_771, %swap3A_772], %gather3A_767 {strides = array<i32>} : memref<2x8x128xf32, #tpu.memory_space<vmem>>, vector<16xf32>,
        %add3A_774 = arith.addi %add3A_766, %broadcast_in_dim3A_90 : vector<16xi32>
        %gather3A_775 = tpu.vector_load_idx %arg5[%add3A_774] : memref<40000xf32, #tpu.memory_space<vmem>>[vector<16xi32>], vector<16xf32>,
        %swap3A_776 = arith.constant 0 : i32
        %swap3A_777 = arith.constant 2 : i32
        %swap3A_778 = arith.index_cast %swap3A_776 : i32 to index
        %swap3A_779 = arith.index_cast %swap3A_777 : i32 to index
        %swap3A_780 = arith.constant 112 : index
        %swap3A_781 = tpu.vector_load %arg7[%swap3A_778, %swap3A_779, %swap3A_780] {strides = array<i32>} : memref<2x8x128xf32, #tpu.memory_space<vmem>>, vector<16xf32>,
        tpu.vector_store %arg7[%swap3A_778, %swap3A_779, %swap3A_780], %gather3A_775 {strides = array<i32>} : memref<2x8x128xf32, #tpu.memory_space<vmem>>, vector<16xf32>,
        %add3A_782 = arith.addi %add3A_774, %broadcast_in_dim3A_90 : vector<16xi32>
        %gather3A_783 = tpu.vector_load_idx %arg5[%add3A_782] : memref<40000xf32, #tpu.memory_space<vmem>>[vector<16xi32>], vector<16xf32>,
        %swap3A_784 = arith.constant 0 : i32
        %swap3A_785 = arith.constant 3 : i32
        %swap3A_786 = arith.index_cast %swap3A_784 : i32 to index
        %swap3A_787 = arith.index_cast %swap3A_785 : i32 to index
        %swap3A_788 = arith.constant 112 : index
        %swap3A_789 = tpu.vector_load %arg7[%swap3A_786, %swap3A_787, %swap3A_788] {strides = array<i32>} : memref<2x8x128xf32, #tpu.memory_space<vmem>>, vector<16xf32>,
        tpu.vector_store %arg7[%swap3A_786, %swap3A_787, %swap3A_788], %gather3A_783 {strides = array<i32>} : memref<2x8x128xf32, #tpu.memory_space<vmem>>, vector<16xf32>,
        %add3A_790 = arith.addi %add3A_782, %broadcast_in_dim3A_90 : vector<16xi32>
        %gather3A_791 = tpu.vector_load_idx %arg5[%add3A_790] : memref<40000xf32, #tpu.memory_space<vmem>>[vector<16xi32>], vector<16xf32>,
        %swap3A_792 = arith.constant 0 : i32
        %swap3A_793 = arith.constant 4 : i32
        %swap3A_794 = arith.index_cast %swap3A_792 : i32 to index
        %swap3A_795 = arith.index_cast %swap3A_793 : i32 to index
        %swap3A_796 = arith.constant 112 : index
        %swap3A_797 = tpu.vector_load %arg7[%swap3A_794, %swap3A_795, %swap3A_796] {strides = array<i32>} : memref<2x8x128xf32, #tpu.memory_space<vmem>>, vector<16xf32>,
        tpu.vector_store %arg7[%swap3A_794, %swap3A_795, %swap3A_796], %gather3A_791 {strides = array<i32>} : memref<2x8x128xf32, #tpu.memory_space<vmem>>, vector<16xf32>,
        %add3A_798 = arith.addi %add3A_790, %broadcast_in_dim3A_90 : vector<16xi32>
        %gather3A_799 = tpu.vector_load_idx %arg5[%add3A_798] : memref<40000xf32, #tpu.memory_space<vmem>>[vector<16xi32>], vector<16xf32>,
        %swap3A_800 = arith.constant 0 : i32
        %swap3A_801 = arith.constant 5 : i32
        %swap3A_802 = arith.index_cast %swap3A_800 : i32 to index
        %swap3A_803 = arith.index_cast %swap3A_801 : i32 to index
        %swap3A_804 = arith.constant 112 : index
        %swap3A_805 = tpu.vector_load %arg7[%swap3A_802, %swap3A_803, %swap3A_804] {strides = array<i32>} : memref<2x8x128xf32, #tpu.memory_space<vmem>>, vector<16xf32>,
        tpu.vector_store %arg7[%swap3A_802, %swap3A_803, %swap3A_804], %gather3A_799 {strides = array<i32>} : memref<2x8x128xf32, #tpu.memory_space<vmem>>, vector<16xf32>,
        %add3A_806 = arith.addi %add3A_798, %broadcast_in_dim3A_90 : vector<16xi32>
        %gather3A_807 = tpu.vector_load_idx %arg5[%add3A_806] : memref<40000xf32, #tpu.memory_space<vmem>>[vector<16xi32>], vector<16xf32>,
        %swap3A_808 = arith.constant 0 : i32
        %swap3A_809 = arith.constant 6 : i32
        %swap3A_810 = arith.index_cast %swap3A_808 : i32 to index
        %swap3A_811 = arith.index_cast %swap3A_809 : i32 to index
        %swap3A_812 = arith.constant 112 : index
        %swap3A_813 = tpu.vector_load %arg7[%swap3A_810, %swap3A_811, %swap3A_812] {strides = array<i32>} : memref<2x8x128xf32, #tpu.memory_space<vmem>>, vector<16xf32>,
        tpu.vector_store %arg7[%swap3A_810, %swap3A_811, %swap3A_812], %gather3A_807 {strides = array<i32>} : memref<2x8x128xf32, #tpu.memory_space<vmem>>, vector<16xf32>,
        %add3A_814 = arith.addi %add3A_806, %broadcast_in_dim3A_90 : vector<16xi32>
        %gather3A_815 = tpu.vector_load_idx %arg5[%add3A_814] : memref<40000xf32, #tpu.memory_space<vmem>>[vector<16xi32>], vector<16xf32>,
        %swap3A_816 = arith.constant 0 : i32
        %swap3A_817 = arith.constant 7 : i32
        %swap3A_818 = arith.index_cast %swap3A_816 : i32 to index
        %swap3A_819 = arith.index_cast %swap3A_817 : i32 to index
        %swap3A_820 = arith.constant 112 : index
        %swap3A_821 = tpu.vector_load %arg7[%swap3A_818, %swap3A_819, %swap3A_820] {strides = array<i32>} : memref<2x8x128xf32, #tpu.memory_space<vmem>>, vector<16xf32>,
        tpu.vector_store %arg7[%swap3A_818, %swap3A_819, %swap3A_820], %gather3A_815 {strides = array<i32>} : memref<2x8x128xf32, #tpu.memory_space<vmem>>, vector<16xf32>,
        %dma_start3A_822 = arith.constant 0 : i32
        %dma_start3A_823 = arith.constant 0 : i32
        %dma_start3A_824 = arith.constant 0 : i32
        %dma_start3A_825 = tpu.memref_slice %arg7[%dma_start3A_822, %dma_start3A_823, %dma_start3A_824] : memref<2x8x128xf32, #tpu.memory_space<vmem>> -> memref<1x8x128xf32, #tpu.memory_space<vmem>>
        %dma_start3A_826 = tpu.memref_squeeze %dma_start3A_825 : memref<1x8x128xf32, #tpu.memory_space<vmem>> -> memref<8x128xf32, #tpu.memory_space<vmem>>
        %dma_start3A_827 = arith.constant 0 : i32
        %dma_start3A_828 = arith.constant 0 : i32
        %dma_start3A_829 = tpu.memref_slice %arg4[%add3A_266, %select_n3A_9, %add3A_228, %dma_start3A_827, %dma_start3A_828] : memref<200x8x128x8x128xf32, #tpu.memory_space<hbm>> -> memref<1x1x1x8x128xf32, #tpu.memory_space<hbm>>
        %dma_start3A_830 = tpu.memref_squeeze %dma_start3A_829 : memref<1x1x1x8x128xf32, #tpu.memory_space<hbm>> -> memref<8x128xf32, #tpu.memory_space<hbm>>
        %dma_start3A_831 = arith.constant 0 : i32
        %dma_start3A_832 = arith.constant 0 : i32
        %dma_start3A_833 = tpu.memref_slice %arg4[%add3A_266, %select_n3A_9, %add3A_228, %dma_start3A_831, %dma_start3A_832] : memref<200x8x128x8x128xf32, #tpu.memory_space<hbm>> -> memref<1x1x1x8x128xf32, #tpu.memory_space<hbm>>
        %dma_start3A_834 = tpu.memref_squeeze %dma_start3A_833 : memref<1x1x1x8x128xf32, #tpu.memory_space<hbm>> -> memref<8x128xf32, #tpu.memory_space<hbm>>
        %dma_start3A_835 = arith.constant 0 : i32
        %dma_start3A_836 = arith.constant 0 : i32
        %dma_start3A_837 = tpu.memref_slice %arg7[%dma_start3A_822, %dma_start3A_835, %dma_start3A_836] : memref<2x8x128xf32, #tpu.memory_space<vmem>> -> memref<1x8x128xf32, #tpu.memory_space<vmem>>
        %dma_start3A_838 = tpu.memref_squeeze %dma_start3A_837 : memref<1x8x128xf32, #tpu.memory_space<vmem>> -> memref<8x128xf32, #tpu.memory_space<vmem>>
        tpu.enqueue_dma source(%dma_start3A_838 : memref<8x128xf32, #tpu.memory_space<vmem>>) target(%dma_start3A_834 : memref<8x128xf32, #tpu.memory_space<hbm>>) target_semaphore(%arg10 : memref<!tpu.dma_semaphore, #tpu.memory_space<semaphore_mem>>)
        %mul3A_839 = arith.constant 2 : i32
        %mul3A_840 = arith.muli %scan3A_262, %mul3A_839 : i32
        %add3A_841 = arith.constant 1 : i32
        %add3A_842 = arith.addi %mul3A_840, %add3A_841 : i32
        %gt3A_843 = arith.constant 0 : i32
        %gt3A_844 = arith.cmpi sgt, %add3A_227, %gt3A_843 : i32
        %gt3A_845 = arith.constant 0 : i32
        %gt3A_846 = arith.cmpi sgt, %scan3A_262, %gt3A_845 : i32
        %or3A_847 = arith.ori %gt3A_844, %gt3A_846 : i1
        %convert_element_type3A_848 = arith.extui %or3A_847 : i1 to i32
        %cond3A_849 = arith.constant 0 : i32
        %cond3A_850 = arith.cmpi ne, %convert_element_type3A_848, %cond3A_849 : i32
        scf.if %cond3A_850 {
          %dma_wait3A_1421 = arith.constant 1 : i32
          %dma_wait3A_1422 = arith.constant 0 : i32
          %dma_wait3A_1423 = arith.constant 0 : i32
          %dma_wait3A_1424 = tpu.memref_slice %arg7[%dma_wait3A_1421, %dma_wait3A_1422, %dma_wait3A_1423] : memref<2x8x128xf32, #tpu.memory_space<vmem>> -> memref<1x8x128xf32, #tpu.memory_space<vmem>>
          %dma_wait3A_1425 = tpu.memref_squeeze %dma_wait3A_1424 : memref<1x8x128xf32, #tpu.memory_space<vmem>> -> memref<8x128xf32, #tpu.memory_space<vmem>>
          %dma_wait3A_1426 = arith.constant 0 : i32
          %dma_wait3A_1427 = arith.constant 0 : i32
          %dma_wait3A_1428 = tpu.memref_slice %arg4[%add3A_842, %select_n3A_9, %add3A_228, %dma_wait3A_1426, %dma_wait3A_1427] : memref<200x8x128x8x128xf32, #tpu.memory_space<hbm>> -> memref<1x1x1x8x128xf32, #tpu.memory_space<hbm>>
          %dma_wait3A_1429 = tpu.memref_squeeze %dma_wait3A_1428 : memref<1x1x1x8x128xf32, #tpu.memory_space<hbm>> -> memref<8x128xf32, #tpu.memory_space<hbm>>
          %dma_wait3A_1430 = arith.constant 0 : i32
          %dma_wait3A_1431 = arith.constant 0 : i32
          %dma_wait3A_1432 = tpu.memref_slice %arg4[%add3A_842, %select_n3A_9, %add3A_228, %dma_wait3A_1430, %dma_wait3A_1431] : memref<200x8x128x8x128xf32, #tpu.memory_space<hbm>> -> memref<1x1x1x8x128xf32, #tpu.memory_space<hbm>>
          %dma_wait3A_1433 = tpu.memref_squeeze %dma_wait3A_1432 : memref<1x1x1x8x128xf32, #tpu.memory_space<hbm>> -> memref<8x128xf32, #tpu.memory_space<hbm>>
          %dma_wait3A_1434 = arith.constant 0 : i32
          %dma_wait3A_1435 = arith.constant 0 : i32
          %dma_wait3A_1436 = tpu.memref_slice %arg7[%dma_wait3A_1421, %dma_wait3A_1434, %dma_wait3A_1435] : memref<2x8x128xf32, #tpu.memory_space<vmem>> -> memref<1x8x128xf32, #tpu.memory_space<vmem>>
          %dma_wait3A_1437 = tpu.memref_squeeze %dma_wait3A_1436 : memref<1x8x128xf32, #tpu.memory_space<vmem>> -> memref<8x128xf32, #tpu.memory_space<vmem>>
          tpu.wait_dma2 semaphore(%arg11 : memref<!tpu.dma_semaphore, #tpu.memory_space<semaphore_mem>>) src(%dma_wait3A_1437 : memref<8x128xf32, #tpu.memory_space<vmem>>) dst(%dma_wait3A_1433 : memref<8x128xf32, #tpu.memory_space<hbm>>)
        } else {
        }
        %broadcast_in_dim3A_851 = vector.broadcast %add3A_842 : i32 to vector<16xi32>
        %add3A_852 = arith.addi %mul3A_40, %broadcast_in_dim3A_851 : vector<16xi32>
        %gather3A_853 = arith.constant 1 : i32
        %gather3A_854 = arith.constant 0 : i32
        %gather3A_855 = tpu.memref_slice %arg6[%gather3A_853, %gather3A_854] : memref<2x25600xi32, #tpu.memory_space<vmem>> -> memref<1x25600xi32, #tpu.memory_space<vmem>>
        %gather3A_856 = tpu.memref_squeeze %gather3A_855 : memref<1x25600xi32, #tpu.memory_space<vmem>> -> memref<25600xi32, #tpu.memory_space<vmem>>
        %gather3A_857 = tpu.vector_load_idx %gather3A_856[%add3A_852] : memref<25600xi32, #tpu.memory_space<vmem>>[vector<16xi32>], vector<16xi32>,
        %gather3A_858 = tpu.vector_load_idx %arg5[%gather3A_857] : memref<40000xf32, #tpu.memory_space<vmem>>[vector<16xi32>], vector<16xf32>,
        %swap3A_859 = arith.constant 1 : i32
        %swap3A_860 = arith.constant 0 : i32
        %swap3A_861 = arith.index_cast %swap3A_859 : i32 to index
        %swap3A_862 = arith.index_cast %swap3A_860 : i32 to index
        %swap3A_863 = arith.constant 0 : index
        %swap3A_864 = tpu.vector_load %arg7[%swap3A_861, %swap3A_862, %swap3A_863] {strides = array<i32>} : memref<2x8x128xf32, #tpu.memory_space<vmem>>, vector<16xf32>,
        tpu.vector_store %arg7[%swap3A_861, %swap3A_862, %swap3A_863], %gather3A_858 {strides = array<i32>} : memref<2x8x128xf32, #tpu.memory_space<vmem>>, vector<16xf32>,
        %add3A_865 = arith.addi %gather3A_857, %broadcast_in_dim3A_90 : vector<16xi32>
        %gather3A_866 = tpu.vector_load_idx %arg5[%add3A_865] : memref<40000xf32, #tpu.memory_space<vmem>>[vector<16xi32>], vector<16xf32>,
        %swap3A_867 = arith.constant 1 : i32
        %swap3A_868 = arith.constant 1 : i32
        %swap3A_869 = arith.index_cast %swap3A_867 : i32 to index
        %swap3A_870 = arith.index_cast %swap3A_868 : i32 to index
        %swap3A_871 = arith.constant 0 : index
        %swap3A_872 = tpu.vector_load %arg7[%swap3A_869, %swap3A_870, %swap3A_871] {strides = array<i32>} : memref<2x8x128xf32, #tpu.memory_space<vmem>>, vector<16xf32>,
        tpu.vector_store %arg7[%swap3A_869, %swap3A_870, %swap3A_871], %gather3A_866 {strides = array<i32>} : memref<2x8x128xf32, #tpu.memory_space<vmem>>, vector<16xf32>,
        %add3A_873 = arith.addi %add3A_865, %broadcast_in_dim3A_90 : vector<16xi32>
        %gather3A_874 = tpu.vector_load_idx %arg5[%add3A_873] : memref<40000xf32, #tpu.memory_space<vmem>>[vector<16xi32>], vector<16xf32>,
        %swap3A_875 = arith.constant 1 : i32
        %swap3A_876 = arith.constant 2 : i32
        %swap3A_877 = arith.index_cast %swap3A_875 : i32 to index
        %swap3A_878 = arith.index_cast %swap3A_876 : i32 to index
        %swap3A_879 = arith.constant 0 : index
        %swap3A_880 = tpu.vector_load %arg7[%swap3A_877, %swap3A_878, %swap3A_879] {strides = array<i32>} : memref<2x8x128xf32, #tpu.memory_space<vmem>>, vector<16xf32>,
        tpu.vector_store %arg7[%swap3A_877, %swap3A_878, %swap3A_879], %gather3A_874 {strides = array<i32>} : memref<2x8x128xf32, #tpu.memory_space<vmem>>, vector<16xf32>,
        %add3A_881 = arith.addi %add3A_873, %broadcast_in_dim3A_90 : vector<16xi32>
        %gather3A_882 = tpu.vector_load_idx %arg5[%add3A_881] : memref<40000xf32, #tpu.memory_space<vmem>>[vector<16xi32>], vector<16xf32>,
        %swap3A_883 = arith.constant 1 : i32
        %swap3A_884 = arith.constant 3 : i32
        %swap3A_885 = arith.index_cast %swap3A_883 : i32 to index
        %swap3A_886 = arith.index_cast %swap3A_884 : i32 to index
        %swap3A_887 = arith.constant 0 : index
        %swap3A_888 = tpu.vector_load %arg7[%swap3A_885, %swap3A_886, %swap3A_887] {strides = array<i32>} : memref<2x8x128xf32, #tpu.memory_space<vmem>>, vector<16xf32>,
        tpu.vector_store %arg7[%swap3A_885, %swap3A_886, %swap3A_887], %gather3A_882 {strides = array<i32>} : memref<2x8x128xf32, #tpu.memory_space<vmem>>, vector<16xf32>,
        %add3A_889 = arith.addi %add3A_881, %broadcast_in_dim3A_90 : vector<16xi32>
        %gather3A_890 = tpu.vector_load_idx %arg5[%add3A_889] : memref<40000xf32, #tpu.memory_space<vmem>>[vector<16xi32>], vector<16xf32>,
        %swap3A_891 = arith.constant 1 : i32
        %swap3A_892 = arith.constant 4 : i32
        %swap3A_893 = arith.index_cast %swap3A_891 : i32 to index
        %swap3A_894 = arith.index_cast %swap3A_892 : i32 to index
        %swap3A_895 = arith.constant 0 : index
        %swap3A_896 = tpu.vector_load %arg7[%swap3A_893, %swap3A_894, %swap3A_895] {strides = array<i32>} : memref<2x8x128xf32, #tpu.memory_space<vmem>>, vector<16xf32>,
        tpu.vector_store %arg7[%swap3A_893, %swap3A_894, %swap3A_895], %gather3A_890 {strides = array<i32>} : memref<2x8x128xf32, #tpu.memory_space<vmem>>, vector<16xf32>,
        %add3A_897 = arith.addi %add3A_889, %broadcast_in_dim3A_90 : vector<16xi32>
        %gather3A_898 = tpu.vector_load_idx %arg5[%add3A_897] : memref<40000xf32, #tpu.memory_space<vmem>>[vector<16xi32>], vector<16xf32>,
        %swap3A_899 = arith.constant 1 : i32
        %swap3A_900 = arith.constant 5 : i32
        %swap3A_901 = arith.index_cast %swap3A_899 : i32 to index
        %swap3A_902 = arith.index_cast %swap3A_900 : i32 to index
        %swap3A_903 = arith.constant 0 : index
        %swap3A_904 = tpu.vector_load %arg7[%swap3A_901, %swap3A_902, %swap3A_903] {strides = array<i32>} : memref<2x8x128xf32, #tpu.memory_space<vmem>>, vector<16xf32>,
        tpu.vector_store %arg7[%swap3A_901, %swap3A_902, %swap3A_903], %gather3A_898 {strides = array<i32>} : memref<2x8x128xf32, #tpu.memory_space<vmem>>, vector<16xf32>,
        %add3A_905 = arith.addi %add3A_897, %broadcast_in_dim3A_90 : vector<16xi32>
        %gather3A_906 = tpu.vector_load_idx %arg5[%add3A_905] : memref<40000xf32, #tpu.memory_space<vmem>>[vector<16xi32>], vector<16xf32>,
        %swap3A_907 = arith.constant 1 : i32
        %swap3A_908 = arith.constant 6 : i32
        %swap3A_909 = arith.index_cast %swap3A_907 : i32 to index
        %swap3A_910 = arith.index_cast %swap3A_908 : i32 to index
        %swap3A_911 = arith.constant 0 : index
        %swap3A_912 = tpu.vector_load %arg7[%swap3A_909, %swap3A_910, %swap3A_911] {strides = array<i32>} : memref<2x8x128xf32, #tpu.memory_space<vmem>>, vector<16xf32>,
        tpu.vector_store %arg7[%swap3A_909, %swap3A_910, %swap3A_911], %gather3A_906 {strides = array<i32>} : memref<2x8x128xf32, #tpu.memory_space<vmem>>, vector<16xf32>,
        %add3A_913 = arith.addi %add3A_905, %broadcast_in_dim3A_90 : vector<16xi32>
        %gather3A_914 = tpu.vector_load_idx %arg5[%add3A_913] : memref<40000xf32, #tpu.memory_space<vmem>>[vector<16xi32>], vector<16xf32>,
        %swap3A_915 = arith.constant 1 : i32
        %swap3A_916 = arith.constant 7 : i32
        %swap3A_917 = arith.index_cast %swap3A_915 : i32 to index
        %swap3A_918 = arith.index_cast %swap3A_916 : i32 to index
        %swap3A_919 = arith.constant 0 : index
        %swap3A_920 = tpu.vector_load %arg7[%swap3A_917, %swap3A_918, %swap3A_919] {strides = array<i32>} : memref<2x8x128xf32, #tpu.memory_space<vmem>>, vector<16xf32>,
        tpu.vector_store %arg7[%swap3A_917, %swap3A_918, %swap3A_919], %gather3A_914 {strides = array<i32>} : memref<2x8x128xf32, #tpu.memory_space<vmem>>, vector<16xf32>,
        %add3A_921 = arith.addi %mul3A_47, %broadcast_in_dim3A_851 : vector<16xi32>
        %gather3A_922 = arith.constant 1 : i32
        %gather3A_923 = arith.constant 0 : i32
        %gather3A_924 = tpu.memref_slice %arg6[%gather3A_922, %gather3A_923] : memref<2x25600xi32, #tpu.memory_space<vmem>> -> memref<1x25600xi32, #tpu.memory_space<vmem>>
        %gather3A_925 = tpu.memref_squeeze %gather3A_924 : memref<1x25600xi32, #tpu.memory_space<vmem>> -> memref<25600xi32, #tpu.memory_space<vmem>>
        %gather3A_926 = tpu.vector_load_idx %gather3A_925[%add3A_921] : memref<25600xi32, #tpu.memory_space<vmem>>[vector<16xi32>], vector<16xi32>,
        %gather3A_927 = tpu.vector_load_idx %arg5[%gather3A_926] : memref<40000xf32, #tpu.memory_space<vmem>>[vector<16xi32>], vector<16xf32>,
        %swap3A_928 = arith.constant 1 : i32
        %swap3A_929 = arith.constant 0 : i32
        %swap3A_930 = arith.index_cast %swap3A_928 : i32 to index
        %swap3A_931 = arith.index_cast %swap3A_929 : i32 to index
        %swap3A_932 = arith.constant 16 : index
        %swap3A_933 = tpu.vector_load %arg7[%swap3A_930, %swap3A_931, %swap3A_932] {strides = array<i32>} : memref<2x8x128xf32, #tpu.memory_space<vmem>>, vector<16xf32>,
        tpu.vector_store %arg7[%swap3A_930, %swap3A_931, %swap3A_932], %gather3A_927 {strides = array<i32>} : memref<2x8x128xf32, #tpu.memory_space<vmem>>, vector<16xf32>,
        %add3A_934 = arith.addi %gather3A_926, %broadcast_in_dim3A_90 : vector<16xi32>
        %gather3A_935 = tpu.vector_load_idx %arg5[%add3A_934] : memref<40000xf32, #tpu.memory_space<vmem>>[vector<16xi32>], vector<16xf32>,
        %swap3A_936 = arith.constant 1 : i32
        %swap3A_937 = arith.constant 1 : i32
        %swap3A_938 = arith.index_cast %swap3A_936 : i32 to index
        %swap3A_939 = arith.index_cast %swap3A_937 : i32 to index
        %swap3A_940 = arith.constant 16 : index
        %swap3A_941 = tpu.vector_load %arg7[%swap3A_938, %swap3A_939, %swap3A_940] {strides = array<i32>} : memref<2x8x128xf32, #tpu.memory_space<vmem>>, vector<16xf32>,
        tpu.vector_store %arg7[%swap3A_938, %swap3A_939, %swap3A_940], %gather3A_935 {strides = array<i32>} : memref<2x8x128xf32, #tpu.memory_space<vmem>>, vector<16xf32>,
        %add3A_942 = arith.addi %add3A_934, %broadcast_in_dim3A_90 : vector<16xi32>
        %gather3A_943 = tpu.vector_load_idx %arg5[%add3A_942] : memref<40000xf32, #tpu.memory_space<vmem>>[vector<16xi32>], vector<16xf32>,
        %swap3A_944 = arith.constant 1 : i32
        %swap3A_945 = arith.constant 2 : i32
        %swap3A_946 = arith.index_cast %swap3A_944 : i32 to index
        %swap3A_947 = arith.index_cast %swap3A_945 : i32 to index
        %swap3A_948 = arith.constant 16 : index
        %swap3A_949 = tpu.vector_load %arg7[%swap3A_946, %swap3A_947, %swap3A_948] {strides = array<i32>} : memref<2x8x128xf32, #tpu.memory_space<vmem>>, vector<16xf32>,
        tpu.vector_store %arg7[%swap3A_946, %swap3A_947, %swap3A_948], %gather3A_943 {strides = array<i32>} : memref<2x8x128xf32, #tpu.memory_space<vmem>>, vector<16xf32>,
        %add3A_950 = arith.addi %add3A_942, %broadcast_in_dim3A_90 : vector<16xi32>
        %gather3A_951 = tpu.vector_load_idx %arg5[%add3A_950] : memref<40000xf32, #tpu.memory_space<vmem>>[vector<16xi32>], vector<16xf32>,
        %swap3A_952 = arith.constant 1 : i32
        %swap3A_953 = arith.constant 3 : i32
        %swap3A_954 = arith.index_cast %swap3A_952 : i32 to index
        %swap3A_955 = arith.index_cast %swap3A_953 : i32 to index
        %swap3A_956 = arith.constant 16 : index
        %swap3A_957 = tpu.vector_load %arg7[%swap3A_954, %swap3A_955, %swap3A_956] {strides = array<i32>} : memref<2x8x128xf32, #tpu.memory_space<vmem>>, vector<16xf32>,
        tpu.vector_store %arg7[%swap3A_954, %swap3A_955, %swap3A_956], %gather3A_951 {strides = array<i32>} : memref<2x8x128xf32, #tpu.memory_space<vmem>>, vector<16xf32>,
        %add3A_958 = arith.addi %add3A_950, %broadcast_in_dim3A_90 : vector<16xi32>
        %gather3A_959 = tpu.vector_load_idx %arg5[%add3A_958] : memref<40000xf32, #tpu.memory_space<vmem>>[vector<16xi32>], vector<16xf32>,
        %swap3A_960 = arith.constant 1 : i32
        %swap3A_961 = arith.constant 4 : i32
        %swap3A_962 = arith.index_cast %swap3A_960 : i32 to index
        %swap3A_963 = arith.index_cast %swap3A_961 : i32 to index
        %swap3A_964 = arith.constant 16 : index
        %swap3A_965 = tpu.vector_load %arg7[%swap3A_962, %swap3A_963, %swap3A_964] {strides = array<i32>} : memref<2x8x128xf32, #tpu.memory_space<vmem>>, vector<16xf32>,
        tpu.vector_store %arg7[%swap3A_962, %swap3A_963, %swap3A_964], %gather3A_959 {strides = array<i32>} : memref<2x8x128xf32, #tpu.memory_space<vmem>>, vector<16xf32>,
        %add3A_966 = arith.addi %add3A_958, %broadcast_in_dim3A_90 : vector<16xi32>
        %gather3A_967 = tpu.vector_load_idx %arg5[%add3A_966] : memref<40000xf32, #tpu.memory_space<vmem>>[vector<16xi32>], vector<16xf32>,
        %swap3A_968 = arith.constant 1 : i32
        %swap3A_969 = arith.constant 5 : i32
        %swap3A_970 = arith.index_cast %swap3A_968 : i32 to index
        %swap3A_971 = arith.index_cast %swap3A_969 : i32 to index
        %swap3A_972 = arith.constant 16 : index
        %swap3A_973 = tpu.vector_load %arg7[%swap3A_970, %swap3A_971, %swap3A_972] {strides = array<i32>} : memref<2x8x128xf32, #tpu.memory_space<vmem>>, vector<16xf32>,
        tpu.vector_store %arg7[%swap3A_970, %swap3A_971, %swap3A_972], %gather3A_967 {strides = array<i32>} : memref<2x8x128xf32, #tpu.memory_space<vmem>>, vector<16xf32>,
        %add3A_974 = arith.addi %add3A_966, %broadcast_in_dim3A_90 : vector<16xi32>
        %gather3A_975 = tpu.vector_load_idx %arg5[%add3A_974] : memref<40000xf32, #tpu.memory_space<vmem>>[vector<16xi32>], vector<16xf32>,
        %swap3A_976 = arith.constant 1 : i32
        %swap3A_977 = arith.constant 6 : i32
        %swap3A_978 = arith.index_cast %swap3A_976 : i32 to index
        %swap3A_979 = arith.index_cast %swap3A_977 : i32 to index
        %swap3A_980 = arith.constant 16 : index
        %swap3A_981 = tpu.vector_load %arg7[%swap3A_978, %swap3A_979, %swap3A_980] {strides = array<i32>} : memref<2x8x128xf32, #tpu.memory_space<vmem>>, vector<16xf32>,
        tpu.vector_store %arg7[%swap3A_978, %swap3A_979, %swap3A_980], %gather3A_975 {strides = array<i32>} : memref<2x8x128xf32, #tpu.memory_space<vmem>>, vector<16xf32>,
        %add3A_982 = arith.addi %add3A_974, %broadcast_in_dim3A_90 : vector<16xi32>
        %gather3A_983 = tpu.vector_load_idx %arg5[%add3A_982] : memref<40000xf32, #tpu.memory_space<vmem>>[vector<16xi32>], vector<16xf32>,
        %swap3A_984 = arith.constant 1 : i32
        %swap3A_985 = arith.constant 7 : i32
        %swap3A_986 = arith.index_cast %swap3A_984 : i32 to index
        %swap3A_987 = arith.index_cast %swap3A_985 : i32 to index
        %swap3A_988 = arith.constant 16 : index
        %swap3A_989 = tpu.vector_load %arg7[%swap3A_986, %swap3A_987, %swap3A_988] {strides = array<i32>} : memref<2x8x128xf32, #tpu.memory_space<vmem>>, vector<16xf32>,
        tpu.vector_store %arg7[%swap3A_986, %swap3A_987, %swap3A_988], %gather3A_983 {strides = array<i32>} : memref<2x8x128xf32, #tpu.memory_space<vmem>>, vector<16xf32>,
        %add3A_990 = arith.addi %mul3A_54, %broadcast_in_dim3A_851 : vector<16xi32>
        %gather3A_991 = arith.constant 1 : i32
        %gather3A_992 = arith.constant 0 : i32
        %gather3A_993 = tpu.memref_slice %arg6[%gather3A_991, %gather3A_992] : memref<2x25600xi32, #tpu.memory_space<vmem>> -> memref<1x25600xi32, #tpu.memory_space<vmem>>
        %gather3A_994 = tpu.memref_squeeze %gather3A_993 : memref<1x25600xi32, #tpu.memory_space<vmem>> -> memref<25600xi32, #tpu.memory_space<vmem>>
        %gather3A_995 = tpu.vector_load_idx %gather3A_994[%add3A_990] : memref<25600xi32, #tpu.memory_space<vmem>>[vector<16xi32>], vector<16xi32>,
        %gather3A_996 = tpu.vector_load_idx %arg5[%gather3A_995] : memref<40000xf32, #tpu.memory_space<vmem>>[vector<16xi32>], vector<16xf32>,
        %swap3A_997 = arith.constant 1 : i32
        %swap3A_998 = arith.constant 0 : i32
        %swap3A_999 = arith.index_cast %swap3A_997 : i32 to index
        %swap3A_1000 = arith.index_cast %swap3A_998 : i32 to index
        %swap3A_1001 = arith.constant 32 : index
        %swap3A_1002 = tpu.vector_load %arg7[%swap3A_999, %swap3A_1000, %swap3A_1001] {strides = array<i32>} : memref<2x8x128xf32, #tpu.memory_space<vmem>>, vector<16xf32>,
        tpu.vector_store %arg7[%swap3A_999, %swap3A_1000, %swap3A_1001], %gather3A_996 {strides = array<i32>} : memref<2x8x128xf32, #tpu.memory_space<vmem>>, vector<16xf32>,
        %add3A_1003 = arith.addi %gather3A_995, %broadcast_in_dim3A_90 : vector<16xi32>
        %gather3A_1004 = tpu.vector_load_idx %arg5[%add3A_1003] : memref<40000xf32, #tpu.memory_space<vmem>>[vector<16xi32>], vector<16xf32>,
        %swap3A_1005 = arith.constant 1 : i32
        %swap3A_1006 = arith.constant 1 : i32
        %swap3A_1007 = arith.index_cast %swap3A_1005 : i32 to index
        %swap3A_1008 = arith.index_cast %swap3A_1006 : i32 to index
        %swap3A_1009 = arith.constant 32 : index
        %swap3A_1010 = tpu.vector_load %arg7[%swap3A_1007, %swap3A_1008, %swap3A_1009] {strides = array<i32>} : memref<2x8x128xf32, #tpu.memory_space<vmem>>, vector<16xf32>,
        tpu.vector_store %arg7[%swap3A_1007, %swap3A_1008, %swap3A_1009], %gather3A_1004 {strides = array<i32>} : memref<2x8x128xf32, #tpu.memory_space<vmem>>, vector<16xf32>,
        %add3A_1011 = arith.addi %add3A_1003, %broadcast_in_dim3A_90 : vector<16xi32>
        %gather3A_1012 = tpu.vector_load_idx %arg5[%add3A_1011] : memref<40000xf32, #tpu.memory_space<vmem>>[vector<16xi32>], vector<16xf32>,
        %swap3A_1013 = arith.constant 1 : i32
        %swap3A_1014 = arith.constant 2 : i32
        %swap3A_1015 = arith.index_cast %swap3A_1013 : i32 to index
        %swap3A_1016 = arith.index_cast %swap3A_1014 : i32 to index
        %swap3A_1017 = arith.constant 32 : index
        %swap3A_1018 = tpu.vector_load %arg7[%swap3A_1015, %swap3A_1016, %swap3A_1017] {strides = array<i32>} : memref<2x8x128xf32, #tpu.memory_space<vmem>>, vector<16xf32>,
        tpu.vector_store %arg7[%swap3A_1015, %swap3A_1016, %swap3A_1017], %gather3A_1012 {strides = array<i32>} : memref<2x8x128xf32, #tpu.memory_space<vmem>>, vector<16xf32>,
        %add3A_1019 = arith.addi %add3A_1011, %broadcast_in_dim3A_90 : vector<16xi32>
        %gather3A_1020 = tpu.vector_load_idx %arg5[%add3A_1019] : memref<40000xf32, #tpu.memory_space<vmem>>[vector<16xi32>], vector<16xf32>,
        %swap3A_1021 = arith.constant 1 : i32
        %swap3A_1022 = arith.constant 3 : i32
        %swap3A_1023 = arith.index_cast %swap3A_1021 : i32 to index
        %swap3A_1024 = arith.index_cast %swap3A_1022 : i32 to index
        %swap3A_1025 = arith.constant 32 : index
        %swap3A_1026 = tpu.vector_load %arg7[%swap3A_1023, %swap3A_1024, %swap3A_1025] {strides = array<i32>} : memref<2x8x128xf32, #tpu.memory_space<vmem>>, vector<16xf32>,
        tpu.vector_store %arg7[%swap3A_1023, %swap3A_1024, %swap3A_1025], %gather3A_1020 {strides = array<i32>} : memref<2x8x128xf32, #tpu.memory_space<vmem>>, vector<16xf32>,
        %add3A_1027 = arith.addi %add3A_1019, %broadcast_in_dim3A_90 : vector<16xi32>
        %gather3A_1028 = tpu.vector_load_idx %arg5[%add3A_1027] : memref<40000xf32, #tpu.memory_space<vmem>>[vector<16xi32>], vector<16xf32>,
        %swap3A_1029 = arith.constant 1 : i32
        %swap3A_1030 = arith.constant 4 : i32
        %swap3A_1031 = arith.index_cast %swap3A_1029 : i32 to index
        %swap3A_1032 = arith.index_cast %swap3A_1030 : i32 to index
        %swap3A_1033 = arith.constant 32 : index
        %swap3A_1034 = tpu.vector_load %arg7[%swap3A_1031, %swap3A_1032, %swap3A_1033] {strides = array<i32>} : memref<2x8x128xf32, #tpu.memory_space<vmem>>, vector<16xf32>,
        tpu.vector_store %arg7[%swap3A_1031, %swap3A_1032, %swap3A_1033], %gather3A_1028 {strides = array<i32>} : memref<2x8x128xf32, #tpu.memory_space<vmem>>, vector<16xf32>,
        %add3A_1035 = arith.addi %add3A_1027, %broadcast_in_dim3A_90 : vector<16xi32>
        %gather3A_1036 = tpu.vector_load_idx %arg5[%add3A_1035] : memref<40000xf32, #tpu.memory_space<vmem>>[vector<16xi32>], vector<16xf32>,
        %swap3A_1037 = arith.constant 1 : i32
        %swap3A_1038 = arith.constant 5 : i32
        %swap3A_1039 = arith.index_cast %swap3A_1037 : i32 to index
        %swap3A_1040 = arith.index_cast %swap3A_1038 : i32 to index
        %swap3A_1041 = arith.constant 32 : index
        %swap3A_1042 = tpu.vector_load %arg7[%swap3A_1039, %swap3A_1040, %swap3A_1041] {strides = array<i32>} : memref<2x8x128xf32, #tpu.memory_space<vmem>>, vector<16xf32>,
        tpu.vector_store %arg7[%swap3A_1039, %swap3A_1040, %swap3A_1041], %gather3A_1036 {strides = array<i32>} : memref<2x8x128xf32, #tpu.memory_space<vmem>>, vector<16xf32>,
        %add3A_1043 = arith.addi %add3A_1035, %broadcast_in_dim3A_90 : vector<16xi32>
        %gather3A_1044 = tpu.vector_load_idx %arg5[%add3A_1043] : memref<40000xf32, #tpu.memory_space<vmem>>[vector<16xi32>], vector<16xf32>,
        %swap3A_1045 = arith.constant 1 : i32
        %swap3A_1046 = arith.constant 6 : i32
        %swap3A_1047 = arith.index_cast %swap3A_1045 : i32 to index
        %swap3A_1048 = arith.index_cast %swap3A_1046 : i32 to index
        %swap3A_1049 = arith.constant 32 : index
        %swap3A_1050 = tpu.vector_load %arg7[%swap3A_1047, %swap3A_1048, %swap3A_1049] {strides = array<i32>} : memref<2x8x128xf32, #tpu.memory_space<vmem>>, vector<16xf32>,
        tpu.vector_store %arg7[%swap3A_1047, %swap3A_1048, %swap3A_1049], %gather3A_1044 {strides = array<i32>} : memref<2x8x128xf32, #tpu.memory_space<vmem>>, vector<16xf32>,
        %add3A_1051 = arith.addi %add3A_1043, %broadcast_in_dim3A_90 : vector<16xi32>
        %gather3A_1052 = tpu.vector_load_idx %arg5[%add3A_1051] : memref<40000xf32, #tpu.memory_space<vmem>>[vector<16xi32>], vector<16xf32>,
        %swap3A_1053 = arith.constant 1 : i32
        %swap3A_1054 = arith.constant 7 : i32
        %swap3A_1055 = arith.index_cast %swap3A_1053 : i32 to index
        %swap3A_1056 = arith.index_cast %swap3A_1054 : i32 to index
        %swap3A_1057 = arith.constant 32 : index
        %swap3A_1058 = tpu.vector_load %arg7[%swap3A_1055, %swap3A_1056, %swap3A_1057] {strides = array<i32>} : memref<2x8x128xf32, #tpu.memory_space<vmem>>, vector<16xf32>,
        tpu.vector_store %arg7[%swap3A_1055, %swap3A_1056, %swap3A_1057], %gather3A_1052 {strides = array<i32>} : memref<2x8x128xf32, #tpu.memory_space<vmem>>, vector<16xf32>,
        %add3A_1059 = arith.addi %mul3A_61, %broadcast_in_dim3A_851 : vector<16xi32>
        %gather3A_1060 = arith.constant 1 : i32
        %gather3A_1061 = arith.constant 0 : i32
        %gather3A_1062 = tpu.memref_slice %arg6[%gather3A_1060, %gather3A_1061] : memref<2x25600xi32, #tpu.memory_space<vmem>> -> memref<1x25600xi32, #tpu.memory_space<vmem>>
        %gather3A_1063 = tpu.memref_squeeze %gather3A_1062 : memref<1x25600xi32, #tpu.memory_space<vmem>> -> memref<25600xi32, #tpu.memory_space<vmem>>
        %gather3A_1064 = tpu.vector_load_idx %gather3A_1063[%add3A_1059] : memref<25600xi32, #tpu.memory_space<vmem>>[vector<16xi32>], vector<16xi32>,
        %gather3A_1065 = tpu.vector_load_idx %arg5[%gather3A_1064] : memref<40000xf32, #tpu.memory_space<vmem>>[vector<16xi32>], vector<16xf32>,
        %swap3A_1066 = arith.constant 1 : i32
        %swap3A_1067 = arith.constant 0 : i32
        %swap3A_1068 = arith.index_cast %swap3A_1066 : i32 to index
        %swap3A_1069 = arith.index_cast %swap3A_1067 : i32 to index
        %swap3A_1070 = arith.constant 48 : index
        %swap3A_1071 = tpu.vector_load %arg7[%swap3A_1068, %swap3A_1069, %swap3A_1070] {strides = array<i32>} : memref<2x8x128xf32, #tpu.memory_space<vmem>>, vector<16xf32>,
        tpu.vector_store %arg7[%swap3A_1068, %swap3A_1069, %swap3A_1070], %gather3A_1065 {strides = array<i32>} : memref<2x8x128xf32, #tpu.memory_space<vmem>>, vector<16xf32>,
        %add3A_1072 = arith.addi %gather3A_1064, %broadcast_in_dim3A_90 : vector<16xi32>
        %gather3A_1073 = tpu.vector_load_idx %arg5[%add3A_1072] : memref<40000xf32, #tpu.memory_space<vmem>>[vector<16xi32>], vector<16xf32>,
        %swap3A_1074 = arith.constant 1 : i32
        %swap3A_1075 = arith.constant 1 : i32
        %swap3A_1076 = arith.index_cast %swap3A_1074 : i32 to index
        %swap3A_1077 = arith.index_cast %swap3A_1075 : i32 to index
        %swap3A_1078 = arith.constant 48 : index
        %swap3A_1079 = tpu.vector_load %arg7[%swap3A_1076, %swap3A_1077, %swap3A_1078] {strides = array<i32>} : memref<2x8x128xf32, #tpu.memory_space<vmem>>, vector<16xf32>,
        tpu.vector_store %arg7[%swap3A_1076, %swap3A_1077, %swap3A_1078], %gather3A_1073 {strides = array<i32>} : memref<2x8x128xf32, #tpu.memory_space<vmem>>, vector<16xf32>,
        %add3A_1080 = arith.addi %add3A_1072, %broadcast_in_dim3A_90 : vector<16xi32>
        %gather3A_1081 = tpu.vector_load_idx %arg5[%add3A_1080] : memref<40000xf32, #tpu.memory_space<vmem>>[vector<16xi32>], vector<16xf32>,
        %swap3A_1082 = arith.constant 1 : i32
        %swap3A_1083 = arith.constant 2 : i32
        %swap3A_1084 = arith.index_cast %swap3A_1082 : i32 to index
        %swap3A_1085 = arith.index_cast %swap3A_1083 : i32 to index
        %swap3A_1086 = arith.constant 48 : index
        %swap3A_1087 = tpu.vector_load %arg7[%swap3A_1084, %swap3A_1085, %swap3A_1086] {strides = array<i32>} : memref<2x8x128xf32, #tpu.memory_space<vmem>>, vector<16xf32>,
        tpu.vector_store %arg7[%swap3A_1084, %swap3A_1085, %swap3A_1086], %gather3A_1081 {strides = array<i32>} : memref<2x8x128xf32, #tpu.memory_space<vmem>>, vector<16xf32>,
        %add3A_1088 = arith.addi %add3A_1080, %broadcast_in_dim3A_90 : vector<16xi32>
        %gather3A_1089 = tpu.vector_load_idx %arg5[%add3A_1088] : memref<40000xf32, #tpu.memory_space<vmem>>[vector<16xi32>], vector<16xf32>,
        %swap3A_1090 = arith.constant 1 : i32
        %swap3A_1091 = arith.constant 3 : i32
        %swap3A_1092 = arith.index_cast %swap3A_1090 : i32 to index
        %swap3A_1093 = arith.index_cast %swap3A_1091 : i32 to index
        %swap3A_1094 = arith.constant 48 : index
        %swap3A_1095 = tpu.vector_load %arg7[%swap3A_1092, %swap3A_1093, %swap3A_1094] {strides = array<i32>} : memref<2x8x128xf32, #tpu.memory_space<vmem>>, vector<16xf32>,
        tpu.vector_store %arg7[%swap3A_1092, %swap3A_1093, %swap3A_1094], %gather3A_1089 {strides = array<i32>} : memref<2x8x128xf32, #tpu.memory_space<vmem>>, vector<16xf32>,
        %add3A_1096 = arith.addi %add3A_1088, %broadcast_in_dim3A_90 : vector<16xi32>
        %gather3A_1097 = tpu.vector_load_idx %arg5[%add3A_1096] : memref<40000xf32, #tpu.memory_space<vmem>>[vector<16xi32>], vector<16xf32>,
        %swap3A_1098 = arith.constant 1 : i32
        %swap3A_1099 = arith.constant 4 : i32
        %swap3A_1100 = arith.index_cast %swap3A_1098 : i32 to index
        %swap3A_1101 = arith.index_cast %swap3A_1099 : i32 to index
        %swap3A_1102 = arith.constant 48 : index
        %swap3A_1103 = tpu.vector_load %arg7[%swap3A_1100, %swap3A_1101, %swap3A_1102] {strides = array<i32>} : memref<2x8x128xf32, #tpu.memory_space<vmem>>, vector<16xf32>,
        tpu.vector_store %arg7[%swap3A_1100, %swap3A_1101, %swap3A_1102], %gather3A_1097 {strides = array<i32>} : memref<2x8x128xf32, #tpu.memory_space<vmem>>, vector<16xf32>,
        %add3A_1104 = arith.addi %add3A_1096, %broadcast_in_dim3A_90 : vector<16xi32>
        %gather3A_1105 = tpu.vector_load_idx %arg5[%add3A_1104] : memref<40000xf32, #tpu.memory_space<vmem>>[vector<16xi32>], vector<16xf32>,
        %swap3A_1106 = arith.constant 1 : i32
        %swap3A_1107 = arith.constant 5 : i32
        %swap3A_1108 = arith.index_cast %swap3A_1106 : i32 to index
        %swap3A_1109 = arith.index_cast %swap3A_1107 : i32 to index
        %swap3A_1110 = arith.constant 48 : index
        %swap3A_1111 = tpu.vector_load %arg7[%swap3A_1108, %swap3A_1109, %swap3A_1110] {strides = array<i32>} : memref<2x8x128xf32, #tpu.memory_space<vmem>>, vector<16xf32>,
        tpu.vector_store %arg7[%swap3A_1108, %swap3A_1109, %swap3A_1110], %gather3A_1105 {strides = array<i32>} : memref<2x8x128xf32, #tpu.memory_space<vmem>>, vector<16xf32>,
        %add3A_1112 = arith.addi %add3A_1104, %broadcast_in_dim3A_90 : vector<16xi32>
        %gather3A_1113 = tpu.vector_load_idx %arg5[%add3A_1112] : memref<40000xf32, #tpu.memory_space<vmem>>[vector<16xi32>], vector<16xf32>,
        %swap3A_1114 = arith.constant 1 : i32
        %swap3A_1115 = arith.constant 6 : i32
        %swap3A_1116 = arith.index_cast %swap3A_1114 : i32 to index
        %swap3A_1117 = arith.index_cast %swap3A_1115 : i32 to index
        %swap3A_1118 = arith.constant 48 : index
        %swap3A_1119 = tpu.vector_load %arg7[%swap3A_1116, %swap3A_1117, %swap3A_1118] {strides = array<i32>} : memref<2x8x128xf32, #tpu.memory_space<vmem>>, vector<16xf32>,
        tpu.vector_store %arg7[%swap3A_1116, %swap3A_1117, %swap3A_1118], %gather3A_1113 {strides = array<i32>} : memref<2x8x128xf32, #tpu.memory_space<vmem>>, vector<16xf32>,
        %add3A_1120 = arith.addi %add3A_1112, %broadcast_in_dim3A_90 : vector<16xi32>
        %gather3A_1121 = tpu.vector_load_idx %arg5[%add3A_1120] : memref<40000xf32, #tpu.memory_space<vmem>>[vector<16xi32>], vector<16xf32>,
        %swap3A_1122 = arith.constant 1 : i32
        %swap3A_1123 = arith.constant 7 : i32
        %swap3A_1124 = arith.index_cast %swap3A_1122 : i32 to index
        %swap3A_1125 = arith.index_cast %swap3A_1123 : i32 to index
        %swap3A_1126 = arith.constant 48 : index
        %swap3A_1127 = tpu.vector_load %arg7[%swap3A_1124, %swap3A_1125, %swap3A_1126] {strides = array<i32>} : memref<2x8x128xf32, #tpu.memory_space<vmem>>, vector<16xf32>,
        tpu.vector_store %arg7[%swap3A_1124, %swap3A_1125, %swap3A_1126], %gather3A_1121 {strides = array<i32>} : memref<2x8x128xf32, #tpu.memory_space<vmem>>, vector<16xf32>,
        %add3A_1128 = arith.addi %mul3A_68, %broadcast_in_dim3A_851 : vector<16xi32>
        %gather3A_1129 = arith.constant 1 : i32
        %gather3A_1130 = arith.constant 0 : i32
        %gather3A_1131 = tpu.memref_slice %arg6[%gather3A_1129, %gather3A_1130] : memref<2x25600xi32, #tpu.memory_space<vmem>> -> memref<1x25600xi32, #tpu.memory_space<vmem>>
        %gather3A_1132 = tpu.memref_squeeze %gather3A_1131 : memref<1x25600xi32, #tpu.memory_space<vmem>> -> memref<25600xi32, #tpu.memory_space<vmem>>
        %gather3A_1133 = tpu.vector_load_idx %gather3A_1132[%add3A_1128] : memref<25600xi32, #tpu.memory_space<vmem>>[vector<16xi32>], vector<16xi32>,
        %gather3A_1134 = tpu.vector_load_idx %arg5[%gather3A_1133] : memref<40000xf32, #tpu.memory_space<vmem>>[vector<16xi32>], vector<16xf32>,
        %swap3A_1135 = arith.constant 1 : i32
        %swap3A_1136 = arith.constant 0 : i32
        %swap3A_1137 = arith.index_cast %swap3A_1135 : i32 to index
        %swap3A_1138 = arith.index_cast %swap3A_1136 : i32 to index
        %swap3A_1139 = arith.constant 64 : index
        %swap3A_1140 = tpu.vector_load %arg7[%swap3A_1137, %swap3A_1138, %swap3A_1139] {strides = array<i32>} : memref<2x8x128xf32, #tpu.memory_space<vmem>>, vector<16xf32>,
        tpu.vector_store %arg7[%swap3A_1137, %swap3A_1138, %swap3A_1139], %gather3A_1134 {strides = array<i32>} : memref<2x8x128xf32, #tpu.memory_space<vmem>>, vector<16xf32>,
        %add3A_1141 = arith.addi %gather3A_1133, %broadcast_in_dim3A_90 : vector<16xi32>
        %gather3A_1142 = tpu.vector_load_idx %arg5[%add3A_1141] : memref<40000xf32, #tpu.memory_space<vmem>>[vector<16xi32>], vector<16xf32>,
        %swap3A_1143 = arith.constant 1 : i32
        %swap3A_1144 = arith.constant 1 : i32
        %swap3A_1145 = arith.index_cast %swap3A_1143 : i32 to index
        %swap3A_1146 = arith.index_cast %swap3A_1144 : i32 to index
        %swap3A_1147 = arith.constant 64 : index
        %swap3A_1148 = tpu.vector_load %arg7[%swap3A_1145, %swap3A_1146, %swap3A_1147] {strides = array<i32>} : memref<2x8x128xf32, #tpu.memory_space<vmem>>, vector<16xf32>,
        tpu.vector_store %arg7[%swap3A_1145, %swap3A_1146, %swap3A_1147], %gather3A_1142 {strides = array<i32>} : memref<2x8x128xf32, #tpu.memory_space<vmem>>, vector<16xf32>,
        %add3A_1149 = arith.addi %add3A_1141, %broadcast_in_dim3A_90 : vector<16xi32>
        %gather3A_1150 = tpu.vector_load_idx %arg5[%add3A_1149] : memref<40000xf32, #tpu.memory_space<vmem>>[vector<16xi32>], vector<16xf32>,
        %swap3A_1151 = arith.constant 1 : i32
        %swap3A_1152 = arith.constant 2 : i32
        %swap3A_1153 = arith.index_cast %swap3A_1151 : i32 to index
        %swap3A_1154 = arith.index_cast %swap3A_1152 : i32 to index
        %swap3A_1155 = arith.constant 64 : index
        %swap3A_1156 = tpu.vector_load %arg7[%swap3A_1153, %swap3A_1154, %swap3A_1155] {strides = array<i32>} : memref<2x8x128xf32, #tpu.memory_space<vmem>>, vector<16xf32>,
        tpu.vector_store %arg7[%swap3A_1153, %swap3A_1154, %swap3A_1155], %gather3A_1150 {strides = array<i32>} : memref<2x8x128xf32, #tpu.memory_space<vmem>>, vector<16xf32>,
        %add3A_1157 = arith.addi %add3A_1149, %broadcast_in_dim3A_90 : vector<16xi32>
        %gather3A_1158 = tpu.vector_load_idx %arg5[%add3A_1157] : memref<40000xf32, #tpu.memory_space<vmem>>[vector<16xi32>], vector<16xf32>,
        %swap3A_1159 = arith.constant 1 : i32
        %swap3A_1160 = arith.constant 3 : i32
        %swap3A_1161 = arith.index_cast %swap3A_1159 : i32 to index
        %swap3A_1162 = arith.index_cast %swap3A_1160 : i32 to index
        %swap3A_1163 = arith.constant 64 : index
        %swap3A_1164 = tpu.vector_load %arg7[%swap3A_1161, %swap3A_1162, %swap3A_1163] {strides = array<i32>} : memref<2x8x128xf32, #tpu.memory_space<vmem>>, vector<16xf32>,
        tpu.vector_store %arg7[%swap3A_1161, %swap3A_1162, %swap3A_1163], %gather3A_1158 {strides = array<i32>} : memref<2x8x128xf32, #tpu.memory_space<vmem>>, vector<16xf32>,
        %add3A_1165 = arith.addi %add3A_1157, %broadcast_in_dim3A_90 : vector<16xi32>
        %gather3A_1166 = tpu.vector_load_idx %arg5[%add3A_1165] : memref<40000xf32, #tpu.memory_space<vmem>>[vector<16xi32>], vector<16xf32>,
        %swap3A_1167 = arith.constant 1 : i32
        %swap3A_1168 = arith.constant 4 : i32
        %swap3A_1169 = arith.index_cast %swap3A_1167 : i32 to index
        %swap3A_1170 = arith.index_cast %swap3A_1168 : i32 to index
        %swap3A_1171 = arith.constant 64 : index
        %swap3A_1172 = tpu.vector_load %arg7[%swap3A_1169, %swap3A_1170, %swap3A_1171] {strides = array<i32>} : memref<2x8x128xf32, #tpu.memory_space<vmem>>, vector<16xf32>,
        tpu.vector_store %arg7[%swap3A_1169, %swap3A_1170, %swap3A_1171], %gather3A_1166 {strides = array<i32>} : memref<2x8x128xf32, #tpu.memory_space<vmem>>, vector<16xf32>,
        %add3A_1173 = arith.addi %add3A_1165, %broadcast_in_dim3A_90 : vector<16xi32>
        %gather3A_1174 = tpu.vector_load_idx %arg5[%add3A_1173] : memref<40000xf32, #tpu.memory_space<vmem>>[vector<16xi32>], vector<16xf32>,
        %swap3A_1175 = arith.constant 1 : i32
        %swap3A_1176 = arith.constant 5 : i32
        %swap3A_1177 = arith.index_cast %swap3A_1175 : i32 to index
        %swap3A_1178 = arith.index_cast %swap3A_1176 : i32 to index
        %swap3A_1179 = arith.constant 64 : index
        %swap3A_1180 = tpu.vector_load %arg7[%swap3A_1177, %swap3A_1178, %swap3A_1179] {strides = array<i32>} : memref<2x8x128xf32, #tpu.memory_space<vmem>>, vector<16xf32>,
        tpu.vector_store %arg7[%swap3A_1177, %swap3A_1178, %swap3A_1179], %gather3A_1174 {strides = array<i32>} : memref<2x8x128xf32, #tpu.memory_space<vmem>>, vector<16xf32>,
        %add3A_1181 = arith.addi %add3A_1173, %broadcast_in_dim3A_90 : vector<16xi32>
        %gather3A_1182 = tpu.vector_load_idx %arg5[%add3A_1181] : memref<40000xf32, #tpu.memory_space<vmem>>[vector<16xi32>], vector<16xf32>,
        %swap3A_1183 = arith.constant 1 : i32
        %swap3A_1184 = arith.constant 6 : i32
        %swap3A_1185 = arith.index_cast %swap3A_1183 : i32 to index
        %swap3A_1186 = arith.index_cast %swap3A_1184 : i32 to index
        %swap3A_1187 = arith.constant 64 : index
        %swap3A_1188 = tpu.vector_load %arg7[%swap3A_1185, %swap3A_1186, %swap3A_1187] {strides = array<i32>} : memref<2x8x128xf32, #tpu.memory_space<vmem>>, vector<16xf32>,
        tpu.vector_store %arg7[%swap3A_1185, %swap3A_1186, %swap3A_1187], %gather3A_1182 {strides = array<i32>} : memref<2x8x128xf32, #tpu.memory_space<vmem>>, vector<16xf32>,
        %add3A_1189 = arith.addi %add3A_1181, %broadcast_in_dim3A_90 : vector<16xi32>
        %gather3A_1190 = tpu.vector_load_idx %arg5[%add3A_1189] : memref<40000xf32, #tpu.memory_space<vmem>>[vector<16xi32>], vector<16xf32>,
        %swap3A_1191 = arith.constant 1 : i32
        %swap3A_1192 = arith.constant 7 : i32
        %swap3A_1193 = arith.index_cast %swap3A_1191 : i32 to index
        %swap3A_1194 = arith.index_cast %swap3A_1192 : i32 to index
        %swap3A_1195 = arith.constant 64 : index
        %swap3A_1196 = tpu.vector_load %arg7[%swap3A_1193, %swap3A_1194, %swap3A_1195] {strides = array<i32>} : memref<2x8x128xf32, #tpu.memory_space<vmem>>, vector<16xf32>,
        tpu.vector_store %arg7[%swap3A_1193, %swap3A_1194, %swap3A_1195], %gather3A_1190 {strides = array<i32>} : memref<2x8x128xf32, #tpu.memory_space<vmem>>, vector<16xf32>,
        %add3A_1197 = arith.addi %mul3A_75, %broadcast_in_dim3A_851 : vector<16xi32>
        %gather3A_1198 = arith.constant 1 : i32
        %gather3A_1199 = arith.constant 0 : i32
        %gather3A_1200 = tpu.memref_slice %arg6[%gather3A_1198, %gather3A_1199] : memref<2x25600xi32, #tpu.memory_space<vmem>> -> memref<1x25600xi32, #tpu.memory_space<vmem>>
        %gather3A_1201 = tpu.memref_squeeze %gather3A_1200 : memref<1x25600xi32, #tpu.memory_space<vmem>> -> memref<25600xi32, #tpu.memory_space<vmem>>
        %gather3A_1202 = tpu.vector_load_idx %gather3A_1201[%add3A_1197] : memref<25600xi32, #tpu.memory_space<vmem>>[vector<16xi32>], vector<16xi32>,
        %gather3A_1203 = tpu.vector_load_idx %arg5[%gather3A_1202] : memref<40000xf32, #tpu.memory_space<vmem>>[vector<16xi32>], vector<16xf32>,
        %swap3A_1204 = arith.constant 1 : i32
        %swap3A_1205 = arith.constant 0 : i32
        %swap3A_1206 = arith.index_cast %swap3A_1204 : i32 to index
        %swap3A_1207 = arith.index_cast %swap3A_1205 : i32 to index
        %swap3A_1208 = arith.constant 80 : index
        %swap3A_1209 = tpu.vector_load %arg7[%swap3A_1206, %swap3A_1207, %swap3A_1208] {strides = array<i32>} : memref<2x8x128xf32, #tpu.memory_space<vmem>>, vector<16xf32>,
        tpu.vector_store %arg7[%swap3A_1206, %swap3A_1207, %swap3A_1208], %gather3A_1203 {strides = array<i32>} : memref<2x8x128xf32, #tpu.memory_space<vmem>>, vector<16xf32>,
        %add3A_1210 = arith.addi %gather3A_1202, %broadcast_in_dim3A_90 : vector<16xi32>
        %gather3A_1211 = tpu.vector_load_idx %arg5[%add3A_1210] : memref<40000xf32, #tpu.memory_space<vmem>>[vector<16xi32>], vector<16xf32>,
        %swap3A_1212 = arith.constant 1 : i32
        %swap3A_1213 = arith.constant 1 : i32
        %swap3A_1214 = arith.index_cast %swap3A_1212 : i32 to index
        %swap3A_1215 = arith.index_cast %swap3A_1213 : i32 to index
        %swap3A_1216 = arith.constant 80 : index
        %swap3A_1217 = tpu.vector_load %arg7[%swap3A_1214, %swap3A_1215, %swap3A_1216] {strides = array<i32>} : memref<2x8x128xf32, #tpu.memory_space<vmem>>, vector<16xf32>,
        tpu.vector_store %arg7[%swap3A_1214, %swap3A_1215, %swap3A_1216], %gather3A_1211 {strides = array<i32>} : memref<2x8x128xf32, #tpu.memory_space<vmem>>, vector<16xf32>,
        %add3A_1218 = arith.addi %add3A_1210, %broadcast_in_dim3A_90 : vector<16xi32>
        %gather3A_1219 = tpu.vector_load_idx %arg5[%add3A_1218] : memref<40000xf32, #tpu.memory_space<vmem>>[vector<16xi32>], vector<16xf32>,
        %swap3A_1220 = arith.constant 1 : i32
        %swap3A_1221 = arith.constant 2 : i32
        %swap3A_1222 = arith.index_cast %swap3A_1220 : i32 to index
        %swap3A_1223 = arith.index_cast %swap3A_1221 : i32 to index
        %swap3A_1224 = arith.constant 80 : index
        %swap3A_1225 = tpu.vector_load %arg7[%swap3A_1222, %swap3A_1223, %swap3A_1224] {strides = array<i32>} : memref<2x8x128xf32, #tpu.memory_space<vmem>>, vector<16xf32>,
        tpu.vector_store %arg7[%swap3A_1222, %swap3A_1223, %swap3A_1224], %gather3A_1219 {strides = array<i32>} : memref<2x8x128xf32, #tpu.memory_space<vmem>>, vector<16xf32>,
        %add3A_1226 = arith.addi %add3A_1218, %broadcast_in_dim3A_90 : vector<16xi32>
        %gather3A_1227 = tpu.vector_load_idx %arg5[%add3A_1226] : memref<40000xf32, #tpu.memory_space<vmem>>[vector<16xi32>], vector<16xf32>,
        %swap3A_1228 = arith.constant 1 : i32
        %swap3A_1229 = arith.constant 3 : i32
        %swap3A_1230 = arith.index_cast %swap3A_1228 : i32 to index
        %swap3A_1231 = arith.index_cast %swap3A_1229 : i32 to index
        %swap3A_1232 = arith.constant 80 : index
        %swap3A_1233 = tpu.vector_load %arg7[%swap3A_1230, %swap3A_1231, %swap3A_1232] {strides = array<i32>} : memref<2x8x128xf32, #tpu.memory_space<vmem>>, vector<16xf32>,
        tpu.vector_store %arg7[%swap3A_1230, %swap3A_1231, %swap3A_1232], %gather3A_1227 {strides = array<i32>} : memref<2x8x128xf32, #tpu.memory_space<vmem>>, vector<16xf32>,
        %add3A_1234 = arith.addi %add3A_1226, %broadcast_in_dim3A_90 : vector<16xi32>
        %gather3A_1235 = tpu.vector_load_idx %arg5[%add3A_1234] : memref<40000xf32, #tpu.memory_space<vmem>>[vector<16xi32>], vector<16xf32>,
        %swap3A_1236 = arith.constant 1 : i32
        %swap3A_1237 = arith.constant 4 : i32
        %swap3A_1238 = arith.index_cast %swap3A_1236 : i32 to index
        %swap3A_1239 = arith.index_cast %swap3A_1237 : i32 to index
        %swap3A_1240 = arith.constant 80 : index
        %swap3A_1241 = tpu.vector_load %arg7[%swap3A_1238, %swap3A_1239, %swap3A_1240] {strides = array<i32>} : memref<2x8x128xf32, #tpu.memory_space<vmem>>, vector<16xf32>,
        tpu.vector_store %arg7[%swap3A_1238, %swap3A_1239, %swap3A_1240], %gather3A_1235 {strides = array<i32>} : memref<2x8x128xf32, #tpu.memory_space<vmem>>, vector<16xf32>,
        %add3A_1242 = arith.addi %add3A_1234, %broadcast_in_dim3A_90 : vector<16xi32>
        %gather3A_1243 = tpu.vector_load_idx %arg5[%add3A_1242] : memref<40000xf32, #tpu.memory_space<vmem>>[vector<16xi32>], vector<16xf32>,
        %swap3A_1244 = arith.constant 1 : i32
        %swap3A_1245 = arith.constant 5 : i32
        %swap3A_1246 = arith.index_cast %swap3A_1244 : i32 to index
        %swap3A_1247 = arith.index_cast %swap3A_1245 : i32 to index
        %swap3A_1248 = arith.constant 80 : index
        %swap3A_1249 = tpu.vector_load %arg7[%swap3A_1246, %swap3A_1247, %swap3A_1248] {strides = array<i32>} : memref<2x8x128xf32, #tpu.memory_space<vmem>>, vector<16xf32>,
        tpu.vector_store %arg7[%swap3A_1246, %swap3A_1247, %swap3A_1248], %gather3A_1243 {strides = array<i32>} : memref<2x8x128xf32, #tpu.memory_space<vmem>>, vector<16xf32>,
        %add3A_1250 = arith.addi %add3A_1242, %broadcast_in_dim3A_90 : vector<16xi32>
        %gather3A_1251 = tpu.vector_load_idx %arg5[%add3A_1250] : memref<40000xf32, #tpu.memory_space<vmem>>[vector<16xi32>], vector<16xf32>,
        %swap3A_1252 = arith.constant 1 : i32
        %swap3A_1253 = arith.constant 6 : i32
        %swap3A_1254 = arith.index_cast %swap3A_1252 : i32 to index
        %swap3A_1255 = arith.index_cast %swap3A_1253 : i32 to index
        %swap3A_1256 = arith.constant 80 : index
        %swap3A_1257 = tpu.vector_load %arg7[%swap3A_1254, %swap3A_1255, %swap3A_1256] {strides = array<i32>} : memref<2x8x128xf32, #tpu.memory_space<vmem>>, vector<16xf32>,
        tpu.vector_store %arg7[%swap3A_1254, %swap3A_1255, %swap3A_1256], %gather3A_1251 {strides = array<i32>} : memref<2x8x128xf32, #tpu.memory_space<vmem>>, vector<16xf32>,
        %add3A_1258 = arith.addi %add3A_1250, %broadcast_in_dim3A_90 : vector<16xi32>
        %gather3A_1259 = tpu.vector_load_idx %arg5[%add3A_1258] : memref<40000xf32, #tpu.memory_space<vmem>>[vector<16xi32>], vector<16xf32>,
        %swap3A_1260 = arith.constant 1 : i32
        %swap3A_1261 = arith.constant 7 : i32
        %swap3A_1262 = arith.index_cast %swap3A_1260 : i32 to index
        %swap3A_1263 = arith.index_cast %swap3A_1261 : i32 to index
        %swap3A_1264 = arith.constant 80 : index
        %swap3A_1265 = tpu.vector_load %arg7[%swap3A_1262, %swap3A_1263, %swap3A_1264] {strides = array<i32>} : memref<2x8x128xf32, #tpu.memory_space<vmem>>, vector<16xf32>,
        tpu.vector_store %arg7[%swap3A_1262, %swap3A_1263, %swap3A_1264], %gather3A_1259 {strides = array<i32>} : memref<2x8x128xf32, #tpu.memory_space<vmem>>, vector<16xf32>,
        %add3A_1266 = arith.addi %mul3A_82, %broadcast_in_dim3A_851 : vector<16xi32>
        %gather3A_1267 = arith.constant 1 : i32
        %gather3A_1268 = arith.constant 0 : i32
        %gather3A_1269 = tpu.memref_slice %arg6[%gather3A_1267, %gather3A_1268] : memref<2x25600xi32, #tpu.memory_space<vmem>> -> memref<1x25600xi32, #tpu.memory_space<vmem>>
        %gather3A_1270 = tpu.memref_squeeze %gather3A_1269 : memref<1x25600xi32, #tpu.memory_space<vmem>> -> memref<25600xi32, #tpu.memory_space<vmem>>
        %gather3A_1271 = tpu.vector_load_idx %gather3A_1270[%add3A_1266] : memref<25600xi32, #tpu.memory_space<vmem>>[vector<16xi32>], vector<16xi32>,
        %gather3A_1272 = tpu.vector_load_idx %arg5[%gather3A_1271] : memref<40000xf32, #tpu.memory_space<vmem>>[vector<16xi32>], vector<16xf32>,
        %swap3A_1273 = arith.constant 1 : i32
        %swap3A_1274 = arith.constant 0 : i32
        %swap3A_1275 = arith.index_cast %swap3A_1273 : i32 to index
        %swap3A_1276 = arith.index_cast %swap3A_1274 : i32 to index
        %swap3A_1277 = arith.constant 96 : index
        %swap3A_1278 = tpu.vector_load %arg7[%swap3A_1275, %swap3A_1276, %swap3A_1277] {strides = array<i32>} : memref<2x8x128xf32, #tpu.memory_space<vmem>>, vector<16xf32>,
        tpu.vector_store %arg7[%swap3A_1275, %swap3A_1276, %swap3A_1277], %gather3A_1272 {strides = array<i32>} : memref<2x8x128xf32, #tpu.memory_space<vmem>>, vector<16xf32>,
        %add3A_1279 = arith.addi %gather3A_1271, %broadcast_in_dim3A_90 : vector<16xi32>
        %gather3A_1280 = tpu.vector_load_idx %arg5[%add3A_1279] : memref<40000xf32, #tpu.memory_space<vmem>>[vector<16xi32>], vector<16xf32>,
        %swap3A_1281 = arith.constant 1 : i32
        %swap3A_1282 = arith.constant 1 : i32
        %swap3A_1283 = arith.index_cast %swap3A_1281 : i32 to index
        %swap3A_1284 = arith.index_cast %swap3A_1282 : i32 to index
        %swap3A_1285 = arith.constant 96 : index
        %swap3A_1286 = tpu.vector_load %arg7[%swap3A_1283, %swap3A_1284, %swap3A_1285] {strides = array<i32>} : memref<2x8x128xf32, #tpu.memory_space<vmem>>, vector<16xf32>,
        tpu.vector_store %arg7[%swap3A_1283, %swap3A_1284, %swap3A_1285], %gather3A_1280 {strides = array<i32>} : memref<2x8x128xf32, #tpu.memory_space<vmem>>, vector<16xf32>,
        %add3A_1287 = arith.addi %add3A_1279, %broadcast_in_dim3A_90 : vector<16xi32>
        %gather3A_1288 = tpu.vector_load_idx %arg5[%add3A_1287] : memref<40000xf32, #tpu.memory_space<vmem>>[vector<16xi32>], vector<16xf32>,
        %swap3A_1289 = arith.constant 1 : i32
        %swap3A_1290 = arith.constant 2 : i32
        %swap3A_1291 = arith.index_cast %swap3A_1289 : i32 to index
        %swap3A_1292 = arith.index_cast %swap3A_1290 : i32 to index
        %swap3A_1293 = arith.constant 96 : index
        %swap3A_1294 = tpu.vector_load %arg7[%swap3A_1291, %swap3A_1292, %swap3A_1293] {strides = array<i32>} : memref<2x8x128xf32, #tpu.memory_space<vmem>>, vector<16xf32>,
        tpu.vector_store %arg7[%swap3A_1291, %swap3A_1292, %swap3A_1293], %gather3A_1288 {strides = array<i32>} : memref<2x8x128xf32, #tpu.memory_space<vmem>>, vector<16xf32>,
        %add3A_1295 = arith.addi %add3A_1287, %broadcast_in_dim3A_90 : vector<16xi32>
        %gather3A_1296 = tpu.vector_load_idx %arg5[%add3A_1295] : memref<40000xf32, #tpu.memory_space<vmem>>[vector<16xi32>], vector<16xf32>,
        %swap3A_1297 = arith.constant 1 : i32
        %swap3A_1298 = arith.constant 3 : i32
        %swap3A_1299 = arith.index_cast %swap3A_1297 : i32 to index
        %swap3A_1300 = arith.index_cast %swap3A_1298 : i32 to index
        %swap3A_1301 = arith.constant 96 : index
        %swap3A_1302 = tpu.vector_load %arg7[%swap3A_1299, %swap3A_1300, %swap3A_1301] {strides = array<i32>} : memref<2x8x128xf32, #tpu.memory_space<vmem>>, vector<16xf32>,
        tpu.vector_store %arg7[%swap3A_1299, %swap3A_1300, %swap3A_1301], %gather3A_1296 {strides = array<i32>} : memref<2x8x128xf32, #tpu.memory_space<vmem>>, vector<16xf32>,
        %add3A_1303 = arith.addi %add3A_1295, %broadcast_in_dim3A_90 : vector<16xi32>
        %gather3A_1304 = tpu.vector_load_idx %arg5[%add3A_1303] : memref<40000xf32, #tpu.memory_space<vmem>>[vector<16xi32>], vector<16xf32>,
        %swap3A_1305 = arith.constant 1 : i32
        %swap3A_1306 = arith.constant 4 : i32
        %swap3A_1307 = arith.index_cast %swap3A_1305 : i32 to index
        %swap3A_1308 = arith.index_cast %swap3A_1306 : i32 to index
        %swap3A_1309 = arith.constant 96 : index
        %swap3A_1310 = tpu.vector_load %arg7[%swap3A_1307, %swap3A_1308, %swap3A_1309] {strides = array<i32>} : memref<2x8x128xf32, #tpu.memory_space<vmem>>, vector<16xf32>,
        tpu.vector_store %arg7[%swap3A_1307, %swap3A_1308, %swap3A_1309], %gather3A_1304 {strides = array<i32>} : memref<2x8x128xf32, #tpu.memory_space<vmem>>, vector<16xf32>,
        %add3A_1311 = arith.addi %add3A_1303, %broadcast_in_dim3A_90 : vector<16xi32>
        %gather3A_1312 = tpu.vector_load_idx %arg5[%add3A_1311] : memref<40000xf32, #tpu.memory_space<vmem>>[vector<16xi32>], vector<16xf32>,
        %swap3A_1313 = arith.constant 1 : i32
        %swap3A_1314 = arith.constant 5 : i32
        %swap3A_1315 = arith.index_cast %swap3A_1313 : i32 to index
        %swap3A_1316 = arith.index_cast %swap3A_1314 : i32 to index
        %swap3A_1317 = arith.constant 96 : index
        %swap3A_1318 = tpu.vector_load %arg7[%swap3A_1315, %swap3A_1316, %swap3A_1317] {strides = array<i32>} : memref<2x8x128xf32, #tpu.memory_space<vmem>>, vector<16xf32>,
        tpu.vector_store %arg7[%swap3A_1315, %swap3A_1316, %swap3A_1317], %gather3A_1312 {strides = array<i32>} : memref<2x8x128xf32, #tpu.memory_space<vmem>>, vector<16xf32>,
        %add3A_1319 = arith.addi %add3A_1311, %broadcast_in_dim3A_90 : vector<16xi32>
        %gather3A_1320 = tpu.vector_load_idx %arg5[%add3A_1319] : memref<40000xf32, #tpu.memory_space<vmem>>[vector<16xi32>], vector<16xf32>,
        %swap3A_1321 = arith.constant 1 : i32
        %swap3A_1322 = arith.constant 6 : i32
        %swap3A_1323 = arith.index_cast %swap3A_1321 : i32 to index
        %swap3A_1324 = arith.index_cast %swap3A_1322 : i32 to index
        %swap3A_1325 = arith.constant 96 : index
        %swap3A_1326 = tpu.vector_load %arg7[%swap3A_1323, %swap3A_1324, %swap3A_1325] {strides = array<i32>} : memref<2x8x128xf32, #tpu.memory_space<vmem>>, vector<16xf32>,
        tpu.vector_store %arg7[%swap3A_1323, %swap3A_1324, %swap3A_1325], %gather3A_1320 {strides = array<i32>} : memref<2x8x128xf32, #tpu.memory_space<vmem>>, vector<16xf32>,
        %add3A_1327 = arith.addi %add3A_1319, %broadcast_in_dim3A_90 : vector<16xi32>
        %gather3A_1328 = tpu.vector_load_idx %arg5[%add3A_1327] : memref<40000xf32, #tpu.memory_space<vmem>>[vector<16xi32>], vector<16xf32>,
        %swap3A_1329 = arith.constant 1 : i32
        %swap3A_1330 = arith.constant 7 : i32
        %swap3A_1331 = arith.index_cast %swap3A_1329 : i32 to index
        %swap3A_1332 = arith.index_cast %swap3A_1330 : i32 to index
        %swap3A_1333 = arith.constant 96 : index
        %swap3A_1334 = tpu.vector_load %arg7[%swap3A_1331, %swap3A_1332, %swap3A_1333] {strides = array<i32>} : memref<2x8x128xf32, #tpu.memory_space<vmem>>, vector<16xf32>,
        tpu.vector_store %arg7[%swap3A_1331, %swap3A_1332, %swap3A_1333], %gather3A_1328 {strides = array<i32>} : memref<2x8x128xf32, #tpu.memory_space<vmem>>, vector<16xf32>,
        %add3A_1335 = arith.addi %mul3A_89, %broadcast_in_dim3A_851 : vector<16xi32>
        %gather3A_1336 = arith.constant 1 : i32
        %gather3A_1337 = arith.constant 0 : i32
        %gather3A_1338 = tpu.memref_slice %arg6[%gather3A_1336, %gather3A_1337] : memref<2x25600xi32, #tpu.memory_space<vmem>> -> memref<1x25600xi32, #tpu.memory_space<vmem>>
        %gather3A_1339 = tpu.memref_squeeze %gather3A_1338 : memref<1x25600xi32, #tpu.memory_space<vmem>> -> memref<25600xi32, #tpu.memory_space<vmem>>
        %gather3A_1340 = tpu.vector_load_idx %gather3A_1339[%add3A_1335] : memref<25600xi32, #tpu.memory_space<vmem>>[vector<16xi32>], vector<16xi32>,
        %gather3A_1341 = tpu.vector_load_idx %arg5[%gather3A_1340] : memref<40000xf32, #tpu.memory_space<vmem>>[vector<16xi32>], vector<16xf32>,
        %swap3A_1342 = arith.constant 1 : i32
        %swap3A_1343 = arith.constant 0 : i32
        %swap3A_1344 = arith.index_cast %swap3A_1342 : i32 to index
        %swap3A_1345 = arith.index_cast %swap3A_1343 : i32 to index
        %swap3A_1346 = arith.constant 112 : index
        %swap3A_1347 = tpu.vector_load %arg7[%swap3A_1344, %swap3A_1345, %swap3A_1346] {strides = array<i32>} : memref<2x8x128xf32, #tpu.memory_space<vmem>>, vector<16xf32>,
        tpu.vector_store %arg7[%swap3A_1344, %swap3A_1345, %swap3A_1346], %gather3A_1341 {strides = array<i32>} : memref<2x8x128xf32, #tpu.memory_space<vmem>>, vector<16xf32>,
        %add3A_1348 = arith.addi %gather3A_1340, %broadcast_in_dim3A_90 : vector<16xi32>
        %gather3A_1349 = tpu.vector_load_idx %arg5[%add3A_1348] : memref<40000xf32, #tpu.memory_space<vmem>>[vector<16xi32>], vector<16xf32>,
        %swap3A_1350 = arith.constant 1 : i32
        %swap3A_1351 = arith.constant 1 : i32
        %swap3A_1352 = arith.index_cast %swap3A_1350 : i32 to index
        %swap3A_1353 = arith.index_cast %swap3A_1351 : i32 to index
        %swap3A_1354 = arith.constant 112 : index
        %swap3A_1355 = tpu.vector_load %arg7[%swap3A_1352, %swap3A_1353, %swap3A_1354] {strides = array<i32>} : memref<2x8x128xf32, #tpu.memory_space<vmem>>, vector<16xf32>,
        tpu.vector_store %arg7[%swap3A_1352, %swap3A_1353, %swap3A_1354], %gather3A_1349 {strides = array<i32>} : memref<2x8x128xf32, #tpu.memory_space<vmem>>, vector<16xf32>,
        %add3A_1356 = arith.addi %add3A_1348, %broadcast_in_dim3A_90 : vector<16xi32>
        %gather3A_1357 = tpu.vector_load_idx %arg5[%add3A_1356] : memref<40000xf32, #tpu.memory_space<vmem>>[vector<16xi32>], vector<16xf32>,
        %swap3A_1358 = arith.constant 1 : i32
        %swap3A_1359 = arith.constant 2 : i32
        %swap3A_1360 = arith.index_cast %swap3A_1358 : i32 to index
        %swap3A_1361 = arith.index_cast %swap3A_1359 : i32 to index
        %swap3A_1362 = arith.constant 112 : index
        %swap3A_1363 = tpu.vector_load %arg7[%swap3A_1360, %swap3A_1361, %swap3A_1362] {strides = array<i32>} : memref<2x8x128xf32, #tpu.memory_space<vmem>>, vector<16xf32>,
        tpu.vector_store %arg7[%swap3A_1360, %swap3A_1361, %swap3A_1362], %gather3A_1357 {strides = array<i32>} : memref<2x8x128xf32, #tpu.memory_space<vmem>>, vector<16xf32>,
        %add3A_1364 = arith.addi %add3A_1356, %broadcast_in_dim3A_90 : vector<16xi32>
        %gather3A_1365 = tpu.vector_load_idx %arg5[%add3A_1364] : memref<40000xf32, #tpu.memory_space<vmem>>[vector<16xi32>], vector<16xf32>,
        %swap3A_1366 = arith.constant 1 : i32
        %swap3A_1367 = arith.constant 3 : i32
        %swap3A_1368 = arith.index_cast %swap3A_1366 : i32 to index
        %swap3A_1369 = arith.index_cast %swap3A_1367 : i32 to index
        %swap3A_1370 = arith.constant 112 : index
        %swap3A_1371 = tpu.vector_load %arg7[%swap3A_1368, %swap3A_1369, %swap3A_1370] {strides = array<i32>} : memref<2x8x128xf32, #tpu.memory_space<vmem>>, vector<16xf32>,
        tpu.vector_store %arg7[%swap3A_1368, %swap3A_1369, %swap3A_1370], %gather3A_1365 {strides = array<i32>} : memref<2x8x128xf32, #tpu.memory_space<vmem>>, vector<16xf32>,
        %add3A_1372 = arith.addi %add3A_1364, %broadcast_in_dim3A_90 : vector<16xi32>
        %gather3A_1373 = tpu.vector_load_idx %arg5[%add3A_1372] : memref<40000xf32, #tpu.memory_space<vmem>>[vector<16xi32>], vector<16xf32>,
        %swap3A_1374 = arith.constant 1 : i32
        %swap3A_1375 = arith.constant 4 : i32
        %swap3A_1376 = arith.index_cast %swap3A_1374 : i32 to index
        %swap3A_1377 = arith.index_cast %swap3A_1375 : i32 to index
        %swap3A_1378 = arith.constant 112 : index
        %swap3A_1379 = tpu.vector_load %arg7[%swap3A_1376, %swap3A_1377, %swap3A_1378] {strides = array<i32>} : memref<2x8x128xf32, #tpu.memory_space<vmem>>, vector<16xf32>,
        tpu.vector_store %arg7[%swap3A_1376, %swap3A_1377, %swap3A_1378], %gather3A_1373 {strides = array<i32>} : memref<2x8x128xf32, #tpu.memory_space<vmem>>, vector<16xf32>,
        %add3A_1380 = arith.addi %add3A_1372, %broadcast_in_dim3A_90 : vector<16xi32>
        %gather3A_1381 = tpu.vector_load_idx %arg5[%add3A_1380] : memref<40000xf32, #tpu.memory_space<vmem>>[vector<16xi32>], vector<16xf32>,
        %swap3A_1382 = arith.constant 1 : i32
        %swap3A_1383 = arith.constant 5 : i32
        %swap3A_1384 = arith.index_cast %swap3A_1382 : i32 to index
        %swap3A_1385 = arith.index_cast %swap3A_1383 : i32 to index
        %swap3A_1386 = arith.constant 112 : index
        %swap3A_1387 = tpu.vector_load %arg7[%swap3A_1384, %swap3A_1385, %swap3A_1386] {strides = array<i32>} : memref<2x8x128xf32, #tpu.memory_space<vmem>>, vector<16xf32>,
        tpu.vector_store %arg7[%swap3A_1384, %swap3A_1385, %swap3A_1386], %gather3A_1381 {strides = array<i32>} : memref<2x8x128xf32, #tpu.memory_space<vmem>>, vector<16xf32>,
        %add3A_1388 = arith.addi %add3A_1380, %broadcast_in_dim3A_90 : vector<16xi32>
        %gather3A_1389 = tpu.vector_load_idx %arg5[%add3A_1388] : memref<40000xf32, #tpu.memory_space<vmem>>[vector<16xi32>], vector<16xf32>,
        %swap3A_1390 = arith.constant 1 : i32
        %swap3A_1391 = arith.constant 6 : i32
        %swap3A_1392 = arith.index_cast %swap3A_1390 : i32 to index
        %swap3A_1393 = arith.index_cast %swap3A_1391 : i32 to index
        %swap3A_1394 = arith.constant 112 : index
        %swap3A_1395 = tpu.vector_load %arg7[%swap3A_1392, %swap3A_1393, %swap3A_1394] {strides = array<i32>} : memref<2x8x128xf32, #tpu.memory_space<vmem>>, vector<16xf32>,
        tpu.vector_store %arg7[%swap3A_1392, %swap3A_1393, %swap3A_1394], %gather3A_1389 {strides = array<i32>} : memref<2x8x128xf32, #tpu.memory_space<vmem>>, vector<16xf32>,
        %add3A_1396 = arith.addi %add3A_1388, %broadcast_in_dim3A_90 : vector<16xi32>
        %gather3A_1397 = tpu.vector_load_idx %arg5[%add3A_1396] : memref<40000xf32, #tpu.memory_space<vmem>>[vector<16xi32>], vector<16xf32>,
        %swap3A_1398 = arith.constant 1 : i32
        %swap3A_1399 = arith.constant 7 : i32
        %swap3A_1400 = arith.index_cast %swap3A_1398 : i32 to index
        %swap3A_1401 = arith.index_cast %swap3A_1399 : i32 to index
        %swap3A_1402 = arith.constant 112 : index
        %swap3A_1403 = tpu.vector_load %arg7[%swap3A_1400, %swap3A_1401, %swap3A_1402] {strides = array<i32>} : memref<2x8x128xf32, #tpu.memory_space<vmem>>, vector<16xf32>,
        tpu.vector_store %arg7[%swap3A_1400, %swap3A_1401, %swap3A_1402], %gather3A_1397 {strides = array<i32>} : memref<2x8x128xf32, #tpu.memory_space<vmem>>, vector<16xf32>,
        %dma_start3A_1404 = arith.constant 1 : i32
        %dma_start3A_1405 = arith.constant 0 : i32
        %dma_start3A_1406 = arith.constant 0 : i32
        %dma_start3A_1407 = tpu.memref_slice %arg7[%dma_start3A_1404, %dma_start3A_1405, %dma_start3A_1406] : memref<2x8x128xf32, #tpu.memory_space<vmem>> -> memref<1x8x128xf32, #tpu.memory_space<vmem>>
        %dma_start3A_1408 = tpu.memref_squeeze %dma_start3A_1407 : memref<1x8x128xf32, #tpu.memory_space<vmem>> -> memref<8x128xf32, #tpu.memory_space<vmem>>
        %dma_start3A_1409 = arith.constant 0 : i32
        %dma_start3A_1410 = arith.constant 0 : i32
        %dma_start3A_1411 = tpu.memref_slice %arg4[%add3A_842, %select_n3A_9, %add3A_228, %dma_start3A_1409, %dma_start3A_1410] : memref<200x8x128x8x128xf32, #tpu.memory_space<hbm>> -> memref<1x1x1x8x128xf32, #tpu.memory_space<hbm>>
        %dma_start3A_1412 = tpu.memref_squeeze %dma_start3A_1411 : memref<1x1x1x8x128xf32, #tpu.memory_space<hbm>> -> memref<8x128xf32, #tpu.memory_space<hbm>>
        %dma_start3A_1413 = arith.constant 0 : i32
        %dma_start3A_1414 = arith.constant 0 : i32
        %dma_start3A_1415 = tpu.memref_slice %arg4[%add3A_842, %select_n3A_9, %add3A_228, %dma_start3A_1413, %dma_start3A_1414] : memref<200x8x128x8x128xf32, #tpu.memory_space<hbm>> -> memref<1x1x1x8x128xf32, #tpu.memory_space<hbm>>
        %dma_start3A_1416 = tpu.memref_squeeze %dma_start3A_1415 : memref<1x1x1x8x128xf32, #tpu.memory_space<hbm>> -> memref<8x128xf32, #tpu.memory_space<hbm>>
        %dma_start3A_1417 = arith.constant 0 : i32
        %dma_start3A_1418 = arith.constant 0 : i32
        %dma_start3A_1419 = tpu.memref_slice %arg7[%dma_start3A_1404, %dma_start3A_1417, %dma_start3A_1418] : memref<2x8x128xf32, #tpu.memory_space<vmem>> -> memref<1x8x128xf32, #tpu.memory_space<vmem>>
        %dma_start3A_1420 = tpu.memref_squeeze %dma_start3A_1419 : memref<1x8x128xf32, #tpu.memory_space<vmem>> -> memref<8x128xf32, #tpu.memory_space<vmem>>
        tpu.enqueue_dma source(%dma_start3A_1420 : memref<8x128xf32, #tpu.memory_space<vmem>>) target(%dma_start3A_1416 : memref<8x128xf32, #tpu.memory_space<hbm>>) target_semaphore(%arg11 : memref<!tpu.dma_semaphore, #tpu.memory_space<semaphore_mem>>)
      }
      %scan3A_245 = arith.constant 100 : i32
      %add3A_246 = arith.constant 2 : i32
      %add3A_247 = arith.addi %add3A_227, %add3A_246 : i32
      %min3A_248 = arith.constant 31 : i32
      %min3A_249 = arith.minsi %add3A_247, %min3A_248 : i32
      %add3A_250 = arith.addi %mul3A_32, %min3A_249 : i32
      %mul3A_251 = arith.constant 25600 : i32
      %mul3A_252 = arith.muli %add3A_250, %mul3A_251 : i32
      %dma_start3A_253 = arith.constant 1 : i32
      %dma_start3A_254 = arith.constant 0 : i32
      %dma_start3A_255 = tpu.memref_slice %arg6[%dma_start3A_253, %dma_start3A_254] : memref<2x25600xi32, #tpu.memory_space<vmem>> -> memref<1x25600xi32, #tpu.memory_space<vmem>>
      %dma_start3A_256 = tpu.memref_squeeze %dma_start3A_255 : memref<1x25600xi32, #tpu.memory_space<vmem>> -> memref<25600xi32, #tpu.memory_space<vmem>>
      %dma_start3A_257 = tpu.memref_slice %arg3[%mul3A_252] : memref<3276800xi32, #tpu.memory_space<hbm>> -> memref<25600xi32, #tpu.memory_space<hbm>>
      %dma_start3A_258 = arith.constant 0 : i32
      %dma_start3A_259 = tpu.memref_slice %arg6[%dma_start3A_253, %dma_start3A_258] : memref<2x25600xi32, #tpu.memory_space<vmem>> -> memref<1x25600xi32, #tpu.memory_space<vmem>>
      %dma_start3A_260 = tpu.memref_squeeze %dma_start3A_259 : memref<1x25600xi32, #tpu.memory_space<vmem>> -> memref<25600xi32, #tpu.memory_space<vmem>>
      %dma_start3A_261 = tpu.memref_slice %arg3[%mul3A_252] : memref<3276800xi32, #tpu.memory_space<hbm>> -> memref<25600xi32, #tpu.memory_space<hbm>>
      tpu.enqueue_dma source(%dma_start3A_261 : memref<25600xi32, #tpu.memory_space<hbm>>) target(%dma_start3A_260 : memref<25600xi32, #tpu.memory_space<vmem>>) target_semaphore(%arg9 : memref<!tpu.dma_semaphore, #tpu.memory_space<semaphore_mem>>)
    }
    %scan3A_120 = arith.constant 16 : i32
    %mul3A_121 = arith.constant 25600 : i32
    %mul3A_122 = arith.muli %mul3A_32, %mul3A_121 : i32
    %dma_wait3A = arith.constant 0 : i32
    %dma_wait3A_123 = arith.constant 0 : i32
    %dma_wait3A_124 = tpu.memref_slice %arg6[%dma_wait3A, %dma_wait3A_123] : memref<2x25600xi32, #tpu.memory_space<vmem>> -> memref<1x25600xi32, #tpu.memory_space<vmem>>
    %dma_wait3A_125 = tpu.memref_squeeze %dma_wait3A_124 : memref<1x25600xi32, #tpu.memory_space<vmem>> -> memref<25600xi32, #tpu.memory_space<vmem>>
    %dma_wait3A_126 = tpu.memref_slice %arg3[%mul3A_122] : memref<3276800xi32, #tpu.memory_space<hbm>> -> memref<25600xi32, #tpu.memory_space<hbm>>
    %dma_wait3A_127 = arith.constant 0 : i32
    %dma_wait3A_128 = tpu.memref_slice %arg6[%dma_wait3A, %dma_wait3A_127] : memref<2x25600xi32, #tpu.memory_space<vmem>> -> memref<1x25600xi32, #tpu.memory_space<vmem>>
    %dma_wait3A_129 = tpu.memref_squeeze %dma_wait3A_128 : memref<1x25600xi32, #tpu.memory_space<vmem>> -> memref<25600xi32, #tpu.memory_space<vmem>>
    %dma_wait3A_130 = tpu.memref_slice %arg3[%mul3A_122] : memref<3276800xi32, #tpu.memory_space<hbm>> -> memref<25600xi32, #tpu.memory_space<hbm>>
    tpu.wait_dma2 semaphore(%arg8 : memref<!tpu.dma_semaphore, #tpu.memory_space<semaphore_mem>>) src(%dma_wait3A_130 : memref<25600xi32, #tpu.memory_space<hbm>>) dst(%dma_wait3A_129 : memref<25600xi32, #tpu.memory_space<vmem>>)
    %add3A_131 = arith.constant 32 : i32
    %add3A_132 = arith.addi %mul3A_32, %add3A_131 : i32
    %sub3A_133 = arith.constant 1 : i32
    %sub3A_134 = arith.subi %add3A_132, %sub3A_133 : i32
    %dma_wait3A_135 = arith.constant 0 : i32
    %dma_wait3A_136 = arith.constant 198 : i32
    %dma_wait3A_137 = arith.constant 0 : i32
    %dma_wait3A_138 = arith.constant 0 : i32
    %dma_wait3A_139 = tpu.memref_slice %arg7[%dma_wait3A_135, %dma_wait3A_137, %dma_wait3A_138] : memref<2x8x128xf32, #tpu.memory_space<vmem>> -> memref<1x8x128xf32, #tpu.memory_space<vmem>>
    %dma_wait3A_140 = tpu.memref_squeeze %dma_wait3A_139 : memref<1x8x128xf32, #tpu.memory_space<vmem>> -> memref<8x128xf32, #tpu.memory_space<vmem>>
    %dma_wait3A_141 = arith.constant 0 : i32
    %dma_wait3A_142 = arith.constant 0 : i32
    %dma_wait3A_143 = tpu.memref_slice %arg4[%dma_wait3A_136, %select_n3A_9, %sub3A_134, %dma_wait3A_141, %dma_wait3A_142] : memref<200x8x128x8x128xf32, #tpu.memory_space<hbm>> -> memref<1x1x1x8x128xf32, #tpu.memory_space<hbm>>
    %dma_wait3A_144 = tpu.memref_squeeze %dma_wait3A_143 : memref<1x1x1x8x128xf32, #tpu.memory_space<hbm>> -> memref<8x128xf32, #tpu.memory_space<hbm>>
    %dma_wait3A_145 = arith.constant 0 : i32
    %dma_wait3A_146 = arith.constant 0 : i32
    %dma_wait3A_147 = tpu.memref_slice %arg4[%dma_wait3A_136, %select_n3A_9, %sub3A_134, %dma_wait3A_145, %dma_wait3A_146] : memref<200x8x128x8x128xf32, #tpu.memory_space<hbm>> -> memref<1x1x1x8x128xf32, #tpu.memory_space<hbm>>
    %dma_wait3A_148 = tpu.memref_squeeze %dma_wait3A_147 : memref<1x1x1x8x128xf32, #tpu.memory_space<hbm>> -> memref<8x128xf32, #tpu.memory_space<hbm>>
    %dma_wait3A_149 = arith.constant 0 : i32
    %dma_wait3A_150 = arith.constant 0 : i32
    %dma_wait3A_151 = tpu.memref_slice %arg7[%dma_wait3A_135, %dma_wait3A_149, %dma_wait3A_150] : memref<2x8x128xf32, #tpu.memory_space<vmem>> -> memref<1x8x128xf32, #tpu.memory_space<vmem>>
    %dma_wait3A_152 = tpu.memref_squeeze %dma_wait3A_151 : memref<1x8x128xf32, #tpu.memory_space<vmem>> -> memref<8x128xf32, #tpu.memory_space<vmem>>
    tpu.wait_dma2 semaphore(%arg10 : memref<!tpu.dma_semaphore, #tpu.memory_space<semaphore_mem>>) src(%dma_wait3A_152 : memref<8x128xf32, #tpu.memory_space<vmem>>) dst(%dma_wait3A_148 : memref<8x128xf32, #tpu.memory_space<hbm>>)
    %mul3A_153 = arith.constant 25600 : i32
    %mul3A_154 = arith.muli %mul3A_32, %mul3A_153 : i32
    %dma_wait3A_155 = arith.constant 1 : i32
    %dma_wait3A_156 = arith.constant 0 : i32
    %dma_wait3A_157 = tpu.memref_slice %arg6[%dma_wait3A_155, %dma_wait3A_156] : memref<2x25600xi32, #tpu.memory_space<vmem>> -> memref<1x25600xi32, #tpu.memory_space<vmem>>
    %dma_wait3A_158 = tpu.memref_squeeze %dma_wait3A_157 : memref<1x25600xi32, #tpu.memory_space<vmem>> -> memref<25600xi32, #tpu.memory_space<vmem>>
    %dma_wait3A_159 = tpu.memref_slice %arg3[%mul3A_154] : memref<3276800xi32, #tpu.memory_space<hbm>> -> memref<25600xi32, #tpu.memory_space<hbm>>
    %dma_wait3A_160 = arith.constant 0 : i32
    %dma_wait3A_161 = tpu.memref_slice %arg6[%dma_wait3A_155, %dma_wait3A_160] : memref<2x25600xi32, #tpu.memory_space<vmem>> -> memref<1x25600xi32, #tpu.memory_space<vmem>>
    %dma_wait3A_162 = tpu.memref_squeeze %dma_wait3A_161 : memref<1x25600xi32, #tpu.memory_space<vmem>> -> memref<25600xi32, #tpu.memory_space<vmem>>
    %dma_wait3A_163 = tpu.memref_slice %arg3[%mul3A_154] : memref<3276800xi32, #tpu.memory_space<hbm>> -> memref<25600xi32, #tpu.memory_space<hbm>>
    tpu.wait_dma2 semaphore(%arg9 : memref<!tpu.dma_semaphore, #tpu.memory_space<semaphore_mem>>) src(%dma_wait3A_163 : memref<25600xi32, #tpu.memory_space<hbm>>) dst(%dma_wait3A_162 : memref<25600xi32, #tpu.memory_space<vmem>>)
    %add3A_164 = arith.constant 32 : i32
    %add3A_165 = arith.addi %mul3A_32, %add3A_164 : i32
    %sub3A_166 = arith.constant 1 : i32
    %sub3A_167 = arith.subi %add3A_165, %sub3A_166 : i32
    %dma_wait3A_168 = arith.constant 1 : i32
    %dma_wait3A_169 = arith.constant 199 : i32
    %dma_wait3A_170 = arith.constant 0 : i32
    %dma_wait3A_171 = arith.constant 0 : i32
    %dma_wait3A_172 = tpu.memref_slice %arg7[%dma_wait3A_168, %dma_wait3A_170, %dma_wait3A_171] : memref<2x8x128xf32, #tpu.memory_space<vmem>> -> memref<1x8x128xf32, #tpu.memory_space<vmem>>
    %dma_wait3A_173 = tpu.memref_squeeze %dma_wait3A_172 : memref<1x8x128xf32, #tpu.memory_space<vmem>> -> memref<8x128xf32, #tpu.memory_space<vmem>>
    %dma_wait3A_174 = arith.constant 0 : i32
    %dma_wait3A_175 = arith.constant 0 : i32
    %dma_wait3A_176 = tpu.memref_slice %arg4[%dma_wait3A_169, %select_n3A_9, %sub3A_167, %dma_wait3A_174, %dma_wait3A_175] : memref<200x8x128x8x128xf32, #tpu.memory_space<hbm>> -> memref<1x1x1x8x128xf32, #tpu.memory_space<hbm>>
    %dma_wait3A_177 = tpu.memref_squeeze %dma_wait3A_176 : memref<1x1x1x8x128xf32, #tpu.memory_space<hbm>> -> memref<8x128xf32, #tpu.memory_space<hbm>>
    %dma_wait3A_178 = arith.constant 0 : i32
    %dma_wait3A_179 = arith.constant 0 : i32
    %dma_wait3A_180 = tpu.memref_slice %arg4[%dma_wait3A_169, %select_n3A_9, %sub3A_167, %dma_wait3A_178, %dma_wait3A_179] : memref<200x8x128x8x128xf32, #tpu.memory_space<hbm>> -> memref<1x1x1x8x128xf32, #tpu.memory_space<hbm>>
    %dma_wait3A_181 = tpu.memref_squeeze %dma_wait3A_180 : memref<1x1x1x8x128xf32, #tpu.memory_space<hbm>> -> memref<8x128xf32, #tpu.memory_space<hbm>>
    %dma_wait3A_182 = arith.constant 0 : i32
    %dma_wait3A_183 = arith.constant 0 : i32
    %dma_wait3A_184 = tpu.memref_slice %arg7[%dma_wait3A_168, %dma_wait3A_182, %dma_wait3A_183] : memref<2x8x128xf32, #tpu.memory_space<vmem>> -> memref<1x8x128xf32, #tpu.memory_space<vmem>>
    %dma_wait3A_185 = tpu.memref_squeeze %dma_wait3A_184 : memref<1x8x128xf32, #tpu.memory_space<vmem>> -> memref<8x128xf32, #tpu.memory_space<vmem>>
    tpu.wait_dma2 semaphore(%arg11 : memref<!tpu.dma_semaphore, #tpu.memory_space<semaphore_mem>>) src(%dma_wait3A_185 : memref<8x128xf32, #tpu.memory_space<vmem>>) dst(%dma_wait3A_181 : memref<8x128xf32, #tpu.memory_space<hbm>>)
    return
  }
}

</mosaic_0001>

<sc_bundles>
// kernel: _gather_phys.3.cloned.1.call-start
scs
__scs_entry_jumppad:
0x0: {  	(pc) =	sbr.rel $0x88, $3  }
0x1: {  	(tag) =	ssettag $0x0;
	lr =	simm.s32 $0x1  }
0x2: {  	[smem:$0x3F9F] =	sst lr;
	_ =	strace $0xD0000000  }
0x3: {  	_ = 	snop  }
0x4: {  	_ = 	snop  }
0x5: {  	_ = 	snop  }
0x6: {  	_ = 	snop  }
0x7: {  	_ = 	snop  }
__scs_overlays_trampoline_lowered:
0x8: {  	[smem:$0x3FAE] =	sst s0  }
0x9: {  	[smem:$0x3FAF] =	sst s1  }
0xa: {  	[smem:$0x3FB0] =	sst s2  }
0xb: {  	[smem:$0x3FB1] =	sst s3  }
0xc: {  	[smem:$0x3FB2] =	sst s4  }
0xd: {  	[smem:$0x3FB3] =	sst s5  }
0xe: {  	[smem:$0x3FB4] =	sst s6  }
0xf: {  	[smem:$0x3FB5] =	sst s7  }
0x10: {  	[smem:$0x3FB6] =	sst s8  }
0x11: {  	[smem:$0x3FB7] =	sst s9;
	s0 =	simm.s32 @!p0 $0x0  }
0x12: {  	s1 =	sld [smem:$0x3F9D];
	s0 =	simm.s32 @p0 $0x1  }
0x13: {  	[smem:$0x3FB8] =	sst s0;
	s0 =	simm.s32 @!p1 $0x0  }
0x14: {  	s2 =	sld [smem:$0x3F9C];
	s0 =	simm.s32 @p1 $0x1  }
0x15: {  	[smem:$0x3FB9] =	sst s0;
	s0 =	simm.s32 @!p2 $0x0  }
0x16: {  	s3 =	sld [smem:$0x3FDB];
	s0 =	simm.s32 @p2 $0x1  }
0x17: {  	s4 =	simm.s32 $0x1BF5;
	[smem:$0x3FBB] =	sst s0  }
0x18: {  	s0 =	sld [smem:$0x3F9E];
	_ =	swait.ge [sflag:s4], $0x0  }
0x19: {  	s7 =	sld [smem:$0x3F9F]  }
0x1a: {  	s8 =	sadd.s32 $0xFFFFE003, lr  }
0x1b: {  	s9 =	sadd.s32 $0xFFFFFEF7, lr;
	s5 =	simm.s32 $0xFFFFFFFF;
	p2 =	slt.u32 s8, $0xFFFFF086  }
0x1c: {  	p1 =	slt.u32 s9, $0xF7A;
	s5 =	simm.s32 @!p2 $0x0  }
0x1d: {  	s5 =	simm.s32 @p1 $0x1;
	p0 =	seq.s32 s7, s2  }
0x1e: {  	s7 =	smul.u32 @!p0 $0xF7A, s2;
	p2 =	seq.s32 @!p0 s5, $0x0  }
0x1f: {  	s9 =	smul.u32 $0xF7A, s1;
	s8 =	simm.s32 @!p0 $0x1BF5;
	p2 =	por !p2, p0  }
0x20: {  	[sflag:s8] =	ssyncset.s32 @!p0 $0xFFFFF086;
	s6 =	sadd.s32 @!p0 s3, s7;
	s7 =	simm.s32 @!p0 $0x108  }
0x21: {  	s3 =	sadd.s32 s3, s9;
	s6 =	sadd.s32 @!p0 $0x88, s6;
	s7 =	simm.s32 @p2 $0x1082  }
0x22: {  	[simem:s7], [sflag:s8] =	dma.local @!p0 [hbm:s6], $0xF7A  }
0x23: {  	s9 =	sor.u32 $0xD0000000, s2;
	s6 =	simm.s32 $0x108;
	_ =	swait.ge @!p0 [sflag:s8], $0x0  }
0x24: {  	s3 =	sadd.s32 $0x88, s3;
	s6 =	simm.s32 @!p1 $0x1082;
	[sflag:s4] =	ssyncset.s32 $0xFFFFF086  }
0x25: {  	[simem:s6], [sflag:s4] =	dma.local [hbm:s3], $0xF7A  }
0x26: {  	[smem:$0x3F9F] =	sst s1;
	(tag) =	ssettag s2;
	_ =	strace s9  }
0x27: {  	s1 =	sld [smem:$0x3FAF]  }
0x28: {  	s2 =	sld [smem:$0x3FB0]  }
0x29: {  	s4 =	sld [smem:$0x3FB2]  }
0x2a: {  	p0 =	seq.s32 s5, $0x0;
	s5 =	sld [smem:$0x3FB3]  }
0x2b: {  	s6 =	sld [smem:$0x3FB4]  }
0x2c: {  	s7 =	sld [smem:$0x3FB5]  }
0x2d: {  	s3 =	simm.s32 $0x108;
	s8 =	sld [smem:$0x3FB6]  }
0x2e: {  	s3 =	simm.s32 @!p0 $0x1082;
	s9 =	sld [smem:$0x3FB7]  }
0x2f: {  	lr =	sadd.s32 s0, s3;
	s0 =	sld [smem:$0x3FAE]  }
0x30: {  	s3 =	sld [smem:$0x3FB1]  }
0x31: {  	[smem:$0x3FBA] =	sst s10  }
0x32: {  	s10 =	sld [smem:$0x3FB8];
	_ =	sdelay $0x3  }
0x33: {  	p0 =	seq.s32 s10, $0x1;
	s10 =	sld [smem:$0x3FBA];
	_ =	sdelay $0x3  }
0x34: {  	[smem:$0x3FBA] =	sst s10  }
0x35: {  	s10 =	sld [smem:$0x3FB9];
	_ =	sdelay $0x3  }
0x36: {  	p1 =	seq.s32 s10, $0x1;
	s10 =	sld [smem:$0x3FBA];
	_ =	sdelay $0x3  }
0x37: {  	[smem:$0x3FBA] =	sst s10  }
0x38: {  	s10 =	sld [smem:$0x3FBB]  }
0x39: {  	_ = 	snop;
	(pc) =	sbr.ind lr, $3  }
0x3a: {  	_ = 	snop  }
0x3b: {  	_ = 	snop  }
0x3c: {  	p2 =	seq.s32 s10, $0x1;
	s10 =	sld [smem:$0x3FBA]  }
0x3d: {  	_ =	shalt  }
0x3e: {  	_ =	shalt  }
0x3f: {  	_ =	shalt  }
0x40: {  	_ =	shalt  }
0x41: {  	_ =	shalt  }
0x42: {  	_ =	shalt  }
0x43: {  	_ =	shalt  }
0x44: {  	_ =	shalt  }
0x45: {  	_ =	shalt  }
0x46: {  	_ =	shalt  }
0x47: {  	_ =	shalt  }
0x48: {  	_ =	shalt  }
0x49: {  	_ =	shalt  }
0x4a: {  	_ =	shalt  }
0x4b: {  	_ =	shalt  }
0x4c: {  	_ =	shalt  }
0x4d: {  	_ =	shalt  }
0x4e: {  	_ =	shalt  }
0x4f: {  	_ =	shalt  }
0x50: {  	_ =	shalt  }
0x51: {  	_ =	shalt  }
0x52: {  	_ =	shalt  }
0x53: {  	_ =	shalt  }
0x54: {  	_ =	shalt  }
0x55: {  	_ =	shalt  }
0x56: {  	_ =	shalt  }
0x57: {  	_ =	shalt  }
0x58: {  	_ =	shalt  }
0x59: {  	_ =	shalt  }
0x5a: {  	_ =	shalt  }
0x5b: {  	_ =	shalt  }
0x5c: {  	_ =	shalt  }
0x5d: {  	_ =	shalt  }
0x5e: {  	_ =	shalt  }
0x5f: {  	_ =	shalt  }
0x60: {  	_ =	shalt  }
0x61: {  	_ =	shalt  }
0x62: {  	_ =	shalt  }
0x63: {  	_ =	shalt  }
0x64: {  	_ =	shalt  }
0x65: {  	_ =	shalt  }
0x66: {  	_ =	shalt  }
0x67: {  	_ =	shalt  }
0x68: {  	_ =	shalt  }
0x69: {  	_ =	shalt  }
0x6a: {  	_ =	shalt  }
0x6b: {  	_ =	shalt  }
0x6c: {  	_ =	shalt  }
0x6d: {  	_ =	shalt  }
0x6e: {  	_ =	shalt  }
0x6f: {  	_ =	shalt  }
0x70: {  	_ =	shalt  }
0x71: {  	_ =	shalt  }
0x72: {  	_ =	shalt  }
0x73: {  	_ =	shalt  }
0x74: {  	_ =	shalt  }
0x75: {  	_ =	shalt  }
0x76: {  	_ =	shalt  }
0x77: {  	_ =	shalt  }
0x78: {  	_ =	shalt  }
0x79: {  	_ =	shalt  }
0x7a: {  	_ =	shalt  }
0x7b: {  	_ =	shalt  }
0x7c: {  	_ =	shalt  }
0x7d: {  	_ =	shalt  }
0x7e: {  	_ =	shalt  }
0x7f: {  	_ =	shalt  }
0x80: {  	_ =	shalt  }
0x81: {  	_ =	shalt  }
0x82: {  	_ =	shalt  }
0x83: {  	_ =	shalt  }
0x84: {  	_ =	shalt  }
0x85: {  	_ =	shalt  }
0x86: {  	_ =	shalt  }
0x87: {  	_ =	shalt  }
.Lfunc_end0:
.L_simem_size_0:
called_computation_lowered:
.L_overlay_start_0:
0x88: {  	s2 =	sld [smem:$0x3FD9]  }
0x89: {  	s3 =	sld [smem:$0x3FFE];
	_ =	sdelay $0x1  }
0x8a: {  	s1 =	srdreg.scid  }
0x8b: {  	s0 =	sand.u32 $0x1, s1  }
0x8c: {  	s18 =	sshll.u32 s0, $0xA;
	s2 =	sadd.s32 s3, s2  }
0x8d: {  	s2 =	sadd.s32 s2, s18  }
0x8e: {  	[smem:$0x3FC6] =	sst s2  }
0x8f: {  	_ = 	snop  }
0x90: {  	s2 =	sld [smem:$0x3FC9]  }
0x91: {  	s19 =	sld [smem:$0x3FC8]  }
0x92: {  	s4 =	sld [smem:$0x3FD0];
	(tm) =	ssettm $0x1  }
0x93: {  	s5 =	sld [smem:$0x3FFB];
	_ =	sdelay $0x3  }
0x94: {  	_ =	strace s5  }
0x95: {  	s5 =	sld [smem:$0x3FFC];
	_ =	sdelay $0x3  }
0x96: {  	_ =	strace s5  }
0x97: {  	s5 =	sld [smem:$0x3FFD];
	_ =	sdelay $0x3  }
0x98: {  	_ =	strace s5  }
0x99: {  	_ =	strace $0x8FFFFFFF  }
0x9a: {  	s20 =	sld [smem:$0x3FDB];
	_ =	sdelay $0x1  }
0x9b: {  	s6 =	simm.s32 $_scs_section_size  }
0x9c: {  	s7 =	simm.s32 $_size__tile_overlayer_lowered;
	s8 =	simm.s32 $_tile_overlayer_lowered  }
0x9d: {  	s23 =	simm.s32 $0x1BFF;
	s22 =	sshll.u32 s8, $0x1;
	s5 =	sadd.s32 s6, s20  }
0x9e: {  	s9 =	simm.s32 $0x0;
	s21 =	sshll.u32 s7, $0x1;
	s7 =	sadd.s32 s22, s5  }
0x9f: {  	[timem:s9], [sflag:s23] =	dma.local [hbm:s7], s21  }
0xa0: {  	_ =	swait.ge [sflag:s23], s21  }
0xa1: {  	s6 =	ssub.s32 $0x0, s21;
	[sflag:s23] =	ssyncset.done $0x0  }
0xa2: {  	[sflag:s23] =	ssyncadd.s32 s6;
	_ =	sdelay $0x1  }
0xa3: {  	s24 =	simm.s32 $0x1B8B  }
0xa4: {  	_ =	swait.ge [sflag:s24], $0x1  }
0xa5: {  	[sflag:s24] =	ssyncset.done $0x0  }
0xa6: {  	s25 =	simm.s32 $0x1B8E;
	[sflag:s24] =	ssyncadd.s32 $0xFFFFFFFF  }
0xa7: {  	s26 =	simm.s32 $execute0_lowered;
	[smem:$0x3FD2] =	sst s25  }
0xa8: {  	s6 =	sshll.u32 s26, $0x1;
	_ =	strace $0x80000046;
	[dreg:$0x1] =	wrdreg $0xFFFFFFFF  }
0xa9: {  	s28 =	simm.s32 $_size_execute0_lowered;
	s5 =	sadd.s32 s5, s6;
	[dreg:$0x0] =	wrdreg $0x0  }
0xaa: {  	s6 =	sshll.u32 s28, $0x1;
	[dreg:$0x2] =	wrdreg s5  }
0xab: {  	[dreg:$0x3] =	wrdreg s6  }
0xac: {  	[dreg:$0x4] =	wrdreg $0xC0  }
0xad: {  	_ =	task [dreg:s9], $0x5FFFF  }
0xae: {  	[dreg:$0x1] =	wrdreg $0xFFFFFFFF  }
0xaf: {  	[dreg:$0x0] =	wrdreg $0x60  }
0xb0: {  	[dreg:$0x2] =	wrdreg s19  }
0xb1: {  	[dreg:$0x3] =	wrdreg s2  }
0xb2: {  	[dreg:$0x4] =	wrdreg s4  }
0xb3: {  	[dreg:$0x5] =	wrdreg $0x9  }
0xb4: {  	_ =	task.clear_ibuf [dreg:s9], $0x6FFFF;
	_ =	strace $0x90000046  }
0xb5: {  	s29 =	simm.s32 $0x9;
	_ =	strace $0x80000048  }
0xb6: {  	_ =	swait.ge [sflag:s29], $0x1  }
0xb7: {  	[sflag:s29] =	ssyncadd.s32 $0xFFFFFFFF  }
0xb8: {  	_ =	strace $0x90000048  }
0xb9: {  	_ =	sfence  }
0xba: {  	s30 =	sld [smem:$0x0];
	_ =	sdelay $0x2  }
0xbb: {  	s31 =	sshll.u32 s1, $0xD;
	s1 =	sshrl.u32 s1, $0x2  }
0xbc: {  	s3 =	sand.u32 $0x4000, s31;
	s1 =	sadd.s32 s1, s30  }
0xbd: {  	s0 =	sor.u32 s3, s0;
	s1 =	sshll.u32 s1, $0x11  }
0xbe: {  	s0 =	sor.u32 s1, s0  }
0xbf: {  	s0 =	sadd.s32 $0x8F2B, s0  }
0xc0: {  	[sflag:s0] =	ssyncadd.remote.s32 $0x1  }
0xc1: {  	_ =	sfence.sel $0xFFFF  }
0xc2: {  	[dreg:$0x0] =	wrdreg $0xFFFFFFFF;
	(pc) =	sbr.abs _section_cstart, $3  }
0xc3: {  	[dreg:$0x1] =	wrdreg $0xFFFFFFFF  }
0xc4: {  	_ =	task.clear_ibuf [dreg:s9], $0x2FFFF;
	_ =	strace $0x9FFFFFFF  }
0xc5: {  	(tm) =	ssettm $0x7FFFFFFF  }
tec
execute0_lowered:
.L_overlay_start_1:
0x0: {  	(tag) =	ssettag $0x1  }
0x1: {  	s0 =	rddreg [dreg:$0x0]  }
0x2: {  	s1 =	rddreg [dreg:$0x1]  }
0x3: {  	s5 =	rddreg [dreg:$0x2];
	s2 =	srdreg.scid  }
0x4: {  	s3 =	simm.s32 $0x0;
	s10 =	stileid.u32;
	s14 =	simm.s32 $0x5  }
0x5: {  	s15 =	simm.s32 $0x9C40;
	s16 =	simm.s32 $0x10040;
	s17 =	simm.s32 $0x1  }
0x6: {  	s18 =	simm.s32 $0x16440;
	s19 =	simm.s32 $0x16840;
	s2 =	sand.u32 $0x1, s2  }
0x7: {  	[smem:$0x7FF] =	sst s3;
	s6 =	sshll.u32 s10, $0x1;
	s21 =	sshrl.u32 s10, $0x2  }
0x8: {  	s10 =	sand.u32 $0x3, s10;
	s4 =	ssub.s32 $0x2, s2;
	_ =	strace $0x80000047  }
0x9: {  	s6 =	sand.u32 $0x6, s6;
	s8 =	sshll.u32 s21, $0x5;
	s22 =	smul.u32 $0x19000, s21  }
0xa: {  	s10 =	sshll.u32 s10, $0x12;
	s7 =	sshrl.u32 s4, $0x1;
	s20 =	sor.u32 s2, s6  }
0xb: {  	s2 =	sshll.u32 s2, $0x11;
	s6 =	sshll.u32 s21, $0xF;
	s21 =	simm.s32 $0x3  }
0xc: {  	s9 =	ssub.s32 s4, s7;
	s11 =	smul.u32 $0x1388, s20;
	s4 =	sadd.s32 s1, s22  }
0xd: {  	s2 =	sor.u32 s2, s10;
	s7 =	sor.u32 $0x2, s8;
	s8 =	sor.u32 $0x3, s8  }
0xe: {  	s20 =	simm.s32 $0x2;
	s22 =	simm.s32 $0x4;
	s23 =	sadd.s32 $0xC80, s4  }
0xf: {  	v0 =	vlaneseq.u32;
	s24 =	sor.u32 s6, s2;
	s25 =	smax.u32 s9, $0x1;
	[dreg:$0x5] =	wrdreg s23  }
0x10: {  	v0 =	vmul.u32 $0xC8, v0;
	s0 =	sadd.s32 s0, s11;
	s2 =	sshrl.u32 s24, $0x3;
	[dreg:$0x6] =	wrdreg s25  }
0x11: {  	s26 =	sor.u32 $0x100000, s24;
	s28 =	sor.u32 $0x400, s24;
	s29 =	sor.u32 $0x100400, s24  }
0x12: {  	v1 =	vadd.s32 $0xC80, v0;
	s23 =	simm.s32 $0x0;
	[dreg:$0x4] =	wrdreg s0;
	s2 =	sadd.s32 s2, s5  }
0x13: {  	v2 =	vadd.s32 $0x1900, v0;
	v3 =	vadd.s32 $0x2580, v0;
	v4 =	vadd.s32 $0x3200, v0;
	s6 =	sshrl.u32 s26, $0x3;
	s30 =	sshrl.u32 s28, $0x3;
	s31 =	sshrl.u32 s29, $0x3  }
0x14: {  	v5 =	vadd.s32 $0x3E80, v0;
	v6 =	vadd.s32 $0x4B00, v0;
	v7 =	vadd.s32 $0x5780, v0;
	s0 =	sadd.s32 s6, s5;
	s12 =	sadd.s32 s30, s5;
	s13 =	sadd.s32 s31, s5  }
.LBB2_1:
0x15: {  	s5 =	rddreg [dreg:$0x4]  }
0x16: {  	[tilespmem:s3], [sflag:$0x5] =	stream.linear.gather [hbm4b:s5+s3], $0x9C40, $0x38;
	[tilespmem:$0x16C40] =	vst v63  }
0x17: {  	_ =	swait.ge [sflag:s14], $0x9C40  }
0x18: {  	s24 =	smov.u32 s13;
	[sflag:s14] =	ssyncset.done $0x0  }
0x19: {  	s25 =	smov.u32 s12;
	s11 =	smov.u32 s0;
	[sflag:s14] =	ssyncadd.s32 $0xFFFF63C0  }
0x1a: {  	[tilespmem:s15], [sflag:$0x1] =	stream.linear.gather [hbm4b:s4+s3], $0x6400, $0x38;
	[tilespmem:$0x16C40] =	vst v63  }
0x1b: {  	s10 =	smov.u32 s2;
	s29 =	simm.s32 $0x0;
	s31 =	rddreg [dreg:$0x5]  }
0x1c: {  	[tilespmem:s16], [sflag:$0x2] =	stream.linear.gather [hbm4b:s31+s3], $0x6400, $0x38;
	[tilespmem:$0x16C40] =	vst v63  }
.LBB2_2:
0x1d: {  	_ =	swait.ge [sflag:s17], $0x6400;
	s30 =	sshll.u32 s29, $0x1  }
0x1e: {  	s31 =	simm.s32 $0x0;
	s26 =	smov.u32 s11;
	[sflag:s17] =	ssyncset.done $0x0  }
0x1f: {  	s28 =	smov.u32 s10;
	s5 =	simm.s32 $0x0;
	[sflag:s17] =	ssyncadd.s32 $0xFFFF9C00  }
.LBB2_3:
0x20: {  	v8 =	vmov s31;
	v9 =	vadd.s32 s31, v0  }
0x21: {  	s6 =	sor.u32 s29, s5;
	v9 =	vand.u32 $0x1FF8, v9;
	v8 =	vand.u32 $0x6, v8  }
0x22: {  	p0 =	seq.s32 s6, $0x0;
	v9 =	vor.u32 v8, v9  }
0x23: {  	s6 =	simm.s32 @!p0 $0x3  }
0x24: {  	_ =	swait.ge @!p0 [sflag:s6], $0x400  }
0x25: {  	[sflag:s6] =	ssyncset.done @!p0 $0x0  }
0x26: {  	[sflag:s6] =	ssyncadd.s32 @!p0 $0xFFFFFC00  }
0x27: {  	v9 =	vld.idx.msk [tilespmem:v9+s15+$0x0], $0xffff;
	_ =	sdelay $0x7  }
0x28: {  	v10 =	vld.idx.msk [tilespmem:v9+s3+$0x0], $0xffff  }
0x29: {  	v11 =	vadd.s32 $0x1388, v9;
	_ =	sdelay $0x3  }
0x2a: {  	[tilespmem:$0x16440] =	vst v10  }
0x2b: {  	v10 =	vld.idx.msk [tilespmem:v11+s3+$0x0], $0xffff  }
0x2c: {  	v58 =	vadd.s32 $0x2710, v9;
	_ =	sdelay $0x3  }
0x2d: {  	[tilespmem:$0x164C0] =	vst v10  }
0x2e: {  	v10 =	vld.idx.msk [tilespmem:v58+s3+$0x0], $0xffff  }
0x2f: {  	v59 =	vadd.s32 $0x3A98, v9;
	_ =	sdelay $0x3  }
0x30: {  	[tilespmem:$0x16540] =	vst v10  }
0x31: {  	v10 =	vld.idx.msk [tilespmem:v59+s3+$0x0], $0xffff  }
0x32: {  	v60 =	vadd.s32 $0x4E20, v9;
	_ =	sdelay $0x3  }
0x33: {  	[tilespmem:$0x165C0] =	vst v10  }
0x34: {  	v10 =	vld.idx.msk [tilespmem:v60+s3+$0x0], $0xffff  }
0x35: {  	v61 =	vadd.s32 $0x61A8, v9;
	_ =	sdelay $0x3  }
0x36: {  	[tilespmem:$0x16640] =	vst v10  }
0x37: {  	v10 =	vld.idx.msk [tilespmem:v61+s3+$0x0], $0xffff  }
0x38: {  	v62 =	vadd.s32 $0x7530, v9;
	_ =	sdelay $0x3  }
0x39: {  	[tilespmem:$0x166C0] =	vst v10  }
0x3a: {  	v10 =	vld.idx.msk [tilespmem:v62+s3+$0x0], $0xffff  }
0x3b: {  	v9 =	vadd.s32 $0x88B8, v9;
	_ =	sdelay $0x3  }
0x3c: {  	v63 =	vadd.s32 s31, v1;
	[tilespmem:$0x16740] =	vst v10  }
0x3d: {  	v10 =	vand.u32 $0x3FF8, v63;
	v9 =	vld.idx.msk [tilespmem:v9+s3+$0x0], $0xffff  }
0x3e: {  	v10 =	vor.u32 v8, v10;
	_ =	sdelay $0x3  }
0x3f: {  	[tilespmem:$0x167C0] =	vst v9  }
0x40: {  	v9 =	vld.idx.msk [tilespmem:v10+s15+$0x0], $0xffff;
	_ =	sdelay $0x7  }
0x41: {  	v10 =	vld.idx.msk [tilespmem:v9+s3+$0x0], $0xffff  }
0x42: {  	v12 =	vadd.s32 $0x1388, v9;
	_ =	sdelay $0x3  }
0x43: {  	[tilespmem:$0x16450] =	vst v10  }
0x44: {  	v10 =	vld.idx.msk [tilespmem:v12+s3+$0x0], $0xffff  }
0x45: {  	v13 =	vadd.s32 $0x2710, v9;
	_ =	sdelay $0x3  }
0x46: {  	[tilespmem:$0x164D0] =	vst v10  }
0x47: {  	v10 =	vld.idx.msk [tilespmem:v13+s3+$0x0], $0xffff  }
0x48: {  	v14 =	vadd.s32 $0x3A98, v9;
	_ =	sdelay $0x3  }
0x49: {  	[tilespmem:$0x16550] =	vst v10  }
0x4a: {  	v10 =	vld.idx.msk [tilespmem:v14+s3+$0x0], $0xffff  }
0x4b: {  	v15 =	vadd.s32 $0x4E20, v9;
	_ =	sdelay $0x3  }
0x4c: {  	[tilespmem:$0x165D0] =	vst v10  }
0x4d: {  	v10 =	vld.idx.msk [tilespmem:v15+s3+$0x0], $0xffff  }
0x4e: {  	v16 =	vadd.s32 $0x61A8, v9;
	_ =	sdelay $0x3  }
0x4f: {  	[tilespmem:$0x16650] =	vst v10  }
0x50: {  	v10 =	vld.idx.msk [tilespmem:v16+s3+$0x0], $0xffff  }
0x51: {  	v17 =	vadd.s32 $0x7530, v9;
	_ =	sdelay $0x3  }
0x52: {  	[tilespmem:$0x166D0] =	vst v10  }
0x53: {  	v10 =	vld.idx.msk [tilespmem:v17+s3+$0x0], $0xffff  }
0x54: {  	v9 =	vadd.s32 $0x88B8, v9;
	_ =	sdelay $0x3  }
0x55: {  	v18 =	vadd.s32 s31, v2;
	[tilespmem:$0x16750] =	vst v10  }
0x56: {  	v10 =	vand.u32 $0x7FF8, v18;
	v9 =	vld.idx.msk [tilespmem:v9+s3+$0x0], $0xffff  }
0x57: {  	v10 =	vor.u32 v8, v10;
	_ =	sdelay $0x3  }
0x58: {  	[tilespmem:$0x167D0] =	vst v9  }
0x59: {  	v9 =	vld.idx.msk [tilespmem:v10+s15+$0x0], $0xffff;
	_ =	sdelay $0x7  }
0x5a: {  	v10 =	vld.idx.msk [tilespmem:v9+s3+$0x0], $0xffff  }
0x5b: {  	v19 =	vadd.s32 $0x1388, v9;
	_ =	sdelay $0x3  }
0x5c: {  	[tilespmem:$0x16460] =	vst v10  }
0x5d: {  	v10 =	vld.idx.msk [tilespmem:v19+s3+$0x0], $0xffff  }
0x5e: {  	v20 =	vadd.s32 $0x2710, v9;
	_ =	sdelay $0x3  }
0x5f: {  	[tilespmem:$0x164E0] =	vst v10  }
0x60: {  	v10 =	vld.idx.msk [tilespmem:v20+s3+$0x0], $0xffff  }
0x61: {  	v21 =	vadd.s32 $0x3A98, v9;
	_ =	sdelay $0x3  }
0x62: {  	[tilespmem:$0x16560] =	vst v10  }
0x63: {  	v10 =	vld.idx.msk [tilespmem:v21+s3+$0x0], $0xffff  }
0x64: {  	v22 =	vadd.s32 $0x4E20, v9;
	_ =	sdelay $0x3  }
0x65: {  	[tilespmem:$0x165E0] =	vst v10  }
0x66: {  	v10 =	vld.idx.msk [tilespmem:v22+s3+$0x0], $0xffff  }
0x67: {  	v23 =	vadd.s32 $0x61A8, v9;
	_ =	sdelay $0x3  }
0x68: {  	[tilespmem:$0x16660] =	vst v10  }
0x69: {  	v10 =	vld.idx.msk [tilespmem:v23+s3+$0x0], $0xffff  }
0x6a: {  	v24 =	vadd.s32 $0x7530, v9;
	_ =	sdelay $0x3  }
0x6b: {  	[tilespmem:$0x166E0] =	vst v10  }
0x6c: {  	v10 =	vld.idx.msk [tilespmem:v24+s3+$0x0], $0xffff  }
0x6d: {  	v9 =	vadd.s32 $0x88B8, v9;
	_ =	sdelay $0x3  }
0x6e: {  	v25 =	vadd.s32 s31, v3;
	[tilespmem:$0x16760] =	vst v10  }
0x6f: {  	v10 =	vand.u32 $0x7FF8, v25;
	v9 =	vld.idx.msk [tilespmem:v9+s3+$0x0], $0xffff  }
0x70: {  	v10 =	vor.u32 v8, v10;
	_ =	sdelay $0x3  }
0x71: {  	[tilespmem:$0x167E0] =	vst v9  }
0x72: {  	v9 =	vld.idx.msk [tilespmem:v10+s15+$0x0], $0xffff;
	_ =	sdelay $0x7  }
0x73: {  	v10 =	vld.idx.msk [tilespmem:v9+s3+$0x0], $0xffff  }
0x74: {  	v26 =	vadd.s32 $0x1388, v9;
	_ =	sdelay $0x3  }
0x75: {  	[tilespmem:$0x16470] =	vst v10  }
0x76: {  	v10 =	vld.idx.msk [tilespmem:v26+s3+$0x0], $0xffff  }
0x77: {  	v27 =	vadd.s32 $0x2710, v9;
	_ =	sdelay $0x3  }
0x78: {  	[tilespmem:$0x164F0] =	vst v10  }
0x79: {  	v10 =	vld.idx.msk [tilespmem:v27+s3+$0x0], $0xffff  }
0x7a: {  	v28 =	vadd.s32 $0x3A98, v9;
	_ =	sdelay $0x3  }
0x7b: {  	[tilespmem:$0x16570] =	vst v10  }
0x7c: {  	v10 =	vld.idx.msk [tilespmem:v28+s3+$0x0], $0xffff  }
0x7d: {  	v29 =	vadd.s32 $0x4E20, v9;
	_ =	sdelay $0x3  }
0x7e: {  	[tilespmem:$0x165F0] =	vst v10  }
0x7f: {  	v10 =	vld.idx.msk [tilespmem:v29+s3+$0x0], $0xffff  }
0x80: {  	v30 =	vadd.s32 $0x61A8, v9;
	_ =	sdelay $0x3  }
0x81: {  	[tilespmem:$0x16670] =	vst v10  }
0x82: {  	v10 =	vld.idx.msk [tilespmem:v30+s3+$0x0], $0xffff  }
0x83: {  	v31 =	vadd.s32 $0x7530, v9;
	_ =	sdelay $0x3  }
0x84: {  	[tilespmem:$0x166F0] =	vst v10  }
0x85: {  	v10 =	vld.idx.msk [tilespmem:v31+s3+$0x0], $0xffff  }
0x86: {  	v9 =	vadd.s32 $0x88B8, v9;
	_ =	sdelay $0x3  }
0x87: {  	v32 =	vadd.s32 s31, v4;
	[tilespmem:$0x16770] =	vst v10  }
0x88: {  	v10 =	vand.u32 $0x7FF8, v32;
	v9 =	vld.idx.msk [tilespmem:v9+s3+$0x0], $0xffff  }
0x89: {  	v10 =	vor.u32 v8, v10;
	_ =	sdelay $0x3  }
0x8a: {  	[tilespmem:$0x167F0] =	vst v9  }
0x8b: {  	v9 =	vld.idx.msk [tilespmem:v10+s15+$0x0], $0xffff;
	_ =	sdelay $0x7  }
0x8c: {  	v10 =	vld.idx.msk [tilespmem:v9+s3+$0x0], $0xffff  }
0x8d: {  	v33 =	vadd.s32 $0x1388, v9;
	_ =	sdelay $0x3  }
0x8e: {  	[tilespmem:$0x16480] =	vst v10  }
0x8f: {  	v10 =	vld.idx.msk [tilespmem:v33+s3+$0x0], $0xffff  }
0x90: {  	v34 =	vadd.s32 $0x2710, v9;
	_ =	sdelay $0x3  }
0x91: {  	[tilespmem:$0x16500] =	vst v10  }
0x92: {  	v10 =	vld.idx.msk [tilespmem:v34+s3+$0x0], $0xffff  }
0x93: {  	v35 =	vadd.s32 $0x3A98, v9;
	_ =	sdelay $0x3  }
0x94: {  	[tilespmem:$0x16580] =	vst v10  }
0x95: {  	v10 =	vld.idx.msk [tilespmem:v35+s3+$0x0], $0xffff  }
0x96: {  	v36 =	vadd.s32 $0x4E20, v9;
	_ =	sdelay $0x3  }
0x97: {  	[tilespmem:$0x16600] =	vst v10  }
0x98: {  	v10 =	vld.idx.msk [tilespmem:v36+s3+$0x0], $0xffff  }
0x99: {  	v37 =	vadd.s32 $0x61A8, v9;
	_ =	sdelay $0x3  }
0x9a: {  	[tilespmem:$0x16680] =	vst v10  }
0x9b: {  	v10 =	vld.idx.msk [tilespmem:v37+s3+$0x0], $0xffff  }
0x9c: {  	v38 =	vadd.s32 $0x7530, v9;
	_ =	sdelay $0x3  }
0x9d: {  	[tilespmem:$0x16700] =	vst v10  }
0x9e: {  	v10 =	vld.idx.msk [tilespmem:v38+s3+$0x0], $0xffff  }
0x9f: {  	v9 =	vadd.s32 $0x88B8, v9;
	_ =	sdelay $0x3  }
0xa0: {  	v39 =	vadd.s32 s31, v5;
	[tilespmem:$0x16780] =	vst v10  }
0xa1: {  	v10 =	vand.u32 $0xFFF8, v39;
	v9 =	vld.idx.msk [tilespmem:v9+s3+$0x0], $0xffff  }
0xa2: {  	v10 =	vor.u32 v8, v10;
	_ =	sdelay $0x3  }
0xa3: {  	[tilespmem:$0x16800] =	vst v9  }
0xa4: {  	v9 =	vld.idx.msk [tilespmem:v10+s15+$0x0], $0xffff;
	_ =	sdelay $0x7  }
0xa5: {  	v10 =	vld.idx.msk [tilespmem:v9+s3+$0x0], $0xffff  }
0xa6: {  	v40 =	vadd.s32 $0x1388, v9;
	_ =	sdelay $0x3  }
0xa7: {  	[tilespmem:$0x16490] =	vst v10  }
0xa8: {  	v10 =	vld.idx.msk [tilespmem:v40+s3+$0x0], $0xffff  }
0xa9: {  	v41 =	vadd.s32 $0x2710, v9;
	_ =	sdelay $0x3  }
0xaa: {  	[tilespmem:$0x16510] =	vst v10  }
0xab: {  	v10 =	vld.idx.msk [tilespmem:v41+s3+$0x0], $0xffff  }
0xac: {  	v42 =	vadd.s32 $0x3A98, v9;
	_ =	sdelay $0x3  }
0xad: {  	[tilespmem:$0x16590] =	vst v10  }
0xae: {  	v10 =	vld.idx.msk [tilespmem:v42+s3+$0x0], $0xffff  }
0xaf: {  	v43 =	vadd.s32 $0x4E20, v9;
	_ =	sdelay $0x3  }
0xb0: {  	[tilespmem:$0x16610] =	vst v10  }
0xb1: {  	v10 =	vld.idx.msk [tilespmem:v43+s3+$0x0], $0xffff  }
0xb2: {  	v44 =	vadd.s32 $0x61A8, v9;
	_ =	sdelay $0x3  }
0xb3: {  	[tilespmem:$0x16690] =	vst v10  }
0xb4: {  	v10 =	vld.idx.msk [tilespmem:v44+s3+$0x0], $0xffff  }
0xb5: {  	v45 =	vadd.s32 $0x7530, v9;
	_ =	sdelay $0x3  }
0xb6: {  	[tilespmem:$0x16710] =	vst v10  }
0xb7: {  	v10 =	vld.idx.msk [tilespmem:v45+s3+$0x0], $0xffff  }
0xb8: {  	v9 =	vadd.s32 $0x88B8, v9;
	_ =	sdelay $0x3  }
0xb9: {  	v46 =	vadd.s32 s31, v6;
	[tilespmem:$0x16790] =	vst v10  }
0xba: {  	v10 =	vand.u32 $0x7FF8, v46;
	v9 =	vld.idx.msk [tilespmem:v9+s3+$0x0], $0xffff  }
0xbb: {  	v10 =	vor.u32 v8, v10;
	_ =	sdelay $0x3  }
0xbc: {  	[tilespmem:$0x16810] =	vst v9  }
0xbd: {  	v9 =	vld.idx.msk [tilespmem:v10+s15+$0x0], $0xffff;
	_ =	sdelay $0x7  }
0xbe: {  	v10 =	vld.idx.msk [tilespmem:v9+s3+$0x0], $0xffff  }
0xbf: {  	v47 =	vadd.s32 $0x1388, v9;
	_ =	sdelay $0x3  }
0xc0: {  	[tilespmem:$0x164A0] =	vst v10  }
0xc1: {  	v10 =	vld.idx.msk [tilespmem:v47+s3+$0x0], $0xffff  }
0xc2: {  	v48 =	vadd.s32 $0x2710, v9;
	_ =	sdelay $0x3  }
0xc3: {  	[tilespmem:$0x16520] =	vst v10  }
0xc4: {  	v10 =	vld.idx.msk [tilespmem:v48+s3+$0x0], $0xffff  }
0xc5: {  	v49 =	vadd.s32 $0x3A98, v9;
	_ =	sdelay $0x3  }
0xc6: {  	[tilespmem:$0x165A0] =	vst v10  }
0xc7: {  	v10 =	vld.idx.msk [tilespmem:v49+s3+$0x0], $0xffff  }
0xc8: {  	v50 =	vadd.s32 $0x4E20, v9;
	_ =	sdelay $0x3  }
0xc9: {  	[tilespmem:$0x16620] =	vst v10  }
0xca: {  	v10 =	vld.idx.msk [tilespmem:v50+s3+$0x0], $0xffff  }
0xcb: {  	v51 =	vadd.s32 $0x61A8, v9;
	_ =	sdelay $0x3  }
0xcc: {  	[tilespmem:$0x166A0] =	vst v10  }
0xcd: {  	v10 =	vld.idx.msk [tilespmem:v51+s3+$0x0], $0xffff  }
0xce: {  	v52 =	vadd.s32 $0x7530, v9;
	_ =	sdelay $0x3  }
0xcf: {  	[tilespmem:$0x16720] =	vst v10  }
0xd0: {  	v10 =	vld.idx.msk [tilespmem:v52+s3+$0x0], $0xffff  }
0xd1: {  	v9 =	vadd.s32 $0x88B8, v9;
	_ =	sdelay $0x3  }
0xd2: {  	v53 =	vadd.s32 s31, v7;
	[tilespmem:$0x167A0] =	vst v10  }
0xd3: {  	v10 =	vand.u32 $0xFFF8, v53;
	v9 =	vld.idx.msk [tilespmem:v9+s3+$0x0], $0xffff  }
0xd4: {  	v8 =	vor.u32 v8, v10;
	_ =	sdelay $0x3  }
0xd5: {  	[tilespmem:$0x16820] =	vst v9  }
0xd6: {  	v8 =	vld.idx.msk [tilespmem:v8+s15+$0x0], $0xffff;
	_ =	sdelay $0x7  }
0xd7: {  	v9 =	vld.idx.msk [tilespmem:v8+s3+$0x0], $0xffff  }
0xd8: {  	v54 =	vadd.s32 $0x1388, v8;
	_ =	sdelay $0x3  }
0xd9: {  	[tilespmem:$0x164B0] =	vst v9  }
0xda: {  	v9 =	vld.idx.msk [tilespmem:v54+s3+$0x0], $0xffff  }
0xdb: {  	v55 =	vadd.s32 $0x2710, v8;
	_ =	sdelay $0x3  }
0xdc: {  	[tilespmem:$0x16530] =	vst v9  }
0xdd: {  	v9 =	vld.idx.msk [tilespmem:v55+s3+$0x0], $0xffff  }
0xde: {  	v56 =	vadd.s32 $0x3A98, v8;
	_ =	sdelay $0x3  }
0xdf: {  	[tilespmem:$0x165B0] =	vst v9  }
0xe0: {  	v9 =	vld.idx.msk [tilespmem:v56+s3+$0x0], $0xffff  }
0xe1: {  	v57 =	vadd.s32 $0x4E20, v8;
	_ =	sdelay $0x3  }
0xe2: {  	[tilespmem:$0x16630] =	vst v9  }
0xe3: {  	v9 =	vld.idx.msk [tilespmem:v57+s3+$0x0], $0xffff  }
0xe4: {  	v58 =	vadd.s32 $0x61A8, v8;
	_ =	sdelay $0x3  }
0xe5: {  	[tilespmem:$0x166B0] =	vst v9  }
0xe6: {  	v9 =	vld.idx.msk [tilespmem:v58+s3+$0x0], $0xffff  }
0xe7: {  	v59 =	vadd.s32 $0x7530, v8;
	_ =	sdelay $0x3  }
0xe8: {  	[tilespmem:$0x16730] =	vst v9  }
0xe9: {  	v9 =	vld.idx.msk [tilespmem:v59+s3+$0x0], $0xffff  }
0xea: {  	v8 =	vadd.s32 $0x88B8, v8;
	_ =	sdelay $0x3  }
0xeb: {  	[tilespmem:$0x167B0] =	vst v9  }
0xec: {  	v8 =	vld.idx.msk [tilespmem:v8+s3+$0x0], $0xffff;
	_ =	sdelay $0x3  }
0xed: {  	s6 =	sadd.s32 $0x1, s31  }
0xee: {  	s9 =	simm.s32 @!p0 $0x4;
	[tilespmem:$0x16830] =	vst v8;
	v8 =	vadd.s32 s6, v0  }
0xef: {  	[hbm4b:s28+s3] =	stream.linear.scatter [tilespmem:s18], [sflag:$0x3], $0x400, $0x38;
	[tilespmem:$0x16C40] =	vst v63  }
0xf0: {  	_ =	swait.ge @!p0 [sflag:s9], $0x400  }
0xf1: {  	[sflag:s9] =	ssyncset.done @!p0 $0x0  }
0xf2: {  	[sflag:s9] =	ssyncadd.s32 @!p0 $0xFFFFFC00  }
0xf3: {  	v8 =	vld.idx.msk [tilespmem:v8+s15+$0x0], $0xffff;
	_ =	sdelay $0x7  }
0xf4: {  	v60 =	vld.idx.msk [tilespmem:v8+s3+$0x0], $0xffff  }
0xf5: {  	v61 =	vadd.s32 $0x1388, v8;
	_ =	sdelay $0x3  }
0xf6: {  	[tilespmem:$0x16840] =	vst v60  }
0xf7: {  	v9 =	vld.idx.msk [tilespmem:v61+s3+$0x0], $0xffff  }
0xf8: {  	v62 =	vadd.s32 $0x2710, v8;
	_ =	sdelay $0x3  }
0xf9: {  	[tilespmem:$0x168C0] =	vst v9  }
0xfa: {  	v9 =	vld.idx.msk [tilespmem:v62+s3+$0x0], $0xffff  }
0xfb: {  	v63 =	vadd.s32 $0x3A98, v8;
	_ =	sdelay $0x3  }
0xfc: {  	[tilespmem:$0x16940] =	vst v9  }
0xfd: {  	v9 =	vld.idx.msk [tilespmem:v63+s3+$0x0], $0xffff  }
0xfe: {  	v12 =	vadd.s32 $0x4E20, v8;
	_ =	sdelay $0x3  }
0xff: {  	[tilespmem:$0x169C0] =	vst v9  }
0x100: {  	v9 =	vld.idx.msk [tilespmem:v12+s3+$0x0], $0xffff  }
0x101: {  	v13 =	vadd.s32 $0x61A8, v8;
	_ =	sdelay $0x3  }
0x102: {  	[tilespmem:$0x16A40] =	vst v9  }
0x103: {  	v9 =	vld.idx.msk [tilespmem:v13+s3+$0x0], $0xffff  }
0x104: {  	v14 =	vadd.s32 $0x7530, v8;
	_ =	sdelay $0x3  }
0x105: {  	[tilespmem:$0x16AC0] =	vst v9  }
0x106: {  	v9 =	vld.idx.msk [tilespmem:v14+s3+$0x0], $0xffff  }
0x107: {  	v8 =	vadd.s32 $0x88B8, v8;
	_ =	sdelay $0x3  }
0x108: {  	[tilespmem:$0x16B40] =	vst v9  }
0x109: {  	v8 =	vld.idx.msk [tilespmem:v8+s3+$0x0], $0xffff  }
0x10a: {  	v15 =	vadd.s32 s6, v1;
	_ =	sdelay $0x3  }
0x10b: {  	[tilespmem:$0x16BC0] =	vst v8  }
0x10c: {  	v8 =	vld.idx.msk [tilespmem:v15+s15+$0x0], $0xffff;
	_ =	sdelay $0x7  }
0x10d: {  	v9 =	vld.idx.msk [tilespmem:v8+s3+$0x0], $0xffff  }
0x10e: {  	v16 =	vadd.s32 $0x1388, v8;
	_ =	sdelay $0x3  }
0x10f: {  	[tilespmem:$0x16850] =	vst v9  }
0x110: {  	v9 =	vld.idx.msk [tilespmem:v16+s3+$0x0], $0xffff  }
0x111: {  	v17 =	vadd.s32 $0x2710, v8;
	_ =	sdelay $0x3  }
0x112: {  	[tilespmem:$0x168D0] =	vst v9  }
0x113: {  	v9 =	vld.idx.msk [tilespmem:v17+s3+$0x0], $0xffff  }
0x114: {  	v18 =	vadd.s32 $0x3A98, v8;
	_ =	sdelay $0x3  }
0x115: {  	[tilespmem:$0x16950] =	vst v9  }
0x116: {  	v9 =	vld.idx.msk [tilespmem:v18+s3+$0x0], $0xffff  }
0x117: {  	v19 =	vadd.s32 $0x4E20, v8;
	_ =	sdelay $0x3  }
0x118: {  	[tilespmem:$0x169D0] =	vst v9  }
0x119: {  	v9 =	vld.idx.msk [tilespmem:v19+s3+$0x0], $0xffff  }
0x11a: {  	v20 =	vadd.s32 $0x61A8, v8;
	_ =	sdelay $0x3  }
0x11b: {  	[tilespmem:$0x16A50] =	vst v9  }
0x11c: {  	v9 =	vld.idx.msk [tilespmem:v20+s3+$0x0], $0xffff  }
0x11d: {  	v21 =	vadd.s32 $0x7530, v8;
	_ =	sdelay $0x3  }
0x11e: {  	[tilespmem:$0x16AD0] =	vst v9  }
0x11f: {  	v9 =	vld.idx.msk [tilespmem:v21+s3+$0x0], $0xffff  }
0x120: {  	v8 =	vadd.s32 $0x88B8, v8;
	_ =	sdelay $0x3  }
0x121: {  	[tilespmem:$0x16B50] =	vst v9  }
0x122: {  	v8 =	vld.idx.msk [tilespmem:v8+s3+$0x0], $0xffff  }
0x123: {  	v22 =	vadd.s32 s6, v2;
	_ =	sdelay $0x3  }
0x124: {  	[tilespmem:$0x16BD0] =	vst v8  }
0x125: {  	v8 =	vld.idx.msk [tilespmem:v22+s15+$0x0], $0xffff;
	_ =	sdelay $0x7  }
0x126: {  	v9 =	vld.idx.msk [tilespmem:v8+s3+$0x0], $0xffff  }
0x127: {  	v23 =	vadd.s32 $0x1388, v8;
	_ =	sdelay $0x3  }
0x128: {  	[tilespmem:$0x16860] =	vst v9  }
0x129: {  	v9 =	vld.idx.msk [tilespmem:v23+s3+$0x0], $0xffff  }
0x12a: {  	v24 =	vadd.s32 $0x2710, v8;
	_ =	sdelay $0x3  }
0x12b: {  	[tilespmem:$0x168E0] =	vst v9  }
0x12c: {  	v9 =	vld.idx.msk [tilespmem:v24+s3+$0x0], $0xffff  }
0x12d: {  	v25 =	vadd.s32 $0x3A98, v8;
	_ =	sdelay $0x3  }
0x12e: {  	[tilespmem:$0x16960] =	vst v9  }
0x12f: {  	v9 =	vld.idx.msk [tilespmem:v25+s3+$0x0], $0xffff  }
0x130: {  	v26 =	vadd.s32 $0x4E20, v8;
	_ =	sdelay $0x3  }
0x131: {  	[tilespmem:$0x169E0] =	vst v9  }
0x132: {  	v9 =	vld.idx.msk [tilespmem:v26+s3+$0x0], $0xffff  }
0x133: {  	v27 =	vadd.s32 $0x61A8, v8;
	_ =	sdelay $0x3  }
0x134: {  	[tilespmem:$0x16A60] =	vst v9  }
0x135: {  	v9 =	vld.idx.msk [tilespmem:v27+s3+$0x0], $0xffff  }
0x136: {  	v28 =	vadd.s32 $0x7530, v8;
	_ =	sdelay $0x3  }
0x137: {  	[tilespmem:$0x16AE0] =	vst v9  }
0x138: {  	v9 =	vld.idx.msk [tilespmem:v28+s3+$0x0], $0xffff  }
0x139: {  	v8 =	vadd.s32 $0x88B8, v8;
	_ =	sdelay $0x3  }
0x13a: {  	[tilespmem:$0x16B60] =	vst v9  }
0x13b: {  	v8 =	vld.idx.msk [tilespmem:v8+s3+$0x0], $0xffff  }
0x13c: {  	v29 =	vadd.s32 s6, v3;
	_ =	sdelay $0x3  }
0x13d: {  	[tilespmem:$0x16BE0] =	vst v8  }
0x13e: {  	v8 =	vld.idx.msk [tilespmem:v29+s15+$0x0], $0xffff;
	_ =	sdelay $0x7  }
0x13f: {  	v9 =	vld.idx.msk [tilespmem:v8+s3+$0x0], $0xffff  }
0x140: {  	v30 =	vadd.s32 $0x1388, v8;
	_ =	sdelay $0x3  }
0x141: {  	[tilespmem:$0x16870] =	vst v9  }
0x142: {  	v9 =	vld.idx.msk [tilespmem:v30+s3+$0x0], $0xffff  }
0x143: {  	v31 =	vadd.s32 $0x2710, v8;
	_ =	sdelay $0x3  }
0x144: {  	[tilespmem:$0x168F0] =	vst v9  }
0x145: {  	v9 =	vld.idx.msk [tilespmem:v31+s3+$0x0], $0xffff  }
0x146: {  	v32 =	vadd.s32 $0x3A98, v8;
	_ =	sdelay $0x3  }
0x147: {  	[tilespmem:$0x16970] =	vst v9  }
0x148: {  	v9 =	vld.idx.msk [tilespmem:v32+s3+$0x0], $0xffff  }
0x149: {  	v33 =	vadd.s32 $0x4E20, v8;
	_ =	sdelay $0x3  }
0x14a: {  	[tilespmem:$0x169F0] =	vst v9  }
0x14b: {  	v9 =	vld.idx.msk [tilespmem:v33+s3+$0x0], $0xffff  }
0x14c: {  	v34 =	vadd.s32 $0x61A8, v8;
	_ =	sdelay $0x3  }
0x14d: {  	[tilespmem:$0x16A70] =	vst v9  }
0x14e: {  	v9 =	vld.idx.msk [tilespmem:v34+s3+$0x0], $0xffff  }
0x14f: {  	v35 =	vadd.s32 $0x7530, v8;
	_ =	sdelay $0x3  }
0x150: {  	[tilespmem:$0x16AF0] =	vst v9  }
0x151: {  	v9 =	vld.idx.msk [tilespmem:v35+s3+$0x0], $0xffff  }
0x152: {  	v8 =	vadd.s32 $0x88B8, v8;
	_ =	sdelay $0x3  }
0x153: {  	[tilespmem:$0x16B70] =	vst v9  }
0x154: {  	v8 =	vld.idx.msk [tilespmem:v8+s3+$0x0], $0xffff  }
0x155: {  	v36 =	vadd.s32 s6, v4;
	_ =	sdelay $0x3  }
0x156: {  	[tilespmem:$0x16BF0] =	vst v8  }
0x157: {  	v8 =	vld.idx.msk [tilespmem:v36+s15+$0x0], $0xffff;
	_ =	sdelay $0x7  }
0x158: {  	v9 =	vld.idx.msk [tilespmem:v8+s3+$0x0], $0xffff  }
0x159: {  	v37 =	vadd.s32 $0x1388, v8;
	_ =	sdelay $0x3  }
0x15a: {  	[tilespmem:$0x16880] =	vst v9  }
0x15b: {  	v9 =	vld.idx.msk [tilespmem:v37+s3+$0x0], $0xffff  }
0x15c: {  	v38 =	vadd.s32 $0x2710, v8;
	_ =	sdelay $0x3  }
0x15d: {  	[tilespmem:$0x16900] =	vst v9  }
0x15e: {  	v9 =	vld.idx.msk [tilespmem:v38+s3+$0x0], $0xffff  }
0x15f: {  	v39 =	vadd.s32 $0x3A98, v8;
	_ =	sdelay $0x3  }
0x160: {  	[tilespmem:$0x16980] =	vst v9  }
0x161: {  	v9 =	vld.idx.msk [tilespmem:v39+s3+$0x0], $0xffff  }
0x162: {  	v40 =	vadd.s32 $0x4E20, v8;
	_ =	sdelay $0x3  }
0x163: {  	[tilespmem:$0x16A00] =	vst v9  }
0x164: {  	v9 =	vld.idx.msk [tilespmem:v40+s3+$0x0], $0xffff  }
0x165: {  	v41 =	vadd.s32 $0x61A8, v8;
	_ =	sdelay $0x3  }
0x166: {  	[tilespmem:$0x16A80] =	vst v9  }
0x167: {  	v9 =	vld.idx.msk [tilespmem:v41+s3+$0x0], $0xffff  }
0x168: {  	v42 =	vadd.s32 $0x7530, v8;
	_ =	sdelay $0x3  }
0x169: {  	[tilespmem:$0x16B00] =	vst v9  }
0x16a: {  	v9 =	vld.idx.msk [tilespmem:v42+s3+$0x0], $0xffff  }
0x16b: {  	v8 =	vadd.s32 $0x88B8, v8;
	_ =	sdelay $0x3  }
0x16c: {  	[tilespmem:$0x16B80] =	vst v9  }
0x16d: {  	v8 =	vld.idx.msk [tilespmem:v8+s3+$0x0], $0xffff  }
0x16e: {  	v43 =	vadd.s32 s6, v5;
	_ =	sdelay $0x3  }
0x16f: {  	[tilespmem:$0x16C00] =	vst v8  }
0x170: {  	v8 =	vld.idx.msk [tilespmem:v43+s15+$0x0], $0xffff;
	_ =	sdelay $0x7  }
0x171: {  	v9 =	vld.idx.msk [tilespmem:v8+s3+$0x0], $0xffff  }
0x172: {  	v44 =	vadd.s32 $0x1388, v8;
	_ =	sdelay $0x3  }
0x173: {  	[tilespmem:$0x16890] =	vst v9  }
0x174: {  	v9 =	vld.idx.msk [tilespmem:v44+s3+$0x0], $0xffff  }
0x175: {  	v45 =	vadd.s32 $0x2710, v8;
	_ =	sdelay $0x3  }
0x176: {  	[tilespmem:$0x16910] =	vst v9  }
0x177: {  	v9 =	vld.idx.msk [tilespmem:v45+s3+$0x0], $0xffff  }
0x178: {  	v46 =	vadd.s32 $0x3A98, v8;
	_ =	sdelay $0x3  }
0x179: {  	[tilespmem:$0x16990] =	vst v9  }
0x17a: {  	v9 =	vld.idx.msk [tilespmem:v46+s3+$0x0], $0xffff  }
0x17b: {  	v47 =	vadd.s32 $0x4E20, v8;
	_ =	sdelay $0x3  }
0x17c: {  	[tilespmem:$0x16A10] =	vst v9  }
0x17d: {  	v9 =	vld.idx.msk [tilespmem:v47+s3+$0x0], $0xffff  }
0x17e: {  	v48 =	vadd.s32 $0x61A8, v8;
	_ =	sdelay $0x3  }
0x17f: {  	[tilespmem:$0x16A90] =	vst v9  }
0x180: {  	v9 =	vld.idx.msk [tilespmem:v48+s3+$0x0], $0xffff  }
0x181: {  	v49 =	vadd.s32 $0x7530, v8;
	_ =	sdelay $0x3  }
0x182: {  	[tilespmem:$0x16B10] =	vst v9  }
0x183: {  	v9 =	vld.idx.msk [tilespmem:v49+s3+$0x0], $0xffff  }
0x184: {  	v8 =	vadd.s32 $0x88B8, v8;
	_ =	sdelay $0x3  }
0x185: {  	[tilespmem:$0x16B90] =	vst v9  }
0x186: {  	v8 =	vld.idx.msk [tilespmem:v8+s3+$0x0], $0xffff  }
0x187: {  	v50 =	vadd.s32 s6, v6;
	_ =	sdelay $0x3  }
0x188: {  	[tilespmem:$0x16C10] =	vst v8  }
0x189: {  	v8 =	vld.idx.msk [tilespmem:v50+s15+$0x0], $0xffff;
	_ =	sdelay $0x7  }
0x18a: {  	v9 =	vld.idx.msk [tilespmem:v8+s3+$0x0], $0xffff  }
0x18b: {  	v51 =	vadd.s32 $0x1388, v8;
	_ =	sdelay $0x3  }
0x18c: {  	[tilespmem:$0x168A0] =	vst v9  }
0x18d: {  	v9 =	vld.idx.msk [tilespmem:v51+s3+$0x0], $0xffff  }
0x18e: {  	v52 =	vadd.s32 $0x2710, v8;
	_ =	sdelay $0x3  }
0x18f: {  	[tilespmem:$0x16920] =	vst v9  }
0x190: {  	v9 =	vld.idx.msk [tilespmem:v52+s3+$0x0], $0xffff  }
0x191: {  	v53 =	vadd.s32 $0x3A98, v8;
	_ =	sdelay $0x3  }
0x192: {  	[tilespmem:$0x169A0] =	vst v9  }
0x193: {  	v9 =	vld.idx.msk [tilespmem:v53+s3+$0x0], $0xffff  }
0x194: {  	v54 =	vadd.s32 $0x4E20, v8;
	_ =	sdelay $0x3  }
0x195: {  	[tilespmem:$0x16A20] =	vst v9  }
0x196: {  	v9 =	vld.idx.msk [tilespmem:v54+s3+$0x0], $0xffff  }
0x197: {  	v55 =	vadd.s32 $0x61A8, v8;
	_ =	sdelay $0x3  }
0x198: {  	[tilespmem:$0x16AA0] =	vst v9  }
0x199: {  	v9 =	vld.idx.msk [tilespmem:v55+s3+$0x0], $0xffff  }
0x19a: {  	v56 =	vadd.s32 $0x7530, v8;
	_ =	sdelay $0x3  }
0x19b: {  	[tilespmem:$0x16B20] =	vst v9  }
0x19c: {  	v9 =	vld.idx.msk [tilespmem:v56+s3+$0x0], $0xffff  }
0x19d: {  	v8 =	vadd.s32 $0x88B8, v8;
	_ =	sdelay $0x3  }
0x19e: {  	[tilespmem:$0x16BA0] =	vst v9  }
0x19f: {  	v8 =	vld.idx.msk [tilespmem:v8+s3+$0x0], $0xffff  }
0x1a0: {  	v57 =	vadd.s32 s6, v7;
	_ =	sdelay $0x3  }
0x1a1: {  	[tilespmem:$0x16C20] =	vst v8  }
0x1a2: {  	v8 =	vld.idx.msk [tilespmem:v57+s15+$0x0], $0xffff;
	_ =	sdelay $0x7  }
0x1a3: {  	v9 =	vld.idx.msk [tilespmem:v8+s3+$0x0], $0xffff  }
0x1a4: {  	v58 =	vadd.s32 $0x1388, v8;
	_ =	sdelay $0x3  }
0x1a5: {  	[tilespmem:$0x168B0] =	vst v9  }
0x1a6: {  	v9 =	vld.idx.msk [tilespmem:v58+s3+$0x0], $0xffff  }
0x1a7: {  	v59 =	vadd.s32 $0x2710, v8;
	_ =	sdelay $0x3  }
0x1a8: {  	[tilespmem:$0x16930] =	vst v9  }
0x1a9: {  	v9 =	vld.idx.msk [tilespmem:v59+s3+$0x0], $0xffff  }
0x1aa: {  	v60 =	vadd.s32 $0x3A98, v8;
	_ =	sdelay $0x3  }
0x1ab: {  	[tilespmem:$0x169B0] =	vst v9  }
0x1ac: {  	v9 =	vld.idx.msk [tilespmem:v60+s3+$0x0], $0xffff  }
0x1ad: {  	v61 =	vadd.s32 $0x4E20, v8;
	_ =	sdelay $0x3  }
0x1ae: {  	[tilespmem:$0x16A30] =	vst v9  }
0x1af: {  	v9 =	vld.idx.msk [tilespmem:v61+s3+$0x0], $0xffff  }
0x1b0: {  	v62 =	vadd.s32 $0x61A8, v8;
	_ =	sdelay $0x3  }
0x1b1: {  	[tilespmem:$0x16AB0] =	vst v9  }
0x1b2: {  	v9 =	vld.idx.msk [tilespmem:v62+s3+$0x0], $0xffff  }
0x1b3: {  	v63 =	vadd.s32 $0x7530, v8;
	_ =	sdelay $0x3  }
0x1b4: {  	[tilespmem:$0x16B30] =	vst v9  }
0x1b5: {  	v9 =	vld.idx.msk [tilespmem:v63+s3+$0x0], $0xffff  }
0x1b6: {  	v8 =	vadd.s32 $0x88B8, v8;
	_ =	sdelay $0x3  }
0x1b7: {  	[tilespmem:$0x16BB0] =	vst v9  }
0x1b8: {  	v8 =	vld.idx.msk [tilespmem:v8+s3+$0x0], $0xffff  }
0x1b9: {  	s5 =	sadd.s32 $0x1, s5  }
0x1ba: {  	p0 =	sne.s32 s5, $0x64  }
.Ltmp0:
0x1bb: {  	_ = 	snop;
	(pc) =	sbr.rel @p0 .LBB2_3-.Ltmp0, $4  }
0x1bc: {  	_ = 	snop  }
0x1bd: {  	[tilespmem:$0x16C30] =	vst v8  }
0x1be: {  	[hbm4b:s26+s3] =	stream.linear.scatter [tilespmem:s19], [sflag:$0x4], $0x400, $0x38;
	[tilespmem:$0x16C40] =	vst v63  }
0x1bf: {  	s31 =	sadd.s32 $0x2, s31;
	s28 =	sadd.s32 $0x40000, s28;
	s26 =	sadd.s32 $0x40000, s26  }
0x1c0: {  	s5 =	smin.u32 s30, $0x1D  }
0x1c1: {  	s5 =	sadd.s32 s5, s7  }
0x1c2: {  	s5 =	smul.u32 $0xC80, s5;
	_ =	sdelay $0x1  }
0x1c3: {  	s5 =	sadd.s32 s1, s5  }
0x1c4: {  	[tilespmem:s15], [sflag:$0x1] =	stream.linear.gather [hbm4b:s5+s3], $0x6400, $0x38;
	[tilespmem:$0x16C40] =	vst v63  }
0x1c5: {  	_ =	swait.ge [sflag:s20], $0x6400  }
0x1c6: {  	s26 =	smov.u32 s24;
	[sflag:s20] =	ssyncset.done $0x0  }
0x1c7: {  	s28 =	smov.u32 s25;
	s5 =	simm.s32 $0x1;
	[sflag:s20] =	ssyncadd.s32 $0xFFFF9C00  }
.LBB2_5:
0x1c8: {  	s31 =	sadd.s32 $0xFFFFFFFF, s5  }
0x1c9: {  	v8 =	vmov s31;
	v9 =	vadd.s32 s31, v0  }
0x1ca: {  	v9 =	vand.u32 $0x1FF8, v9;
	v8 =	vand.u32 $0x6, v8  }
0x1cb: {  	v9 =	vor.u32 v8, v9;
	_ =	sdelay $0x1  }
0x1cc: {  	_ =	swait.ge [sflag:s21], $0x400  }
0x1cd: {  	[sflag:s21] =	ssyncset.done $0x0  }
0x1ce: {  	[sflag:s21] =	ssyncadd.s32 $0xFFFFFC00  }
0x1cf: {  	v9 =	vld.idx.msk [tilespmem:v9+s16+$0x0], $0xffff;
	_ =	sdelay $0x7  }
0x1d0: {  	v10 =	vld.idx.msk [tilespmem:v9+s3+$0x0], $0xffff  }
0x1d1: {  	v11 =	vadd.s32 $0x1388, v9;
	_ =	sdelay $0x3  }
0x1d2: {  	[tilespmem:$0x16440] =	vst v10  }
0x1d3: {  	v10 =	vld.idx.msk [tilespmem:v11+s3+$0x0], $0xffff  }
0x1d4: {  	v58 =	vadd.s32 $0x2710, v9;
	_ =	sdelay $0x3  }
0x1d5: {  	[tilespmem:$0x164C0] =	vst v10  }
0x1d6: {  	v10 =	vld.idx.msk [tilespmem:v58+s3+$0x0], $0xffff  }
0x1d7: {  	v59 =	vadd.s32 $0x3A98, v9;
	_ =	sdelay $0x3  }
0x1d8: {  	[tilespmem:$0x16540] =	vst v10  }
0x1d9: {  	v10 =	vld.idx.msk [tilespmem:v59+s3+$0x0], $0xffff  }
0x1da: {  	v60 =	vadd.s32 $0x4E20, v9;
	_ =	sdelay $0x3  }
0x1db: {  	[tilespmem:$0x165C0] =	vst v10  }
0x1dc: {  	v10 =	vld.idx.msk [tilespmem:v60+s3+$0x0], $0xffff  }
0x1dd: {  	v61 =	vadd.s32 $0x61A8, v9;
	_ =	sdelay $0x3  }
0x1de: {  	[tilespmem:$0x16640] =	vst v10  }
0x1df: {  	v10 =	vld.idx.msk [tilespmem:v61+s3+$0x0], $0xffff  }
0x1e0: {  	v62 =	vadd.s32 $0x7530, v9;
	_ =	sdelay $0x3  }
0x1e1: {  	[tilespmem:$0x166C0] =	vst v10  }
0x1e2: {  	v10 =	vld.idx.msk [tilespmem:v62+s3+$0x0], $0xffff  }
0x1e3: {  	v9 =	vadd.s32 $0x88B8, v9;
	_ =	sdelay $0x3  }
0x1e4: {  	v63 =	vadd.s32 s31, v1;
	[tilespmem:$0x16740] =	vst v10  }
0x1e5: {  	v10 =	vand.u32 $0x3FF8, v63;
	v9 =	vld.idx.msk [tilespmem:v9+s3+$0x0], $0xffff  }
0x1e6: {  	v10 =	vor.u32 v8, v10;
	_ =	sdelay $0x3  }
0x1e7: {  	[tilespmem:$0x167C0] =	vst v9  }
0x1e8: {  	v9 =	vld.idx.msk [tilespmem:v10+s16+$0x0], $0xffff;
	_ =	sdelay $0x7  }
0x1e9: {  	v10 =	vld.idx.msk [tilespmem:v9+s3+$0x0], $0xffff  }
0x1ea: {  	v12 =	vadd.s32 $0x1388, v9;
	_ =	sdelay $0x3  }
0x1eb: {  	[tilespmem:$0x16450] =	vst v10  }
0x1ec: {  	v10 =	vld.idx.msk [tilespmem:v12+s3+$0x0], $0xffff  }
0x1ed: {  	v13 =	vadd.s32 $0x2710, v9;
	_ =	sdelay $0x3  }
0x1ee: {  	[tilespmem:$0x164D0] =	vst v10  }
0x1ef: {  	v10 =	vld.idx.msk [tilespmem:v13+s3+$0x0], $0xffff  }
0x1f0: {  	v14 =	vadd.s32 $0x3A98, v9;
	_ =	sdelay $0x3  }
0x1f1: {  	[tilespmem:$0x16550] =	vst v10  }
0x1f2: {  	v10 =	vld.idx.msk [tilespmem:v14+s3+$0x0], $0xffff  }
0x1f3: {  	v15 =	vadd.s32 $0x4E20, v9;
	_ =	sdelay $0x3  }
0x1f4: {  	[tilespmem:$0x165D0] =	vst v10  }
0x1f5: {  	v10 =	vld.idx.msk [tilespmem:v15+s3+$0x0], $0xffff  }
0x1f6: {  	v16 =	vadd.s32 $0x61A8, v9;
	_ =	sdelay $0x3  }
0x1f7: {  	[tilespmem:$0x16650] =	vst v10  }
0x1f8: {  	v10 =	vld.idx.msk [tilespmem:v16+s3+$0x0], $0xffff  }
0x1f9: {  	v17 =	vadd.s32 $0x7530, v9;
	_ =	sdelay $0x3  }
0x1fa: {  	[tilespmem:$0x166D0] =	vst v10  }
0x1fb: {  	v10 =	vld.idx.msk [tilespmem:v17+s3+$0x0], $0xffff  }
0x1fc: {  	v9 =	vadd.s32 $0x88B8, v9;
	_ =	sdelay $0x3  }
0x1fd: {  	v18 =	vadd.s32 s31, v2;
	[tilespmem:$0x16750] =	vst v10  }
0x1fe: {  	v10 =	vand.u32 $0x7FF8, v18;
	v9 =	vld.idx.msk [tilespmem:v9+s3+$0x0], $0xffff  }
0x1ff: {  	v10 =	vor.u32 v8, v10;
	_ =	sdelay $0x3  }
0x200: {  	[tilespmem:$0x167D0] =	vst v9  }
0x201: {  	v9 =	vld.idx.msk [tilespmem:v10+s16+$0x0], $0xffff;
	_ =	sdelay $0x7  }
0x202: {  	v10 =	vld.idx.msk [tilespmem:v9+s3+$0x0], $0xffff  }
0x203: {  	v19 =	vadd.s32 $0x1388, v9;
	_ =	sdelay $0x3  }
0x204: {  	[tilespmem:$0x16460] =	vst v10  }
0x205: {  	v10 =	vld.idx.msk [tilespmem:v19+s3+$0x0], $0xffff  }
0x206: {  	v20 =	vadd.s32 $0x2710, v9;
	_ =	sdelay $0x3  }
0x207: {  	[tilespmem:$0x164E0] =	vst v10  }
0x208: {  	v10 =	vld.idx.msk [tilespmem:v20+s3+$0x0], $0xffff  }
0x209: {  	v21 =	vadd.s32 $0x3A98, v9;
	_ =	sdelay $0x3  }
0x20a: {  	[tilespmem:$0x16560] =	vst v10  }
0x20b: {  	v10 =	vld.idx.msk [tilespmem:v21+s3+$0x0], $0xffff  }
0x20c: {  	v22 =	vadd.s32 $0x4E20, v9;
	_ =	sdelay $0x3  }
0x20d: {  	[tilespmem:$0x165E0] =	vst v10  }
0x20e: {  	v10 =	vld.idx.msk [tilespmem:v22+s3+$0x0], $0xffff  }
0x20f: {  	v23 =	vadd.s32 $0x61A8, v9;
	_ =	sdelay $0x3  }
0x210: {  	[tilespmem:$0x16660] =	vst v10  }
0x211: {  	v10 =	vld.idx.msk [tilespmem:v23+s3+$0x0], $0xffff  }
0x212: {  	v24 =	vadd.s32 $0x7530, v9;
	_ =	sdelay $0x3  }
0x213: {  	[tilespmem:$0x166E0] =	vst v10  }
0x214: {  	v10 =	vld.idx.msk [tilespmem:v24+s3+$0x0], $0xffff  }
0x215: {  	v9 =	vadd.s32 $0x88B8, v9;
	_ =	sdelay $0x3  }
0x216: {  	v25 =	vadd.s32 s31, v3;
	[tilespmem:$0x16760] =	vst v10  }
0x217: {  	v10 =	vand.u32 $0x7FF8, v25;
	v9 =	vld.idx.msk [tilespmem:v9+s3+$0x0], $0xffff  }
0x218: {  	v10 =	vor.u32 v8, v10;
	_ =	sdelay $0x3  }
0x219: {  	[tilespmem:$0x167E0] =	vst v9  }
0x21a: {  	v9 =	vld.idx.msk [tilespmem:v10+s16+$0x0], $0xffff;
	_ =	sdelay $0x7  }
0x21b: {  	v10 =	vld.idx.msk [tilespmem:v9+s3+$0x0], $0xffff  }
0x21c: {  	v26 =	vadd.s32 $0x1388, v9;
	_ =	sdelay $0x3  }
0x21d: {  	[tilespmem:$0x16470] =	vst v10  }
0x21e: {  	v10 =	vld.idx.msk [tilespmem:v26+s3+$0x0], $0xffff  }
0x21f: {  	v27 =	vadd.s32 $0x2710, v9;
	_ =	sdelay $0x3  }
0x220: {  	[tilespmem:$0x164F0] =	vst v10  }
0x221: {  	v10 =	vld.idx.msk [tilespmem:v27+s3+$0x0], $0xffff  }
0x222: {  	v28 =	vadd.s32 $0x3A98, v9;
	_ =	sdelay $0x3  }
0x223: {  	[tilespmem:$0x16570] =	vst v10  }
0x224: {  	v10 =	vld.idx.msk [tilespmem:v28+s3+$0x0], $0xffff  }
0x225: {  	v29 =	vadd.s32 $0x4E20, v9;
	_ =	sdelay $0x3  }
0x226: {  	[tilespmem:$0x165F0] =	vst v10  }
0x227: {  	v10 =	vld.idx.msk [tilespmem:v29+s3+$0x0], $0xffff  }
0x228: {  	v30 =	vadd.s32 $0x61A8, v9;
	_ =	sdelay $0x3  }
0x229: {  	[tilespmem:$0x16670] =	vst v10  }
0x22a: {  	v10 =	vld.idx.msk [tilespmem:v30+s3+$0x0], $0xffff  }
0x22b: {  	v31 =	vadd.s32 $0x7530, v9;
	_ =	sdelay $0x3  }
0x22c: {  	[tilespmem:$0x166F0] =	vst v10  }
0x22d: {  	v10 =	vld.idx.msk [tilespmem:v31+s3+$0x0], $0xffff  }
0x22e: {  	v9 =	vadd.s32 $0x88B8, v9;
	_ =	sdelay $0x3  }
0x22f: {  	v32 =	vadd.s32 s31, v4;
	[tilespmem:$0x16770] =	vst v10  }
0x230: {  	v10 =	vand.u32 $0x7FF8, v32;
	v9 =	vld.idx.msk [tilespmem:v9+s3+$0x0], $0xffff  }
0x231: {  	v10 =	vor.u32 v8, v10;
	_ =	sdelay $0x3  }
0x232: {  	[tilespmem:$0x167F0] =	vst v9  }
0x233: {  	v9 =	vld.idx.msk [tilespmem:v10+s16+$0x0], $0xffff;
	_ =	sdelay $0x7  }
0x234: {  	v10 =	vld.idx.msk [tilespmem:v9+s3+$0x0], $0xffff  }
0x235: {  	v33 =	vadd.s32 $0x1388, v9;
	_ =	sdelay $0x3  }
0x236: {  	[tilespmem:$0x16480] =	vst v10  }
0x237: {  	v10 =	vld.idx.msk [tilespmem:v33+s3+$0x0], $0xffff  }
0x238: {  	v34 =	vadd.s32 $0x2710, v9;
	_ =	sdelay $0x3  }
0x239: {  	[tilespmem:$0x16500] =	vst v10  }
0x23a: {  	v10 =	vld.idx.msk [tilespmem:v34+s3+$0x0], $0xffff  }
0x23b: {  	v35 =	vadd.s32 $0x3A98, v9;
	_ =	sdelay $0x3  }
0x23c: {  	[tilespmem:$0x16580] =	vst v10  }
0x23d: {  	v10 =	vld.idx.msk [tilespmem:v35+s3+$0x0], $0xffff  }
0x23e: {  	v36 =	vadd.s32 $0x4E20, v9;
	_ =	sdelay $0x3  }
0x23f: {  	[tilespmem:$0x16600] =	vst v10  }
0x240: {  	v10 =	vld.idx.msk [tilespmem:v36+s3+$0x0], $0xffff  }
0x241: {  	v37 =	vadd.s32 $0x61A8, v9;
	_ =	sdelay $0x3  }
0x242: {  	[tilespmem:$0x16680] =	vst v10  }
0x243: {  	v10 =	vld.idx.msk [tilespmem:v37+s3+$0x0], $0xffff  }
0x244: {  	v38 =	vadd.s32 $0x7530, v9;
	_ =	sdelay $0x3  }
0x245: {  	[tilespmem:$0x16700] =	vst v10  }
0x246: {  	v10 =	vld.idx.msk [tilespmem:v38+s3+$0x0], $0xffff  }
0x247: {  	v9 =	vadd.s32 $0x88B8, v9;
	_ =	sdelay $0x3  }
0x248: {  	v39 =	vadd.s32 s31, v5;
	[tilespmem:$0x16780] =	vst v10  }
0x249: {  	v10 =	vand.u32 $0xFFF8, v39;
	v9 =	vld.idx.msk [tilespmem:v9+s3+$0x0], $0xffff  }
0x24a: {  	v10 =	vor.u32 v8, v10;
	_ =	sdelay $0x3  }
0x24b: {  	[tilespmem:$0x16800] =	vst v9  }
0x24c: {  	v9 =	vld.idx.msk [tilespmem:v10+s16+$0x0], $0xffff;
	_ =	sdelay $0x7  }
0x24d: {  	v10 =	vld.idx.msk [tilespmem:v9+s3+$0x0], $0xffff  }
0x24e: {  	v40 =	vadd.s32 $0x1388, v9;
	_ =	sdelay $0x3  }
0x24f: {  	[tilespmem:$0x16490] =	vst v10  }
0x250: {  	v10 =	vld.idx.msk [tilespmem:v40+s3+$0x0], $0xffff  }
0x251: {  	v41 =	vadd.s32 $0x2710, v9;
	_ =	sdelay $0x3  }
0x252: {  	[tilespmem:$0x16510] =	vst v10  }
0x253: {  	v10 =	vld.idx.msk [tilespmem:v41+s3+$0x0], $0xffff  }
0x254: {  	v42 =	vadd.s32 $0x3A98, v9;
	_ =	sdelay $0x3  }
0x255: {  	[tilespmem:$0x16590] =	vst v10  }
0x256: {  	v10 =	vld.idx.msk [tilespmem:v42+s3+$0x0], $0xffff  }
0x257: {  	v43 =	vadd.s32 $0x4E20, v9;
	_ =	sdelay $0x3  }
0x258: {  	[tilespmem:$0x16610] =	vst v10  }
0x259: {  	v10 =	vld.idx.msk [tilespmem:v43+s3+$0x0], $0xffff  }
0x25a: {  	v44 =	vadd.s32 $0x61A8, v9;
	_ =	sdelay $0x3  }
0x25b: {  	[tilespmem:$0x16690] =	vst v10  }
0x25c: {  	v10 =	vld.idx.msk [tilespmem:v44+s3+$0x0], $0xffff  }
0x25d: {  	v45 =	vadd.s32 $0x7530, v9;
	_ =	sdelay $0x3  }
0x25e: {  	[tilespmem:$0x16710] =	vst v10  }
0x25f: {  	v10 =	vld.idx.msk [tilespmem:v45+s3+$0x0], $0xffff  }
0x260: {  	v9 =	vadd.s32 $0x88B8, v9;
	_ =	sdelay $0x3  }
0x261: {  	v46 =	vadd.s32 s31, v6;
	[tilespmem:$0x16790] =	vst v10  }
0x262: {  	v10 =	vand.u32 $0x7FF8, v46;
	v9 =	vld.idx.msk [tilespmem:v9+s3+$0x0], $0xffff  }
0x263: {  	v10 =	vor.u32 v8, v10;
	_ =	sdelay $0x3  }
0x264: {  	[tilespmem:$0x16810] =	vst v9  }
0x265: {  	v9 =	vld.idx.msk [tilespmem:v10+s16+$0x0], $0xffff;
	_ =	sdelay $0x7  }
0x266: {  	v10 =	vld.idx.msk [tilespmem:v9+s3+$0x0], $0xffff  }
0x267: {  	v47 =	vadd.s32 $0x1388, v9;
	_ =	sdelay $0x3  }
0x268: {  	[tilespmem:$0x164A0] =	vst v10  }
0x269: {  	v10 =	vld.idx.msk [tilespmem:v47+s3+$0x0], $0xffff  }
0x26a: {  	v48 =	vadd.s32 $0x2710, v9;
	_ =	sdelay $0x3  }
0x26b: {  	[tilespmem:$0x16520] =	vst v10  }
0x26c: {  	v10 =	vld.idx.msk [tilespmem:v48+s3+$0x0], $0xffff  }
0x26d: {  	v49 =	vadd.s32 $0x3A98, v9;
	_ =	sdelay $0x3  }
0x26e: {  	[tilespmem:$0x165A0] =	vst v10  }
0x26f: {  	v10 =	vld.idx.msk [tilespmem:v49+s3+$0x0], $0xffff  }
0x270: {  	v50 =	vadd.s32 $0x4E20, v9;
	_ =	sdelay $0x3  }
0x271: {  	[tilespmem:$0x16620] =	vst v10  }
0x272: {  	v10 =	vld.idx.msk [tilespmem:v50+s3+$0x0], $0xffff  }
0x273: {  	v51 =	vadd.s32 $0x61A8, v9;
	_ =	sdelay $0x3  }
0x274: {  	[tilespmem:$0x166A0] =	vst v10  }
0x275: {  	v10 =	vld.idx.msk [tilespmem:v51+s3+$0x0], $0xffff  }
0x276: {  	v52 =	vadd.s32 $0x7530, v9;
	_ =	sdelay $0x3  }
0x277: {  	[tilespmem:$0x16720] =	vst v10  }
0x278: {  	v10 =	vld.idx.msk [tilespmem:v52+s3+$0x0], $0xffff  }
0x279: {  	v9 =	vadd.s32 $0x88B8, v9;
	_ =	sdelay $0x3  }
0x27a: {  	v53 =	vadd.s32 s31, v7;
	[tilespmem:$0x167A0] =	vst v10  }
0x27b: {  	v10 =	vand.u32 $0xFFF8, v53;
	v9 =	vld.idx.msk [tilespmem:v9+s3+$0x0], $0xffff  }
0x27c: {  	v8 =	vor.u32 v8, v10;
	_ =	sdelay $0x3  }
0x27d: {  	[tilespmem:$0x16820] =	vst v9  }
0x27e: {  	v8 =	vld.idx.msk [tilespmem:v8+s16+$0x0], $0xffff;
	_ =	sdelay $0x7  }
0x27f: {  	v9 =	vld.idx.msk [tilespmem:v8+s3+$0x0], $0xffff  }
0x280: {  	v54 =	vadd.s32 $0x1388, v8;
	_ =	sdelay $0x3  }
0x281: {  	[tilespmem:$0x164B0] =	vst v9  }
0x282: {  	v9 =	vld.idx.msk [tilespmem:v54+s3+$0x0], $0xffff  }
0x283: {  	v55 =	vadd.s32 $0x2710, v8;
	_ =	sdelay $0x3  }
0x284: {  	[tilespmem:$0x16530] =	vst v9  }
0x285: {  	v9 =	vld.idx.msk [tilespmem:v55+s3+$0x0], $0xffff  }
0x286: {  	v56 =	vadd.s32 $0x3A98, v8;
	_ =	sdelay $0x3  }
0x287: {  	[tilespmem:$0x165B0] =	vst v9  }
0x288: {  	v9 =	vld.idx.msk [tilespmem:v56+s3+$0x0], $0xffff  }
0x289: {  	v57 =	vadd.s32 $0x4E20, v8;
	_ =	sdelay $0x3  }
0x28a: {  	[tilespmem:$0x16630] =	vst v9  }
0x28b: {  	v9 =	vld.idx.msk [tilespmem:v57+s3+$0x0], $0xffff  }
0x28c: {  	v58 =	vadd.s32 $0x61A8, v8;
	_ =	sdelay $0x3  }
0x28d: {  	[tilespmem:$0x166B0] =	vst v9  }
0x28e: {  	v9 =	vld.idx.msk [tilespmem:v58+s3+$0x0], $0xffff  }
0x28f: {  	v59 =	vadd.s32 $0x7530, v8;
	_ =	sdelay $0x3  }
0x290: {  	[tilespmem:$0x16730] =	vst v9  }
0x291: {  	v9 =	vld.idx.msk [tilespmem:v59+s3+$0x0], $0xffff  }
0x292: {  	v8 =	vadd.s32 $0x88B8, v8;
	_ =	sdelay $0x3  }
0x293: {  	[tilespmem:$0x167B0] =	vst v9  }
0x294: {  	v8 =	vld.idx.msk [tilespmem:v8+s3+$0x0], $0xffff;
	_ =	sdelay $0x4  }
0x295: {  	[tilespmem:$0x16830] =	vst v8;
	v8 =	vadd.s32 s5, v0  }
0x296: {  	[hbm4b:s28+s3] =	stream.linear.scatter [tilespmem:s18], [sflag:$0x3], $0x400, $0x38;
	[tilespmem:$0x16C40] =	vst v63  }
0x297: {  	_ =	swait.ge [sflag:s22], $0x400  }
0x298: {  	[sflag:s22] =	ssyncset.done $0x0  }
0x299: {  	[sflag:s22] =	ssyncadd.s32 $0xFFFFFC00  }
0x29a: {  	v8 =	vld.idx.msk [tilespmem:v8+s16+$0x0], $0xffff;
	_ =	sdelay $0x7  }
0x29b: {  	v60 =	vld.idx.msk [tilespmem:v8+s3+$0x0], $0xffff  }
0x29c: {  	v61 =	vadd.s32 $0x1388, v8;
	_ =	sdelay $0x3  }
0x29d: {  	[tilespmem:$0x16840] =	vst v60  }
0x29e: {  	v9 =	vld.idx.msk [tilespmem:v61+s3+$0x0], $0xffff  }
0x29f: {  	v62 =	vadd.s32 $0x2710, v8;
	_ =	sdelay $0x3  }
0x2a0: {  	[tilespmem:$0x168C0] =	vst v9  }
0x2a1: {  	v9 =	vld.idx.msk [tilespmem:v62+s3+$0x0], $0xffff  }
0x2a2: {  	v63 =	vadd.s32 $0x3A98, v8;
	_ =	sdelay $0x3  }
0x2a3: {  	[tilespmem:$0x16940] =	vst v9  }
0x2a4: {  	v9 =	vld.idx.msk [tilespmem:v63+s3+$0x0], $0xffff  }
0x2a5: {  	v12 =	vadd.s32 $0x4E20, v8;
	_ =	sdelay $0x3  }
0x2a6: {  	[tilespmem:$0x169C0] =	vst v9  }
0x2a7: {  	v9 =	vld.idx.msk [tilespmem:v12+s3+$0x0], $0xffff  }
0x2a8: {  	v13 =	vadd.s32 $0x61A8, v8;
	_ =	sdelay $0x3  }
0x2a9: {  	[tilespmem:$0x16A40] =	vst v9  }
0x2aa: {  	v9 =	vld.idx.msk [tilespmem:v13+s3+$0x0], $0xffff  }
0x2ab: {  	v14 =	vadd.s32 $0x7530, v8;
	_ =	sdelay $0x3  }
0x2ac: {  	[tilespmem:$0x16AC0] =	vst v9  }
0x2ad: {  	v9 =	vld.idx.msk [tilespmem:v14+s3+$0x0], $0xffff  }
0x2ae: {  	v8 =	vadd.s32 $0x88B8, v8;
	_ =	sdelay $0x3  }
0x2af: {  	[tilespmem:$0x16B40] =	vst v9  }
0x2b0: {  	v8 =	vld.idx.msk [tilespmem:v8+s3+$0x0], $0xffff  }
0x2b1: {  	v15 =	vadd.s32 s5, v1;
	_ =	sdelay $0x3  }
0x2b2: {  	[tilespmem:$0x16BC0] =	vst v8  }
0x2b3: {  	v8 =	vld.idx.msk [tilespmem:v15+s16+$0x0], $0xffff;
	_ =	sdelay $0x7  }
0x2b4: {  	v9 =	vld.idx.msk [tilespmem:v8+s3+$0x0], $0xffff  }
0x2b5: {  	v16 =	vadd.s32 $0x1388, v8;
	_ =	sdelay $0x3  }
0x2b6: {  	[tilespmem:$0x16850] =	vst v9  }
0x2b7: {  	v9 =	vld.idx.msk [tilespmem:v16+s3+$0x0], $0xffff  }
0x2b8: {  	v17 =	vadd.s32 $0x2710, v8;
	_ =	sdelay $0x3  }
0x2b9: {  	[tilespmem:$0x168D0] =	vst v9  }
0x2ba: {  	v9 =	vld.idx.msk [tilespmem:v17+s3+$0x0], $0xffff  }
0x2bb: {  	v18 =	vadd.s32 $0x3A98, v8;
	_ =	sdelay $0x3  }
0x2bc: {  	[tilespmem:$0x16950] =	vst v9  }
0x2bd: {  	v9 =	vld.idx.msk [tilespmem:v18+s3+$0x0], $0xffff  }
0x2be: {  	v19 =	vadd.s32 $0x4E20, v8;
	_ =	sdelay $0x3  }
0x2bf: {  	[tilespmem:$0x169D0] =	vst v9  }
0x2c0: {  	v9 =	vld.idx.msk [tilespmem:v19+s3+$0x0], $0xffff  }
0x2c1: {  	v20 =	vadd.s32 $0x61A8, v8;
	_ =	sdelay $0x3  }
0x2c2: {  	[tilespmem:$0x16A50] =	vst v9  }
0x2c3: {  	v9 =	vld.idx.msk [tilespmem:v20+s3+$0x0], $0xffff  }
0x2c4: {  	v21 =	vadd.s32 $0x7530, v8;
	_ =	sdelay $0x3  }
0x2c5: {  	[tilespmem:$0x16AD0] =	vst v9  }
0x2c6: {  	v9 =	vld.idx.msk [tilespmem:v21+s3+$0x0], $0xffff  }
0x2c7: {  	v8 =	vadd.s32 $0x88B8, v8;
	_ =	sdelay $0x3  }
0x2c8: {  	[tilespmem:$0x16B50] =	vst v9  }
0x2c9: {  	v8 =	vld.idx.msk [tilespmem:v8+s3+$0x0], $0xffff  }
0x2ca: {  	v22 =	vadd.s32 s5, v2;
	_ =	sdelay $0x3  }
0x2cb: {  	[tilespmem:$0x16BD0] =	vst v8  }
0x2cc: {  	v8 =	vld.idx.msk [tilespmem:v22+s16+$0x0], $0xffff;
	_ =	sdelay $0x7  }
0x2cd: {  	v9 =	vld.idx.msk [tilespmem:v8+s3+$0x0], $0xffff  }
0x2ce: {  	v23 =	vadd.s32 $0x1388, v8;
	_ =	sdelay $0x3  }
0x2cf: {  	[tilespmem:$0x16860] =	vst v9  }
0x2d0: {  	v9 =	vld.idx.msk [tilespmem:v23+s3+$0x0], $0xffff  }
0x2d1: {  	v24 =	vadd.s32 $0x2710, v8;
	_ =	sdelay $0x3  }
0x2d2: {  	[tilespmem:$0x168E0] =	vst v9  }
0x2d3: {  	v9 =	vld.idx.msk [tilespmem:v24+s3+$0x0], $0xffff  }
0x2d4: {  	v25 =	vadd.s32 $0x3A98, v8;
	_ =	sdelay $0x3  }
0x2d5: {  	[tilespmem:$0x16960] =	vst v9  }
0x2d6: {  	v9 =	vld.idx.msk [tilespmem:v25+s3+$0x0], $0xffff  }
0x2d7: {  	v26 =	vadd.s32 $0x4E20, v8;
	_ =	sdelay $0x3  }
0x2d8: {  	[tilespmem:$0x169E0] =	vst v9  }
0x2d9: {  	v9 =	vld.idx.msk [tilespmem:v26+s3+$0x0], $0xffff  }
0x2da: {  	v27 =	vadd.s32 $0x61A8, v8;
	_ =	sdelay $0x3  }
0x2db: {  	[tilespmem:$0x16A60] =	vst v9  }
0x2dc: {  	v9 =	vld.idx.msk [tilespmem:v27+s3+$0x0], $0xffff  }
0x2dd: {  	v28 =	vadd.s32 $0x7530, v8;
	_ =	sdelay $0x3  }
0x2de: {  	[tilespmem:$0x16AE0] =	vst v9  }
0x2df: {  	v9 =	vld.idx.msk [tilespmem:v28+s3+$0x0], $0xffff  }
0x2e0: {  	v8 =	vadd.s32 $0x88B8, v8;
	_ =	sdelay $0x3  }
0x2e1: {  	[tilespmem:$0x16B60] =	vst v9  }
0x2e2: {  	v8 =	vld.idx.msk [tilespmem:v8+s3+$0x0], $0xffff  }
0x2e3: {  	v29 =	vadd.s32 s5, v3;
	_ =	sdelay $0x3  }
0x2e4: {  	[tilespmem:$0x16BE0] =	vst v8  }
0x2e5: {  	v8 =	vld.idx.msk [tilespmem:v29+s16+$0x0], $0xffff;
	_ =	sdelay $0x7  }
0x2e6: {  	v9 =	vld.idx.msk [tilespmem:v8+s3+$0x0], $0xffff  }
0x2e7: {  	v30 =	vadd.s32 $0x1388, v8;
	_ =	sdelay $0x3  }
0x2e8: {  	[tilespmem:$0x16870] =	vst v9  }
0x2e9: {  	v9 =	vld.idx.msk [tilespmem:v30+s3+$0x0], $0xffff  }
0x2ea: {  	v31 =	vadd.s32 $0x2710, v8;
	_ =	sdelay $0x3  }
0x2eb: {  	[tilespmem:$0x168F0] =	vst v9  }
0x2ec: {  	v9 =	vld.idx.msk [tilespmem:v31+s3+$0x0], $0xffff  }
0x2ed: {  	v32 =	vadd.s32 $0x3A98, v8;
	_ =	sdelay $0x3  }
0x2ee: {  	[tilespmem:$0x16970] =	vst v9  }
0x2ef: {  	v9 =	vld.idx.msk [tilespmem:v32+s3+$0x0], $0xffff  }
0x2f0: {  	v33 =	vadd.s32 $0x4E20, v8;
	_ =	sdelay $0x3  }
0x2f1: {  	[tilespmem:$0x169F0] =	vst v9  }
0x2f2: {  	v9 =	vld.idx.msk [tilespmem:v33+s3+$0x0], $0xffff  }
0x2f3: {  	v34 =	vadd.s32 $0x61A8, v8;
	_ =	sdelay $0x3  }
0x2f4: {  	[tilespmem:$0x16A70] =	vst v9  }
0x2f5: {  	v9 =	vld.idx.msk [tilespmem:v34+s3+$0x0], $0xffff  }
0x2f6: {  	v35 =	vadd.s32 $0x7530, v8;
	_ =	sdelay $0x3  }
0x2f7: {  	[tilespmem:$0x16AF0] =	vst v9  }
0x2f8: {  	v9 =	vld.idx.msk [tilespmem:v35+s3+$0x0], $0xffff  }
0x2f9: {  	v8 =	vadd.s32 $0x88B8, v8;
	_ =	sdelay $0x3  }
0x2fa: {  	[tilespmem:$0x16B70] =	vst v9  }
0x2fb: {  	v8 =	vld.idx.msk [tilespmem:v8+s3+$0x0], $0xffff  }
0x2fc: {  	v36 =	vadd.s32 s5, v4;
	_ =	sdelay $0x3  }
0x2fd: {  	[tilespmem:$0x16BF0] =	vst v8  }
0x2fe: {  	v8 =	vld.idx.msk [tilespmem:v36+s16+$0x0], $0xffff;
	_ =	sdelay $0x7  }
0x2ff: {  	v9 =	vld.idx.msk [tilespmem:v8+s3+$0x0], $0xffff  }
0x300: {  	v37 =	vadd.s32 $0x1388, v8;
	_ =	sdelay $0x3  }
0x301: {  	[tilespmem:$0x16880] =	vst v9  }
0x302: {  	v9 =	vld.idx.msk [tilespmem:v37+s3+$0x0], $0xffff  }
0x303: {  	v38 =	vadd.s32 $0x2710, v8;
	_ =	sdelay $0x3  }
0x304: {  	[tilespmem:$0x16900] =	vst v9  }
0x305: {  	v9 =	vld.idx.msk [tilespmem:v38+s3+$0x0], $0xffff  }
0x306: {  	v39 =	vadd.s32 $0x3A98, v8;
	_ =	sdelay $0x3  }
0x307: {  	[tilespmem:$0x16980] =	vst v9  }
0x308: {  	v9 =	vld.idx.msk [tilespmem:v39+s3+$0x0], $0xffff  }
0x309: {  	v40 =	vadd.s32 $0x4E20, v8;
	_ =	sdelay $0x3  }
0x30a: {  	[tilespmem:$0x16A00] =	vst v9  }
0x30b: {  	v9 =	vld.idx.msk [tilespmem:v40+s3+$0x0], $0xffff  }
0x30c: {  	v41 =	vadd.s32 $0x61A8, v8;
	_ =	sdelay $0x3  }
0x30d: {  	[tilespmem:$0x16A80] =	vst v9  }
0x30e: {  	v9 =	vld.idx.msk [tilespmem:v41+s3+$0x0], $0xffff  }
0x30f: {  	v42 =	vadd.s32 $0x7530, v8;
	_ =	sdelay $0x3  }
0x310: {  	[tilespmem:$0x16B00] =	vst v9  }
0x311: {  	v9 =	vld.idx.msk [tilespmem:v42+s3+$0x0], $0xffff  }
0x312: {  	v8 =	vadd.s32 $0x88B8, v8;
	_ =	sdelay $0x3  }
0x313: {  	[tilespmem:$0x16B80] =	vst v9  }
0x314: {  	v8 =	vld.idx.msk [tilespmem:v8+s3+$0x0], $0xffff  }
0x315: {  	v43 =	vadd.s32 s5, v5;
	_ =	sdelay $0x3  }
0x316: {  	[tilespmem:$0x16C00] =	vst v8  }
0x317: {  	v8 =	vld.idx.msk [tilespmem:v43+s16+$0x0], $0xffff;
	_ =	sdelay $0x7  }
0x318: {  	v9 =	vld.idx.msk [tilespmem:v8+s3+$0x0], $0xffff  }
0x319: {  	v44 =	vadd.s32 $0x1388, v8;
	_ =	sdelay $0x3  }
0x31a: {  	[tilespmem:$0x16890] =	vst v9  }
0x31b: {  	v9 =	vld.idx.msk [tilespmem:v44+s3+$0x0], $0xffff  }
0x31c: {  	v45 =	vadd.s32 $0x2710, v8;
	_ =	sdelay $0x3  }
0x31d: {  	[tilespmem:$0x16910] =	vst v9  }
0x31e: {  	v9 =	vld.idx.msk [tilespmem:v45+s3+$0x0], $0xffff  }
0x31f: {  	v46 =	vadd.s32 $0x3A98, v8;
	_ =	sdelay $0x3  }
0x320: {  	[tilespmem:$0x16990] =	vst v9  }
0x321: {  	v9 =	vld.idx.msk [tilespmem:v46+s3+$0x0], $0xffff  }
0x322: {  	v47 =	vadd.s32 $0x4E20, v8;
	_ =	sdelay $0x3  }
0x323: {  	[tilespmem:$0x16A10] =	vst v9  }
0x324: {  	v9 =	vld.idx.msk [tilespmem:v47+s3+$0x0], $0xffff  }
0x325: {  	v48 =	vadd.s32 $0x61A8, v8;
	_ =	sdelay $0x3  }
0x326: {  	[tilespmem:$0x16A90] =	vst v9  }
0x327: {  	v9 =	vld.idx.msk [tilespmem:v48+s3+$0x0], $0xffff  }
0x328: {  	v49 =	vadd.s32 $0x7530, v8;
	_ =	sdelay $0x3  }
0x329: {  	[tilespmem:$0x16B10] =	vst v9  }
0x32a: {  	v9 =	vld.idx.msk [tilespmem:v49+s3+$0x0], $0xffff  }
0x32b: {  	v8 =	vadd.s32 $0x88B8, v8;
	_ =	sdelay $0x3  }
0x32c: {  	[tilespmem:$0x16B90] =	vst v9  }
0x32d: {  	v8 =	vld.idx.msk [tilespmem:v8+s3+$0x0], $0xffff  }
0x32e: {  	v50 =	vadd.s32 s5, v6;
	_ =	sdelay $0x3  }
0x32f: {  	[tilespmem:$0x16C10] =	vst v8  }
0x330: {  	v8 =	vld.idx.msk [tilespmem:v50+s16+$0x0], $0xffff;
	_ =	sdelay $0x7  }
0x331: {  	v9 =	vld.idx.msk [tilespmem:v8+s3+$0x0], $0xffff  }
0x332: {  	v51 =	vadd.s32 $0x1388, v8;
	_ =	sdelay $0x3  }
0x333: {  	[tilespmem:$0x168A0] =	vst v9  }
0x334: {  	v9 =	vld.idx.msk [tilespmem:v51+s3+$0x0], $0xffff  }
0x335: {  	v52 =	vadd.s32 $0x2710, v8;
	_ =	sdelay $0x3  }
0x336: {  	[tilespmem:$0x16920] =	vst v9  }
0x337: {  	v9 =	vld.idx.msk [tilespmem:v52+s3+$0x0], $0xffff  }
0x338: {  	v53 =	vadd.s32 $0x3A98, v8;
	_ =	sdelay $0x3  }
0x339: {  	[tilespmem:$0x169A0] =	vst v9  }
0x33a: {  	v9 =	vld.idx.msk [tilespmem:v53+s3+$0x0], $0xffff  }
0x33b: {  	v54 =	vadd.s32 $0x4E20, v8;
	_ =	sdelay $0x3  }
0x33c: {  	[tilespmem:$0x16A20] =	vst v9  }
0x33d: {  	v9 =	vld.idx.msk [tilespmem:v54+s3+$0x0], $0xffff  }
0x33e: {  	v55 =	vadd.s32 $0x61A8, v8;
	_ =	sdelay $0x3  }
0x33f: {  	[tilespmem:$0x16AA0] =	vst v9  }
0x340: {  	v9 =	vld.idx.msk [tilespmem:v55+s3+$0x0], $0xffff  }
0x341: {  	v56 =	vadd.s32 $0x7530, v8;
	_ =	sdelay $0x3  }
0x342: {  	[tilespmem:$0x16B20] =	vst v9  }
0x343: {  	v9 =	vld.idx.msk [tilespmem:v56+s3+$0x0], $0xffff  }
0x344: {  	v8 =	vadd.s32 $0x88B8, v8;
	_ =	sdelay $0x3  }
0x345: {  	[tilespmem:$0x16BA0] =	vst v9  }
0x346: {  	v8 =	vld.idx.msk [tilespmem:v8+s3+$0x0], $0xffff  }
0x347: {  	v57 =	vadd.s32 s5, v7;
	_ =	sdelay $0x3  }
0x348: {  	[tilespmem:$0x16C20] =	vst v8  }
0x349: {  	v8 =	vld.idx.msk [tilespmem:v57+s16+$0x0], $0xffff;
	_ =	sdelay $0x7  }
0x34a: {  	v9 =	vld.idx.msk [tilespmem:v8+s3+$0x0], $0xffff  }
0x34b: {  	v58 =	vadd.s32 $0x1388, v8;
	_ =	sdelay $0x3  }
0x34c: {  	[tilespmem:$0x168B0] =	vst v9  }
0x34d: {  	v9 =	vld.idx.msk [tilespmem:v58+s3+$0x0], $0xffff  }
0x34e: {  	v59 =	vadd.s32 $0x2710, v8;
	_ =	sdelay $0x3  }
0x34f: {  	[tilespmem:$0x16930] =	vst v9  }
0x350: {  	v9 =	vld.idx.msk [tilespmem:v59+s3+$0x0], $0xffff  }
0x351: {  	v60 =	vadd.s32 $0x3A98, v8;
	_ =	sdelay $0x3  }
0x352: {  	[tilespmem:$0x169B0] =	vst v9  }
0x353: {  	v9 =	vld.idx.msk [tilespmem:v60+s3+$0x0], $0xffff  }
0x354: {  	v61 =	vadd.s32 $0x4E20, v8;
	_ =	sdelay $0x3  }
0x355: {  	[tilespmem:$0x16A30] =	vst v9  }
0x356: {  	v9 =	vld.idx.msk [tilespmem:v61+s3+$0x0], $0xffff  }
0x357: {  	v62 =	vadd.s32 $0x61A8, v8;
	_ =	sdelay $0x3  }
0x358: {  	[tilespmem:$0x16AB0] =	vst v9  }
0x359: {  	v9 =	vld.idx.msk [tilespmem:v62+s3+$0x0], $0xffff  }
0x35a: {  	v63 =	vadd.s32 $0x7530, v8;
	_ =	sdelay $0x3  }
0x35b: {  	[tilespmem:$0x16B30] =	vst v9  }
0x35c: {  	v9 =	vld.idx.msk [tilespmem:v63+s3+$0x0], $0xffff  }
0x35d: {  	v8 =	vadd.s32 $0x88B8, v8;
	_ =	sdelay $0x3  }
0x35e: {  	[tilespmem:$0x16BB0] =	vst v9  }
0x35f: {  	v8 =	vld.idx.msk [tilespmem:v8+s3+$0x0], $0xffff;
	_ =	sdelay $0x1  }
0x360: {  	p0 =	sne.s32 s5, $0xC7  }
.Ltmp1:
0x361: {  	_ = 	snop;
	(pc) =	sbr.rel @p0 .LBB2_5-.Ltmp1, $4  }
0x362: {  	_ = 	snop  }
0x363: {  	[tilespmem:$0x16C30] =	vst v8  }
0x364: {  	[hbm4b:s26+s3] =	stream.linear.scatter [tilespmem:s19], [sflag:$0x4], $0x400, $0x38;
	[tilespmem:$0x16C40] =	vst v63  }
0x365: {  	s5 =	sadd.s32 $0x2, s5;
	s28 =	sadd.s32 $0x40000, s28;
	s26 =	sadd.s32 $0x40000, s26  }
0x366: {  	s29 =	sadd.s32 $0x1, s29  }
0x367: {  	s5 =	smin.u32 s30, $0x1C;
	p0 =	sne.s32 s29, $0x10  }
.Ltmp2:
0x368: {  	s5 =	sadd.s32 s5, s8;
	(pc) =	sbr.rel @p0 .LBB2_2-.Ltmp2, $4  }
0x369: {  	s5 =	smul.u32 $0xC80, s5  }
0x36a: {  	s10 =	sadd.s32 $0x100, s10;
	s11 =	sadd.s32 $0x100, s11  }
0x36b: {  	s25 =	sadd.s32 $0x100, s25;
	s24 =	sadd.s32 $0x100, s24;
	s5 =	sadd.s32 s1, s5  }
0x36c: {  	[tilespmem:s16], [sflag:$0x2] =	stream.linear.gather [hbm4b:s5+s3], $0x6400, $0x38;
	[tilespmem:$0x16C40] =	vst v63  }
0x36d: {  	_ =	swait.ge [sflag:s17], $0x6400  }
0x36e: {  	[sflag:s17] =	ssyncset.done $0x0  }
0x36f: {  	[sflag:s17] =	ssyncadd.s32 $0xFFFF9C00  }
0x370: {  	_ =	swait.ge [sflag:s21], $0x400  }
0x371: {  	[sflag:s21] =	ssyncset.done $0x0  }
0x372: {  	[sflag:s21] =	ssyncadd.s32 $0xFFFFFC00  }
0x373: {  	_ =	swait.ge [sflag:s20], $0x6400  }
0x374: {  	[sflag:s20] =	ssyncset.done $0x0  }
0x375: {  	[sflag:s20] =	ssyncadd.s32 $0xFFFF9C00  }
0x376: {  	_ =	swait.ge [sflag:s22], $0x400  }
0x377: {  	s23 =	sadd.s32 $0x1, s23;
	s5 =	rddreg [dreg:$0x6]  }
0x378: {  	p0 =	sne.s32 s23, s5  }
.Ltmp3:
0x379: {  	_ = 	snop;
	(pc) =	sbr.rel @p0 .LBB2_1-.Ltmp3, $3  }
0x37a: {  	_ =	sdelay $0x1  }
0x37b: {  	[sflag:s22] =	ssyncset.done $0x0  }
0x37c: {  	[sflag:s22] =	ssyncadd.s32 $0xFFFFFC00  }
0x37d: {  	_ =	sfence.sel $0x180000  }
0x37e: {  	[bflag:$0x0] =	sbarrier.arrive $0xFFFF  }
0x37f: {  	_ =	strace $0x90000047  }
0x380: {  	s0 =	stileid.u32;
	[bflag:$0x2] =	sbarrier.arrive $0xFFFF  }
0x381: {  	p0 =	sne.s32 s0, $0x0;
	s0 =	rddreg [dreg:$0x3]  }
0x382: {  	s0 =	sadd.s32 @!p0 $0x100000, s0  }
0x383: {  	[sflag:s0] =	ssyncadd.tile.s32 @!p0 $0x1;
	_ =	shalt  }
.Lfunc_end2:
_tile_overlayer_lowered:
.L_overlay_start_2:
0x384: {  	(tag) =	ssettag $0x2  }
0x385: {  	s0 =	rddreg [dreg:$0x0];
	s2 =	stileid.u32  }
0x386: {  	s1 =	rddreg [dreg:$0x1];
	p0 =	sne.s32 s2, $0x0  }
0x387: {  	s3 =	rddreg [dreg:$0x2];
	[bflag:$0x3] =	sbarrier.arrive $0xFFFF;
	s2 =	simm.s32 @!p0 $0x1C05  }
0x388: {  	[timem:s3], [sflag:s2] =	dma.local @!p0 [hbm:s0], s1  }
0x389: {  	s0 =	simm.s32 @!p0 $0x5  }
0x38a: {  	_ =	swait.ge @!p0 [sflag:s0], s1  }
0x38b: {  	s1 =	ssub.s32 @!p0 $0x0, s1;
	[sflag:s0] =	ssyncset.done @!p0 $0x0  }
0x38c: {  	[sflag:s0] =	ssyncadd.s32 @!p0 s1  }
0x38d: {  	[bflag:$0x3] =	sbarrier.arrive $0xFFFF  }
0x38e: {  	_ =	shalt  }

</sc_bundles>
